<compile_context>
chip_gen: v7x
topology: tpu7x:2x2x1
jax: 0.10.2.dev20260603
libtpu: 0.0.44.dev20260713+nightly
codegen_flags: <defaults>
</compile_context>

<pallas_src>
import functools

import jax
import jax.numpy as jnp
from jax import lax
from jax.experimental import pallas as pl
from jax.experimental.pallas import tpu as pltpu
from jax.experimental.pallas import tpu_sc as plsc

N = 10000
E = 320000
D = 128
H = 16
B = 64
NC = 2
NS = 16
NW = NC * NS
EB = 80
NB = 125
RPT = N // NS
N_SP = 10240
ZPT = N_SP // NS
FPR = N_SP * H // 128
DEG_T = 5
DEG_CH = N // DEG_T
NBUF = 25
K_G = 13
L_S = NBUF - K_G

_mesh = plsc.VectorSubcoreMesh(
    core_axis_name="c", subcore_axis_name="s", num_cores=NC, num_subcores=NS)
_sc_params = pltpu.CompilerParams(use_tc_tiling_on_sc=False)


def _sc_hist_body(ei_hbm, deg_out, dst_v, ones_v, zed_v, deg_sp, ssem):
    c = lax.axis_index("c")
    s = lax.axis_index("s")
    wid = c * NS + s

    ld = pltpu.async_copy(ei_hbm.at[1, wid], dst_v, ssem)

    @pl.loop(0, EB // 16)
    def _fill(i):
        ones_v[pl.ds(i * 16, 16)] = jnp.ones((16,), jnp.float32)

    @pl.when(s < DEG_T)
    def _zero():
        @pl.loop(0, DEG_CH // 16)
        def _z(i):
            zed_v[pl.ds(i * 16, 16)] = jnp.zeros((16,), jnp.float32)
        pltpu.sync_copy(zed_v, deg_sp.at[pl.ds(s * DEG_CH, DEG_CH)])

    ld.wait()
    plsc.subcore_barrier()

    @pl.loop(0, NB)
    def _fire(j):
        pltpu.async_copy(ones_v, deg_sp.at[dst_v.at[j]], ssem, add=True)

    @pl.loop(0, NB)
    def _drain(j):
        pltpu.make_async_copy(ones_v, deg_sp.at[dst_v.at[j]], ssem).wait()

    plsc.subcore_barrier()

    @pl.when(s < DEG_T)
    def _export():
        pltpu.sync_copy(deg_sp.at[pl.ds(s * DEG_CH, DEG_CH)],
                        deg_out.at[c, pl.ds(s * DEG_CH, DEG_CH)])


_sc_hist = pl.kernel(
    _sc_hist_body,
    out_type=jax.ShapeDtypeStruct((NC, N), jnp.float32),
    mesh=_mesh,
    scratch_types=[
        pltpu.VMEM((NB, EB), jnp.int32),
        pltpu.VMEM((EB,), jnp.float32),
        pltpu.VMEM((DEG_CH,), jnp.float32),
        pltpu.VMEM_SHARED((N,), jnp.float32),
        pltpu.SemaphoreType.DMA,
    ],
    compiler_params=_sc_params,
)


def _sc_mp_body(xws_hbm, dinv_hbm, ei_hbm, out_hbm,
                src_v, dst_v, rows_v, zrow_v, iota_v, acc_v, dinv_v,
                xws_sp, out_sp, gsem, ssem):
    c = lax.axis_index("c")
    s = lax.axis_index("s")
    wid = c * NS + s

    d1 = pltpu.async_copy(ei_hbm.at[0, wid], src_v, gsem)
    d2 = pltpu.async_copy(ei_hbm.at[1, wid], dst_v, gsem)
    d3 = pltpu.async_copy(xws_hbm.at[pl.ds(s * RPT, RPT)],
                          xws_sp.at[pl.ds(s * RPT, RPT)], gsem)

    @pl.loop(0, ZPT)
    def _z(i):
        zrow_v[i, :] = jnp.zeros((16,), jnp.float32)

    d4 = pltpu.async_copy(zrow_v, out_sp.at[pl.ds(s * ZPT, ZPT)], gsem)

    @pl.when(s == 0)
    def _zpad():
        pltpu.sync_copy(zrow_v.at[pl.ds(0, N_SP - N)],
                        xws_sp.at[pl.ds(N, N_SP - N)])

    d1.wait()
    d2.wait()
    d3.wait()
    d4.wait()
    plsc.subcore_barrier()

    def _gather(j, b):
        return pltpu.async_copy(xws_sp.at[src_v.at[j]], rows_v.at[b], gsem)

    def _scatter(j, b):
        return pltpu.async_copy(rows_v.at[b], out_sp.at[dst_v.at[j]], ssem,
                                add=True)

    def _wait_gather(j, b):
        pltpu.make_async_copy(xws_sp.at[src_v.at[j]], rows_v.at[b],
                              gsem).wait()

    def _wait_scatter(j, b):
        pltpu.make_async_copy(rows_v.at[b], out_sp.at[dst_v.at[j]],
                              ssem).wait()

    for jj in range(K_G):
        _gather(jj, jj)

    @pl.loop(0, NB // NBUF)
    def _outer(g):
        for b in range(NBUF):
            j = g * NBUF + b
            _wait_gather(j, b)
            _scatter(j, b)

            @pl.when(j >= L_S)
            def _():
                _wait_scatter(j - L_S, (b - L_S) % NBUF)

            @pl.when(j + K_G < NB)
            def _():
                _gather(j + K_G, (b + K_G) % NBUF)

    for t in range(L_S):
        j = NB - L_S + t
        _wait_scatter(j, j % NBUF)

    @pl.when(c == 0)
    def _selfloop():
        @pl.loop(0, ZPT // 128)
        def _qi(q):
            @pl.loop(0, 8)
            def _ii(i):
                iota_v[q, pl.ds(i * 16, 16)] = (
                    lax.iota(jnp.int32, 16) + s * ZPT + q * 128 + i * 16)
        pltpu.sync_copy(xws_sp.at[pl.ds(s * ZPT, ZPT)], zrow_v)

        @pl.loop(0, ZPT // 128)
        def _qs(q):
            pltpu.sync_copy(zrow_v.at[pl.ds(q * 128, 128)],
                            out_sp.at[iota_v.at[q]], add=True)

    plsc.subcore_barrier()

    pltpu.sync_copy(out_sp.at[pl.ds(s * ZPT, ZPT)], acc_v)
    pltpu.sync_copy(dinv_hbm.at[pl.ds(s * ZPT, ZPT)], dinv_v)

    @pl.loop(0, ZPT // 16)
    def _scale(t):
        dvec = dinv_v[pl.ds(t * 16, 16)]
        for k in range(16):
            i = t * 16 + k
            acc_v[i, :] = acc_v[i, :] * dvec[k]

    pltpu.sync_copy(acc_v, out_hbm.at[c, pl.ds(s * ZPT, ZPT)])


_sc_mp = pl.kernel(
    _sc_mp_body,
    out_type=jax.ShapeDtypeStruct((NC, N_SP, H), jnp.float32),
    mesh=_mesh,
    scratch_types=[
        pltpu.VMEM((NB, EB), jnp.int32),
        pltpu.VMEM((NB, EB), jnp.int32),
        pltpu.VMEM((NBUF, EB, H), jnp.float32),
        pltpu.VMEM((ZPT, H), jnp.float32),
        pltpu.VMEM((ZPT // 128, 128), jnp.int32),
        pltpu.VMEM((ZPT, H), jnp.float32),
        pltpu.VMEM((ZPT,), jnp.float32),
        pltpu.VMEM_SHARED((N_SP, H), jnp.float32),
        pltpu.VMEM_SHARED((N_SP, H), jnp.float32),
        pltpu.SemaphoreType.DMA,
        pltpu.SemaphoreType.DMA,
    ],
    compiler_params=_sc_params,
)


def _tc1a_body(x_ref, w_ref, xw_ref):
    xw_ref[...] = jnp.dot(x_ref[...], w_ref[...],
                          preferred_element_type=jnp.float32)


_tc1a = pl.pallas_call(
    _tc1a_body,
    out_shape=jax.ShapeDtypeStruct((N, H), jnp.float32),
)


def _tc1b_body(xw_ref, dp_ref, xws_ref, dinv_ref):
    deg = dp_ref[...].sum(axis=0, keepdims=True) + 1.0
    dinv = lax.rsqrt(deg).reshape(N, 1)
    dinv_ref[0:N] = dinv.reshape(N)
    dinv_ref[N:N_SP] = jnp.zeros((N_SP - N,), jnp.float32)
    xws_ref[...] = xw_ref[...] * dinv


_tc1b = pl.pallas_call(
    _tc1b_body,
    out_shape=[
        jax.ShapeDtypeStruct((N, H), jnp.float32),
        jax.ShapeDtypeStruct((N_SP,), jnp.float32),
    ],
)


def _tc2_body(p0_ref, p1_ref, batcht_ref,
              mri_ref, cog_ref, clin_ref, gen_ref,
              b1f_ref, mw_ref, mb_ref, cw_ref, cb_ref, lw_ref, lb_ref,
              gw_ref, gb_ref, w1a_ref, w1b_ref, w1c_ref, w1d_ref, w1e_ref,
              cb1_ref, w2_ref, cb2_ref, out_ref):
    h = jnp.maximum(p0_ref[...] + p1_ref[...] + b1f_ref[...], 0.0)

    iota_b = lax.broadcasted_iota(jnp.int32, (B, FPR), 0)
    sums = jnp.zeros((B, H), jnp.float32)
    cnt = jnp.zeros((B, 1), jnp.float32)
    for k in range(8):
        ok = jnp.where(batcht_ref[k:k + 1, :] == iota_b, 1.0, 0.0)
        sums = sums + jnp.dot(ok, h[:, 16 * k:16 * (k + 1)],
                              preferred_element_type=jnp.float32)
        cnt = cnt + ok.sum(axis=1, keepdims=True)
    ge = sums / jnp.maximum(cnt, 1.0)

    relu = lambda v: jnp.maximum(v, 0.0)
    dot = functools.partial(jnp.dot, preferred_element_type=jnp.float32)
    mri = relu(dot(mri_ref[...], mw_ref[...]) + mb_ref[...])
    cog = relu(dot(cog_ref[...], cw_ref[...]) + cb_ref[...])
    clin = relu(dot(clin_ref[...], lw_ref[...]) + lb_ref[...])
    gen = relu(dot(gen_ref[...], gw_ref[...]) + gb_ref[...])

    h2 = relu(dot(ge, w1a_ref[...]) + dot(mri, w1b_ref[...])
              + dot(cog, w1c_ref[...]) + dot(clin, w1d_ref[...])
              + dot(gen, w1e_ref[...]) + cb1_ref[...])
    logits = dot(h2, w2_ref[...]) + cb2_ref[...]
    m = jnp.max(logits, axis=1, keepdims=True)
    lse = m + jnp.log(jnp.sum(jnp.exp(logits - m), axis=1, keepdims=True))
    out_ref[...] = logits - lse


_tc2 = pl.pallas_call(
    _tc2_body,
    out_shape=jax.ShapeDtypeStruct((B, 3), jnp.float32),
)


def kernel(x, edge_index, batch, mri_features, cog_features, clin_features,
           genetic_features, W1, b1, mri_W, mri_b, cog_W, cog_b, clin_W,
           clin_b, gen_W, gen_b, cW1, cb1, cW2, cb2):
    ei4 = edge_index.reshape(2, NW, NB, EB)

    batcht = jnp.pad(batch.reshape(N // 8, 8), ((0, (N_SP - N) // 8), (0, 0)),
                     constant_values=B).T
    b1f = jnp.tile(b1.reshape(1, H), (1, 8))

    xw = _tc1a(x, W1)
    deg_parts = _sc_hist(ei4)
    xws, dinv = _tc1b(xw, deg_parts)
    out_flat = _sc_mp(xws, dinv, ei4).reshape(NC, FPR, 128)

    return _tc2(
        out_flat[0], out_flat[1], batcht,
        mri_features, cog_features, clin_features, genetic_features,
        b1f, mri_W, mri_b.reshape(1, 4), cog_W,
        cog_b.reshape(1, 4), clin_W, clin_b.reshape(1, 4), gen_W,
        gen_b.reshape(1, 4), cW1[0:16], cW1[16:20], cW1[20:24], cW1[24:28],
        cW1[28:32], cb1.reshape(1, 16), cW2, cb2.reshape(1, 3))

# --- scband reference (transcript-rebuilt; emitter-appended) ---
"""Pipeline reference for scband-basic-multimodal-gnn-83150566851220 (READ-ONLY COPY).

The authoritative reference and input builder live on the scoring server;
editing this copy changes nothing except your own understanding.
"""

import jax, jax.numpy as jnp
import numpy as np

N = 10000
E = 320000
D = 128
B = 64
MRI_DIM = 128
COG_DIM = 32
CLIN_DIM = 16
GEN_DIM = 64
NUM_CLASSES = 3


def setup_inputs(seed: int = 0) -> dict:
    key = jax.random.key(seed)
    ks = jax.random.split(key, 16)
    s = 0.05
    inp = {}
    inp["x"] = jax.random.normal(ks[0], (N, D), dtype=jnp.float32)
    inp["edge_index"] = jax.random.randint(ks[1], (2, E), 0, N, dtype=jnp.int32)
    inp["batch"] = jnp.sort(jax.random.randint(ks[2], (N,), 0, B, dtype=jnp.int32))
    inp["mri_features"] = jax.random.normal(ks[3], (B, MRI_DIM), dtype=jnp.float32)
    inp["cog_features"] = jax.random.normal(ks[4], (B, COG_DIM), dtype=jnp.float32)
    inp["clin_features"] = jax.random.normal(ks[5], (B, CLIN_DIM), dtype=jnp.float32)
    inp["genetic_features"] = jax.random.normal(ks[6], (B, GEN_DIM), dtype=jnp.float32)
    inp["W1"] = jax.random.normal(ks[7], (D, 16), dtype=jnp.float32) * s
    inp["b1"] = jnp.zeros((16,), dtype=jnp.float32)
    inp["mri_W"] = jax.random.normal(ks[8], (MRI_DIM, 4), dtype=jnp.float32) * s
    inp["mri_b"] = jnp.zeros((4,), dtype=jnp.float32)
    inp["cog_W"] = jax.random.normal(ks[9], (COG_DIM, 4), dtype=jnp.float32) * s
    inp["cog_b"] = jnp.zeros((4,), dtype=jnp.float32)
    inp["clin_W"] = jax.random.normal(ks[10], (CLIN_DIM, 4), dtype=jnp.float32) * s
    inp["clin_b"] = jnp.zeros((4,), dtype=jnp.float32)
    inp["gen_W"] = jax.random.normal(ks[11], (GEN_DIM, 4), dtype=jnp.float32) * s
    inp["gen_b"] = jnp.zeros((4,), dtype=jnp.float32)
    inp["cW1"] = jax.random.normal(ks[12], (32, 16), dtype=jnp.float32) * s
    inp["cb1"] = jnp.zeros((16,), dtype=jnp.float32)
    inp["cW2"] = jax.random.normal(ks[13], (16, NUM_CLASSES), dtype=jnp.float32) * s
    inp["cb2"] = jnp.zeros((NUM_CLASSES,), dtype=jnp.float32)
    return inp


def gcn_conv(x, edge_index, W, b):
    n = x.shape[0]
    loop = jnp.arange(n, dtype=edge_index.dtype)
    src = jnp.concatenate([edge_index[0], loop])
    dst = jnp.concatenate([edge_index[1], loop])
    xw = x @ W
    deg = jnp.zeros((n,), dtype=x.dtype).at[dst].add(1.0)
    dinv = jnp.where(deg > 0, deg ** -0.5, 0.0)
    norm = dinv[src] * dinv[dst]
    out = jnp.zeros_like(xw).at[dst].add(norm[:, None] * xw[src])
    return out + b


def global_mean_pool(h, batch, num_segments):
    s = jax.ops.segment_sum(h, batch, num_segments=num_segments)
    cnt = jax.ops.segment_sum(jnp.ones((h.shape[0],), h.dtype), batch, num_segments=num_segments)
    return s / jnp.maximum(cnt, 1.0)[:, None]


def reference(x, edge_index, batch, mri_features, cog_features, clin_features, genetic_features, W1, b1, mri_W, mri_b, cog_W, cog_b, clin_W, clin_b, gen_W, gen_b, cW1, cb1, cW2, cb2):
    h = jax.nn.relu(gcn_conv(x, edge_index, W1, b1))
    graph_embedding = global_mean_pool(h, batch, B)
    mri = jax.nn.relu(mri_features @ mri_W + mri_b)
    cog = jax.nn.relu(cog_features @ cog_W + cog_b)
    clin = jax.nn.relu(clin_features @ clin_W + clin_b)
    gen = jax.nn.relu(genetic_features @ gen_W + gen_b)
    multimodal = jnp.concatenate([mri, cog, clin, gen], axis=1)
    combined = jnp.concatenate([graph_embedding, multimodal], axis=1)
    h2 = jax.nn.relu(combined @ cW1 + cb1)
    logits = h2 @ cW2 + cb2
    return jax.nn.log_softmax(logits, axis=1)

if __name__ == "__main__":
    import jax
    _d = setup_inputs()
    print(jax.jit(kernel)(*tuple(_d.values())))

</pallas_src>

<mosaic_0001>
#map = affine_map<(d0, d1) -> (0, 0, 0, 0)>
#map1 = affine_map<(d0, d1) -> (0, 0)>
module attributes {stable_mosaic.version = 14 : i64} {
  func.func @_sc_hist_body(%arg0: i32, %arg1: i32, %arg2: memref<2x32x125x80xi32, #tpu.memory_space<hbm>>, %arg3: memref<2x10000xf32, #tpu.memory_space<hbm>>, %arg4: memref<125x80xi32, #tpu.memory_space<vmem>>, %arg5: memref<80xf32, #tpu.memory_space<vmem>>, %arg6: memref<2000xf32, #tpu.memory_space<vmem>>, %arg7: memref<10000xf32, #tpu.memory_space<vmem_shared>>, %arg8: memref<!tpu.dma_semaphore, #tpu.memory_space<semaphore_mem>>) attributes {dimension_semantics = [#tpu.dimension_semantics<core_parallel>, #tpu.dimension_semantics<subcore_parallel>], iteration_bounds = array<i64: 2, 16>, scalar_prefetch = 0 : i64, scratch_operands = 5 : i64, tpu.core_type = #tpu.core_type<sc_vector_subcore>, window_params = [{transform_indices = #map}, {transform_indices = #map1}]} {
    %mul3A = arith.constant 16 : i32
    %mul3A_0 = arith.muli %arg0, %mul3A : i32
    %add3A = arith.addi %mul3A_0, %arg1 : i32
    %dma_start3A = arith.constant 1 : i32
    %dma_start3A_1 = arith.constant 0 : i32
    %dma_start3A_2 = arith.constant 0 : i32
    %dma_start3A_3 = tpu.memref_slice %arg2[%dma_start3A, %add3A, %dma_start3A_1, %dma_start3A_2] : memref<2x32x125x80xi32, #tpu.memory_space<hbm>> -> memref<1x1x125x80xi32, #tpu.memory_space<hbm>>
    %dma_start3A_4 = tpu.memref_squeeze %dma_start3A_3 : memref<1x1x125x80xi32, #tpu.memory_space<hbm>> -> memref<125x80xi32, #tpu.memory_space<hbm>>
    %dma_start3A_5 = arith.constant 0 : i32
    %dma_start3A_6 = arith.constant 0 : i32
    %dma_start3A_7 = tpu.memref_slice %arg2[%dma_start3A, %add3A, %dma_start3A_5, %dma_start3A_6] : memref<2x32x125x80xi32, #tpu.memory_space<hbm>> -> memref<1x1x125x80xi32, #tpu.memory_space<hbm>>
    %dma_start3A_8 = tpu.memref_squeeze %dma_start3A_7 : memref<1x1x125x80xi32, #tpu.memory_space<hbm>> -> memref<125x80xi32, #tpu.memory_space<hbm>>
    tpu.enqueue_dma source(%dma_start3A_8 : memref<125x80xi32, #tpu.memory_space<hbm>>) target(%arg4 : memref<125x80xi32, #tpu.memory_space<vmem>>) target_semaphore(%arg8 : memref<!tpu.dma_semaphore, #tpu.memory_space<semaphore_mem>>)
    %scan3A = arith.constant 0 : i32
    %scan3A_9 = arith.constant 5 : i32
    %scan3A_10 = arith.addi %scan3A, %scan3A_9 : i32
    %scan3A_11 = arith.constant 1 : i32
    scf.for %scan3A_39 = %scan3A to %scan3A_10 step %scan3A_11  : i32 {
      %mul3A_40 = arith.constant 1 : i32
      %mul3A_41 = arith.muli %scan3A_39, %mul3A_40 : i32
      %add3A_42 = arith.constant 0 : i32
      %add3A_43 = arith.addi %add3A_42, %mul3A_41 : i32
      %broadcast_in_dim3A = arith.constant 1.000000e+00 : f32
      %broadcast_in_dim3A_44 = vector.broadcast %broadcast_in_dim3A : f32 to vector<16xf32>
      %mul3A_45 = arith.constant 16 : i32
      %mul3A_46 = arith.muli %add3A_43, %mul3A_45 : i32
      %swap3A = arith.index_cast %mul3A_46 : i32 to index
      %swap3A_47 = tpu.vector_load %arg5[%swap3A] {strides = array<i32>} : memref<80xf32, #tpu.memory_space<vmem>>, vector<16xf32>,
      %swap3A_48 = vector.shape_cast %swap3A_47 : vector<16xf32> to vector<16xf32>
      %swap3A_49 = vector.shape_cast %broadcast_in_dim3A_44 : vector<16xf32> to vector<16xf32>
      tpu.vector_store %arg5[%swap3A], %swap3A_49 {strides = array<i32>} : memref<80xf32, #tpu.memory_space<vmem>>, vector<16xf32>,
    }
    %scan3A_12 = arith.constant 5 : i32
    %lt3A = arith.constant 5 : i32
    %lt3A_13 = arith.cmpi slt, %arg1, %lt3A : i32
    %convert_element_type3A = arith.extui %lt3A_13 : i1 to i32
    %cond3A = arith.constant 0 : i32
    %cond3A_14 = arith.cmpi ne, %convert_element_type3A, %cond3A : i32
    scf.if %cond3A_14 {
      %scan3A_39 = arith.constant 0 : i32
      %scan3A_40 = arith.constant 125 : i32
      %scan3A_41 = arith.addi %scan3A_39, %scan3A_40 : i32
      %scan3A_42 = arith.constant 1 : i32
      scf.for %scan3A_46 = %scan3A_39 to %scan3A_41 step %scan3A_42  : i32 {
        %mul3A_47 = arith.constant 1 : i32
        %mul3A_48 = arith.muli %scan3A_46, %mul3A_47 : i32
        %add3A_49 = arith.constant 0 : i32
        %add3A_50 = arith.addi %add3A_49, %mul3A_48 : i32
        %broadcast_in_dim3A = arith.constant 0.000000e+00 : f32
        %broadcast_in_dim3A_51 = vector.broadcast %broadcast_in_dim3A : f32 to vector<16xf32>
        %mul3A_52 = arith.constant 16 : i32
        %mul3A_53 = arith.muli %add3A_50, %mul3A_52 : i32
        %swap3A = arith.index_cast %mul3A_53 : i32 to index
        %swap3A_54 = tpu.vector_load %arg6[%swap3A] {strides = array<i32>} : memref<2000xf32, #tpu.memory_space<vmem>>, vector<16xf32>,
        %swap3A_55 = vector.shape_cast %swap3A_54 : vector<16xf32> to vector<16xf32>
        %swap3A_56 = vector.shape_cast %broadcast_in_dim3A_51 : vector<16xf32> to vector<16xf32>
        tpu.vector_store %arg6[%swap3A], %swap3A_56 {strides = array<i32>} : memref<2000xf32, #tpu.memory_space<vmem>>, vector<16xf32>,
      }
      %scan3A_43 = arith.constant 125 : i32
      %mul3A_44 = arith.constant 2000 : i32
      %mul3A_45 = arith.muli %arg1, %mul3A_44 : i32
      "tpu.region"() ({
        %run_scoped3A = tpu.sem_alloc : memref<!tpu.dma_semaphore, #tpu.memory_space<semaphore_mem>>
        %dma_start3A_46 = tpu.memref_slice %arg7[%mul3A_45] : memref<10000xf32, #tpu.memory_space<vmem_shared>> -> memref<2000xf32, #tpu.memory_space<vmem_shared>>
        %dma_start3A_47 = tpu.memref_slice %arg7[%mul3A_45] : memref<10000xf32, #tpu.memory_space<vmem_shared>> -> memref<2000xf32, #tpu.memory_space<vmem_shared>>
        tpu.enqueue_dma source(%arg6 : memref<2000xf32, #tpu.memory_space<vmem>>) target(%dma_start3A_47 : memref<2000xf32, #tpu.memory_space<vmem_shared>>) target_semaphore(%run_scoped3A : memref<!tpu.dma_semaphore, #tpu.memory_space<semaphore_mem>>)
        %dma_wait3A_48 = tpu.memref_slice %arg7[%mul3A_45] : memref<10000xf32, #tpu.memory_space<vmem_shared>> -> memref<2000xf32, #tpu.memory_space<vmem_shared>>
        %dma_wait3A_49 = tpu.memref_slice %arg7[%mul3A_45] : memref<10000xf32, #tpu.memory_space<vmem_shared>> -> memref<2000xf32, #tpu.memory_space<vmem_shared>>
        tpu.wait_dma2 semaphore(%run_scoped3A : memref<!tpu.dma_semaphore, #tpu.memory_space<semaphore_mem>>) src(%arg6 : memref<2000xf32, #tpu.memory_space<vmem>>) dst(%dma_wait3A_49 : memref<2000xf32, #tpu.memory_space<vmem_shared>>)
        tpu.yield
      }) : () -> ()
    } else {
    }
    %dma_wait3A = arith.constant 1 : i32
    %dma_wait3A_15 = arith.constant 0 : i32
    %dma_wait3A_16 = arith.constant 0 : i32
    %dma_wait3A_17 = tpu.memref_slice %arg2[%dma_wait3A, %add3A, %dma_wait3A_15, %dma_wait3A_16] : memref<2x32x125x80xi32, #tpu.memory_space<hbm>> -> memref<1x1x125x80xi32, #tpu.memory_space<hbm>>
    %dma_wait3A_18 = tpu.memref_squeeze %dma_wait3A_17 : memref<1x1x125x80xi32, #tpu.memory_space<hbm>> -> memref<125x80xi32, #tpu.memory_space<hbm>>
    %dma_wait3A_19 = arith.constant 0 : i32
    %dma_wait3A_20 = arith.constant 0 : i32
    %dma_wait3A_21 = tpu.memref_slice %arg2[%dma_wait3A, %add3A, %dma_wait3A_19, %dma_wait3A_20] : memref<2x32x125x80xi32, #tpu.memory_space<hbm>> -> memref<1x1x125x80xi32, #tpu.memory_space<hbm>>
    %dma_wait3A_22 = tpu.memref_squeeze %dma_wait3A_21 : memref<1x1x125x80xi32, #tpu.memory_space<hbm>> -> memref<125x80xi32, #tpu.memory_space<hbm>>
    tpu.wait_dma2 semaphore(%arg8 : memref<!tpu.dma_semaphore, #tpu.memory_space<semaphore_mem>>) src(%dma_wait3A_22 : memref<125x80xi32, #tpu.memory_space<hbm>>) dst(%arg4 : memref<125x80xi32, #tpu.memory_space<vmem>>)
    %barrier3A = arith.constant 0 : index
    tpu.barrier barrier_id(%barrier3A)
    %scan3A_23 = arith.constant 0 : i32
    %scan3A_24 = arith.constant 125 : i32
    %scan3A_25 = arith.addi %scan3A_23, %scan3A_24 : i32
    %scan3A_26 = arith.constant 1 : i32
    scf.for %scan3A_39 = %scan3A_23 to %scan3A_25 step %scan3A_26  : i32 {
      %mul3A_40 = arith.constant 1 : i32
      %mul3A_41 = arith.muli %scan3A_39, %mul3A_40 : i32
      %add3A_42 = arith.constant 0 : i32
      %add3A_43 = arith.addi %add3A_42, %mul3A_41 : i32
      %dma_start3A_44 = arith.constant 0 : i32
      %dma_start3A_45 = tpu.memref_slice %arg4[%add3A_43, %dma_start3A_44] : memref<125x80xi32, #tpu.memory_space<vmem>> -> memref<1x80xi32, #tpu.memory_space<vmem>>
      %dma_start3A_46 = tpu.memref_squeeze %dma_start3A_45 : memref<1x80xi32, #tpu.memory_space<vmem>> -> memref<80xi32, #tpu.memory_space<vmem>>
      %dma_start3A_47 = arith.constant 0 : i32
      %dma_start3A_48 = tpu.memref_slice %arg7[%dma_start3A_47] : memref<10000xf32, #tpu.memory_space<vmem_shared>> -> memref<10000xf32, #tpu.memory_space<vmem_shared>>
      tpu.enqueue_indirect_dma source(%arg5 : memref<80xf32, #tpu.memory_space<vmem>>) target(%dma_start3A_48 : memref<10000xf32, #tpu.memory_space<vmem_shared>>) offsets(%dma_start3A_46 : memref<80xi32, #tpu.memory_space<vmem>>) semaphore(%arg8 : memref<!tpu.dma_semaphore, #tpu.memory_space<semaphore_mem>>) {add = true}
    }
    %scan3A_27 = arith.constant 125 : i32
    %scan3A_28 = arith.constant 0 : i32
    %scan3A_29 = arith.constant 125 : i32
    %scan3A_30 = arith.addi %scan3A_28, %scan3A_29 : i32
    %scan3A_31 = arith.constant 1 : i32
    scf.for %scan3A_39 = %scan3A_28 to %scan3A_30 step %scan3A_31  : i32 {
      %mul3A_40 = arith.constant 1 : i32
      %mul3A_41 = arith.muli %scan3A_39, %mul3A_40 : i32
      %add3A_42 = arith.constant 0 : i32
      %add3A_43 = arith.addi %add3A_42, %mul3A_41 : i32
      %dma_wait3A_44 = arith.constant 0 : i32
      %dma_wait3A_45 = tpu.memref_slice %arg4[%add3A_43, %dma_wait3A_44] : memref<125x80xi32, #tpu.memory_space<vmem>> -> memref<1x80xi32, #tpu.memory_space<vmem>>
      %dma_wait3A_46 = tpu.memref_squeeze %dma_wait3A_45 : memref<1x80xi32, #tpu.memory_space<vmem>> -> memref<80xi32, #tpu.memory_space<vmem>>
      %dma_wait3A_47 = arith.constant 0 : i32
      %dma_wait3A_48 = tpu.memref_slice %arg7[%dma_wait3A_47] : memref<10000xf32, #tpu.memory_space<vmem_shared>> -> memref<10000xf32, #tpu.memory_space<vmem_shared>>
      tpu.wait_indirect_dma semaphore(%arg8 : memref<!tpu.dma_semaphore, #tpu.memory_space<semaphore_mem>>) src(%arg5 : memref<80xf32, #tpu.memory_space<vmem>>) dst(%dma_wait3A_48 : memref<10000xf32, #tpu.memory_space<vmem_shared>>)
    }
    %scan3A_32 = arith.constant 125 : i32
    %barrier3A_33 = arith.constant 0 : index
    tpu.barrier barrier_id(%barrier3A_33)
    %lt3A_34 = arith.constant 5 : i32
    %lt3A_35 = arith.cmpi slt, %arg1, %lt3A_34 : i32
    %convert_element_type3A_36 = arith.extui %lt3A_35 : i1 to i32
    %cond3A_37 = arith.constant 0 : i32
    %cond3A_38 = arith.cmpi ne, %convert_element_type3A_36, %cond3A_37 : i32
    scf.if %cond3A_38 {
      %mul3A_39 = arith.constant 2000 : i32
      %mul3A_40 = arith.muli %arg1, %mul3A_39 : i32
      %mul3A_41 = arith.constant 2000 : i32
      %mul3A_42 = arith.muli %arg1, %mul3A_41 : i32
      "tpu.region"() ({
        %run_scoped3A = tpu.sem_alloc : memref<!tpu.dma_semaphore, #tpu.memory_space<semaphore_mem>>
        %dma_start3A_43 = tpu.memref_slice %arg3[%arg0, %mul3A_42] : memref<2x10000xf32, #tpu.memory_space<hbm>> -> memref<1x2000xf32, #tpu.memory_space<hbm>>
        %dma_start3A_44 = tpu.memref_squeeze %dma_start3A_43 : memref<1x2000xf32, #tpu.memory_space<hbm>> -> memref<2000xf32, #tpu.memory_space<hbm>>
        %dma_start3A_45 = tpu.memref_slice %arg7[%mul3A_40] : memref<10000xf32, #tpu.memory_space<vmem_shared>> -> memref<2000xf32, #tpu.memory_space<vmem_shared>>
        tpu.enqueue_dma source(%dma_start3A_45 : memref<2000xf32, #tpu.memory_space<vmem_shared>>) target(%dma_start3A_44 : memref<2000xf32, #tpu.memory_space<hbm>>) target_semaphore(%run_scoped3A : memref<!tpu.dma_semaphore, #tpu.memory_space<semaphore_mem>>)
        %dma_wait3A_46 = tpu.memref_slice %arg3[%arg0, %mul3A_42] : memref<2x10000xf32, #tpu.memory_space<hbm>> -> memref<1x2000xf32, #tpu.memory_space<hbm>>
        %dma_wait3A_47 = tpu.memref_squeeze %dma_wait3A_46 : memref<1x2000xf32, #tpu.memory_space<hbm>> -> memref<2000xf32, #tpu.memory_space<hbm>>
        %dma_wait3A_48 = tpu.memref_slice %arg7[%mul3A_40] : memref<10000xf32, #tpu.memory_space<vmem_shared>> -> memref<2000xf32, #tpu.memory_space<vmem_shared>>
        tpu.wait_dma2 semaphore(%run_scoped3A : memref<!tpu.dma_semaphore, #tpu.memory_space<semaphore_mem>>) src(%dma_wait3A_48 : memref<2000xf32, #tpu.memory_space<vmem_shared>>) dst(%dma_wait3A_47 : memref<2000xf32, #tpu.memory_space<hbm>>)
        tpu.yield
      }) : () -> ()
    } else {
    }
    return
  }
}

#map = affine_map<(d0, d1) -> (0, 0)>
#map1 = affine_map<(d0, d1) -> (0)>
#map2 = affine_map<(d0, d1) -> (0, 0, 0, 0)>
#map3 = affine_map<(d0, d1) -> (0, 0, 0)>
module attributes {stable_mosaic.version = 14 : i64} {
  func.func @_sc_mp_body(%arg0: i32, %arg1: i32, %arg2: memref<10000x16xf32, #tpu.memory_space<hbm>>, %arg3: memref<10240xf32, #tpu.memory_space<hbm>>, %arg4: memref<2x32x125x80xi32, #tpu.memory_space<hbm>>, %arg5: memref<2x10240x16xf32, #tpu.memory_space<hbm>>, %arg6: memref<125x80xi32, #tpu.memory_space<vmem>>, %arg7: memref<125x80xi32, #tpu.memory_space<vmem>>, %arg8: memref<25x80x16xf32, #tpu.memory_space<vmem>>, %arg9: memref<640x16xf32, #tpu.memory_space<vmem>>, %arg10: memref<5x128xi32, #tpu.memory_space<vmem>>, %arg11: memref<640x16xf32, #tpu.memory_space<vmem>>, %arg12: memref<640xf32, #tpu.memory_space<vmem>>, %arg13: memref<10240x16xf32, #tpu.memory_space<vmem_shared>>, %arg14: memref<10240x16xf32, #tpu.memory_space<vmem_shared>>, %arg15: memref<!tpu.dma_semaphore, #tpu.memory_space<semaphore_mem>>, %arg16: memref<!tpu.dma_semaphore, #tpu.memory_space<semaphore_mem>>) attributes {dimension_semantics = [#tpu.dimension_semantics<core_parallel>, #tpu.dimension_semantics<subcore_parallel>], iteration_bounds = array<i64: 2, 16>, scalar_prefetch = 0 : i64, scratch_operands = 11 : i64, tpu.core_type = #tpu.core_type<sc_vector_subcore>, window_params = [{transform_indices = #map}, {transform_indices = #map1}, {transform_indices = #map2}, {transform_indices = #map3}]} {
    %mul3A = arith.constant 16 : i32
    %mul3A_0 = arith.muli %arg0, %mul3A : i32
    %add3A = arith.addi %mul3A_0, %arg1 : i32
    %dma_start3A = arith.constant 0 : i32
    %dma_start3A_1 = arith.constant 0 : i32
    %dma_start3A_2 = arith.constant 0 : i32
    %dma_start3A_3 = tpu.memref_slice %arg4[%dma_start3A, %add3A, %dma_start3A_1, %dma_start3A_2] : memref<2x32x125x80xi32, #tpu.memory_space<hbm>> -> memref<1x1x125x80xi32, #tpu.memory_space<hbm>>
    %dma_start3A_4 = tpu.memref_squeeze %dma_start3A_3 : memref<1x1x125x80xi32, #tpu.memory_space<hbm>> -> memref<125x80xi32, #tpu.memory_space<hbm>>
    %dma_start3A_5 = arith.constant 0 : i32
    %dma_start3A_6 = arith.constant 0 : i32
    %dma_start3A_7 = tpu.memref_slice %arg4[%dma_start3A, %add3A, %dma_start3A_5, %dma_start3A_6] : memref<2x32x125x80xi32, #tpu.memory_space<hbm>> -> memref<1x1x125x80xi32, #tpu.memory_space<hbm>>
    %dma_start3A_8 = tpu.memref_squeeze %dma_start3A_7 : memref<1x1x125x80xi32, #tpu.memory_space<hbm>> -> memref<125x80xi32, #tpu.memory_space<hbm>>
    tpu.enqueue_dma source(%dma_start3A_8 : memref<125x80xi32, #tpu.memory_space<hbm>>) target(%arg6 : memref<125x80xi32, #tpu.memory_space<vmem>>) target_semaphore(%arg15 : memref<!tpu.dma_semaphore, #tpu.memory_space<semaphore_mem>>)
    %dma_start3A_9 = arith.constant 1 : i32
    %dma_start3A_10 = arith.constant 0 : i32
    %dma_start3A_11 = arith.constant 0 : i32
    %dma_start3A_12 = tpu.memref_slice %arg4[%dma_start3A_9, %add3A, %dma_start3A_10, %dma_start3A_11] : memref<2x32x125x80xi32, #tpu.memory_space<hbm>> -> memref<1x1x125x80xi32, #tpu.memory_space<hbm>>
    %dma_start3A_13 = tpu.memref_squeeze %dma_start3A_12 : memref<1x1x125x80xi32, #tpu.memory_space<hbm>> -> memref<125x80xi32, #tpu.memory_space<hbm>>
    %dma_start3A_14 = arith.constant 0 : i32
    %dma_start3A_15 = arith.constant 0 : i32
    %dma_start3A_16 = tpu.memref_slice %arg4[%dma_start3A_9, %add3A, %dma_start3A_14, %dma_start3A_15] : memref<2x32x125x80xi32, #tpu.memory_space<hbm>> -> memref<1x1x125x80xi32, #tpu.memory_space<hbm>>
    %dma_start3A_17 = tpu.memref_squeeze %dma_start3A_16 : memref<1x1x125x80xi32, #tpu.memory_space<hbm>> -> memref<125x80xi32, #tpu.memory_space<hbm>>
    tpu.enqueue_dma source(%dma_start3A_17 : memref<125x80xi32, #tpu.memory_space<hbm>>) target(%arg7 : memref<125x80xi32, #tpu.memory_space<vmem>>) target_semaphore(%arg15 : memref<!tpu.dma_semaphore, #tpu.memory_space<semaphore_mem>>)
    %mul3A_18 = arith.constant 625 : i32
    %mul3A_19 = arith.muli %arg1, %mul3A_18 : i32
    %mul3A_20 = arith.constant 625 : i32
    %mul3A_21 = arith.muli %arg1, %mul3A_20 : i32
    %dma_start3A_22 = arith.constant 0 : i32
    %dma_start3A_23 = tpu.memref_slice %arg13[%mul3A_21, %dma_start3A_22] : memref<10240x16xf32, #tpu.memory_space<vmem_shared>> -> memref<625x16xf32, #tpu.memory_space<vmem_shared>>
    %dma_start3A_24 = arith.constant 0 : i32
    %dma_start3A_25 = tpu.memref_slice %arg2[%mul3A_19, %dma_start3A_24] : memref<10000x16xf32, #tpu.memory_space<hbm>> -> memref<625x16xf32, #tpu.memory_space<hbm>>
    tpu.enqueue_dma source(%dma_start3A_25 : memref<625x16xf32, #tpu.memory_space<hbm>>) target(%dma_start3A_23 : memref<625x16xf32, #tpu.memory_space<vmem_shared>>) target_semaphore(%arg15 : memref<!tpu.dma_semaphore, #tpu.memory_space<semaphore_mem>>)
    %scan3A = arith.constant 0 : i32
    %scan3A_26 = arith.constant 640 : i32
    %scan3A_27 = arith.addi %scan3A, %scan3A_26 : i32
    %scan3A_28 = arith.constant 1 : i32
    scf.for %scan3A_385 = %scan3A to %scan3A_27 step %scan3A_28  : i32 {
      %mul3A_386 = arith.constant 1 : i32
      %mul3A_387 = arith.muli %scan3A_385, %mul3A_386 : i32
      %add3A_388 = arith.constant 0 : i32
      %add3A_389 = arith.addi %add3A_388, %mul3A_387 : i32
      %broadcast_in_dim3A = arith.constant 0.000000e+00 : f32
      %broadcast_in_dim3A_390 = vector.broadcast %broadcast_in_dim3A : f32 to vector<16xf32>
      %swap3A = arith.index_cast %add3A_389 : i32 to index
      %swap3A_391 = arith.constant 0 : index
      %swap3A_392 = tpu.vector_load %arg9[%swap3A, %swap3A_391] {strides = array<i32>} : memref<640x16xf32, #tpu.memory_space<vmem>>, vector<1x16xf32>,
      %swap3A_393 = vector.shape_cast %swap3A_392 : vector<1x16xf32> to vector<16xf32>
      %swap3A_394 = vector.shape_cast %broadcast_in_dim3A_390 : vector<16xf32> to vector<1x16xf32>
      tpu.vector_store %arg9[%swap3A, %swap3A_391], %swap3A_394 {strides = array<i32>} : memref<640x16xf32, #tpu.memory_space<vmem>>, vector<1x16xf32>,
    }
    %scan3A_29 = arith.constant 640 : i32
    %mul3A_30 = arith.constant 640 : i32
    %mul3A_31 = arith.muli %arg1, %mul3A_30 : i32
    %dma_start3A_32 = arith.constant 0 : i32
    %dma_start3A_33 = tpu.memref_slice %arg14[%mul3A_31, %dma_start3A_32] : memref<10240x16xf32, #tpu.memory_space<vmem_shared>> -> memref<640x16xf32, #tpu.memory_space<vmem_shared>>
    %dma_start3A_34 = arith.constant 0 : i32
    %dma_start3A_35 = tpu.memref_slice %arg14[%mul3A_31, %dma_start3A_34] : memref<10240x16xf32, #tpu.memory_space<vmem_shared>> -> memref<640x16xf32, #tpu.memory_space<vmem_shared>>
    tpu.enqueue_dma source(%arg9 : memref<640x16xf32, #tpu.memory_space<vmem>>) target(%dma_start3A_35 : memref<640x16xf32, #tpu.memory_space<vmem_shared>>) target_semaphore(%arg15 : memref<!tpu.dma_semaphore, #tpu.memory_space<semaphore_mem>>)
    %eq3A = arith.constant 0 : i32
    %eq3A_36 = arith.cmpi eq, %arg1, %eq3A : i32
    %convert_element_type3A = arith.extui %eq3A_36 : i1 to i32
    %cond3A = arith.constant 0 : i32
    %cond3A_37 = arith.cmpi ne, %convert_element_type3A, %cond3A : i32
    scf.if %cond3A_37 {
      "tpu.region"() ({
        %run_scoped3A = tpu.sem_alloc : memref<!tpu.dma_semaphore, #tpu.memory_space<semaphore_mem>>
        %dma_start3A_385 = arith.constant 0 : i32
        %dma_start3A_386 = arith.constant 0 : i32
        %dma_start3A_387 = tpu.memref_slice %arg9[%dma_start3A_385, %dma_start3A_386] : memref<640x16xf32, #tpu.memory_space<vmem>> -> memref<240x16xf32, #tpu.memory_space<vmem>>
        %dma_start3A_388 = arith.constant 10000 : i32
        %dma_start3A_389 = arith.constant 0 : i32
        %dma_start3A_390 = tpu.memref_slice %arg13[%dma_start3A_388, %dma_start3A_389] : memref<10240x16xf32, #tpu.memory_space<vmem_shared>> -> memref<240x16xf32, #tpu.memory_space<vmem_shared>>
        %dma_start3A_391 = arith.constant 10000 : i32
        %dma_start3A_392 = arith.constant 0 : i32
        %dma_start3A_393 = tpu.memref_slice %arg13[%dma_start3A_391, %dma_start3A_392] : memref<10240x16xf32, #tpu.memory_space<vmem_shared>> -> memref<240x16xf32, #tpu.memory_space<vmem_shared>>
        %dma_start3A_394 = arith.constant 0 : i32
        %dma_start3A_395 = arith.constant 0 : i32
        %dma_start3A_396 = tpu.memref_slice %arg9[%dma_start3A_394, %dma_start3A_395] : memref<640x16xf32, #tpu.memory_space<vmem>> -> memref<240x16xf32, #tpu.memory_space<vmem>>
        tpu.enqueue_dma source(%dma_start3A_396 : memref<240x16xf32, #tpu.memory_space<vmem>>) target(%dma_start3A_393 : memref<240x16xf32, #tpu.memory_space<vmem_shared>>) target_semaphore(%run_scoped3A : memref<!tpu.dma_semaphore, #tpu.memory_space<semaphore_mem>>)
        %dma_wait3A_397 = arith.constant 0 : i32
        %dma_wait3A_398 = arith.constant 0 : i32
        %dma_wait3A_399 = tpu.memref_slice %arg9[%dma_wait3A_397, %dma_wait3A_398] : memref<640x16xf32, #tpu.memory_space<vmem>> -> memref<240x16xf32, #tpu.memory_space<vmem>>
        %dma_wait3A_400 = arith.constant 10000 : i32
        %dma_wait3A_401 = arith.constant 0 : i32
        %dma_wait3A_402 = tpu.memref_slice %arg13[%dma_wait3A_400, %dma_wait3A_401] : memref<10240x16xf32, #tpu.memory_space<vmem_shared>> -> memref<240x16xf32, #tpu.memory_space<vmem_shared>>
        %dma_wait3A_403 = arith.constant 10000 : i32
        %dma_wait3A_404 = arith.constant 0 : i32
        %dma_wait3A_405 = tpu.memref_slice %arg13[%dma_wait3A_403, %dma_wait3A_404] : memref<10240x16xf32, #tpu.memory_space<vmem_shared>> -> memref<240x16xf32, #tpu.memory_space<vmem_shared>>
        %dma_wait3A_406 = arith.constant 0 : i32
        %dma_wait3A_407 = arith.constant 0 : i32
        %dma_wait3A_408 = tpu.memref_slice %arg9[%dma_wait3A_406, %dma_wait3A_407] : memref<640x16xf32, #tpu.memory_space<vmem>> -> memref<240x16xf32, #tpu.memory_space<vmem>>
        tpu.wait_dma2 semaphore(%run_scoped3A : memref<!tpu.dma_semaphore, #tpu.memory_space<semaphore_mem>>) src(%dma_wait3A_408 : memref<240x16xf32, #tpu.memory_space<vmem>>) dst(%dma_wait3A_405 : memref<240x16xf32, #tpu.memory_space<vmem_shared>>)
        tpu.yield
      }) : () -> ()
    } else {
    }
    %dma_wait3A = arith.constant 0 : i32
    %dma_wait3A_38 = arith.constant 0 : i32
    %dma_wait3A_39 = arith.constant 0 : i32
    %dma_wait3A_40 = tpu.memref_slice %arg4[%dma_wait3A, %add3A, %dma_wait3A_38, %dma_wait3A_39] : memref<2x32x125x80xi32, #tpu.memory_space<hbm>> -> memref<1x1x125x80xi32, #tpu.memory_space<hbm>>
    %dma_wait3A_41 = tpu.memref_squeeze %dma_wait3A_40 : memref<1x1x125x80xi32, #tpu.memory_space<hbm>> -> memref<125x80xi32, #tpu.memory_space<hbm>>
    %dma_wait3A_42 = arith.constant 0 : i32
    %dma_wait3A_43 = arith.constant 0 : i32
    %dma_wait3A_44 = tpu.memref_slice %arg4[%dma_wait3A, %add3A, %dma_wait3A_42, %dma_wait3A_43] : memref<2x32x125x80xi32, #tpu.memory_space<hbm>> -> memref<1x1x125x80xi32, #tpu.memory_space<hbm>>
    %dma_wait3A_45 = tpu.memref_squeeze %dma_wait3A_44 : memref<1x1x125x80xi32, #tpu.memory_space<hbm>> -> memref<125x80xi32, #tpu.memory_space<hbm>>
    tpu.wait_dma2 semaphore(%arg15 : memref<!tpu.dma_semaphore, #tpu.memory_space<semaphore_mem>>) src(%dma_wait3A_45 : memref<125x80xi32, #tpu.memory_space<hbm>>) dst(%arg6 : memref<125x80xi32, #tpu.memory_space<vmem>>)
    %dma_wait3A_46 = arith.constant 1 : i32
    %dma_wait3A_47 = arith.constant 0 : i32
    %dma_wait3A_48 = arith.constant 0 : i32
    %dma_wait3A_49 = tpu.memref_slice %arg4[%dma_wait3A_46, %add3A, %dma_wait3A_47, %dma_wait3A_48] : memref<2x32x125x80xi32, #tpu.memory_space<hbm>> -> memref<1x1x125x80xi32, #tpu.memory_space<hbm>>
    %dma_wait3A_50 = tpu.memref_squeeze %dma_wait3A_49 : memref<1x1x125x80xi32, #tpu.memory_space<hbm>> -> memref<125x80xi32, #tpu.memory_space<hbm>>
    %dma_wait3A_51 = arith.constant 0 : i32
    %dma_wait3A_52 = arith.constant 0 : i32
    %dma_wait3A_53 = tpu.memref_slice %arg4[%dma_wait3A_46, %add3A, %dma_wait3A_51, %dma_wait3A_52] : memref<2x32x125x80xi32, #tpu.memory_space<hbm>> -> memref<1x1x125x80xi32, #tpu.memory_space<hbm>>
    %dma_wait3A_54 = tpu.memref_squeeze %dma_wait3A_53 : memref<1x1x125x80xi32, #tpu.memory_space<hbm>> -> memref<125x80xi32, #tpu.memory_space<hbm>>
    tpu.wait_dma2 semaphore(%arg15 : memref<!tpu.dma_semaphore, #tpu.memory_space<semaphore_mem>>) src(%dma_wait3A_54 : memref<125x80xi32, #tpu.memory_space<hbm>>) dst(%arg7 : memref<125x80xi32, #tpu.memory_space<vmem>>)
    %dma_wait3A_55 = arith.constant 0 : i32
    %dma_wait3A_56 = tpu.memref_slice %arg13[%mul3A_21, %dma_wait3A_55] : memref<10240x16xf32, #tpu.memory_space<vmem_shared>> -> memref<625x16xf32, #tpu.memory_space<vmem_shared>>
    %dma_wait3A_57 = arith.constant 0 : i32
    %dma_wait3A_58 = tpu.memref_slice %arg2[%mul3A_19, %dma_wait3A_57] : memref<10000x16xf32, #tpu.memory_space<hbm>> -> memref<625x16xf32, #tpu.memory_space<hbm>>
    tpu.wait_dma2 semaphore(%arg15 : memref<!tpu.dma_semaphore, #tpu.memory_space<semaphore_mem>>) src(%dma_wait3A_58 : memref<625x16xf32, #tpu.memory_space<hbm>>) dst(%dma_wait3A_56 : memref<625x16xf32, #tpu.memory_space<vmem_shared>>)
    %dma_wait3A_59 = arith.constant 0 : i32
    %dma_wait3A_60 = tpu.memref_slice %arg14[%mul3A_31, %dma_wait3A_59] : memref<10240x16xf32, #tpu.memory_space<vmem_shared>> -> memref<640x16xf32, #tpu.memory_space<vmem_shared>>
    %dma_wait3A_61 = arith.constant 0 : i32
    %dma_wait3A_62 = tpu.memref_slice %arg14[%mul3A_31, %dma_wait3A_61] : memref<10240x16xf32, #tpu.memory_space<vmem_shared>> -> memref<640x16xf32, #tpu.memory_space<vmem_shared>>
    tpu.wait_dma2 semaphore(%arg15 : memref<!tpu.dma_semaphore, #tpu.memory_space<semaphore_mem>>) src(%arg9 : memref<640x16xf32, #tpu.memory_space<vmem>>) dst(%dma_wait3A_62 : memref<640x16xf32, #tpu.memory_space<vmem_shared>>)
    %barrier3A = arith.constant 0 : index
    tpu.barrier barrier_id(%barrier3A)
    %dma_start3A_63 = arith.constant 0 : i32
    %dma_start3A_64 = arith.constant 0 : i32
    %dma_start3A_65 = arith.constant 0 : i32
    %dma_start3A_66 = arith.constant 0 : i32
    %dma_start3A_67 = tpu.memref_slice %arg8[%dma_start3A_64, %dma_start3A_65, %dma_start3A_66] : memref<25x80x16xf32, #tpu.memory_space<vmem>> -> memref<1x80x16xf32, #tpu.memory_space<vmem>>
    %dma_start3A_68 = tpu.memref_squeeze %dma_start3A_67 : memref<1x80x16xf32, #tpu.memory_space<vmem>> -> memref<80x16xf32, #tpu.memory_space<vmem>>
    %dma_start3A_69 = arith.constant 0 : i32
    %dma_start3A_70 = tpu.memref_slice %arg6[%dma_start3A_63, %dma_start3A_69] : memref<125x80xi32, #tpu.memory_space<vmem>> -> memref<1x80xi32, #tpu.memory_space<vmem>>
    %dma_start3A_71 = tpu.memref_squeeze %dma_start3A_70 : memref<1x80xi32, #tpu.memory_space<vmem>> -> memref<80xi32, #tpu.memory_space<vmem>>
    %dma_start3A_72 = arith.constant 0 : i32
    %dma_start3A_73 = arith.constant 0 : i32
    %dma_start3A_74 = tpu.memref_slice %arg13[%dma_start3A_72, %dma_start3A_73] : memref<10240x16xf32, #tpu.memory_space<vmem_shared>> -> memref<10240x16xf32, #tpu.memory_space<vmem_shared>>
    tpu.enqueue_indirect_dma source(%dma_start3A_74 : memref<10240x16xf32, #tpu.memory_space<vmem_shared>>) target(%dma_start3A_68 : memref<80x16xf32, #tpu.memory_space<vmem>>) offsets(%dma_start3A_71 : memref<80xi32, #tpu.memory_space<vmem>>) semaphore(%arg15 : memref<!tpu.dma_semaphore, #tpu.memory_space<semaphore_mem>>)
    %dma_start3A_75 = arith.constant 1 : i32
    %dma_start3A_76 = arith.constant 1 : i32
    %dma_start3A_77 = arith.constant 0 : i32
    %dma_start3A_78 = arith.constant 0 : i32
    %dma_start3A_79 = tpu.memref_slice %arg8[%dma_start3A_76, %dma_start3A_77, %dma_start3A_78] : memref<25x80x16xf32, #tpu.memory_space<vmem>> -> memref<1x80x16xf32, #tpu.memory_space<vmem>>
    %dma_start3A_80 = tpu.memref_squeeze %dma_start3A_79 : memref<1x80x16xf32, #tpu.memory_space<vmem>> -> memref<80x16xf32, #tpu.memory_space<vmem>>
    %dma_start3A_81 = arith.constant 0 : i32
    %dma_start3A_82 = tpu.memref_slice %arg6[%dma_start3A_75, %dma_start3A_81] : memref<125x80xi32, #tpu.memory_space<vmem>> -> memref<1x80xi32, #tpu.memory_space<vmem>>
    %dma_start3A_83 = tpu.memref_squeeze %dma_start3A_82 : memref<1x80xi32, #tpu.memory_space<vmem>> -> memref<80xi32, #tpu.memory_space<vmem>>
    %dma_start3A_84 = arith.constant 0 : i32
    %dma_start3A_85 = arith.constant 0 : i32
    %dma_start3A_86 = tpu.memref_slice %arg13[%dma_start3A_84, %dma_start3A_85] : memref<10240x16xf32, #tpu.memory_space<vmem_shared>> -> memref<10240x16xf32, #tpu.memory_space<vmem_shared>>
    tpu.enqueue_indirect_dma source(%dma_start3A_86 : memref<10240x16xf32, #tpu.memory_space<vmem_shared>>) target(%dma_start3A_80 : memref<80x16xf32, #tpu.memory_space<vmem>>) offsets(%dma_start3A_83 : memref<80xi32, #tpu.memory_space<vmem>>) semaphore(%arg15 : memref<!tpu.dma_semaphore, #tpu.memory_space<semaphore_mem>>)
    %dma_start3A_87 = arith.constant 2 : i32
    %dma_start3A_88 = arith.constant 2 : i32
    %dma_start3A_89 = arith.constant 0 : i32
    %dma_start3A_90 = arith.constant 0 : i32
    %dma_start3A_91 = tpu.memref_slice %arg8[%dma_start3A_88, %dma_start3A_89, %dma_start3A_90] : memref<25x80x16xf32, #tpu.memory_space<vmem>> -> memref<1x80x16xf32, #tpu.memory_space<vmem>>
    %dma_start3A_92 = tpu.memref_squeeze %dma_start3A_91 : memref<1x80x16xf32, #tpu.memory_space<vmem>> -> memref<80x16xf32, #tpu.memory_space<vmem>>
    %dma_start3A_93 = arith.constant 0 : i32
    %dma_start3A_94 = tpu.memref_slice %arg6[%dma_start3A_87, %dma_start3A_93] : memref<125x80xi32, #tpu.memory_space<vmem>> -> memref<1x80xi32, #tpu.memory_space<vmem>>
    %dma_start3A_95 = tpu.memref_squeeze %dma_start3A_94 : memref<1x80xi32, #tpu.memory_space<vmem>> -> memref<80xi32, #tpu.memory_space<vmem>>
    %dma_start3A_96 = arith.constant 0 : i32
    %dma_start3A_97 = arith.constant 0 : i32
    %dma_start3A_98 = tpu.memref_slice %arg13[%dma_start3A_96, %dma_start3A_97] : memref<10240x16xf32, #tpu.memory_space<vmem_shared>> -> memref<10240x16xf32, #tpu.memory_space<vmem_shared>>
    tpu.enqueue_indirect_dma source(%dma_start3A_98 : memref<10240x16xf32, #tpu.memory_space<vmem_shared>>) target(%dma_start3A_92 : memref<80x16xf32, #tpu.memory_space<vmem>>) offsets(%dma_start3A_95 : memref<80xi32, #tpu.memory_space<vmem>>) semaphore(%arg15 : memref<!tpu.dma_semaphore, #tpu.memory_space<semaphore_mem>>)
    %dma_start3A_99 = arith.constant 3 : i32
    %dma_start3A_100 = arith.constant 3 : i32
    %dma_start3A_101 = arith.constant 0 : i32
    %dma_start3A_102 = arith.constant 0 : i32
    %dma_start3A_103 = tpu.memref_slice %arg8[%dma_start3A_100, %dma_start3A_101, %dma_start3A_102] : memref<25x80x16xf32, #tpu.memory_space<vmem>> -> memref<1x80x16xf32, #tpu.memory_space<vmem>>
    %dma_start3A_104 = tpu.memref_squeeze %dma_start3A_103 : memref<1x80x16xf32, #tpu.memory_space<vmem>> -> memref<80x16xf32, #tpu.memory_space<vmem>>
    %dma_start3A_105 = arith.constant 0 : i32
    %dma_start3A_106 = tpu.memref_slice %arg6[%dma_start3A_99, %dma_start3A_105] : memref<125x80xi32, #tpu.memory_space<vmem>> -> memref<1x80xi32, #tpu.memory_space<vmem>>
    %dma_start3A_107 = tpu.memref_squeeze %dma_start3A_106 : memref<1x80xi32, #tpu.memory_space<vmem>> -> memref<80xi32, #tpu.memory_space<vmem>>
    %dma_start3A_108 = arith.constant 0 : i32
    %dma_start3A_109 = arith.constant 0 : i32
    %dma_start3A_110 = tpu.memref_slice %arg13[%dma_start3A_108, %dma_start3A_109] : memref<10240x16xf32, #tpu.memory_space<vmem_shared>> -> memref<10240x16xf32, #tpu.memory_space<vmem_shared>>
    tpu.enqueue_indirect_dma source(%dma_start3A_110 : memref<10240x16xf32, #tpu.memory_space<vmem_shared>>) target(%dma_start3A_104 : memref<80x16xf32, #tpu.memory_space<vmem>>) offsets(%dma_start3A_107 : memref<80xi32, #tpu.memory_space<vmem>>) semaphore(%arg15 : memref<!tpu.dma_semaphore, #tpu.memory_space<semaphore_mem>>)
    %dma_start3A_111 = arith.constant 4 : i32
    %dma_start3A_112 = arith.constant 4 : i32
    %dma_start3A_113 = arith.constant 0 : i32
    %dma_start3A_114 = arith.constant 0 : i32
    %dma_start3A_115 = tpu.memref_slice %arg8[%dma_start3A_112, %dma_start3A_113, %dma_start3A_114] : memref<25x80x16xf32, #tpu.memory_space<vmem>> -> memref<1x80x16xf32, #tpu.memory_space<vmem>>
    %dma_start3A_116 = tpu.memref_squeeze %dma_start3A_115 : memref<1x80x16xf32, #tpu.memory_space<vmem>> -> memref<80x16xf32, #tpu.memory_space<vmem>>
    %dma_start3A_117 = arith.constant 0 : i32
    %dma_start3A_118 = tpu.memref_slice %arg6[%dma_start3A_111, %dma_start3A_117] : memref<125x80xi32, #tpu.memory_space<vmem>> -> memref<1x80xi32, #tpu.memory_space<vmem>>
    %dma_start3A_119 = tpu.memref_squeeze %dma_start3A_118 : memref<1x80xi32, #tpu.memory_space<vmem>> -> memref<80xi32, #tpu.memory_space<vmem>>
    %dma_start3A_120 = arith.constant 0 : i32
    %dma_start3A_121 = arith.constant 0 : i32
    %dma_start3A_122 = tpu.memref_slice %arg13[%dma_start3A_120, %dma_start3A_121] : memref<10240x16xf32, #tpu.memory_space<vmem_shared>> -> memref<10240x16xf32, #tpu.memory_space<vmem_shared>>
    tpu.enqueue_indirect_dma source(%dma_start3A_122 : memref<10240x16xf32, #tpu.memory_space<vmem_shared>>) target(%dma_start3A_116 : memref<80x16xf32, #tpu.memory_space<vmem>>) offsets(%dma_start3A_119 : memref<80xi32, #tpu.memory_space<vmem>>) semaphore(%arg15 : memref<!tpu.dma_semaphore, #tpu.memory_space<semaphore_mem>>)
    %dma_start3A_123 = arith.constant 5 : i32
    %dma_start3A_124 = arith.constant 5 : i32
    %dma_start3A_125 = arith.constant 0 : i32
    %dma_start3A_126 = arith.constant 0 : i32
    %dma_start3A_127 = tpu.memref_slice %arg8[%dma_start3A_124, %dma_start3A_125, %dma_start3A_126] : memref<25x80x16xf32, #tpu.memory_space<vmem>> -> memref<1x80x16xf32, #tpu.memory_space<vmem>>
    %dma_start3A_128 = tpu.memref_squeeze %dma_start3A_127 : memref<1x80x16xf32, #tpu.memory_space<vmem>> -> memref<80x16xf32, #tpu.memory_space<vmem>>
    %dma_start3A_129 = arith.constant 0 : i32
    %dma_start3A_130 = tpu.memref_slice %arg6[%dma_start3A_123, %dma_start3A_129] : memref<125x80xi32, #tpu.memory_space<vmem>> -> memref<1x80xi32, #tpu.memory_space<vmem>>
    %dma_start3A_131 = tpu.memref_squeeze %dma_start3A_130 : memref<1x80xi32, #tpu.memory_space<vmem>> -> memref<80xi32, #tpu.memory_space<vmem>>
    %dma_start3A_132 = arith.constant 0 : i32
    %dma_start3A_133 = arith.constant 0 : i32
    %dma_start3A_134 = tpu.memref_slice %arg13[%dma_start3A_132, %dma_start3A_133] : memref<10240x16xf32, #tpu.memory_space<vmem_shared>> -> memref<10240x16xf32, #tpu.memory_space<vmem_shared>>
    tpu.enqueue_indirect_dma source(%dma_start3A_134 : memref<10240x16xf32, #tpu.memory_space<vmem_shared>>) target(%dma_start3A_128 : memref<80x16xf32, #tpu.memory_space<vmem>>) offsets(%dma_start3A_131 : memref<80xi32, #tpu.memory_space<vmem>>) semaphore(%arg15 : memref<!tpu.dma_semaphore, #tpu.memory_space<semaphore_mem>>)
    %dma_start3A_135 = arith.constant 6 : i32
    %dma_start3A_136 = arith.constant 6 : i32
    %dma_start3A_137 = arith.constant 0 : i32
    %dma_start3A_138 = arith.constant 0 : i32
    %dma_start3A_139 = tpu.memref_slice %arg8[%dma_start3A_136, %dma_start3A_137, %dma_start3A_138] : memref<25x80x16xf32, #tpu.memory_space<vmem>> -> memref<1x80x16xf32, #tpu.memory_space<vmem>>
    %dma_start3A_140 = tpu.memref_squeeze %dma_start3A_139 : memref<1x80x16xf32, #tpu.memory_space<vmem>> -> memref<80x16xf32, #tpu.memory_space<vmem>>
    %dma_start3A_141 = arith.constant 0 : i32
    %dma_start3A_142 = tpu.memref_slice %arg6[%dma_start3A_135, %dma_start3A_141] : memref<125x80xi32, #tpu.memory_space<vmem>> -> memref<1x80xi32, #tpu.memory_space<vmem>>
    %dma_start3A_143 = tpu.memref_squeeze %dma_start3A_142 : memref<1x80xi32, #tpu.memory_space<vmem>> -> memref<80xi32, #tpu.memory_space<vmem>>
    %dma_start3A_144 = arith.constant 0 : i32
    %dma_start3A_145 = arith.constant 0 : i32
    %dma_start3A_146 = tpu.memref_slice %arg13[%dma_start3A_144, %dma_start3A_145] : memref<10240x16xf32, #tpu.memory_space<vmem_shared>> -> memref<10240x16xf32, #tpu.memory_space<vmem_shared>>
    tpu.enqueue_indirect_dma source(%dma_start3A_146 : memref<10240x16xf32, #tpu.memory_space<vmem_shared>>) target(%dma_start3A_140 : memref<80x16xf32, #tpu.memory_space<vmem>>) offsets(%dma_start3A_143 : memref<80xi32, #tpu.memory_space<vmem>>) semaphore(%arg15 : memref<!tpu.dma_semaphore, #tpu.memory_space<semaphore_mem>>)
    %dma_start3A_147 = arith.constant 7 : i32
    %dma_start3A_148 = arith.constant 7 : i32
    %dma_start3A_149 = arith.constant 0 : i32
    %dma_start3A_150 = arith.constant 0 : i32
    %dma_start3A_151 = tpu.memref_slice %arg8[%dma_start3A_148, %dma_start3A_149, %dma_start3A_150] : memref<25x80x16xf32, #tpu.memory_space<vmem>> -> memref<1x80x16xf32, #tpu.memory_space<vmem>>
    %dma_start3A_152 = tpu.memref_squeeze %dma_start3A_151 : memref<1x80x16xf32, #tpu.memory_space<vmem>> -> memref<80x16xf32, #tpu.memory_space<vmem>>
    %dma_start3A_153 = arith.constant 0 : i32
    %dma_start3A_154 = tpu.memref_slice %arg6[%dma_start3A_147, %dma_start3A_153] : memref<125x80xi32, #tpu.memory_space<vmem>> -> memref<1x80xi32, #tpu.memory_space<vmem>>
    %dma_start3A_155 = tpu.memref_squeeze %dma_start3A_154 : memref<1x80xi32, #tpu.memory_space<vmem>> -> memref<80xi32, #tpu.memory_space<vmem>>
    %dma_start3A_156 = arith.constant 0 : i32
    %dma_start3A_157 = arith.constant 0 : i32
    %dma_start3A_158 = tpu.memref_slice %arg13[%dma_start3A_156, %dma_start3A_157] : memref<10240x16xf32, #tpu.memory_space<vmem_shared>> -> memref<10240x16xf32, #tpu.memory_space<vmem_shared>>
    tpu.enqueue_indirect_dma source(%dma_start3A_158 : memref<10240x16xf32, #tpu.memory_space<vmem_shared>>) target(%dma_start3A_152 : memref<80x16xf32, #tpu.memory_space<vmem>>) offsets(%dma_start3A_155 : memref<80xi32, #tpu.memory_space<vmem>>) semaphore(%arg15 : memref<!tpu.dma_semaphore, #tpu.memory_space<semaphore_mem>>)
    %dma_start3A_159 = arith.constant 8 : i32
    %dma_start3A_160 = arith.constant 8 : i32
    %dma_start3A_161 = arith.constant 0 : i32
    %dma_start3A_162 = arith.constant 0 : i32
    %dma_start3A_163 = tpu.memref_slice %arg8[%dma_start3A_160, %dma_start3A_161, %dma_start3A_162] : memref<25x80x16xf32, #tpu.memory_space<vmem>> -> memref<1x80x16xf32, #tpu.memory_space<vmem>>
    %dma_start3A_164 = tpu.memref_squeeze %dma_start3A_163 : memref<1x80x16xf32, #tpu.memory_space<vmem>> -> memref<80x16xf32, #tpu.memory_space<vmem>>
    %dma_start3A_165 = arith.constant 0 : i32
    %dma_start3A_166 = tpu.memref_slice %arg6[%dma_start3A_159, %dma_start3A_165] : memref<125x80xi32, #tpu.memory_space<vmem>> -> memref<1x80xi32, #tpu.memory_space<vmem>>
    %dma_start3A_167 = tpu.memref_squeeze %dma_start3A_166 : memref<1x80xi32, #tpu.memory_space<vmem>> -> memref<80xi32, #tpu.memory_space<vmem>>
    %dma_start3A_168 = arith.constant 0 : i32
    %dma_start3A_169 = arith.constant 0 : i32
    %dma_start3A_170 = tpu.memref_slice %arg13[%dma_start3A_168, %dma_start3A_169] : memref<10240x16xf32, #tpu.memory_space<vmem_shared>> -> memref<10240x16xf32, #tpu.memory_space<vmem_shared>>
    tpu.enqueue_indirect_dma source(%dma_start3A_170 : memref<10240x16xf32, #tpu.memory_space<vmem_shared>>) target(%dma_start3A_164 : memref<80x16xf32, #tpu.memory_space<vmem>>) offsets(%dma_start3A_167 : memref<80xi32, #tpu.memory_space<vmem>>) semaphore(%arg15 : memref<!tpu.dma_semaphore, #tpu.memory_space<semaphore_mem>>)
    %dma_start3A_171 = arith.constant 9 : i32
    %dma_start3A_172 = arith.constant 9 : i32
    %dma_start3A_173 = arith.constant 0 : i32
    %dma_start3A_174 = arith.constant 0 : i32
    %dma_start3A_175 = tpu.memref_slice %arg8[%dma_start3A_172, %dma_start3A_173, %dma_start3A_174] : memref<25x80x16xf32, #tpu.memory_space<vmem>> -> memref<1x80x16xf32, #tpu.memory_space<vmem>>
    %dma_start3A_176 = tpu.memref_squeeze %dma_start3A_175 : memref<1x80x16xf32, #tpu.memory_space<vmem>> -> memref<80x16xf32, #tpu.memory_space<vmem>>
    %dma_start3A_177 = arith.constant 0 : i32
    %dma_start3A_178 = tpu.memref_slice %arg6[%dma_start3A_171, %dma_start3A_177] : memref<125x80xi32, #tpu.memory_space<vmem>> -> memref<1x80xi32, #tpu.memory_space<vmem>>
    %dma_start3A_179 = tpu.memref_squeeze %dma_start3A_178 : memref<1x80xi32, #tpu.memory_space<vmem>> -> memref<80xi32, #tpu.memory_space<vmem>>
    %dma_start3A_180 = arith.constant 0 : i32
    %dma_start3A_181 = arith.constant 0 : i32
    %dma_start3A_182 = tpu.memref_slice %arg13[%dma_start3A_180, %dma_start3A_181] : memref<10240x16xf32, #tpu.memory_space<vmem_shared>> -> memref<10240x16xf32, #tpu.memory_space<vmem_shared>>
    tpu.enqueue_indirect_dma source(%dma_start3A_182 : memref<10240x16xf32, #tpu.memory_space<vmem_shared>>) target(%dma_start3A_176 : memref<80x16xf32, #tpu.memory_space<vmem>>) offsets(%dma_start3A_179 : memref<80xi32, #tpu.memory_space<vmem>>) semaphore(%arg15 : memref<!tpu.dma_semaphore, #tpu.memory_space<semaphore_mem>>)
    %dma_start3A_183 = arith.constant 10 : i32
    %dma_start3A_184 = arith.constant 10 : i32
    %dma_start3A_185 = arith.constant 0 : i32
    %dma_start3A_186 = arith.constant 0 : i32
    %dma_start3A_187 = tpu.memref_slice %arg8[%dma_start3A_184, %dma_start3A_185, %dma_start3A_186] : memref<25x80x16xf32, #tpu.memory_space<vmem>> -> memref<1x80x16xf32, #tpu.memory_space<vmem>>
    %dma_start3A_188 = tpu.memref_squeeze %dma_start3A_187 : memref<1x80x16xf32, #tpu.memory_space<vmem>> -> memref<80x16xf32, #tpu.memory_space<vmem>>
    %dma_start3A_189 = arith.constant 0 : i32
    %dma_start3A_190 = tpu.memref_slice %arg6[%dma_start3A_183, %dma_start3A_189] : memref<125x80xi32, #tpu.memory_space<vmem>> -> memref<1x80xi32, #tpu.memory_space<vmem>>
    %dma_start3A_191 = tpu.memref_squeeze %dma_start3A_190 : memref<1x80xi32, #tpu.memory_space<vmem>> -> memref<80xi32, #tpu.memory_space<vmem>>
    %dma_start3A_192 = arith.constant 0 : i32
    %dma_start3A_193 = arith.constant 0 : i32
    %dma_start3A_194 = tpu.memref_slice %arg13[%dma_start3A_192, %dma_start3A_193] : memref<10240x16xf32, #tpu.memory_space<vmem_shared>> -> memref<10240x16xf32, #tpu.memory_space<vmem_shared>>
    tpu.enqueue_indirect_dma source(%dma_start3A_194 : memref<10240x16xf32, #tpu.memory_space<vmem_shared>>) target(%dma_start3A_188 : memref<80x16xf32, #tpu.memory_space<vmem>>) offsets(%dma_start3A_191 : memref<80xi32, #tpu.memory_space<vmem>>) semaphore(%arg15 : memref<!tpu.dma_semaphore, #tpu.memory_space<semaphore_mem>>)
    %dma_start3A_195 = arith.constant 11 : i32
    %dma_start3A_196 = arith.constant 11 : i32
    %dma_start3A_197 = arith.constant 0 : i32
    %dma_start3A_198 = arith.constant 0 : i32
    %dma_start3A_199 = tpu.memref_slice %arg8[%dma_start3A_196, %dma_start3A_197, %dma_start3A_198] : memref<25x80x16xf32, #tpu.memory_space<vmem>> -> memref<1x80x16xf32, #tpu.memory_space<vmem>>
    %dma_start3A_200 = tpu.memref_squeeze %dma_start3A_199 : memref<1x80x16xf32, #tpu.memory_space<vmem>> -> memref<80x16xf32, #tpu.memory_space<vmem>>
    %dma_start3A_201 = arith.constant 0 : i32
    %dma_start3A_202 = tpu.memref_slice %arg6[%dma_start3A_195, %dma_start3A_201] : memref<125x80xi32, #tpu.memory_space<vmem>> -> memref<1x80xi32, #tpu.memory_space<vmem>>
    %dma_start3A_203 = tpu.memref_squeeze %dma_start3A_202 : memref<1x80xi32, #tpu.memory_space<vmem>> -> memref<80xi32, #tpu.memory_space<vmem>>
    %dma_start3A_204 = arith.constant 0 : i32
    %dma_start3A_205 = arith.constant 0 : i32
    %dma_start3A_206 = tpu.memref_slice %arg13[%dma_start3A_204, %dma_start3A_205] : memref<10240x16xf32, #tpu.memory_space<vmem_shared>> -> memref<10240x16xf32, #tpu.memory_space<vmem_shared>>
    tpu.enqueue_indirect_dma source(%dma_start3A_206 : memref<10240x16xf32, #tpu.memory_space<vmem_shared>>) target(%dma_start3A_200 : memref<80x16xf32, #tpu.memory_space<vmem>>) offsets(%dma_start3A_203 : memref<80xi32, #tpu.memory_space<vmem>>) semaphore(%arg15 : memref<!tpu.dma_semaphore, #tpu.memory_space<semaphore_mem>>)
    %dma_start3A_207 = arith.constant 12 : i32
    %dma_start3A_208 = arith.constant 12 : i32
    %dma_start3A_209 = arith.constant 0 : i32
    %dma_start3A_210 = arith.constant 0 : i32
    %dma_start3A_211 = tpu.memref_slice %arg8[%dma_start3A_208, %dma_start3A_209, %dma_start3A_210] : memref<25x80x16xf32, #tpu.memory_space<vmem>> -> memref<1x80x16xf32, #tpu.memory_space<vmem>>
    %dma_start3A_212 = tpu.memref_squeeze %dma_start3A_211 : memref<1x80x16xf32, #tpu.memory_space<vmem>> -> memref<80x16xf32, #tpu.memory_space<vmem>>
    %dma_start3A_213 = arith.constant 0 : i32
    %dma_start3A_214 = tpu.memref_slice %arg6[%dma_start3A_207, %dma_start3A_213] : memref<125x80xi32, #tpu.memory_space<vmem>> -> memref<1x80xi32, #tpu.memory_space<vmem>>
    %dma_start3A_215 = tpu.memref_squeeze %dma_start3A_214 : memref<1x80xi32, #tpu.memory_space<vmem>> -> memref<80xi32, #tpu.memory_space<vmem>>
    %dma_start3A_216 = arith.constant 0 : i32
    %dma_start3A_217 = arith.constant 0 : i32
    %dma_start3A_218 = tpu.memref_slice %arg13[%dma_start3A_216, %dma_start3A_217] : memref<10240x16xf32, #tpu.memory_space<vmem_shared>> -> memref<10240x16xf32, #tpu.memory_space<vmem_shared>>
    tpu.enqueue_indirect_dma source(%dma_start3A_218 : memref<10240x16xf32, #tpu.memory_space<vmem_shared>>) target(%dma_start3A_212 : memref<80x16xf32, #tpu.memory_space<vmem>>) offsets(%dma_start3A_215 : memref<80xi32, #tpu.memory_space<vmem>>) semaphore(%arg15 : memref<!tpu.dma_semaphore, #tpu.memory_space<semaphore_mem>>)
    %scan3A_219 = arith.constant 0 : i32
    %scan3A_220 = arith.constant 5 : i32
    %scan3A_221 = arith.addi %scan3A_219, %scan3A_220 : i32
    %scan3A_222 = arith.constant 1 : i32
    scf.for %scan3A_385 = %scan3A_219 to %scan3A_221 step %scan3A_222  : i32 {
      %mul3A_386 = arith.constant 1 : i32
      %mul3A_387 = arith.muli %scan3A_385, %mul3A_386 : i32
      %add3A_388 = arith.constant 0 : i32
      %add3A_389 = arith.addi %add3A_388, %mul3A_387 : i32
      %mul3A_390 = arith.constant 25 : i32
      %mul3A_391 = arith.muli %add3A_389, %mul3A_390 : i32
      %add3A_392 = arith.constant 0 : i32
      %add3A_393 = arith.addi %mul3A_391, %add3A_392 : i32
      %dma_wait3A_394 = arith.constant 0 : i32
      %dma_wait3A_395 = arith.constant 0 : i32
      %dma_wait3A_396 = arith.constant 0 : i32
      %dma_wait3A_397 = tpu.memref_slice %arg8[%dma_wait3A_394, %dma_wait3A_395, %dma_wait3A_396] : memref<25x80x16xf32, #tpu.memory_space<vmem>> -> memref<1x80x16xf32, #tpu.memory_space<vmem>>
      %dma_wait3A_398 = tpu.memref_squeeze %dma_wait3A_397 : memref<1x80x16xf32, #tpu.memory_space<vmem>> -> memref<80x16xf32, #tpu.memory_space<vmem>>
      %dma_wait3A_399 = arith.constant 0 : i32
      %dma_wait3A_400 = tpu.memref_slice %arg6[%add3A_393, %dma_wait3A_399] : memref<125x80xi32, #tpu.memory_space<vmem>> -> memref<1x80xi32, #tpu.memory_space<vmem>>
      %dma_wait3A_401 = tpu.memref_squeeze %dma_wait3A_400 : memref<1x80xi32, #tpu.memory_space<vmem>> -> memref<80xi32, #tpu.memory_space<vmem>>
      %dma_wait3A_402 = arith.constant 0 : i32
      %dma_wait3A_403 = arith.constant 0 : i32
      %dma_wait3A_404 = tpu.memref_slice %arg13[%dma_wait3A_402, %dma_wait3A_403] : memref<10240x16xf32, #tpu.memory_space<vmem_shared>> -> memref<10240x16xf32, #tpu.memory_space<vmem_shared>>
      tpu.wait_indirect_dma semaphore(%arg15 : memref<!tpu.dma_semaphore, #tpu.memory_space<semaphore_mem>>) src(%dma_wait3A_404 : memref<10240x16xf32, #tpu.memory_space<vmem_shared>>) dst(%dma_wait3A_398 : memref<80x16xf32, #tpu.memory_space<vmem>>)
      %dma_start3A_405 = arith.constant 0 : i32
      %dma_start3A_406 = arith.constant 0 : i32
      %dma_start3A_407 = arith.constant 0 : i32
      %dma_start3A_408 = tpu.memref_slice %arg8[%dma_start3A_405, %dma_start3A_406, %dma_start3A_407] : memref<25x80x16xf32, #tpu.memory_space<vmem>> -> memref<1x80x16xf32, #tpu.memory_space<vmem>>
      %dma_start3A_409 = tpu.memref_squeeze %dma_start3A_408 : memref<1x80x16xf32, #tpu.memory_space<vmem>> -> memref<80x16xf32, #tpu.memory_space<vmem>>
      %dma_start3A_410 = arith.constant 0 : i32
      %dma_start3A_411 = tpu.memref_slice %arg7[%add3A_393, %dma_start3A_410] : memref<125x80xi32, #tpu.memory_space<vmem>> -> memref<1x80xi32, #tpu.memory_space<vmem>>
      %dma_start3A_412 = tpu.memref_squeeze %dma_start3A_411 : memref<1x80xi32, #tpu.memory_space<vmem>> -> memref<80xi32, #tpu.memory_space<vmem>>
      %dma_start3A_413 = arith.constant 0 : i32
      %dma_start3A_414 = arith.constant 0 : i32
      %dma_start3A_415 = tpu.memref_slice %arg14[%dma_start3A_413, %dma_start3A_414] : memref<10240x16xf32, #tpu.memory_space<vmem_shared>> -> memref<10240x16xf32, #tpu.memory_space<vmem_shared>>
      tpu.enqueue_indirect_dma source(%dma_start3A_409 : memref<80x16xf32, #tpu.memory_space<vmem>>) target(%dma_start3A_415 : memref<10240x16xf32, #tpu.memory_space<vmem_shared>>) offsets(%dma_start3A_412 : memref<80xi32, #tpu.memory_space<vmem>>) semaphore(%arg16 : memref<!tpu.dma_semaphore, #tpu.memory_space<semaphore_mem>>) {add = true}
      %ge3A = arith.constant 12 : i32
      %ge3A_416 = arith.cmpi sge, %add3A_393, %ge3A : i32
      %convert_element_type3A_417 = arith.extui %ge3A_416 : i1 to i32
      %cond3A_418 = arith.constant 0 : i32
      %cond3A_419 = arith.cmpi ne, %convert_element_type3A_417, %cond3A_418 : i32
      scf.if %cond3A_419 {
        %sub3A = arith.constant 12 : i32
        %sub3A_1338 = arith.subi %add3A_393, %sub3A : i32
        %dma_wait3A_1339 = arith.constant 13 : i32
        %dma_wait3A_1340 = arith.constant 0 : i32
        %dma_wait3A_1341 = arith.constant 0 : i32
        %dma_wait3A_1342 = tpu.memref_slice %arg8[%dma_wait3A_1339, %dma_wait3A_1340, %dma_wait3A_1341] : memref<25x80x16xf32, #tpu.memory_space<vmem>> -> memref<1x80x16xf32, #tpu.memory_space<vmem>>
        %dma_wait3A_1343 = tpu.memref_squeeze %dma_wait3A_1342 : memref<1x80x16xf32, #tpu.memory_space<vmem>> -> memref<80x16xf32, #tpu.memory_space<vmem>>
        %dma_wait3A_1344 = arith.constant 0 : i32
        %dma_wait3A_1345 = tpu.memref_slice %arg7[%sub3A_1338, %dma_wait3A_1344] : memref<125x80xi32, #tpu.memory_space<vmem>> -> memref<1x80xi32, #tpu.memory_space<vmem>>
        %dma_wait3A_1346 = tpu.memref_squeeze %dma_wait3A_1345 : memref<1x80xi32, #tpu.memory_space<vmem>> -> memref<80xi32, #tpu.memory_space<vmem>>
        %dma_wait3A_1347 = arith.constant 0 : i32
        %dma_wait3A_1348 = arith.constant 0 : i32
        %dma_wait3A_1349 = tpu.memref_slice %arg14[%dma_wait3A_1347, %dma_wait3A_1348] : memref<10240x16xf32, #tpu.memory_space<vmem_shared>> -> memref<10240x16xf32, #tpu.memory_space<vmem_shared>>
        tpu.wait_indirect_dma semaphore(%arg16 : memref<!tpu.dma_semaphore, #tpu.memory_space<semaphore_mem>>) src(%dma_wait3A_1343 : memref<80x16xf32, #tpu.memory_space<vmem>>) dst(%dma_wait3A_1349 : memref<10240x16xf32, #tpu.memory_space<vmem_shared>>)
      } else {
      }
      %add3A_420 = arith.constant 13 : i32
      %add3A_421 = arith.addi %add3A_393, %add3A_420 : i32
      %lt3A = arith.constant 125 : i32
      %lt3A_422 = arith.cmpi slt, %add3A_421, %lt3A : i32
      %convert_element_type3A_423 = arith.extui %lt3A_422 : i1 to i32
      %cond3A_424 = arith.constant 0 : i32
      %cond3A_425 = arith.cmpi ne, %convert_element_type3A_423, %cond3A_424 : i32
      scf.if %cond3A_425 {
        %add3A_1338 = arith.constant 13 : i32
        %add3A_1339 = arith.addi %add3A_393, %add3A_1338 : i32
        %dma_start3A_1340 = arith.constant 13 : i32
        %dma_start3A_1341 = arith.constant 0 : i32
        %dma_start3A_1342 = arith.constant 0 : i32
        %dma_start3A_1343 = tpu.memref_slice %arg8[%dma_start3A_1340, %dma_start3A_1341, %dma_start3A_1342] : memref<25x80x16xf32, #tpu.memory_space<vmem>> -> memref<1x80x16xf32, #tpu.memory_space<vmem>>
        %dma_start3A_1344 = tpu.memref_squeeze %dma_start3A_1343 : memref<1x80x16xf32, #tpu.memory_space<vmem>> -> memref<80x16xf32, #tpu.memory_space<vmem>>
        %dma_start3A_1345 = arith.constant 0 : i32
        %dma_start3A_1346 = tpu.memref_slice %arg6[%add3A_1339, %dma_start3A_1345] : memref<125x80xi32, #tpu.memory_space<vmem>> -> memref<1x80xi32, #tpu.memory_space<vmem>>
        %dma_start3A_1347 = tpu.memref_squeeze %dma_start3A_1346 : memref<1x80xi32, #tpu.memory_space<vmem>> -> memref<80xi32, #tpu.memory_space<vmem>>
        %dma_start3A_1348 = arith.constant 0 : i32
        %dma_start3A_1349 = arith.constant 0 : i32
        %dma_start3A_1350 = tpu.memref_slice %arg13[%dma_start3A_1348, %dma_start3A_1349] : memref<10240x16xf32, #tpu.memory_space<vmem_shared>> -> memref<10240x16xf32, #tpu.memory_space<vmem_shared>>
        tpu.enqueue_indirect_dma source(%dma_start3A_1350 : memref<10240x16xf32, #tpu.memory_space<vmem_shared>>) target(%dma_start3A_1344 : memref<80x16xf32, #tpu.memory_space<vmem>>) offsets(%dma_start3A_1347 : memref<80xi32, #tpu.memory_space<vmem>>) semaphore(%arg15 : memref<!tpu.dma_semaphore, #tpu.memory_space<semaphore_mem>>)
      } else {
      }
      %mul3A_426 = arith.constant 25 : i32
      %mul3A_427 = arith.muli %add3A_389, %mul3A_426 : i32
      %add3A_428 = arith.constant 1 : i32
      %add3A_429 = arith.addi %mul3A_427, %add3A_428 : i32
      %dma_wait3A_430 = arith.constant 1 : i32
      %dma_wait3A_431 = arith.constant 0 : i32
      %dma_wait3A_432 = arith.constant 0 : i32
      %dma_wait3A_433 = tpu.memref_slice %arg8[%dma_wait3A_430, %dma_wait3A_431, %dma_wait3A_432] : memref<25x80x16xf32, #tpu.memory_space<vmem>> -> memref<1x80x16xf32, #tpu.memory_space<vmem>>
      %dma_wait3A_434 = tpu.memref_squeeze %dma_wait3A_433 : memref<1x80x16xf32, #tpu.memory_space<vmem>> -> memref<80x16xf32, #tpu.memory_space<vmem>>
      %dma_wait3A_435 = arith.constant 0 : i32
      %dma_wait3A_436 = tpu.memref_slice %arg6[%add3A_429, %dma_wait3A_435] : memref<125x80xi32, #tpu.memory_space<vmem>> -> memref<1x80xi32, #tpu.memory_space<vmem>>
      %dma_wait3A_437 = tpu.memref_squeeze %dma_wait3A_436 : memref<1x80xi32, #tpu.memory_space<vmem>> -> memref<80xi32, #tpu.memory_space<vmem>>
      %dma_wait3A_438 = arith.constant 0 : i32
      %dma_wait3A_439 = arith.constant 0 : i32
      %dma_wait3A_440 = tpu.memref_slice %arg13[%dma_wait3A_438, %dma_wait3A_439] : memref<10240x16xf32, #tpu.memory_space<vmem_shared>> -> memref<10240x16xf32, #tpu.memory_space<vmem_shared>>
      tpu.wait_indirect_dma semaphore(%arg15 : memref<!tpu.dma_semaphore, #tpu.memory_space<semaphore_mem>>) src(%dma_wait3A_440 : memref<10240x16xf32, #tpu.memory_space<vmem_shared>>) dst(%dma_wait3A_434 : memref<80x16xf32, #tpu.memory_space<vmem>>)
      %dma_start3A_441 = arith.constant 1 : i32
      %dma_start3A_442 = arith.constant 0 : i32
      %dma_start3A_443 = arith.constant 0 : i32
      %dma_start3A_444 = tpu.memref_slice %arg8[%dma_start3A_441, %dma_start3A_442, %dma_start3A_443] : memref<25x80x16xf32, #tpu.memory_space<vmem>> -> memref<1x80x16xf32, #tpu.memory_space<vmem>>
      %dma_start3A_445 = tpu.memref_squeeze %dma_start3A_444 : memref<1x80x16xf32, #tpu.memory_space<vmem>> -> memref<80x16xf32, #tpu.memory_space<vmem>>
      %dma_start3A_446 = arith.constant 0 : i32
      %dma_start3A_447 = tpu.memref_slice %arg7[%add3A_429, %dma_start3A_446] : memref<125x80xi32, #tpu.memory_space<vmem>> -> memref<1x80xi32, #tpu.memory_space<vmem>>
      %dma_start3A_448 = tpu.memref_squeeze %dma_start3A_447 : memref<1x80xi32, #tpu.memory_space<vmem>> -> memref<80xi32, #tpu.memory_space<vmem>>
      %dma_start3A_449 = arith.constant 0 : i32
      %dma_start3A_450 = arith.constant 0 : i32
      %dma_start3A_451 = tpu.memref_slice %arg14[%dma_start3A_449, %dma_start3A_450] : memref<10240x16xf32, #tpu.memory_space<vmem_shared>> -> memref<10240x16xf32, #tpu.memory_space<vmem_shared>>
      tpu.enqueue_indirect_dma source(%dma_start3A_445 : memref<80x16xf32, #tpu.memory_space<vmem>>) target(%dma_start3A_451 : memref<10240x16xf32, #tpu.memory_space<vmem_shared>>) offsets(%dma_start3A_448 : memref<80xi32, #tpu.memory_space<vmem>>) semaphore(%arg16 : memref<!tpu.dma_semaphore, #tpu.memory_space<semaphore_mem>>) {add = true}
      %ge3A_452 = arith.constant 12 : i32
      %ge3A_453 = arith.cmpi sge, %add3A_429, %ge3A_452 : i32
      %convert_element_type3A_454 = arith.extui %ge3A_453 : i1 to i32
      %cond3A_455 = arith.constant 0 : i32
      %cond3A_456 = arith.cmpi ne, %convert_element_type3A_454, %cond3A_455 : i32
      scf.if %cond3A_456 {
        %sub3A = arith.constant 12 : i32
        %sub3A_1338 = arith.subi %add3A_429, %sub3A : i32
        %dma_wait3A_1339 = arith.constant 14 : i32
        %dma_wait3A_1340 = arith.constant 0 : i32
        %dma_wait3A_1341 = arith.constant 0 : i32
        %dma_wait3A_1342 = tpu.memref_slice %arg8[%dma_wait3A_1339, %dma_wait3A_1340, %dma_wait3A_1341] : memref<25x80x16xf32, #tpu.memory_space<vmem>> -> memref<1x80x16xf32, #tpu.memory_space<vmem>>
        %dma_wait3A_1343 = tpu.memref_squeeze %dma_wait3A_1342 : memref<1x80x16xf32, #tpu.memory_space<vmem>> -> memref<80x16xf32, #tpu.memory_space<vmem>>
        %dma_wait3A_1344 = arith.constant 0 : i32
        %dma_wait3A_1345 = tpu.memref_slice %arg7[%sub3A_1338, %dma_wait3A_1344] : memref<125x80xi32, #tpu.memory_space<vmem>> -> memref<1x80xi32, #tpu.memory_space<vmem>>
        %dma_wait3A_1346 = tpu.memref_squeeze %dma_wait3A_1345 : memref<1x80xi32, #tpu.memory_space<vmem>> -> memref<80xi32, #tpu.memory_space<vmem>>
        %dma_wait3A_1347 = arith.constant 0 : i32
        %dma_wait3A_1348 = arith.constant 0 : i32
        %dma_wait3A_1349 = tpu.memref_slice %arg14[%dma_wait3A_1347, %dma_wait3A_1348] : memref<10240x16xf32, #tpu.memory_space<vmem_shared>> -> memref<10240x16xf32, #tpu.memory_space<vmem_shared>>
        tpu.wait_indirect_dma semaphore(%arg16 : memref<!tpu.dma_semaphore, #tpu.memory_space<semaphore_mem>>) src(%dma_wait3A_1343 : memref<80x16xf32, #tpu.memory_space<vmem>>) dst(%dma_wait3A_1349 : memref<10240x16xf32, #tpu.memory_space<vmem_shared>>)
      } else {
      }
      %add3A_457 = arith.constant 13 : i32
      %add3A_458 = arith.addi %add3A_429, %add3A_457 : i32
      %lt3A_459 = arith.constant 125 : i32
      %lt3A_460 = arith.cmpi slt, %add3A_458, %lt3A_459 : i32
      %convert_element_type3A_461 = arith.extui %lt3A_460 : i1 to i32
      %cond3A_462 = arith.constant 0 : i32
      %cond3A_463 = arith.cmpi ne, %convert_element_type3A_461, %cond3A_462 : i32
      scf.if %cond3A_463 {
        %add3A_1338 = arith.constant 13 : i32
        %add3A_1339 = arith.addi %add3A_429, %add3A_1338 : i32
        %dma_start3A_1340 = arith.constant 14 : i32
        %dma_start3A_1341 = arith.constant 0 : i32
        %dma_start3A_1342 = arith.constant 0 : i32
        %dma_start3A_1343 = tpu.memref_slice %arg8[%dma_start3A_1340, %dma_start3A_1341, %dma_start3A_1342] : memref<25x80x16xf32, #tpu.memory_space<vmem>> -> memref<1x80x16xf32, #tpu.memory_space<vmem>>
        %dma_start3A_1344 = tpu.memref_squeeze %dma_start3A_1343 : memref<1x80x16xf32, #tpu.memory_space<vmem>> -> memref<80x16xf32, #tpu.memory_space<vmem>>
        %dma_start3A_1345 = arith.constant 0 : i32
        %dma_start3A_1346 = tpu.memref_slice %arg6[%add3A_1339, %dma_start3A_1345] : memref<125x80xi32, #tpu.memory_space<vmem>> -> memref<1x80xi32, #tpu.memory_space<vmem>>
        %dma_start3A_1347 = tpu.memref_squeeze %dma_start3A_1346 : memref<1x80xi32, #tpu.memory_space<vmem>> -> memref<80xi32, #tpu.memory_space<vmem>>
        %dma_start3A_1348 = arith.constant 0 : i32
        %dma_start3A_1349 = arith.constant 0 : i32
        %dma_start3A_1350 = tpu.memref_slice %arg13[%dma_start3A_1348, %dma_start3A_1349] : memref<10240x16xf32, #tpu.memory_space<vmem_shared>> -> memref<10240x16xf32, #tpu.memory_space<vmem_shared>>
        tpu.enqueue_indirect_dma source(%dma_start3A_1350 : memref<10240x16xf32, #tpu.memory_space<vmem_shared>>) target(%dma_start3A_1344 : memref<80x16xf32, #tpu.memory_space<vmem>>) offsets(%dma_start3A_1347 : memref<80xi32, #tpu.memory_space<vmem>>) semaphore(%arg15 : memref<!tpu.dma_semaphore, #tpu.memory_space<semaphore_mem>>)
      } else {
      }
      %mul3A_464 = arith.constant 25 : i32
      %mul3A_465 = arith.muli %add3A_389, %mul3A_464 : i32
      %add3A_466 = arith.constant 2 : i32
      %add3A_467 = arith.addi %mul3A_465, %add3A_466 : i32
      %dma_wait3A_468 = arith.constant 2 : i32
      %dma_wait3A_469 = arith.constant 0 : i32
      %dma_wait3A_470 = arith.constant 0 : i32
      %dma_wait3A_471 = tpu.memref_slice %arg8[%dma_wait3A_468, %dma_wait3A_469, %dma_wait3A_470] : memref<25x80x16xf32, #tpu.memory_space<vmem>> -> memref<1x80x16xf32, #tpu.memory_space<vmem>>
      %dma_wait3A_472 = tpu.memref_squeeze %dma_wait3A_471 : memref<1x80x16xf32, #tpu.memory_space<vmem>> -> memref<80x16xf32, #tpu.memory_space<vmem>>
      %dma_wait3A_473 = arith.constant 0 : i32
      %dma_wait3A_474 = tpu.memref_slice %arg6[%add3A_467, %dma_wait3A_473] : memref<125x80xi32, #tpu.memory_space<vmem>> -> memref<1x80xi32, #tpu.memory_space<vmem>>
      %dma_wait3A_475 = tpu.memref_squeeze %dma_wait3A_474 : memref<1x80xi32, #tpu.memory_space<vmem>> -> memref<80xi32, #tpu.memory_space<vmem>>
      %dma_wait3A_476 = arith.constant 0 : i32
      %dma_wait3A_477 = arith.constant 0 : i32
      %dma_wait3A_478 = tpu.memref_slice %arg13[%dma_wait3A_476, %dma_wait3A_477] : memref<10240x16xf32, #tpu.memory_space<vmem_shared>> -> memref<10240x16xf32, #tpu.memory_space<vmem_shared>>
      tpu.wait_indirect_dma semaphore(%arg15 : memref<!tpu.dma_semaphore, #tpu.memory_space<semaphore_mem>>) src(%dma_wait3A_478 : memref<10240x16xf32, #tpu.memory_space<vmem_shared>>) dst(%dma_wait3A_472 : memref<80x16xf32, #tpu.memory_space<vmem>>)
      %dma_start3A_479 = arith.constant 2 : i32
      %dma_start3A_480 = arith.constant 0 : i32
      %dma_start3A_481 = arith.constant 0 : i32
      %dma_start3A_482 = tpu.memref_slice %arg8[%dma_start3A_479, %dma_start3A_480, %dma_start3A_481] : memref<25x80x16xf32, #tpu.memory_space<vmem>> -> memref<1x80x16xf32, #tpu.memory_space<vmem>>
      %dma_start3A_483 = tpu.memref_squeeze %dma_start3A_482 : memref<1x80x16xf32, #tpu.memory_space<vmem>> -> memref<80x16xf32, #tpu.memory_space<vmem>>
      %dma_start3A_484 = arith.constant 0 : i32
      %dma_start3A_485 = tpu.memref_slice %arg7[%add3A_467, %dma_start3A_484] : memref<125x80xi32, #tpu.memory_space<vmem>> -> memref<1x80xi32, #tpu.memory_space<vmem>>
      %dma_start3A_486 = tpu.memref_squeeze %dma_start3A_485 : memref<1x80xi32, #tpu.memory_space<vmem>> -> memref<80xi32, #tpu.memory_space<vmem>>
      %dma_start3A_487 = arith.constant 0 : i32
      %dma_start3A_488 = arith.constant 0 : i32
      %dma_start3A_489 = tpu.memref_slice %arg14[%dma_start3A_487, %dma_start3A_488] : memref<10240x16xf32, #tpu.memory_space<vmem_shared>> -> memref<10240x16xf32, #tpu.memory_space<vmem_shared>>
      tpu.enqueue_indirect_dma source(%dma_start3A_483 : memref<80x16xf32, #tpu.memory_space<vmem>>) target(%dma_start3A_489 : memref<10240x16xf32, #tpu.memory_space<vmem_shared>>) offsets(%dma_start3A_486 : memref<80xi32, #tpu.memory_space<vmem>>) semaphore(%arg16 : memref<!tpu.dma_semaphore, #tpu.memory_space<semaphore_mem>>) {add = true}
      %ge3A_490 = arith.constant 12 : i32
      %ge3A_491 = arith.cmpi sge, %add3A_467, %ge3A_490 : i32
      %convert_element_type3A_492 = arith.extui %ge3A_491 : i1 to i32
      %cond3A_493 = arith.constant 0 : i32
      %cond3A_494 = arith.cmpi ne, %convert_element_type3A_492, %cond3A_493 : i32
      scf.if %cond3A_494 {
        %sub3A = arith.constant 12 : i32
        %sub3A_1338 = arith.subi %add3A_467, %sub3A : i32
        %dma_wait3A_1339 = arith.constant 15 : i32
        %dma_wait3A_1340 = arith.constant 0 : i32
        %dma_wait3A_1341 = arith.constant 0 : i32
        %dma_wait3A_1342 = tpu.memref_slice %arg8[%dma_wait3A_1339, %dma_wait3A_1340, %dma_wait3A_1341] : memref<25x80x16xf32, #tpu.memory_space<vmem>> -> memref<1x80x16xf32, #tpu.memory_space<vmem>>
        %dma_wait3A_1343 = tpu.memref_squeeze %dma_wait3A_1342 : memref<1x80x16xf32, #tpu.memory_space<vmem>> -> memref<80x16xf32, #tpu.memory_space<vmem>>
        %dma_wait3A_1344 = arith.constant 0 : i32
        %dma_wait3A_1345 = tpu.memref_slice %arg7[%sub3A_1338, %dma_wait3A_1344] : memref<125x80xi32, #tpu.memory_space<vmem>> -> memref<1x80xi32, #tpu.memory_space<vmem>>
        %dma_wait3A_1346 = tpu.memref_squeeze %dma_wait3A_1345 : memref<1x80xi32, #tpu.memory_space<vmem>> -> memref<80xi32, #tpu.memory_space<vmem>>
        %dma_wait3A_1347 = arith.constant 0 : i32
        %dma_wait3A_1348 = arith.constant 0 : i32
        %dma_wait3A_1349 = tpu.memref_slice %arg14[%dma_wait3A_1347, %dma_wait3A_1348] : memref<10240x16xf32, #tpu.memory_space<vmem_shared>> -> memref<10240x16xf32, #tpu.memory_space<vmem_shared>>
        tpu.wait_indirect_dma semaphore(%arg16 : memref<!tpu.dma_semaphore, #tpu.memory_space<semaphore_mem>>) src(%dma_wait3A_1343 : memref<80x16xf32, #tpu.memory_space<vmem>>) dst(%dma_wait3A_1349 : memref<10240x16xf32, #tpu.memory_space<vmem_shared>>)
      } else {
      }
      %add3A_495 = arith.constant 13 : i32
      %add3A_496 = arith.addi %add3A_467, %add3A_495 : i32
      %lt3A_497 = arith.constant 125 : i32
      %lt3A_498 = arith.cmpi slt, %add3A_496, %lt3A_497 : i32
      %convert_element_type3A_499 = arith.extui %lt3A_498 : i1 to i32
      %cond3A_500 = arith.constant 0 : i32
      %cond3A_501 = arith.cmpi ne, %convert_element_type3A_499, %cond3A_500 : i32
      scf.if %cond3A_501 {
        %add3A_1338 = arith.constant 13 : i32
        %add3A_1339 = arith.addi %add3A_467, %add3A_1338 : i32
        %dma_start3A_1340 = arith.constant 15 : i32
        %dma_start3A_1341 = arith.constant 0 : i32
        %dma_start3A_1342 = arith.constant 0 : i32
        %dma_start3A_1343 = tpu.memref_slice %arg8[%dma_start3A_1340, %dma_start3A_1341, %dma_start3A_1342] : memref<25x80x16xf32, #tpu.memory_space<vmem>> -> memref<1x80x16xf32, #tpu.memory_space<vmem>>
        %dma_start3A_1344 = tpu.memref_squeeze %dma_start3A_1343 : memref<1x80x16xf32, #tpu.memory_space<vmem>> -> memref<80x16xf32, #tpu.memory_space<vmem>>
        %dma_start3A_1345 = arith.constant 0 : i32
        %dma_start3A_1346 = tpu.memref_slice %arg6[%add3A_1339, %dma_start3A_1345] : memref<125x80xi32, #tpu.memory_space<vmem>> -> memref<1x80xi32, #tpu.memory_space<vmem>>
        %dma_start3A_1347 = tpu.memref_squeeze %dma_start3A_1346 : memref<1x80xi32, #tpu.memory_space<vmem>> -> memref<80xi32, #tpu.memory_space<vmem>>
        %dma_start3A_1348 = arith.constant 0 : i32
        %dma_start3A_1349 = arith.constant 0 : i32
        %dma_start3A_1350 = tpu.memref_slice %arg13[%dma_start3A_1348, %dma_start3A_1349] : memref<10240x16xf32, #tpu.memory_space<vmem_shared>> -> memref<10240x16xf32, #tpu.memory_space<vmem_shared>>
        tpu.enqueue_indirect_dma source(%dma_start3A_1350 : memref<10240x16xf32, #tpu.memory_space<vmem_shared>>) target(%dma_start3A_1344 : memref<80x16xf32, #tpu.memory_space<vmem>>) offsets(%dma_start3A_1347 : memref<80xi32, #tpu.memory_space<vmem>>) semaphore(%arg15 : memref<!tpu.dma_semaphore, #tpu.memory_space<semaphore_mem>>)
      } else {
      }
      %mul3A_502 = arith.constant 25 : i32
      %mul3A_503 = arith.muli %add3A_389, %mul3A_502 : i32
      %add3A_504 = arith.constant 3 : i32
      %add3A_505 = arith.addi %mul3A_503, %add3A_504 : i32
      %dma_wait3A_506 = arith.constant 3 : i32
      %dma_wait3A_507 = arith.constant 0 : i32
      %dma_wait3A_508 = arith.constant 0 : i32
      %dma_wait3A_509 = tpu.memref_slice %arg8[%dma_wait3A_506, %dma_wait3A_507, %dma_wait3A_508] : memref<25x80x16xf32, #tpu.memory_space<vmem>> -> memref<1x80x16xf32, #tpu.memory_space<vmem>>
      %dma_wait3A_510 = tpu.memref_squeeze %dma_wait3A_509 : memref<1x80x16xf32, #tpu.memory_space<vmem>> -> memref<80x16xf32, #tpu.memory_space<vmem>>
      %dma_wait3A_511 = arith.constant 0 : i32
      %dma_wait3A_512 = tpu.memref_slice %arg6[%add3A_505, %dma_wait3A_511] : memref<125x80xi32, #tpu.memory_space<vmem>> -> memref<1x80xi32, #tpu.memory_space<vmem>>
      %dma_wait3A_513 = tpu.memref_squeeze %dma_wait3A_512 : memref<1x80xi32, #tpu.memory_space<vmem>> -> memref<80xi32, #tpu.memory_space<vmem>>
      %dma_wait3A_514 = arith.constant 0 : i32
      %dma_wait3A_515 = arith.constant 0 : i32
      %dma_wait3A_516 = tpu.memref_slice %arg13[%dma_wait3A_514, %dma_wait3A_515] : memref<10240x16xf32, #tpu.memory_space<vmem_shared>> -> memref<10240x16xf32, #tpu.memory_space<vmem_shared>>
      tpu.wait_indirect_dma semaphore(%arg15 : memref<!tpu.dma_semaphore, #tpu.memory_space<semaphore_mem>>) src(%dma_wait3A_516 : memref<10240x16xf32, #tpu.memory_space<vmem_shared>>) dst(%dma_wait3A_510 : memref<80x16xf32, #tpu.memory_space<vmem>>)
      %dma_start3A_517 = arith.constant 3 : i32
      %dma_start3A_518 = arith.constant 0 : i32
      %dma_start3A_519 = arith.constant 0 : i32
      %dma_start3A_520 = tpu.memref_slice %arg8[%dma_start3A_517, %dma_start3A_518, %dma_start3A_519] : memref<25x80x16xf32, #tpu.memory_space<vmem>> -> memref<1x80x16xf32, #tpu.memory_space<vmem>>
      %dma_start3A_521 = tpu.memref_squeeze %dma_start3A_520 : memref<1x80x16xf32, #tpu.memory_space<vmem>> -> memref<80x16xf32, #tpu.memory_space<vmem>>
      %dma_start3A_522 = arith.constant 0 : i32
      %dma_start3A_523 = tpu.memref_slice %arg7[%add3A_505, %dma_start3A_522] : memref<125x80xi32, #tpu.memory_space<vmem>> -> memref<1x80xi32, #tpu.memory_space<vmem>>
      %dma_start3A_524 = tpu.memref_squeeze %dma_start3A_523 : memref<1x80xi32, #tpu.memory_space<vmem>> -> memref<80xi32, #tpu.memory_space<vmem>>
      %dma_start3A_525 = arith.constant 0 : i32
      %dma_start3A_526 = arith.constant 0 : i32
      %dma_start3A_527 = tpu.memref_slice %arg14[%dma_start3A_525, %dma_start3A_526] : memref<10240x16xf32, #tpu.memory_space<vmem_shared>> -> memref<10240x16xf32, #tpu.memory_space<vmem_shared>>
      tpu.enqueue_indirect_dma source(%dma_start3A_521 : memref<80x16xf32, #tpu.memory_space<vmem>>) target(%dma_start3A_527 : memref<10240x16xf32, #tpu.memory_space<vmem_shared>>) offsets(%dma_start3A_524 : memref<80xi32, #tpu.memory_space<vmem>>) semaphore(%arg16 : memref<!tpu.dma_semaphore, #tpu.memory_space<semaphore_mem>>) {add = true}
      %ge3A_528 = arith.constant 12 : i32
      %ge3A_529 = arith.cmpi sge, %add3A_505, %ge3A_528 : i32
      %convert_element_type3A_530 = arith.extui %ge3A_529 : i1 to i32
      %cond3A_531 = arith.constant 0 : i32
      %cond3A_532 = arith.cmpi ne, %convert_element_type3A_530, %cond3A_531 : i32
      scf.if %cond3A_532 {
        %sub3A = arith.constant 12 : i32
        %sub3A_1338 = arith.subi %add3A_505, %sub3A : i32
        %dma_wait3A_1339 = arith.constant 16 : i32
        %dma_wait3A_1340 = arith.constant 0 : i32
        %dma_wait3A_1341 = arith.constant 0 : i32
        %dma_wait3A_1342 = tpu.memref_slice %arg8[%dma_wait3A_1339, %dma_wait3A_1340, %dma_wait3A_1341] : memref<25x80x16xf32, #tpu.memory_space<vmem>> -> memref<1x80x16xf32, #tpu.memory_space<vmem>>
        %dma_wait3A_1343 = tpu.memref_squeeze %dma_wait3A_1342 : memref<1x80x16xf32, #tpu.memory_space<vmem>> -> memref<80x16xf32, #tpu.memory_space<vmem>>
        %dma_wait3A_1344 = arith.constant 0 : i32
        %dma_wait3A_1345 = tpu.memref_slice %arg7[%sub3A_1338, %dma_wait3A_1344] : memref<125x80xi32, #tpu.memory_space<vmem>> -> memref<1x80xi32, #tpu.memory_space<vmem>>
        %dma_wait3A_1346 = tpu.memref_squeeze %dma_wait3A_1345 : memref<1x80xi32, #tpu.memory_space<vmem>> -> memref<80xi32, #tpu.memory_space<vmem>>
        %dma_wait3A_1347 = arith.constant 0 : i32
        %dma_wait3A_1348 = arith.constant 0 : i32
        %dma_wait3A_1349 = tpu.memref_slice %arg14[%dma_wait3A_1347, %dma_wait3A_1348] : memref<10240x16xf32, #tpu.memory_space<vmem_shared>> -> memref<10240x16xf32, #tpu.memory_space<vmem_shared>>
        tpu.wait_indirect_dma semaphore(%arg16 : memref<!tpu.dma_semaphore, #tpu.memory_space<semaphore_mem>>) src(%dma_wait3A_1343 : memref<80x16xf32, #tpu.memory_space<vmem>>) dst(%dma_wait3A_1349 : memref<10240x16xf32, #tpu.memory_space<vmem_shared>>)
      } else {
      }
      %add3A_533 = arith.constant 13 : i32
      %add3A_534 = arith.addi %add3A_505, %add3A_533 : i32
      %lt3A_535 = arith.constant 125 : i32
      %lt3A_536 = arith.cmpi slt, %add3A_534, %lt3A_535 : i32
      %convert_element_type3A_537 = arith.extui %lt3A_536 : i1 to i32
      %cond3A_538 = arith.constant 0 : i32
      %cond3A_539 = arith.cmpi ne, %convert_element_type3A_537, %cond3A_538 : i32
      scf.if %cond3A_539 {
        %add3A_1338 = arith.constant 13 : i32
        %add3A_1339 = arith.addi %add3A_505, %add3A_1338 : i32
        %dma_start3A_1340 = arith.constant 16 : i32
        %dma_start3A_1341 = arith.constant 0 : i32
        %dma_start3A_1342 = arith.constant 0 : i32
        %dma_start3A_1343 = tpu.memref_slice %arg8[%dma_start3A_1340, %dma_start3A_1341, %dma_start3A_1342] : memref<25x80x16xf32, #tpu.memory_space<vmem>> -> memref<1x80x16xf32, #tpu.memory_space<vmem>>
        %dma_start3A_1344 = tpu.memref_squeeze %dma_start3A_1343 : memref<1x80x16xf32, #tpu.memory_space<vmem>> -> memref<80x16xf32, #tpu.memory_space<vmem>>
        %dma_start3A_1345 = arith.constant 0 : i32
        %dma_start3A_1346 = tpu.memref_slice %arg6[%add3A_1339, %dma_start3A_1345] : memref<125x80xi32, #tpu.memory_space<vmem>> -> memref<1x80xi32, #tpu.memory_space<vmem>>
        %dma_start3A_1347 = tpu.memref_squeeze %dma_start3A_1346 : memref<1x80xi32, #tpu.memory_space<vmem>> -> memref<80xi32, #tpu.memory_space<vmem>>
        %dma_start3A_1348 = arith.constant 0 : i32
        %dma_start3A_1349 = arith.constant 0 : i32
        %dma_start3A_1350 = tpu.memref_slice %arg13[%dma_start3A_1348, %dma_start3A_1349] : memref<10240x16xf32, #tpu.memory_space<vmem_shared>> -> memref<10240x16xf32, #tpu.memory_space<vmem_shared>>
        tpu.enqueue_indirect_dma source(%dma_start3A_1350 : memref<10240x16xf32, #tpu.memory_space<vmem_shared>>) target(%dma_start3A_1344 : memref<80x16xf32, #tpu.memory_space<vmem>>) offsets(%dma_start3A_1347 : memref<80xi32, #tpu.memory_space<vmem>>) semaphore(%arg15 : memref<!tpu.dma_semaphore, #tpu.memory_space<semaphore_mem>>)
      } else {
      }
      %mul3A_540 = arith.constant 25 : i32
      %mul3A_541 = arith.muli %add3A_389, %mul3A_540 : i32
      %add3A_542 = arith.constant 4 : i32
      %add3A_543 = arith.addi %mul3A_541, %add3A_542 : i32
      %dma_wait3A_544 = arith.constant 4 : i32
      %dma_wait3A_545 = arith.constant 0 : i32
      %dma_wait3A_546 = arith.constant 0 : i32
      %dma_wait3A_547 = tpu.memref_slice %arg8[%dma_wait3A_544, %dma_wait3A_545, %dma_wait3A_546] : memref<25x80x16xf32, #tpu.memory_space<vmem>> -> memref<1x80x16xf32, #tpu.memory_space<vmem>>
      %dma_wait3A_548 = tpu.memref_squeeze %dma_wait3A_547 : memref<1x80x16xf32, #tpu.memory_space<vmem>> -> memref<80x16xf32, #tpu.memory_space<vmem>>
      %dma_wait3A_549 = arith.constant 0 : i32
      %dma_wait3A_550 = tpu.memref_slice %arg6[%add3A_543, %dma_wait3A_549] : memref<125x80xi32, #tpu.memory_space<vmem>> -> memref<1x80xi32, #tpu.memory_space<vmem>>
      %dma_wait3A_551 = tpu.memref_squeeze %dma_wait3A_550 : memref<1x80xi32, #tpu.memory_space<vmem>> -> memref<80xi32, #tpu.memory_space<vmem>>
      %dma_wait3A_552 = arith.constant 0 : i32
      %dma_wait3A_553 = arith.constant 0 : i32
      %dma_wait3A_554 = tpu.memref_slice %arg13[%dma_wait3A_552, %dma_wait3A_553] : memref<10240x16xf32, #tpu.memory_space<vmem_shared>> -> memref<10240x16xf32, #tpu.memory_space<vmem_shared>>
      tpu.wait_indirect_dma semaphore(%arg15 : memref<!tpu.dma_semaphore, #tpu.memory_space<semaphore_mem>>) src(%dma_wait3A_554 : memref<10240x16xf32, #tpu.memory_space<vmem_shared>>) dst(%dma_wait3A_548 : memref<80x16xf32, #tpu.memory_space<vmem>>)
      %dma_start3A_555 = arith.constant 4 : i32
      %dma_start3A_556 = arith.constant 0 : i32
      %dma_start3A_557 = arith.constant 0 : i32
      %dma_start3A_558 = tpu.memref_slice %arg8[%dma_start3A_555, %dma_start3A_556, %dma_start3A_557] : memref<25x80x16xf32, #tpu.memory_space<vmem>> -> memref<1x80x16xf32, #tpu.memory_space<vmem>>
      %dma_start3A_559 = tpu.memref_squeeze %dma_start3A_558 : memref<1x80x16xf32, #tpu.memory_space<vmem>> -> memref<80x16xf32, #tpu.memory_space<vmem>>
      %dma_start3A_560 = arith.constant 0 : i32
      %dma_start3A_561 = tpu.memref_slice %arg7[%add3A_543, %dma_start3A_560] : memref<125x80xi32, #tpu.memory_space<vmem>> -> memref<1x80xi32, #tpu.memory_space<vmem>>
      %dma_start3A_562 = tpu.memref_squeeze %dma_start3A_561 : memref<1x80xi32, #tpu.memory_space<vmem>> -> memref<80xi32, #tpu.memory_space<vmem>>
      %dma_start3A_563 = arith.constant 0 : i32
      %dma_start3A_564 = arith.constant 0 : i32
      %dma_start3A_565 = tpu.memref_slice %arg14[%dma_start3A_563, %dma_start3A_564] : memref<10240x16xf32, #tpu.memory_space<vmem_shared>> -> memref<10240x16xf32, #tpu.memory_space<vmem_shared>>
      tpu.enqueue_indirect_dma source(%dma_start3A_559 : memref<80x16xf32, #tpu.memory_space<vmem>>) target(%dma_start3A_565 : memref<10240x16xf32, #tpu.memory_space<vmem_shared>>) offsets(%dma_start3A_562 : memref<80xi32, #tpu.memory_space<vmem>>) semaphore(%arg16 : memref<!tpu.dma_semaphore, #tpu.memory_space<semaphore_mem>>) {add = true}
      %ge3A_566 = arith.constant 12 : i32
      %ge3A_567 = arith.cmpi sge, %add3A_543, %ge3A_566 : i32
      %convert_element_type3A_568 = arith.extui %ge3A_567 : i1 to i32
      %cond3A_569 = arith.constant 0 : i32
      %cond3A_570 = arith.cmpi ne, %convert_element_type3A_568, %cond3A_569 : i32
      scf.if %cond3A_570 {
        %sub3A = arith.constant 12 : i32
        %sub3A_1338 = arith.subi %add3A_543, %sub3A : i32
        %dma_wait3A_1339 = arith.constant 17 : i32
        %dma_wait3A_1340 = arith.constant 0 : i32
        %dma_wait3A_1341 = arith.constant 0 : i32
        %dma_wait3A_1342 = tpu.memref_slice %arg8[%dma_wait3A_1339, %dma_wait3A_1340, %dma_wait3A_1341] : memref<25x80x16xf32, #tpu.memory_space<vmem>> -> memref<1x80x16xf32, #tpu.memory_space<vmem>>
        %dma_wait3A_1343 = tpu.memref_squeeze %dma_wait3A_1342 : memref<1x80x16xf32, #tpu.memory_space<vmem>> -> memref<80x16xf32, #tpu.memory_space<vmem>>
        %dma_wait3A_1344 = arith.constant 0 : i32
        %dma_wait3A_1345 = tpu.memref_slice %arg7[%sub3A_1338, %dma_wait3A_1344] : memref<125x80xi32, #tpu.memory_space<vmem>> -> memref<1x80xi32, #tpu.memory_space<vmem>>
        %dma_wait3A_1346 = tpu.memref_squeeze %dma_wait3A_1345 : memref<1x80xi32, #tpu.memory_space<vmem>> -> memref<80xi32, #tpu.memory_space<vmem>>
        %dma_wait3A_1347 = arith.constant 0 : i32
        %dma_wait3A_1348 = arith.constant 0 : i32
        %dma_wait3A_1349 = tpu.memref_slice %arg14[%dma_wait3A_1347, %dma_wait3A_1348] : memref<10240x16xf32, #tpu.memory_space<vmem_shared>> -> memref<10240x16xf32, #tpu.memory_space<vmem_shared>>
        tpu.wait_indirect_dma semaphore(%arg16 : memref<!tpu.dma_semaphore, #tpu.memory_space<semaphore_mem>>) src(%dma_wait3A_1343 : memref<80x16xf32, #tpu.memory_space<vmem>>) dst(%dma_wait3A_1349 : memref<10240x16xf32, #tpu.memory_space<vmem_shared>>)
      } else {
      }
      %add3A_571 = arith.constant 13 : i32
      %add3A_572 = arith.addi %add3A_543, %add3A_571 : i32
      %lt3A_573 = arith.constant 125 : i32
      %lt3A_574 = arith.cmpi slt, %add3A_572, %lt3A_573 : i32
      %convert_element_type3A_575 = arith.extui %lt3A_574 : i1 to i32
      %cond3A_576 = arith.constant 0 : i32
      %cond3A_577 = arith.cmpi ne, %convert_element_type3A_575, %cond3A_576 : i32
      scf.if %cond3A_577 {
        %add3A_1338 = arith.constant 13 : i32
        %add3A_1339 = arith.addi %add3A_543, %add3A_1338 : i32
        %dma_start3A_1340 = arith.constant 17 : i32
        %dma_start3A_1341 = arith.constant 0 : i32
        %dma_start3A_1342 = arith.constant 0 : i32
        %dma_start3A_1343 = tpu.memref_slice %arg8[%dma_start3A_1340, %dma_start3A_1341, %dma_start3A_1342] : memref<25x80x16xf32, #tpu.memory_space<vmem>> -> memref<1x80x16xf32, #tpu.memory_space<vmem>>
        %dma_start3A_1344 = tpu.memref_squeeze %dma_start3A_1343 : memref<1x80x16xf32, #tpu.memory_space<vmem>> -> memref<80x16xf32, #tpu.memory_space<vmem>>
        %dma_start3A_1345 = arith.constant 0 : i32
        %dma_start3A_1346 = tpu.memref_slice %arg6[%add3A_1339, %dma_start3A_1345] : memref<125x80xi32, #tpu.memory_space<vmem>> -> memref<1x80xi32, #tpu.memory_space<vmem>>
        %dma_start3A_1347 = tpu.memref_squeeze %dma_start3A_1346 : memref<1x80xi32, #tpu.memory_space<vmem>> -> memref<80xi32, #tpu.memory_space<vmem>>
        %dma_start3A_1348 = arith.constant 0 : i32
        %dma_start3A_1349 = arith.constant 0 : i32
        %dma_start3A_1350 = tpu.memref_slice %arg13[%dma_start3A_1348, %dma_start3A_1349] : memref<10240x16xf32, #tpu.memory_space<vmem_shared>> -> memref<10240x16xf32, #tpu.memory_space<vmem_shared>>
        tpu.enqueue_indirect_dma source(%dma_start3A_1350 : memref<10240x16xf32, #tpu.memory_space<vmem_shared>>) target(%dma_start3A_1344 : memref<80x16xf32, #tpu.memory_space<vmem>>) offsets(%dma_start3A_1347 : memref<80xi32, #tpu.memory_space<vmem>>) semaphore(%arg15 : memref<!tpu.dma_semaphore, #tpu.memory_space<semaphore_mem>>)
      } else {
      }
      %mul3A_578 = arith.constant 25 : i32
      %mul3A_579 = arith.muli %add3A_389, %mul3A_578 : i32
      %add3A_580 = arith.constant 5 : i32
      %add3A_581 = arith.addi %mul3A_579, %add3A_580 : i32
      %dma_wait3A_582 = arith.constant 5 : i32
      %dma_wait3A_583 = arith.constant 0 : i32
      %dma_wait3A_584 = arith.constant 0 : i32
      %dma_wait3A_585 = tpu.memref_slice %arg8[%dma_wait3A_582, %dma_wait3A_583, %dma_wait3A_584] : memref<25x80x16xf32, #tpu.memory_space<vmem>> -> memref<1x80x16xf32, #tpu.memory_space<vmem>>
      %dma_wait3A_586 = tpu.memref_squeeze %dma_wait3A_585 : memref<1x80x16xf32, #tpu.memory_space<vmem>> -> memref<80x16xf32, #tpu.memory_space<vmem>>
      %dma_wait3A_587 = arith.constant 0 : i32
      %dma_wait3A_588 = tpu.memref_slice %arg6[%add3A_581, %dma_wait3A_587] : memref<125x80xi32, #tpu.memory_space<vmem>> -> memref<1x80xi32, #tpu.memory_space<vmem>>
      %dma_wait3A_589 = tpu.memref_squeeze %dma_wait3A_588 : memref<1x80xi32, #tpu.memory_space<vmem>> -> memref<80xi32, #tpu.memory_space<vmem>>
      %dma_wait3A_590 = arith.constant 0 : i32
      %dma_wait3A_591 = arith.constant 0 : i32
      %dma_wait3A_592 = tpu.memref_slice %arg13[%dma_wait3A_590, %dma_wait3A_591] : memref<10240x16xf32, #tpu.memory_space<vmem_shared>> -> memref<10240x16xf32, #tpu.memory_space<vmem_shared>>
      tpu.wait_indirect_dma semaphore(%arg15 : memref<!tpu.dma_semaphore, #tpu.memory_space<semaphore_mem>>) src(%dma_wait3A_592 : memref<10240x16xf32, #tpu.memory_space<vmem_shared>>) dst(%dma_wait3A_586 : memref<80x16xf32, #tpu.memory_space<vmem>>)
      %dma_start3A_593 = arith.constant 5 : i32
      %dma_start3A_594 = arith.constant 0 : i32
      %dma_start3A_595 = arith.constant 0 : i32
      %dma_start3A_596 = tpu.memref_slice %arg8[%dma_start3A_593, %dma_start3A_594, %dma_start3A_595] : memref<25x80x16xf32, #tpu.memory_space<vmem>> -> memref<1x80x16xf32, #tpu.memory_space<vmem>>
      %dma_start3A_597 = tpu.memref_squeeze %dma_start3A_596 : memref<1x80x16xf32, #tpu.memory_space<vmem>> -> memref<80x16xf32, #tpu.memory_space<vmem>>
      %dma_start3A_598 = arith.constant 0 : i32
      %dma_start3A_599 = tpu.memref_slice %arg7[%add3A_581, %dma_start3A_598] : memref<125x80xi32, #tpu.memory_space<vmem>> -> memref<1x80xi32, #tpu.memory_space<vmem>>
      %dma_start3A_600 = tpu.memref_squeeze %dma_start3A_599 : memref<1x80xi32, #tpu.memory_space<vmem>> -> memref<80xi32, #tpu.memory_space<vmem>>
      %dma_start3A_601 = arith.constant 0 : i32
      %dma_start3A_602 = arith.constant 0 : i32
      %dma_start3A_603 = tpu.memref_slice %arg14[%dma_start3A_601, %dma_start3A_602] : memref<10240x16xf32, #tpu.memory_space<vmem_shared>> -> memref<10240x16xf32, #tpu.memory_space<vmem_shared>>
      tpu.enqueue_indirect_dma source(%dma_start3A_597 : memref<80x16xf32, #tpu.memory_space<vmem>>) target(%dma_start3A_603 : memref<10240x16xf32, #tpu.memory_space<vmem_shared>>) offsets(%dma_start3A_600 : memref<80xi32, #tpu.memory_space<vmem>>) semaphore(%arg16 : memref<!tpu.dma_semaphore, #tpu.memory_space<semaphore_mem>>) {add = true}
      %ge3A_604 = arith.constant 12 : i32
      %ge3A_605 = arith.cmpi sge, %add3A_581, %ge3A_604 : i32
      %convert_element_type3A_606 = arith.extui %ge3A_605 : i1 to i32
      %cond3A_607 = arith.constant 0 : i32
      %cond3A_608 = arith.cmpi ne, %convert_element_type3A_606, %cond3A_607 : i32
      scf.if %cond3A_608 {
        %sub3A = arith.constant 12 : i32
        %sub3A_1338 = arith.subi %add3A_581, %sub3A : i32
        %dma_wait3A_1339 = arith.constant 18 : i32
        %dma_wait3A_1340 = arith.constant 0 : i32
        %dma_wait3A_1341 = arith.constant 0 : i32
        %dma_wait3A_1342 = tpu.memref_slice %arg8[%dma_wait3A_1339, %dma_wait3A_1340, %dma_wait3A_1341] : memref<25x80x16xf32, #tpu.memory_space<vmem>> -> memref<1x80x16xf32, #tpu.memory_space<vmem>>
        %dma_wait3A_1343 = tpu.memref_squeeze %dma_wait3A_1342 : memref<1x80x16xf32, #tpu.memory_space<vmem>> -> memref<80x16xf32, #tpu.memory_space<vmem>>
        %dma_wait3A_1344 = arith.constant 0 : i32
        %dma_wait3A_1345 = tpu.memref_slice %arg7[%sub3A_1338, %dma_wait3A_1344] : memref<125x80xi32, #tpu.memory_space<vmem>> -> memref<1x80xi32, #tpu.memory_space<vmem>>
        %dma_wait3A_1346 = tpu.memref_squeeze %dma_wait3A_1345 : memref<1x80xi32, #tpu.memory_space<vmem>> -> memref<80xi32, #tpu.memory_space<vmem>>
        %dma_wait3A_1347 = arith.constant 0 : i32
        %dma_wait3A_1348 = arith.constant 0 : i32
        %dma_wait3A_1349 = tpu.memref_slice %arg14[%dma_wait3A_1347, %dma_wait3A_1348] : memref<10240x16xf32, #tpu.memory_space<vmem_shared>> -> memref<10240x16xf32, #tpu.memory_space<vmem_shared>>
        tpu.wait_indirect_dma semaphore(%arg16 : memref<!tpu.dma_semaphore, #tpu.memory_space<semaphore_mem>>) src(%dma_wait3A_1343 : memref<80x16xf32, #tpu.memory_space<vmem>>) dst(%dma_wait3A_1349 : memref<10240x16xf32, #tpu.memory_space<vmem_shared>>)
      } else {
      }
      %add3A_609 = arith.constant 13 : i32
      %add3A_610 = arith.addi %add3A_581, %add3A_609 : i32
      %lt3A_611 = arith.constant 125 : i32
      %lt3A_612 = arith.cmpi slt, %add3A_610, %lt3A_611 : i32
      %convert_element_type3A_613 = arith.extui %lt3A_612 : i1 to i32
      %cond3A_614 = arith.constant 0 : i32
      %cond3A_615 = arith.cmpi ne, %convert_element_type3A_613, %cond3A_614 : i32
      scf.if %cond3A_615 {
        %add3A_1338 = arith.constant 13 : i32
        %add3A_1339 = arith.addi %add3A_581, %add3A_1338 : i32
        %dma_start3A_1340 = arith.constant 18 : i32
        %dma_start3A_1341 = arith.constant 0 : i32
        %dma_start3A_1342 = arith.constant 0 : i32
        %dma_start3A_1343 = tpu.memref_slice %arg8[%dma_start3A_1340, %dma_start3A_1341, %dma_start3A_1342] : memref<25x80x16xf32, #tpu.memory_space<vmem>> -> memref<1x80x16xf32, #tpu.memory_space<vmem>>
        %dma_start3A_1344 = tpu.memref_squeeze %dma_start3A_1343 : memref<1x80x16xf32, #tpu.memory_space<vmem>> -> memref<80x16xf32, #tpu.memory_space<vmem>>
        %dma_start3A_1345 = arith.constant 0 : i32
        %dma_start3A_1346 = tpu.memref_slice %arg6[%add3A_1339, %dma_start3A_1345] : memref<125x80xi32, #tpu.memory_space<vmem>> -> memref<1x80xi32, #tpu.memory_space<vmem>>
        %dma_start3A_1347 = tpu.memref_squeeze %dma_start3A_1346 : memref<1x80xi32, #tpu.memory_space<vmem>> -> memref<80xi32, #tpu.memory_space<vmem>>
        %dma_start3A_1348 = arith.constant 0 : i32
        %dma_start3A_1349 = arith.constant 0 : i32
        %dma_start3A_1350 = tpu.memref_slice %arg13[%dma_start3A_1348, %dma_start3A_1349] : memref<10240x16xf32, #tpu.memory_space<vmem_shared>> -> memref<10240x16xf32, #tpu.memory_space<vmem_shared>>
        tpu.enqueue_indirect_dma source(%dma_start3A_1350 : memref<10240x16xf32, #tpu.memory_space<vmem_shared>>) target(%dma_start3A_1344 : memref<80x16xf32, #tpu.memory_space<vmem>>) offsets(%dma_start3A_1347 : memref<80xi32, #tpu.memory_space<vmem>>) semaphore(%arg15 : memref<!tpu.dma_semaphore, #tpu.memory_space<semaphore_mem>>)
      } else {
      }
      %mul3A_616 = arith.constant 25 : i32
      %mul3A_617 = arith.muli %add3A_389, %mul3A_616 : i32
      %add3A_618 = arith.constant 6 : i32
      %add3A_619 = arith.addi %mul3A_617, %add3A_618 : i32
      %dma_wait3A_620 = arith.constant 6 : i32
      %dma_wait3A_621 = arith.constant 0 : i32
      %dma_wait3A_622 = arith.constant 0 : i32
      %dma_wait3A_623 = tpu.memref_slice %arg8[%dma_wait3A_620, %dma_wait3A_621, %dma_wait3A_622] : memref<25x80x16xf32, #tpu.memory_space<vmem>> -> memref<1x80x16xf32, #tpu.memory_space<vmem>>
      %dma_wait3A_624 = tpu.memref_squeeze %dma_wait3A_623 : memref<1x80x16xf32, #tpu.memory_space<vmem>> -> memref<80x16xf32, #tpu.memory_space<vmem>>
      %dma_wait3A_625 = arith.constant 0 : i32
      %dma_wait3A_626 = tpu.memref_slice %arg6[%add3A_619, %dma_wait3A_625] : memref<125x80xi32, #tpu.memory_space<vmem>> -> memref<1x80xi32, #tpu.memory_space<vmem>>
      %dma_wait3A_627 = tpu.memref_squeeze %dma_wait3A_626 : memref<1x80xi32, #tpu.memory_space<vmem>> -> memref<80xi32, #tpu.memory_space<vmem>>
      %dma_wait3A_628 = arith.constant 0 : i32
      %dma_wait3A_629 = arith.constant 0 : i32
      %dma_wait3A_630 = tpu.memref_slice %arg13[%dma_wait3A_628, %dma_wait3A_629] : memref<10240x16xf32, #tpu.memory_space<vmem_shared>> -> memref<10240x16xf32, #tpu.memory_space<vmem_shared>>
      tpu.wait_indirect_dma semaphore(%arg15 : memref<!tpu.dma_semaphore, #tpu.memory_space<semaphore_mem>>) src(%dma_wait3A_630 : memref<10240x16xf32, #tpu.memory_space<vmem_shared>>) dst(%dma_wait3A_624 : memref<80x16xf32, #tpu.memory_space<vmem>>)
      %dma_start3A_631 = arith.constant 6 : i32
      %dma_start3A_632 = arith.constant 0 : i32
      %dma_start3A_633 = arith.constant 0 : i32
      %dma_start3A_634 = tpu.memref_slice %arg8[%dma_start3A_631, %dma_start3A_632, %dma_start3A_633] : memref<25x80x16xf32, #tpu.memory_space<vmem>> -> memref<1x80x16xf32, #tpu.memory_space<vmem>>
      %dma_start3A_635 = tpu.memref_squeeze %dma_start3A_634 : memref<1x80x16xf32, #tpu.memory_space<vmem>> -> memref<80x16xf32, #tpu.memory_space<vmem>>
      %dma_start3A_636 = arith.constant 0 : i32
      %dma_start3A_637 = tpu.memref_slice %arg7[%add3A_619, %dma_start3A_636] : memref<125x80xi32, #tpu.memory_space<vmem>> -> memref<1x80xi32, #tpu.memory_space<vmem>>
      %dma_start3A_638 = tpu.memref_squeeze %dma_start3A_637 : memref<1x80xi32, #tpu.memory_space<vmem>> -> memref<80xi32, #tpu.memory_space<vmem>>
      %dma_start3A_639 = arith.constant 0 : i32
      %dma_start3A_640 = arith.constant 0 : i32
      %dma_start3A_641 = tpu.memref_slice %arg14[%dma_start3A_639, %dma_start3A_640] : memref<10240x16xf32, #tpu.memory_space<vmem_shared>> -> memref<10240x16xf32, #tpu.memory_space<vmem_shared>>
      tpu.enqueue_indirect_dma source(%dma_start3A_635 : memref<80x16xf32, #tpu.memory_space<vmem>>) target(%dma_start3A_641 : memref<10240x16xf32, #tpu.memory_space<vmem_shared>>) offsets(%dma_start3A_638 : memref<80xi32, #tpu.memory_space<vmem>>) semaphore(%arg16 : memref<!tpu.dma_semaphore, #tpu.memory_space<semaphore_mem>>) {add = true}
      %ge3A_642 = arith.constant 12 : i32
      %ge3A_643 = arith.cmpi sge, %add3A_619, %ge3A_642 : i32
      %convert_element_type3A_644 = arith.extui %ge3A_643 : i1 to i32
      %cond3A_645 = arith.constant 0 : i32
      %cond3A_646 = arith.cmpi ne, %convert_element_type3A_644, %cond3A_645 : i32
      scf.if %cond3A_646 {
        %sub3A = arith.constant 12 : i32
        %sub3A_1338 = arith.subi %add3A_619, %sub3A : i32
        %dma_wait3A_1339 = arith.constant 19 : i32
        %dma_wait3A_1340 = arith.constant 0 : i32
        %dma_wait3A_1341 = arith.constant 0 : i32
        %dma_wait3A_1342 = tpu.memref_slice %arg8[%dma_wait3A_1339, %dma_wait3A_1340, %dma_wait3A_1341] : memref<25x80x16xf32, #tpu.memory_space<vmem>> -> memref<1x80x16xf32, #tpu.memory_space<vmem>>
        %dma_wait3A_1343 = tpu.memref_squeeze %dma_wait3A_1342 : memref<1x80x16xf32, #tpu.memory_space<vmem>> -> memref<80x16xf32, #tpu.memory_space<vmem>>
        %dma_wait3A_1344 = arith.constant 0 : i32
        %dma_wait3A_1345 = tpu.memref_slice %arg7[%sub3A_1338, %dma_wait3A_1344] : memref<125x80xi32, #tpu.memory_space<vmem>> -> memref<1x80xi32, #tpu.memory_space<vmem>>
        %dma_wait3A_1346 = tpu.memref_squeeze %dma_wait3A_1345 : memref<1x80xi32, #tpu.memory_space<vmem>> -> memref<80xi32, #tpu.memory_space<vmem>>
        %dma_wait3A_1347 = arith.constant 0 : i32
        %dma_wait3A_1348 = arith.constant 0 : i32
        %dma_wait3A_1349 = tpu.memref_slice %arg14[%dma_wait3A_1347, %dma_wait3A_1348] : memref<10240x16xf32, #tpu.memory_space<vmem_shared>> -> memref<10240x16xf32, #tpu.memory_space<vmem_shared>>
        tpu.wait_indirect_dma semaphore(%arg16 : memref<!tpu.dma_semaphore, #tpu.memory_space<semaphore_mem>>) src(%dma_wait3A_1343 : memref<80x16xf32, #tpu.memory_space<vmem>>) dst(%dma_wait3A_1349 : memref<10240x16xf32, #tpu.memory_space<vmem_shared>>)
      } else {
      }
      %add3A_647 = arith.constant 13 : i32
      %add3A_648 = arith.addi %add3A_619, %add3A_647 : i32
      %lt3A_649 = arith.constant 125 : i32
      %lt3A_650 = arith.cmpi slt, %add3A_648, %lt3A_649 : i32
      %convert_element_type3A_651 = arith.extui %lt3A_650 : i1 to i32
      %cond3A_652 = arith.constant 0 : i32
      %cond3A_653 = arith.cmpi ne, %convert_element_type3A_651, %cond3A_652 : i32
      scf.if %cond3A_653 {
        %add3A_1338 = arith.constant 13 : i32
        %add3A_1339 = arith.addi %add3A_619, %add3A_1338 : i32
        %dma_start3A_1340 = arith.constant 19 : i32
        %dma_start3A_1341 = arith.constant 0 : i32
        %dma_start3A_1342 = arith.constant 0 : i32
        %dma_start3A_1343 = tpu.memref_slice %arg8[%dma_start3A_1340, %dma_start3A_1341, %dma_start3A_1342] : memref<25x80x16xf32, #tpu.memory_space<vmem>> -> memref<1x80x16xf32, #tpu.memory_space<vmem>>
        %dma_start3A_1344 = tpu.memref_squeeze %dma_start3A_1343 : memref<1x80x16xf32, #tpu.memory_space<vmem>> -> memref<80x16xf32, #tpu.memory_space<vmem>>
        %dma_start3A_1345 = arith.constant 0 : i32
        %dma_start3A_1346 = tpu.memref_slice %arg6[%add3A_1339, %dma_start3A_1345] : memref<125x80xi32, #tpu.memory_space<vmem>> -> memref<1x80xi32, #tpu.memory_space<vmem>>
        %dma_start3A_1347 = tpu.memref_squeeze %dma_start3A_1346 : memref<1x80xi32, #tpu.memory_space<vmem>> -> memref<80xi32, #tpu.memory_space<vmem>>
        %dma_start3A_1348 = arith.constant 0 : i32
        %dma_start3A_1349 = arith.constant 0 : i32
        %dma_start3A_1350 = tpu.memref_slice %arg13[%dma_start3A_1348, %dma_start3A_1349] : memref<10240x16xf32, #tpu.memory_space<vmem_shared>> -> memref<10240x16xf32, #tpu.memory_space<vmem_shared>>
        tpu.enqueue_indirect_dma source(%dma_start3A_1350 : memref<10240x16xf32, #tpu.memory_space<vmem_shared>>) target(%dma_start3A_1344 : memref<80x16xf32, #tpu.memory_space<vmem>>) offsets(%dma_start3A_1347 : memref<80xi32, #tpu.memory_space<vmem>>) semaphore(%arg15 : memref<!tpu.dma_semaphore, #tpu.memory_space<semaphore_mem>>)
      } else {
      }
      %mul3A_654 = arith.constant 25 : i32
      %mul3A_655 = arith.muli %add3A_389, %mul3A_654 : i32
      %add3A_656 = arith.constant 7 : i32
      %add3A_657 = arith.addi %mul3A_655, %add3A_656 : i32
      %dma_wait3A_658 = arith.constant 7 : i32
      %dma_wait3A_659 = arith.constant 0 : i32
      %dma_wait3A_660 = arith.constant 0 : i32
      %dma_wait3A_661 = tpu.memref_slice %arg8[%dma_wait3A_658, %dma_wait3A_659, %dma_wait3A_660] : memref<25x80x16xf32, #tpu.memory_space<vmem>> -> memref<1x80x16xf32, #tpu.memory_space<vmem>>
      %dma_wait3A_662 = tpu.memref_squeeze %dma_wait3A_661 : memref<1x80x16xf32, #tpu.memory_space<vmem>> -> memref<80x16xf32, #tpu.memory_space<vmem>>
      %dma_wait3A_663 = arith.constant 0 : i32
      %dma_wait3A_664 = tpu.memref_slice %arg6[%add3A_657, %dma_wait3A_663] : memref<125x80xi32, #tpu.memory_space<vmem>> -> memref<1x80xi32, #tpu.memory_space<vmem>>
      %dma_wait3A_665 = tpu.memref_squeeze %dma_wait3A_664 : memref<1x80xi32, #tpu.memory_space<vmem>> -> memref<80xi32, #tpu.memory_space<vmem>>
      %dma_wait3A_666 = arith.constant 0 : i32
      %dma_wait3A_667 = arith.constant 0 : i32
      %dma_wait3A_668 = tpu.memref_slice %arg13[%dma_wait3A_666, %dma_wait3A_667] : memref<10240x16xf32, #tpu.memory_space<vmem_shared>> -> memref<10240x16xf32, #tpu.memory_space<vmem_shared>>
      tpu.wait_indirect_dma semaphore(%arg15 : memref<!tpu.dma_semaphore, #tpu.memory_space<semaphore_mem>>) src(%dma_wait3A_668 : memref<10240x16xf32, #tpu.memory_space<vmem_shared>>) dst(%dma_wait3A_662 : memref<80x16xf32, #tpu.memory_space<vmem>>)
      %dma_start3A_669 = arith.constant 7 : i32
      %dma_start3A_670 = arith.constant 0 : i32
      %dma_start3A_671 = arith.constant 0 : i32
      %dma_start3A_672 = tpu.memref_slice %arg8[%dma_start3A_669, %dma_start3A_670, %dma_start3A_671] : memref<25x80x16xf32, #tpu.memory_space<vmem>> -> memref<1x80x16xf32, #tpu.memory_space<vmem>>
      %dma_start3A_673 = tpu.memref_squeeze %dma_start3A_672 : memref<1x80x16xf32, #tpu.memory_space<vmem>> -> memref<80x16xf32, #tpu.memory_space<vmem>>
      %dma_start3A_674 = arith.constant 0 : i32
      %dma_start3A_675 = tpu.memref_slice %arg7[%add3A_657, %dma_start3A_674] : memref<125x80xi32, #tpu.memory_space<vmem>> -> memref<1x80xi32, #tpu.memory_space<vmem>>
      %dma_start3A_676 = tpu.memref_squeeze %dma_start3A_675 : memref<1x80xi32, #tpu.memory_space<vmem>> -> memref<80xi32, #tpu.memory_space<vmem>>
      %dma_start3A_677 = arith.constant 0 : i32
      %dma_start3A_678 = arith.constant 0 : i32
      %dma_start3A_679 = tpu.memref_slice %arg14[%dma_start3A_677, %dma_start3A_678] : memref<10240x16xf32, #tpu.memory_space<vmem_shared>> -> memref<10240x16xf32, #tpu.memory_space<vmem_shared>>
      tpu.enqueue_indirect_dma source(%dma_start3A_673 : memref<80x16xf32, #tpu.memory_space<vmem>>) target(%dma_start3A_679 : memref<10240x16xf32, #tpu.memory_space<vmem_shared>>) offsets(%dma_start3A_676 : memref<80xi32, #tpu.memory_space<vmem>>) semaphore(%arg16 : memref<!tpu.dma_semaphore, #tpu.memory_space<semaphore_mem>>) {add = true}
      %ge3A_680 = arith.constant 12 : i32
      %ge3A_681 = arith.cmpi sge, %add3A_657, %ge3A_680 : i32
      %convert_element_type3A_682 = arith.extui %ge3A_681 : i1 to i32
      %cond3A_683 = arith.constant 0 : i32
      %cond3A_684 = arith.cmpi ne, %convert_element_type3A_682, %cond3A_683 : i32
      scf.if %cond3A_684 {
        %sub3A = arith.constant 12 : i32
        %sub3A_1338 = arith.subi %add3A_657, %sub3A : i32
        %dma_wait3A_1339 = arith.constant 20 : i32
        %dma_wait3A_1340 = arith.constant 0 : i32
        %dma_wait3A_1341 = arith.constant 0 : i32
        %dma_wait3A_1342 = tpu.memref_slice %arg8[%dma_wait3A_1339, %dma_wait3A_1340, %dma_wait3A_1341] : memref<25x80x16xf32, #tpu.memory_space<vmem>> -> memref<1x80x16xf32, #tpu.memory_space<vmem>>
        %dma_wait3A_1343 = tpu.memref_squeeze %dma_wait3A_1342 : memref<1x80x16xf32, #tpu.memory_space<vmem>> -> memref<80x16xf32, #tpu.memory_space<vmem>>
        %dma_wait3A_1344 = arith.constant 0 : i32
        %dma_wait3A_1345 = tpu.memref_slice %arg7[%sub3A_1338, %dma_wait3A_1344] : memref<125x80xi32, #tpu.memory_space<vmem>> -> memref<1x80xi32, #tpu.memory_space<vmem>>
        %dma_wait3A_1346 = tpu.memref_squeeze %dma_wait3A_1345 : memref<1x80xi32, #tpu.memory_space<vmem>> -> memref<80xi32, #tpu.memory_space<vmem>>
        %dma_wait3A_1347 = arith.constant 0 : i32
        %dma_wait3A_1348 = arith.constant 0 : i32
        %dma_wait3A_1349 = tpu.memref_slice %arg14[%dma_wait3A_1347, %dma_wait3A_1348] : memref<10240x16xf32, #tpu.memory_space<vmem_shared>> -> memref<10240x16xf32, #tpu.memory_space<vmem_shared>>
        tpu.wait_indirect_dma semaphore(%arg16 : memref<!tpu.dma_semaphore, #tpu.memory_space<semaphore_mem>>) src(%dma_wait3A_1343 : memref<80x16xf32, #tpu.memory_space<vmem>>) dst(%dma_wait3A_1349 : memref<10240x16xf32, #tpu.memory_space<vmem_shared>>)
      } else {
      }
      %add3A_685 = arith.constant 13 : i32
      %add3A_686 = arith.addi %add3A_657, %add3A_685 : i32
      %lt3A_687 = arith.constant 125 : i32
      %lt3A_688 = arith.cmpi slt, %add3A_686, %lt3A_687 : i32
      %convert_element_type3A_689 = arith.extui %lt3A_688 : i1 to i32
      %cond3A_690 = arith.constant 0 : i32
      %cond3A_691 = arith.cmpi ne, %convert_element_type3A_689, %cond3A_690 : i32
      scf.if %cond3A_691 {
        %add3A_1338 = arith.constant 13 : i32
        %add3A_1339 = arith.addi %add3A_657, %add3A_1338 : i32
        %dma_start3A_1340 = arith.constant 20 : i32
        %dma_start3A_1341 = arith.constant 0 : i32
        %dma_start3A_1342 = arith.constant 0 : i32
        %dma_start3A_1343 = tpu.memref_slice %arg8[%dma_start3A_1340, %dma_start3A_1341, %dma_start3A_1342] : memref<25x80x16xf32, #tpu.memory_space<vmem>> -> memref<1x80x16xf32, #tpu.memory_space<vmem>>
        %dma_start3A_1344 = tpu.memref_squeeze %dma_start3A_1343 : memref<1x80x16xf32, #tpu.memory_space<vmem>> -> memref<80x16xf32, #tpu.memory_space<vmem>>
        %dma_start3A_1345 = arith.constant 0 : i32
        %dma_start3A_1346 = tpu.memref_slice %arg6[%add3A_1339, %dma_start3A_1345] : memref<125x80xi32, #tpu.memory_space<vmem>> -> memref<1x80xi32, #tpu.memory_space<vmem>>
        %dma_start3A_1347 = tpu.memref_squeeze %dma_start3A_1346 : memref<1x80xi32, #tpu.memory_space<vmem>> -> memref<80xi32, #tpu.memory_space<vmem>>
        %dma_start3A_1348 = arith.constant 0 : i32
        %dma_start3A_1349 = arith.constant 0 : i32
        %dma_start3A_1350 = tpu.memref_slice %arg13[%dma_start3A_1348, %dma_start3A_1349] : memref<10240x16xf32, #tpu.memory_space<vmem_shared>> -> memref<10240x16xf32, #tpu.memory_space<vmem_shared>>
        tpu.enqueue_indirect_dma source(%dma_start3A_1350 : memref<10240x16xf32, #tpu.memory_space<vmem_shared>>) target(%dma_start3A_1344 : memref<80x16xf32, #tpu.memory_space<vmem>>) offsets(%dma_start3A_1347 : memref<80xi32, #tpu.memory_space<vmem>>) semaphore(%arg15 : memref<!tpu.dma_semaphore, #tpu.memory_space<semaphore_mem>>)
      } else {
      }
      %mul3A_692 = arith.constant 25 : i32
      %mul3A_693 = arith.muli %add3A_389, %mul3A_692 : i32
      %add3A_694 = arith.constant 8 : i32
      %add3A_695 = arith.addi %mul3A_693, %add3A_694 : i32
      %dma_wait3A_696 = arith.constant 8 : i32
      %dma_wait3A_697 = arith.constant 0 : i32
      %dma_wait3A_698 = arith.constant 0 : i32
      %dma_wait3A_699 = tpu.memref_slice %arg8[%dma_wait3A_696, %dma_wait3A_697, %dma_wait3A_698] : memref<25x80x16xf32, #tpu.memory_space<vmem>> -> memref<1x80x16xf32, #tpu.memory_space<vmem>>
      %dma_wait3A_700 = tpu.memref_squeeze %dma_wait3A_699 : memref<1x80x16xf32, #tpu.memory_space<vmem>> -> memref<80x16xf32, #tpu.memory_space<vmem>>
      %dma_wait3A_701 = arith.constant 0 : i32
      %dma_wait3A_702 = tpu.memref_slice %arg6[%add3A_695, %dma_wait3A_701] : memref<125x80xi32, #tpu.memory_space<vmem>> -> memref<1x80xi32, #tpu.memory_space<vmem>>
      %dma_wait3A_703 = tpu.memref_squeeze %dma_wait3A_702 : memref<1x80xi32, #tpu.memory_space<vmem>> -> memref<80xi32, #tpu.memory_space<vmem>>
      %dma_wait3A_704 = arith.constant 0 : i32
      %dma_wait3A_705 = arith.constant 0 : i32
      %dma_wait3A_706 = tpu.memref_slice %arg13[%dma_wait3A_704, %dma_wait3A_705] : memref<10240x16xf32, #tpu.memory_space<vmem_shared>> -> memref<10240x16xf32, #tpu.memory_space<vmem_shared>>
      tpu.wait_indirect_dma semaphore(%arg15 : memref<!tpu.dma_semaphore, #tpu.memory_space<semaphore_mem>>) src(%dma_wait3A_706 : memref<10240x16xf32, #tpu.memory_space<vmem_shared>>) dst(%dma_wait3A_700 : memref<80x16xf32, #tpu.memory_space<vmem>>)
      %dma_start3A_707 = arith.constant 8 : i32
      %dma_start3A_708 = arith.constant 0 : i32
      %dma_start3A_709 = arith.constant 0 : i32
      %dma_start3A_710 = tpu.memref_slice %arg8[%dma_start3A_707, %dma_start3A_708, %dma_start3A_709] : memref<25x80x16xf32, #tpu.memory_space<vmem>> -> memref<1x80x16xf32, #tpu.memory_space<vmem>>
      %dma_start3A_711 = tpu.memref_squeeze %dma_start3A_710 : memref<1x80x16xf32, #tpu.memory_space<vmem>> -> memref<80x16xf32, #tpu.memory_space<vmem>>
      %dma_start3A_712 = arith.constant 0 : i32
      %dma_start3A_713 = tpu.memref_slice %arg7[%add3A_695, %dma_start3A_712] : memref<125x80xi32, #tpu.memory_space<vmem>> -> memref<1x80xi32, #tpu.memory_space<vmem>>
      %dma_start3A_714 = tpu.memref_squeeze %dma_start3A_713 : memref<1x80xi32, #tpu.memory_space<vmem>> -> memref<80xi32, #tpu.memory_space<vmem>>
      %dma_start3A_715 = arith.constant 0 : i32
      %dma_start3A_716 = arith.constant 0 : i32
      %dma_start3A_717 = tpu.memref_slice %arg14[%dma_start3A_715, %dma_start3A_716] : memref<10240x16xf32, #tpu.memory_space<vmem_shared>> -> memref<10240x16xf32, #tpu.memory_space<vmem_shared>>
      tpu.enqueue_indirect_dma source(%dma_start3A_711 : memref<80x16xf32, #tpu.memory_space<vmem>>) target(%dma_start3A_717 : memref<10240x16xf32, #tpu.memory_space<vmem_shared>>) offsets(%dma_start3A_714 : memref<80xi32, #tpu.memory_space<vmem>>) semaphore(%arg16 : memref<!tpu.dma_semaphore, #tpu.memory_space<semaphore_mem>>) {add = true}
      %ge3A_718 = arith.constant 12 : i32
      %ge3A_719 = arith.cmpi sge, %add3A_695, %ge3A_718 : i32
      %convert_element_type3A_720 = arith.extui %ge3A_719 : i1 to i32
      %cond3A_721 = arith.constant 0 : i32
      %cond3A_722 = arith.cmpi ne, %convert_element_type3A_720, %cond3A_721 : i32
      scf.if %cond3A_722 {
        %sub3A = arith.constant 12 : i32
        %sub3A_1338 = arith.subi %add3A_695, %sub3A : i32
        %dma_wait3A_1339 = arith.constant 21 : i32
        %dma_wait3A_1340 = arith.constant 0 : i32
        %dma_wait3A_1341 = arith.constant 0 : i32
        %dma_wait3A_1342 = tpu.memref_slice %arg8[%dma_wait3A_1339, %dma_wait3A_1340, %dma_wait3A_1341] : memref<25x80x16xf32, #tpu.memory_space<vmem>> -> memref<1x80x16xf32, #tpu.memory_space<vmem>>
        %dma_wait3A_1343 = tpu.memref_squeeze %dma_wait3A_1342 : memref<1x80x16xf32, #tpu.memory_space<vmem>> -> memref<80x16xf32, #tpu.memory_space<vmem>>
        %dma_wait3A_1344 = arith.constant 0 : i32
        %dma_wait3A_1345 = tpu.memref_slice %arg7[%sub3A_1338, %dma_wait3A_1344] : memref<125x80xi32, #tpu.memory_space<vmem>> -> memref<1x80xi32, #tpu.memory_space<vmem>>
        %dma_wait3A_1346 = tpu.memref_squeeze %dma_wait3A_1345 : memref<1x80xi32, #tpu.memory_space<vmem>> -> memref<80xi32, #tpu.memory_space<vmem>>
        %dma_wait3A_1347 = arith.constant 0 : i32
        %dma_wait3A_1348 = arith.constant 0 : i32
        %dma_wait3A_1349 = tpu.memref_slice %arg14[%dma_wait3A_1347, %dma_wait3A_1348] : memref<10240x16xf32, #tpu.memory_space<vmem_shared>> -> memref<10240x16xf32, #tpu.memory_space<vmem_shared>>
        tpu.wait_indirect_dma semaphore(%arg16 : memref<!tpu.dma_semaphore, #tpu.memory_space<semaphore_mem>>) src(%dma_wait3A_1343 : memref<80x16xf32, #tpu.memory_space<vmem>>) dst(%dma_wait3A_1349 : memref<10240x16xf32, #tpu.memory_space<vmem_shared>>)
      } else {
      }
      %add3A_723 = arith.constant 13 : i32
      %add3A_724 = arith.addi %add3A_695, %add3A_723 : i32
      %lt3A_725 = arith.constant 125 : i32
      %lt3A_726 = arith.cmpi slt, %add3A_724, %lt3A_725 : i32
      %convert_element_type3A_727 = arith.extui %lt3A_726 : i1 to i32
      %cond3A_728 = arith.constant 0 : i32
      %cond3A_729 = arith.cmpi ne, %convert_element_type3A_727, %cond3A_728 : i32
      scf.if %cond3A_729 {
        %add3A_1338 = arith.constant 13 : i32
        %add3A_1339 = arith.addi %add3A_695, %add3A_1338 : i32
        %dma_start3A_1340 = arith.constant 21 : i32
        %dma_start3A_1341 = arith.constant 0 : i32
        %dma_start3A_1342 = arith.constant 0 : i32
        %dma_start3A_1343 = tpu.memref_slice %arg8[%dma_start3A_1340, %dma_start3A_1341, %dma_start3A_1342] : memref<25x80x16xf32, #tpu.memory_space<vmem>> -> memref<1x80x16xf32, #tpu.memory_space<vmem>>
        %dma_start3A_1344 = tpu.memref_squeeze %dma_start3A_1343 : memref<1x80x16xf32, #tpu.memory_space<vmem>> -> memref<80x16xf32, #tpu.memory_space<vmem>>
        %dma_start3A_1345 = arith.constant 0 : i32
        %dma_start3A_1346 = tpu.memref_slice %arg6[%add3A_1339, %dma_start3A_1345] : memref<125x80xi32, #tpu.memory_space<vmem>> -> memref<1x80xi32, #tpu.memory_space<vmem>>
        %dma_start3A_1347 = tpu.memref_squeeze %dma_start3A_1346 : memref<1x80xi32, #tpu.memory_space<vmem>> -> memref<80xi32, #tpu.memory_space<vmem>>
        %dma_start3A_1348 = arith.constant 0 : i32
        %dma_start3A_1349 = arith.constant 0 : i32
        %dma_start3A_1350 = tpu.memref_slice %arg13[%dma_start3A_1348, %dma_start3A_1349] : memref<10240x16xf32, #tpu.memory_space<vmem_shared>> -> memref<10240x16xf32, #tpu.memory_space<vmem_shared>>
        tpu.enqueue_indirect_dma source(%dma_start3A_1350 : memref<10240x16xf32, #tpu.memory_space<vmem_shared>>) target(%dma_start3A_1344 : memref<80x16xf32, #tpu.memory_space<vmem>>) offsets(%dma_start3A_1347 : memref<80xi32, #tpu.memory_space<vmem>>) semaphore(%arg15 : memref<!tpu.dma_semaphore, #tpu.memory_space<semaphore_mem>>)
      } else {
      }
      %mul3A_730 = arith.constant 25 : i32
      %mul3A_731 = arith.muli %add3A_389, %mul3A_730 : i32
      %add3A_732 = arith.constant 9 : i32
      %add3A_733 = arith.addi %mul3A_731, %add3A_732 : i32
      %dma_wait3A_734 = arith.constant 9 : i32
      %dma_wait3A_735 = arith.constant 0 : i32
      %dma_wait3A_736 = arith.constant 0 : i32
      %dma_wait3A_737 = tpu.memref_slice %arg8[%dma_wait3A_734, %dma_wait3A_735, %dma_wait3A_736] : memref<25x80x16xf32, #tpu.memory_space<vmem>> -> memref<1x80x16xf32, #tpu.memory_space<vmem>>
      %dma_wait3A_738 = tpu.memref_squeeze %dma_wait3A_737 : memref<1x80x16xf32, #tpu.memory_space<vmem>> -> memref<80x16xf32, #tpu.memory_space<vmem>>
      %dma_wait3A_739 = arith.constant 0 : i32
      %dma_wait3A_740 = tpu.memref_slice %arg6[%add3A_733, %dma_wait3A_739] : memref<125x80xi32, #tpu.memory_space<vmem>> -> memref<1x80xi32, #tpu.memory_space<vmem>>
      %dma_wait3A_741 = tpu.memref_squeeze %dma_wait3A_740 : memref<1x80xi32, #tpu.memory_space<vmem>> -> memref<80xi32, #tpu.memory_space<vmem>>
      %dma_wait3A_742 = arith.constant 0 : i32
      %dma_wait3A_743 = arith.constant 0 : i32
      %dma_wait3A_744 = tpu.memref_slice %arg13[%dma_wait3A_742, %dma_wait3A_743] : memref<10240x16xf32, #tpu.memory_space<vmem_shared>> -> memref<10240x16xf32, #tpu.memory_space<vmem_shared>>
      tpu.wait_indirect_dma semaphore(%arg15 : memref<!tpu.dma_semaphore, #tpu.memory_space<semaphore_mem>>) src(%dma_wait3A_744 : memref<10240x16xf32, #tpu.memory_space<vmem_shared>>) dst(%dma_wait3A_738 : memref<80x16xf32, #tpu.memory_space<vmem>>)
      %dma_start3A_745 = arith.constant 9 : i32
      %dma_start3A_746 = arith.constant 0 : i32
      %dma_start3A_747 = arith.constant 0 : i32
      %dma_start3A_748 = tpu.memref_slice %arg8[%dma_start3A_745, %dma_start3A_746, %dma_start3A_747] : memref<25x80x16xf32, #tpu.memory_space<vmem>> -> memref<1x80x16xf32, #tpu.memory_space<vmem>>
      %dma_start3A_749 = tpu.memref_squeeze %dma_start3A_748 : memref<1x80x16xf32, #tpu.memory_space<vmem>> -> memref<80x16xf32, #tpu.memory_space<vmem>>
      %dma_start3A_750 = arith.constant 0 : i32
      %dma_start3A_751 = tpu.memref_slice %arg7[%add3A_733, %dma_start3A_750] : memref<125x80xi32, #tpu.memory_space<vmem>> -> memref<1x80xi32, #tpu.memory_space<vmem>>
      %dma_start3A_752 = tpu.memref_squeeze %dma_start3A_751 : memref<1x80xi32, #tpu.memory_space<vmem>> -> memref<80xi32, #tpu.memory_space<vmem>>
      %dma_start3A_753 = arith.constant 0 : i32
      %dma_start3A_754 = arith.constant 0 : i32
      %dma_start3A_755 = tpu.memref_slice %arg14[%dma_start3A_753, %dma_start3A_754] : memref<10240x16xf32, #tpu.memory_space<vmem_shared>> -> memref<10240x16xf32, #tpu.memory_space<vmem_shared>>
      tpu.enqueue_indirect_dma source(%dma_start3A_749 : memref<80x16xf32, #tpu.memory_space<vmem>>) target(%dma_start3A_755 : memref<10240x16xf32, #tpu.memory_space<vmem_shared>>) offsets(%dma_start3A_752 : memref<80xi32, #tpu.memory_space<vmem>>) semaphore(%arg16 : memref<!tpu.dma_semaphore, #tpu.memory_space<semaphore_mem>>) {add = true}
      %ge3A_756 = arith.constant 12 : i32
      %ge3A_757 = arith.cmpi sge, %add3A_733, %ge3A_756 : i32
      %convert_element_type3A_758 = arith.extui %ge3A_757 : i1 to i32
      %cond3A_759 = arith.constant 0 : i32
      %cond3A_760 = arith.cmpi ne, %convert_element_type3A_758, %cond3A_759 : i32
      scf.if %cond3A_760 {
        %sub3A = arith.constant 12 : i32
        %sub3A_1338 = arith.subi %add3A_733, %sub3A : i32
        %dma_wait3A_1339 = arith.constant 22 : i32
        %dma_wait3A_1340 = arith.constant 0 : i32
        %dma_wait3A_1341 = arith.constant 0 : i32
        %dma_wait3A_1342 = tpu.memref_slice %arg8[%dma_wait3A_1339, %dma_wait3A_1340, %dma_wait3A_1341] : memref<25x80x16xf32, #tpu.memory_space<vmem>> -> memref<1x80x16xf32, #tpu.memory_space<vmem>>
        %dma_wait3A_1343 = tpu.memref_squeeze %dma_wait3A_1342 : memref<1x80x16xf32, #tpu.memory_space<vmem>> -> memref<80x16xf32, #tpu.memory_space<vmem>>
        %dma_wait3A_1344 = arith.constant 0 : i32
        %dma_wait3A_1345 = tpu.memref_slice %arg7[%sub3A_1338, %dma_wait3A_1344] : memref<125x80xi32, #tpu.memory_space<vmem>> -> memref<1x80xi32, #tpu.memory_space<vmem>>
        %dma_wait3A_1346 = tpu.memref_squeeze %dma_wait3A_1345 : memref<1x80xi32, #tpu.memory_space<vmem>> -> memref<80xi32, #tpu.memory_space<vmem>>
        %dma_wait3A_1347 = arith.constant 0 : i32
        %dma_wait3A_1348 = arith.constant 0 : i32
        %dma_wait3A_1349 = tpu.memref_slice %arg14[%dma_wait3A_1347, %dma_wait3A_1348] : memref<10240x16xf32, #tpu.memory_space<vmem_shared>> -> memref<10240x16xf32, #tpu.memory_space<vmem_shared>>
        tpu.wait_indirect_dma semaphore(%arg16 : memref<!tpu.dma_semaphore, #tpu.memory_space<semaphore_mem>>) src(%dma_wait3A_1343 : memref<80x16xf32, #tpu.memory_space<vmem>>) dst(%dma_wait3A_1349 : memref<10240x16xf32, #tpu.memory_space<vmem_shared>>)
      } else {
      }
      %add3A_761 = arith.constant 13 : i32
      %add3A_762 = arith.addi %add3A_733, %add3A_761 : i32
      %lt3A_763 = arith.constant 125 : i32
      %lt3A_764 = arith.cmpi slt, %add3A_762, %lt3A_763 : i32
      %convert_element_type3A_765 = arith.extui %lt3A_764 : i1 to i32
      %cond3A_766 = arith.constant 0 : i32
      %cond3A_767 = arith.cmpi ne, %convert_element_type3A_765, %cond3A_766 : i32
      scf.if %cond3A_767 {
        %add3A_1338 = arith.constant 13 : i32
        %add3A_1339 = arith.addi %add3A_733, %add3A_1338 : i32
        %dma_start3A_1340 = arith.constant 22 : i32
        %dma_start3A_1341 = arith.constant 0 : i32
        %dma_start3A_1342 = arith.constant 0 : i32
        %dma_start3A_1343 = tpu.memref_slice %arg8[%dma_start3A_1340, %dma_start3A_1341, %dma_start3A_1342] : memref<25x80x16xf32, #tpu.memory_space<vmem>> -> memref<1x80x16xf32, #tpu.memory_space<vmem>>
        %dma_start3A_1344 = tpu.memref_squeeze %dma_start3A_1343 : memref<1x80x16xf32, #tpu.memory_space<vmem>> -> memref<80x16xf32, #tpu.memory_space<vmem>>
        %dma_start3A_1345 = arith.constant 0 : i32
        %dma_start3A_1346 = tpu.memref_slice %arg6[%add3A_1339, %dma_start3A_1345] : memref<125x80xi32, #tpu.memory_space<vmem>> -> memref<1x80xi32, #tpu.memory_space<vmem>>
        %dma_start3A_1347 = tpu.memref_squeeze %dma_start3A_1346 : memref<1x80xi32, #tpu.memory_space<vmem>> -> memref<80xi32, #tpu.memory_space<vmem>>
        %dma_start3A_1348 = arith.constant 0 : i32
        %dma_start3A_1349 = arith.constant 0 : i32
        %dma_start3A_1350 = tpu.memref_slice %arg13[%dma_start3A_1348, %dma_start3A_1349] : memref<10240x16xf32, #tpu.memory_space<vmem_shared>> -> memref<10240x16xf32, #tpu.memory_space<vmem_shared>>
        tpu.enqueue_indirect_dma source(%dma_start3A_1350 : memref<10240x16xf32, #tpu.memory_space<vmem_shared>>) target(%dma_start3A_1344 : memref<80x16xf32, #tpu.memory_space<vmem>>) offsets(%dma_start3A_1347 : memref<80xi32, #tpu.memory_space<vmem>>) semaphore(%arg15 : memref<!tpu.dma_semaphore, #tpu.memory_space<semaphore_mem>>)
      } else {
      }
      %mul3A_768 = arith.constant 25 : i32
      %mul3A_769 = arith.muli %add3A_389, %mul3A_768 : i32
      %add3A_770 = arith.constant 10 : i32
      %add3A_771 = arith.addi %mul3A_769, %add3A_770 : i32
      %dma_wait3A_772 = arith.constant 10 : i32
      %dma_wait3A_773 = arith.constant 0 : i32
      %dma_wait3A_774 = arith.constant 0 : i32
      %dma_wait3A_775 = tpu.memref_slice %arg8[%dma_wait3A_772, %dma_wait3A_773, %dma_wait3A_774] : memref<25x80x16xf32, #tpu.memory_space<vmem>> -> memref<1x80x16xf32, #tpu.memory_space<vmem>>
      %dma_wait3A_776 = tpu.memref_squeeze %dma_wait3A_775 : memref<1x80x16xf32, #tpu.memory_space<vmem>> -> memref<80x16xf32, #tpu.memory_space<vmem>>
      %dma_wait3A_777 = arith.constant 0 : i32
      %dma_wait3A_778 = tpu.memref_slice %arg6[%add3A_771, %dma_wait3A_777] : memref<125x80xi32, #tpu.memory_space<vmem>> -> memref<1x80xi32, #tpu.memory_space<vmem>>
      %dma_wait3A_779 = tpu.memref_squeeze %dma_wait3A_778 : memref<1x80xi32, #tpu.memory_space<vmem>> -> memref<80xi32, #tpu.memory_space<vmem>>
      %dma_wait3A_780 = arith.constant 0 : i32
      %dma_wait3A_781 = arith.constant 0 : i32
      %dma_wait3A_782 = tpu.memref_slice %arg13[%dma_wait3A_780, %dma_wait3A_781] : memref<10240x16xf32, #tpu.memory_space<vmem_shared>> -> memref<10240x16xf32, #tpu.memory_space<vmem_shared>>
      tpu.wait_indirect_dma semaphore(%arg15 : memref<!tpu.dma_semaphore, #tpu.memory_space<semaphore_mem>>) src(%dma_wait3A_782 : memref<10240x16xf32, #tpu.memory_space<vmem_shared>>) dst(%dma_wait3A_776 : memref<80x16xf32, #tpu.memory_space<vmem>>)
      %dma_start3A_783 = arith.constant 10 : i32
      %dma_start3A_784 = arith.constant 0 : i32
      %dma_start3A_785 = arith.constant 0 : i32
      %dma_start3A_786 = tpu.memref_slice %arg8[%dma_start3A_783, %dma_start3A_784, %dma_start3A_785] : memref<25x80x16xf32, #tpu.memory_space<vmem>> -> memref<1x80x16xf32, #tpu.memory_space<vmem>>
      %dma_start3A_787 = tpu.memref_squeeze %dma_start3A_786 : memref<1x80x16xf32, #tpu.memory_space<vmem>> -> memref<80x16xf32, #tpu.memory_space<vmem>>
      %dma_start3A_788 = arith.constant 0 : i32
      %dma_start3A_789 = tpu.memref_slice %arg7[%add3A_771, %dma_start3A_788] : memref<125x80xi32, #tpu.memory_space<vmem>> -> memref<1x80xi32, #tpu.memory_space<vmem>>
      %dma_start3A_790 = tpu.memref_squeeze %dma_start3A_789 : memref<1x80xi32, #tpu.memory_space<vmem>> -> memref<80xi32, #tpu.memory_space<vmem>>
      %dma_start3A_791 = arith.constant 0 : i32
      %dma_start3A_792 = arith.constant 0 : i32
      %dma_start3A_793 = tpu.memref_slice %arg14[%dma_start3A_791, %dma_start3A_792] : memref<10240x16xf32, #tpu.memory_space<vmem_shared>> -> memref<10240x16xf32, #tpu.memory_space<vmem_shared>>
      tpu.enqueue_indirect_dma source(%dma_start3A_787 : memref<80x16xf32, #tpu.memory_space<vmem>>) target(%dma_start3A_793 : memref<10240x16xf32, #tpu.memory_space<vmem_shared>>) offsets(%dma_start3A_790 : memref<80xi32, #tpu.memory_space<vmem>>) semaphore(%arg16 : memref<!tpu.dma_semaphore, #tpu.memory_space<semaphore_mem>>) {add = true}
      %ge3A_794 = arith.constant 12 : i32
      %ge3A_795 = arith.cmpi sge, %add3A_771, %ge3A_794 : i32
      %convert_element_type3A_796 = arith.extui %ge3A_795 : i1 to i32
      %cond3A_797 = arith.constant 0 : i32
      %cond3A_798 = arith.cmpi ne, %convert_element_type3A_796, %cond3A_797 : i32
      scf.if %cond3A_798 {
        %sub3A = arith.constant 12 : i32
        %sub3A_1338 = arith.subi %add3A_771, %sub3A : i32
        %dma_wait3A_1339 = arith.constant 23 : i32
        %dma_wait3A_1340 = arith.constant 0 : i32
        %dma_wait3A_1341 = arith.constant 0 : i32
        %dma_wait3A_1342 = tpu.memref_slice %arg8[%dma_wait3A_1339, %dma_wait3A_1340, %dma_wait3A_1341] : memref<25x80x16xf32, #tpu.memory_space<vmem>> -> memref<1x80x16xf32, #tpu.memory_space<vmem>>
        %dma_wait3A_1343 = tpu.memref_squeeze %dma_wait3A_1342 : memref<1x80x16xf32, #tpu.memory_space<vmem>> -> memref<80x16xf32, #tpu.memory_space<vmem>>
        %dma_wait3A_1344 = arith.constant 0 : i32
        %dma_wait3A_1345 = tpu.memref_slice %arg7[%sub3A_1338, %dma_wait3A_1344] : memref<125x80xi32, #tpu.memory_space<vmem>> -> memref<1x80xi32, #tpu.memory_space<vmem>>
        %dma_wait3A_1346 = tpu.memref_squeeze %dma_wait3A_1345 : memref<1x80xi32, #tpu.memory_space<vmem>> -> memref<80xi32, #tpu.memory_space<vmem>>
        %dma_wait3A_1347 = arith.constant 0 : i32
        %dma_wait3A_1348 = arith.constant 0 : i32
        %dma_wait3A_1349 = tpu.memref_slice %arg14[%dma_wait3A_1347, %dma_wait3A_1348] : memref<10240x16xf32, #tpu.memory_space<vmem_shared>> -> memref<10240x16xf32, #tpu.memory_space<vmem_shared>>
        tpu.wait_indirect_dma semaphore(%arg16 : memref<!tpu.dma_semaphore, #tpu.memory_space<semaphore_mem>>) src(%dma_wait3A_1343 : memref<80x16xf32, #tpu.memory_space<vmem>>) dst(%dma_wait3A_1349 : memref<10240x16xf32, #tpu.memory_space<vmem_shared>>)
      } else {
      }
      %add3A_799 = arith.constant 13 : i32
      %add3A_800 = arith.addi %add3A_771, %add3A_799 : i32
      %lt3A_801 = arith.constant 125 : i32
      %lt3A_802 = arith.cmpi slt, %add3A_800, %lt3A_801 : i32
      %convert_element_type3A_803 = arith.extui %lt3A_802 : i1 to i32
      %cond3A_804 = arith.constant 0 : i32
      %cond3A_805 = arith.cmpi ne, %convert_element_type3A_803, %cond3A_804 : i32
      scf.if %cond3A_805 {
        %add3A_1338 = arith.constant 13 : i32
        %add3A_1339 = arith.addi %add3A_771, %add3A_1338 : i32
        %dma_start3A_1340 = arith.constant 23 : i32
        %dma_start3A_1341 = arith.constant 0 : i32
        %dma_start3A_1342 = arith.constant 0 : i32
        %dma_start3A_1343 = tpu.memref_slice %arg8[%dma_start3A_1340, %dma_start3A_1341, %dma_start3A_1342] : memref<25x80x16xf32, #tpu.memory_space<vmem>> -> memref<1x80x16xf32, #tpu.memory_space<vmem>>
        %dma_start3A_1344 = tpu.memref_squeeze %dma_start3A_1343 : memref<1x80x16xf32, #tpu.memory_space<vmem>> -> memref<80x16xf32, #tpu.memory_space<vmem>>
        %dma_start3A_1345 = arith.constant 0 : i32
        %dma_start3A_1346 = tpu.memref_slice %arg6[%add3A_1339, %dma_start3A_1345] : memref<125x80xi32, #tpu.memory_space<vmem>> -> memref<1x80xi32, #tpu.memory_space<vmem>>
        %dma_start3A_1347 = tpu.memref_squeeze %dma_start3A_1346 : memref<1x80xi32, #tpu.memory_space<vmem>> -> memref<80xi32, #tpu.memory_space<vmem>>
        %dma_start3A_1348 = arith.constant 0 : i32
        %dma_start3A_1349 = arith.constant 0 : i32
        %dma_start3A_1350 = tpu.memref_slice %arg13[%dma_start3A_1348, %dma_start3A_1349] : memref<10240x16xf32, #tpu.memory_space<vmem_shared>> -> memref<10240x16xf32, #tpu.memory_space<vmem_shared>>
        tpu.enqueue_indirect_dma source(%dma_start3A_1350 : memref<10240x16xf32, #tpu.memory_space<vmem_shared>>) target(%dma_start3A_1344 : memref<80x16xf32, #tpu.memory_space<vmem>>) offsets(%dma_start3A_1347 : memref<80xi32, #tpu.memory_space<vmem>>) semaphore(%arg15 : memref<!tpu.dma_semaphore, #tpu.memory_space<semaphore_mem>>)
      } else {
      }
      %mul3A_806 = arith.constant 25 : i32
      %mul3A_807 = arith.muli %add3A_389, %mul3A_806 : i32
      %add3A_808 = arith.constant 11 : i32
      %add3A_809 = arith.addi %mul3A_807, %add3A_808 : i32
      %dma_wait3A_810 = arith.constant 11 : i32
      %dma_wait3A_811 = arith.constant 0 : i32
      %dma_wait3A_812 = arith.constant 0 : i32
      %dma_wait3A_813 = tpu.memref_slice %arg8[%dma_wait3A_810, %dma_wait3A_811, %dma_wait3A_812] : memref<25x80x16xf32, #tpu.memory_space<vmem>> -> memref<1x80x16xf32, #tpu.memory_space<vmem>>
      %dma_wait3A_814 = tpu.memref_squeeze %dma_wait3A_813 : memref<1x80x16xf32, #tpu.memory_space<vmem>> -> memref<80x16xf32, #tpu.memory_space<vmem>>
      %dma_wait3A_815 = arith.constant 0 : i32
      %dma_wait3A_816 = tpu.memref_slice %arg6[%add3A_809, %dma_wait3A_815] : memref<125x80xi32, #tpu.memory_space<vmem>> -> memref<1x80xi32, #tpu.memory_space<vmem>>
      %dma_wait3A_817 = tpu.memref_squeeze %dma_wait3A_816 : memref<1x80xi32, #tpu.memory_space<vmem>> -> memref<80xi32, #tpu.memory_space<vmem>>
      %dma_wait3A_818 = arith.constant 0 : i32
      %dma_wait3A_819 = arith.constant 0 : i32
      %dma_wait3A_820 = tpu.memref_slice %arg13[%dma_wait3A_818, %dma_wait3A_819] : memref<10240x16xf32, #tpu.memory_space<vmem_shared>> -> memref<10240x16xf32, #tpu.memory_space<vmem_shared>>
      tpu.wait_indirect_dma semaphore(%arg15 : memref<!tpu.dma_semaphore, #tpu.memory_space<semaphore_mem>>) src(%dma_wait3A_820 : memref<10240x16xf32, #tpu.memory_space<vmem_shared>>) dst(%dma_wait3A_814 : memref<80x16xf32, #tpu.memory_space<vmem>>)
      %dma_start3A_821 = arith.constant 11 : i32
      %dma_start3A_822 = arith.constant 0 : i32
      %dma_start3A_823 = arith.constant 0 : i32
      %dma_start3A_824 = tpu.memref_slice %arg8[%dma_start3A_821, %dma_start3A_822, %dma_start3A_823] : memref<25x80x16xf32, #tpu.memory_space<vmem>> -> memref<1x80x16xf32, #tpu.memory_space<vmem>>
      %dma_start3A_825 = tpu.memref_squeeze %dma_start3A_824 : memref<1x80x16xf32, #tpu.memory_space<vmem>> -> memref<80x16xf32, #tpu.memory_space<vmem>>
      %dma_start3A_826 = arith.constant 0 : i32
      %dma_start3A_827 = tpu.memref_slice %arg7[%add3A_809, %dma_start3A_826] : memref<125x80xi32, #tpu.memory_space<vmem>> -> memref<1x80xi32, #tpu.memory_space<vmem>>
      %dma_start3A_828 = tpu.memref_squeeze %dma_start3A_827 : memref<1x80xi32, #tpu.memory_space<vmem>> -> memref<80xi32, #tpu.memory_space<vmem>>
      %dma_start3A_829 = arith.constant 0 : i32
      %dma_start3A_830 = arith.constant 0 : i32
      %dma_start3A_831 = tpu.memref_slice %arg14[%dma_start3A_829, %dma_start3A_830] : memref<10240x16xf32, #tpu.memory_space<vmem_shared>> -> memref<10240x16xf32, #tpu.memory_space<vmem_shared>>
      tpu.enqueue_indirect_dma source(%dma_start3A_825 : memref<80x16xf32, #tpu.memory_space<vmem>>) target(%dma_start3A_831 : memref<10240x16xf32, #tpu.memory_space<vmem_shared>>) offsets(%dma_start3A_828 : memref<80xi32, #tpu.memory_space<vmem>>) semaphore(%arg16 : memref<!tpu.dma_semaphore, #tpu.memory_space<semaphore_mem>>) {add = true}
      %ge3A_832 = arith.constant 12 : i32
      %ge3A_833 = arith.cmpi sge, %add3A_809, %ge3A_832 : i32
      %convert_element_type3A_834 = arith.extui %ge3A_833 : i1 to i32
      %cond3A_835 = arith.constant 0 : i32
      %cond3A_836 = arith.cmpi ne, %convert_element_type3A_834, %cond3A_835 : i32
      scf.if %cond3A_836 {
        %sub3A = arith.constant 12 : i32
        %sub3A_1338 = arith.subi %add3A_809, %sub3A : i32
        %dma_wait3A_1339 = arith.constant 24 : i32
        %dma_wait3A_1340 = arith.constant 0 : i32
        %dma_wait3A_1341 = arith.constant 0 : i32
        %dma_wait3A_1342 = tpu.memref_slice %arg8[%dma_wait3A_1339, %dma_wait3A_1340, %dma_wait3A_1341] : memref<25x80x16xf32, #tpu.memory_space<vmem>> -> memref<1x80x16xf32, #tpu.memory_space<vmem>>
        %dma_wait3A_1343 = tpu.memref_squeeze %dma_wait3A_1342 : memref<1x80x16xf32, #tpu.memory_space<vmem>> -> memref<80x16xf32, #tpu.memory_space<vmem>>
        %dma_wait3A_1344 = arith.constant 0 : i32
        %dma_wait3A_1345 = tpu.memref_slice %arg7[%sub3A_1338, %dma_wait3A_1344] : memref<125x80xi32, #tpu.memory_space<vmem>> -> memref<1x80xi32, #tpu.memory_space<vmem>>
        %dma_wait3A_1346 = tpu.memref_squeeze %dma_wait3A_1345 : memref<1x80xi32, #tpu.memory_space<vmem>> -> memref<80xi32, #tpu.memory_space<vmem>>
        %dma_wait3A_1347 = arith.constant 0 : i32
        %dma_wait3A_1348 = arith.constant 0 : i32
        %dma_wait3A_1349 = tpu.memref_slice %arg14[%dma_wait3A_1347, %dma_wait3A_1348] : memref<10240x16xf32, #tpu.memory_space<vmem_shared>> -> memref<10240x16xf32, #tpu.memory_space<vmem_shared>>
        tpu.wait_indirect_dma semaphore(%arg16 : memref<!tpu.dma_semaphore, #tpu.memory_space<semaphore_mem>>) src(%dma_wait3A_1343 : memref<80x16xf32, #tpu.memory_space<vmem>>) dst(%dma_wait3A_1349 : memref<10240x16xf32, #tpu.memory_space<vmem_shared>>)
      } else {
      }
      %add3A_837 = arith.constant 13 : i32
      %add3A_838 = arith.addi %add3A_809, %add3A_837 : i32
      %lt3A_839 = arith.constant 125 : i32
      %lt3A_840 = arith.cmpi slt, %add3A_838, %lt3A_839 : i32
      %convert_element_type3A_841 = arith.extui %lt3A_840 : i1 to i32
      %cond3A_842 = arith.constant 0 : i32
      %cond3A_843 = arith.cmpi ne, %convert_element_type3A_841, %cond3A_842 : i32
      scf.if %cond3A_843 {
        %add3A_1338 = arith.constant 13 : i32
        %add3A_1339 = arith.addi %add3A_809, %add3A_1338 : i32
        %dma_start3A_1340 = arith.constant 24 : i32
        %dma_start3A_1341 = arith.constant 0 : i32
        %dma_start3A_1342 = arith.constant 0 : i32
        %dma_start3A_1343 = tpu.memref_slice %arg8[%dma_start3A_1340, %dma_start3A_1341, %dma_start3A_1342] : memref<25x80x16xf32, #tpu.memory_space<vmem>> -> memref<1x80x16xf32, #tpu.memory_space<vmem>>
        %dma_start3A_1344 = tpu.memref_squeeze %dma_start3A_1343 : memref<1x80x16xf32, #tpu.memory_space<vmem>> -> memref<80x16xf32, #tpu.memory_space<vmem>>
        %dma_start3A_1345 = arith.constant 0 : i32
        %dma_start3A_1346 = tpu.memref_slice %arg6[%add3A_1339, %dma_start3A_1345] : memref<125x80xi32, #tpu.memory_space<vmem>> -> memref<1x80xi32, #tpu.memory_space<vmem>>
        %dma_start3A_1347 = tpu.memref_squeeze %dma_start3A_1346 : memref<1x80xi32, #tpu.memory_space<vmem>> -> memref<80xi32, #tpu.memory_space<vmem>>
        %dma_start3A_1348 = arith.constant 0 : i32
        %dma_start3A_1349 = arith.constant 0 : i32
        %dma_start3A_1350 = tpu.memref_slice %arg13[%dma_start3A_1348, %dma_start3A_1349] : memref<10240x16xf32, #tpu.memory_space<vmem_shared>> -> memref<10240x16xf32, #tpu.memory_space<vmem_shared>>
        tpu.enqueue_indirect_dma source(%dma_start3A_1350 : memref<10240x16xf32, #tpu.memory_space<vmem_shared>>) target(%dma_start3A_1344 : memref<80x16xf32, #tpu.memory_space<vmem>>) offsets(%dma_start3A_1347 : memref<80xi32, #tpu.memory_space<vmem>>) semaphore(%arg15 : memref<!tpu.dma_semaphore, #tpu.memory_space<semaphore_mem>>)
      } else {
      }
      %mul3A_844 = arith.constant 25 : i32
      %mul3A_845 = arith.muli %add3A_389, %mul3A_844 : i32
      %add3A_846 = arith.constant 12 : i32
      %add3A_847 = arith.addi %mul3A_845, %add3A_846 : i32
      %dma_wait3A_848 = arith.constant 12 : i32
      %dma_wait3A_849 = arith.constant 0 : i32
      %dma_wait3A_850 = arith.constant 0 : i32
      %dma_wait3A_851 = tpu.memref_slice %arg8[%dma_wait3A_848, %dma_wait3A_849, %dma_wait3A_850] : memref<25x80x16xf32, #tpu.memory_space<vmem>> -> memref<1x80x16xf32, #tpu.memory_space<vmem>>
      %dma_wait3A_852 = tpu.memref_squeeze %dma_wait3A_851 : memref<1x80x16xf32, #tpu.memory_space<vmem>> -> memref<80x16xf32, #tpu.memory_space<vmem>>
      %dma_wait3A_853 = arith.constant 0 : i32
      %dma_wait3A_854 = tpu.memref_slice %arg6[%add3A_847, %dma_wait3A_853] : memref<125x80xi32, #tpu.memory_space<vmem>> -> memref<1x80xi32, #tpu.memory_space<vmem>>
      %dma_wait3A_855 = tpu.memref_squeeze %dma_wait3A_854 : memref<1x80xi32, #tpu.memory_space<vmem>> -> memref<80xi32, #tpu.memory_space<vmem>>
      %dma_wait3A_856 = arith.constant 0 : i32
      %dma_wait3A_857 = arith.constant 0 : i32
      %dma_wait3A_858 = tpu.memref_slice %arg13[%dma_wait3A_856, %dma_wait3A_857] : memref<10240x16xf32, #tpu.memory_space<vmem_shared>> -> memref<10240x16xf32, #tpu.memory_space<vmem_shared>>
      tpu.wait_indirect_dma semaphore(%arg15 : memref<!tpu.dma_semaphore, #tpu.memory_space<semaphore_mem>>) src(%dma_wait3A_858 : memref<10240x16xf32, #tpu.memory_space<vmem_shared>>) dst(%dma_wait3A_852 : memref<80x16xf32, #tpu.memory_space<vmem>>)
      %dma_start3A_859 = arith.constant 12 : i32
      %dma_start3A_860 = arith.constant 0 : i32
      %dma_start3A_861 = arith.constant 0 : i32
      %dma_start3A_862 = tpu.memref_slice %arg8[%dma_start3A_859, %dma_start3A_860, %dma_start3A_861] : memref<25x80x16xf32, #tpu.memory_space<vmem>> -> memref<1x80x16xf32, #tpu.memory_space<vmem>>
      %dma_start3A_863 = tpu.memref_squeeze %dma_start3A_862 : memref<1x80x16xf32, #tpu.memory_space<vmem>> -> memref<80x16xf32, #tpu.memory_space<vmem>>
      %dma_start3A_864 = arith.constant 0 : i32
      %dma_start3A_865 = tpu.memref_slice %arg7[%add3A_847, %dma_start3A_864] : memref<125x80xi32, #tpu.memory_space<vmem>> -> memref<1x80xi32, #tpu.memory_space<vmem>>
      %dma_start3A_866 = tpu.memref_squeeze %dma_start3A_865 : memref<1x80xi32, #tpu.memory_space<vmem>> -> memref<80xi32, #tpu.memory_space<vmem>>
      %dma_start3A_867 = arith.constant 0 : i32
      %dma_start3A_868 = arith.constant 0 : i32
      %dma_start3A_869 = tpu.memref_slice %arg14[%dma_start3A_867, %dma_start3A_868] : memref<10240x16xf32, #tpu.memory_space<vmem_shared>> -> memref<10240x16xf32, #tpu.memory_space<vmem_shared>>
      tpu.enqueue_indirect_dma source(%dma_start3A_863 : memref<80x16xf32, #tpu.memory_space<vmem>>) target(%dma_start3A_869 : memref<10240x16xf32, #tpu.memory_space<vmem_shared>>) offsets(%dma_start3A_866 : memref<80xi32, #tpu.memory_space<vmem>>) semaphore(%arg16 : memref<!tpu.dma_semaphore, #tpu.memory_space<semaphore_mem>>) {add = true}
      %ge3A_870 = arith.constant 12 : i32
      %ge3A_871 = arith.cmpi sge, %add3A_847, %ge3A_870 : i32
      %convert_element_type3A_872 = arith.extui %ge3A_871 : i1 to i32
      %cond3A_873 = arith.constant 0 : i32
      %cond3A_874 = arith.cmpi ne, %convert_element_type3A_872, %cond3A_873 : i32
      scf.if %cond3A_874 {
        %sub3A = arith.constant 12 : i32
        %sub3A_1338 = arith.subi %add3A_847, %sub3A : i32
        %dma_wait3A_1339 = arith.constant 0 : i32
        %dma_wait3A_1340 = arith.constant 0 : i32
        %dma_wait3A_1341 = arith.constant 0 : i32
        %dma_wait3A_1342 = tpu.memref_slice %arg8[%dma_wait3A_1339, %dma_wait3A_1340, %dma_wait3A_1341] : memref<25x80x16xf32, #tpu.memory_space<vmem>> -> memref<1x80x16xf32, #tpu.memory_space<vmem>>
        %dma_wait3A_1343 = tpu.memref_squeeze %dma_wait3A_1342 : memref<1x80x16xf32, #tpu.memory_space<vmem>> -> memref<80x16xf32, #tpu.memory_space<vmem>>
        %dma_wait3A_1344 = arith.constant 0 : i32
        %dma_wait3A_1345 = tpu.memref_slice %arg7[%sub3A_1338, %dma_wait3A_1344] : memref<125x80xi32, #tpu.memory_space<vmem>> -> memref<1x80xi32, #tpu.memory_space<vmem>>
        %dma_wait3A_1346 = tpu.memref_squeeze %dma_wait3A_1345 : memref<1x80xi32, #tpu.memory_space<vmem>> -> memref<80xi32, #tpu.memory_space<vmem>>
        %dma_wait3A_1347 = arith.constant 0 : i32
        %dma_wait3A_1348 = arith.constant 0 : i32
        %dma_wait3A_1349 = tpu.memref_slice %arg14[%dma_wait3A_1347, %dma_wait3A_1348] : memref<10240x16xf32, #tpu.memory_space<vmem_shared>> -> memref<10240x16xf32, #tpu.memory_space<vmem_shared>>
        tpu.wait_indirect_dma semaphore(%arg16 : memref<!tpu.dma_semaphore, #tpu.memory_space<semaphore_mem>>) src(%dma_wait3A_1343 : memref<80x16xf32, #tpu.memory_space<vmem>>) dst(%dma_wait3A_1349 : memref<10240x16xf32, #tpu.memory_space<vmem_shared>>)
      } else {
      }
      %add3A_875 = arith.constant 13 : i32
      %add3A_876 = arith.addi %add3A_847, %add3A_875 : i32
      %lt3A_877 = arith.constant 125 : i32
      %lt3A_878 = arith.cmpi slt, %add3A_876, %lt3A_877 : i32
      %convert_element_type3A_879 = arith.extui %lt3A_878 : i1 to i32
      %cond3A_880 = arith.constant 0 : i32
      %cond3A_881 = arith.cmpi ne, %convert_element_type3A_879, %cond3A_880 : i32
      scf.if %cond3A_881 {
        %add3A_1338 = arith.constant 13 : i32
        %add3A_1339 = arith.addi %add3A_847, %add3A_1338 : i32
        %dma_start3A_1340 = arith.constant 0 : i32
        %dma_start3A_1341 = arith.constant 0 : i32
        %dma_start3A_1342 = arith.constant 0 : i32
        %dma_start3A_1343 = tpu.memref_slice %arg8[%dma_start3A_1340, %dma_start3A_1341, %dma_start3A_1342] : memref<25x80x16xf32, #tpu.memory_space<vmem>> -> memref<1x80x16xf32, #tpu.memory_space<vmem>>
        %dma_start3A_1344 = tpu.memref_squeeze %dma_start3A_1343 : memref<1x80x16xf32, #tpu.memory_space<vmem>> -> memref<80x16xf32, #tpu.memory_space<vmem>>
        %dma_start3A_1345 = arith.constant 0 : i32
        %dma_start3A_1346 = tpu.memref_slice %arg6[%add3A_1339, %dma_start3A_1345] : memref<125x80xi32, #tpu.memory_space<vmem>> -> memref<1x80xi32, #tpu.memory_space<vmem>>
        %dma_start3A_1347 = tpu.memref_squeeze %dma_start3A_1346 : memref<1x80xi32, #tpu.memory_space<vmem>> -> memref<80xi32, #tpu.memory_space<vmem>>
        %dma_start3A_1348 = arith.constant 0 : i32
        %dma_start3A_1349 = arith.constant 0 : i32
        %dma_start3A_1350 = tpu.memref_slice %arg13[%dma_start3A_1348, %dma_start3A_1349] : memref<10240x16xf32, #tpu.memory_space<vmem_shared>> -> memref<10240x16xf32, #tpu.memory_space<vmem_shared>>
        tpu.enqueue_indirect_dma source(%dma_start3A_1350 : memref<10240x16xf32, #tpu.memory_space<vmem_shared>>) target(%dma_start3A_1344 : memref<80x16xf32, #tpu.memory_space<vmem>>) offsets(%dma_start3A_1347 : memref<80xi32, #tpu.memory_space<vmem>>) semaphore(%arg15 : memref<!tpu.dma_semaphore, #tpu.memory_space<semaphore_mem>>)
      } else {
      }
      %mul3A_882 = arith.constant 25 : i32
      %mul3A_883 = arith.muli %add3A_389, %mul3A_882 : i32
      %add3A_884 = arith.constant 13 : i32
      %add3A_885 = arith.addi %mul3A_883, %add3A_884 : i32
      %dma_wait3A_886 = arith.constant 13 : i32
      %dma_wait3A_887 = arith.constant 0 : i32
      %dma_wait3A_888 = arith.constant 0 : i32
      %dma_wait3A_889 = tpu.memref_slice %arg8[%dma_wait3A_886, %dma_wait3A_887, %dma_wait3A_888] : memref<25x80x16xf32, #tpu.memory_space<vmem>> -> memref<1x80x16xf32, #tpu.memory_space<vmem>>
      %dma_wait3A_890 = tpu.memref_squeeze %dma_wait3A_889 : memref<1x80x16xf32, #tpu.memory_space<vmem>> -> memref<80x16xf32, #tpu.memory_space<vmem>>
      %dma_wait3A_891 = arith.constant 0 : i32
      %dma_wait3A_892 = tpu.memref_slice %arg6[%add3A_885, %dma_wait3A_891] : memref<125x80xi32, #tpu.memory_space<vmem>> -> memref<1x80xi32, #tpu.memory_space<vmem>>
      %dma_wait3A_893 = tpu.memref_squeeze %dma_wait3A_892 : memref<1x80xi32, #tpu.memory_space<vmem>> -> memref<80xi32, #tpu.memory_space<vmem>>
      %dma_wait3A_894 = arith.constant 0 : i32
      %dma_wait3A_895 = arith.constant 0 : i32
      %dma_wait3A_896 = tpu.memref_slice %arg13[%dma_wait3A_894, %dma_wait3A_895] : memref<10240x16xf32, #tpu.memory_space<vmem_shared>> -> memref<10240x16xf32, #tpu.memory_space<vmem_shared>>
      tpu.wait_indirect_dma semaphore(%arg15 : memref<!tpu.dma_semaphore, #tpu.memory_space<semaphore_mem>>) src(%dma_wait3A_896 : memref<10240x16xf32, #tpu.memory_space<vmem_shared>>) dst(%dma_wait3A_890 : memref<80x16xf32, #tpu.memory_space<vmem>>)
      %dma_start3A_897 = arith.constant 13 : i32
      %dma_start3A_898 = arith.constant 0 : i32
      %dma_start3A_899 = arith.constant 0 : i32
      %dma_start3A_900 = tpu.memref_slice %arg8[%dma_start3A_897, %dma_start3A_898, %dma_start3A_899] : memref<25x80x16xf32, #tpu.memory_space<vmem>> -> memref<1x80x16xf32, #tpu.memory_space<vmem>>
      %dma_start3A_901 = tpu.memref_squeeze %dma_start3A_900 : memref<1x80x16xf32, #tpu.memory_space<vmem>> -> memref<80x16xf32, #tpu.memory_space<vmem>>
      %dma_start3A_902 = arith.constant 0 : i32
      %dma_start3A_903 = tpu.memref_slice %arg7[%add3A_885, %dma_start3A_902] : memref<125x80xi32, #tpu.memory_space<vmem>> -> memref<1x80xi32, #tpu.memory_space<vmem>>
      %dma_start3A_904 = tpu.memref_squeeze %dma_start3A_903 : memref<1x80xi32, #tpu.memory_space<vmem>> -> memref<80xi32, #tpu.memory_space<vmem>>
      %dma_start3A_905 = arith.constant 0 : i32
      %dma_start3A_906 = arith.constant 0 : i32
      %dma_start3A_907 = tpu.memref_slice %arg14[%dma_start3A_905, %dma_start3A_906] : memref<10240x16xf32, #tpu.memory_space<vmem_shared>> -> memref<10240x16xf32, #tpu.memory_space<vmem_shared>>
      tpu.enqueue_indirect_dma source(%dma_start3A_901 : memref<80x16xf32, #tpu.memory_space<vmem>>) target(%dma_start3A_907 : memref<10240x16xf32, #tpu.memory_space<vmem_shared>>) offsets(%dma_start3A_904 : memref<80xi32, #tpu.memory_space<vmem>>) semaphore(%arg16 : memref<!tpu.dma_semaphore, #tpu.memory_space<semaphore_mem>>) {add = true}
      %ge3A_908 = arith.constant 12 : i32
      %ge3A_909 = arith.cmpi sge, %add3A_885, %ge3A_908 : i32
      %convert_element_type3A_910 = arith.extui %ge3A_909 : i1 to i32
      %cond3A_911 = arith.constant 0 : i32
      %cond3A_912 = arith.cmpi ne, %convert_element_type3A_910, %cond3A_911 : i32
      scf.if %cond3A_912 {
        %sub3A = arith.constant 12 : i32
        %sub3A_1338 = arith.subi %add3A_885, %sub3A : i32
        %dma_wait3A_1339 = arith.constant 1 : i32
        %dma_wait3A_1340 = arith.constant 0 : i32
        %dma_wait3A_1341 = arith.constant 0 : i32
        %dma_wait3A_1342 = tpu.memref_slice %arg8[%dma_wait3A_1339, %dma_wait3A_1340, %dma_wait3A_1341] : memref<25x80x16xf32, #tpu.memory_space<vmem>> -> memref<1x80x16xf32, #tpu.memory_space<vmem>>
        %dma_wait3A_1343 = tpu.memref_squeeze %dma_wait3A_1342 : memref<1x80x16xf32, #tpu.memory_space<vmem>> -> memref<80x16xf32, #tpu.memory_space<vmem>>
        %dma_wait3A_1344 = arith.constant 0 : i32
        %dma_wait3A_1345 = tpu.memref_slice %arg7[%sub3A_1338, %dma_wait3A_1344] : memref<125x80xi32, #tpu.memory_space<vmem>> -> memref<1x80xi32, #tpu.memory_space<vmem>>
        %dma_wait3A_1346 = tpu.memref_squeeze %dma_wait3A_1345 : memref<1x80xi32, #tpu.memory_space<vmem>> -> memref<80xi32, #tpu.memory_space<vmem>>
        %dma_wait3A_1347 = arith.constant 0 : i32
        %dma_wait3A_1348 = arith.constant 0 : i32
        %dma_wait3A_1349 = tpu.memref_slice %arg14[%dma_wait3A_1347, %dma_wait3A_1348] : memref<10240x16xf32, #tpu.memory_space<vmem_shared>> -> memref<10240x16xf32, #tpu.memory_space<vmem_shared>>
        tpu.wait_indirect_dma semaphore(%arg16 : memref<!tpu.dma_semaphore, #tpu.memory_space<semaphore_mem>>) src(%dma_wait3A_1343 : memref<80x16xf32, #tpu.memory_space<vmem>>) dst(%dma_wait3A_1349 : memref<10240x16xf32, #tpu.memory_space<vmem_shared>>)
      } else {
      }
      %add3A_913 = arith.constant 13 : i32
      %add3A_914 = arith.addi %add3A_885, %add3A_913 : i32
      %lt3A_915 = arith.constant 125 : i32
      %lt3A_916 = arith.cmpi slt, %add3A_914, %lt3A_915 : i32
      %convert_element_type3A_917 = arith.extui %lt3A_916 : i1 to i32
      %cond3A_918 = arith.constant 0 : i32
      %cond3A_919 = arith.cmpi ne, %convert_element_type3A_917, %cond3A_918 : i32
      scf.if %cond3A_919 {
        %add3A_1338 = arith.constant 13 : i32
        %add3A_1339 = arith.addi %add3A_885, %add3A_1338 : i32
        %dma_start3A_1340 = arith.constant 1 : i32
        %dma_start3A_1341 = arith.constant 0 : i32
        %dma_start3A_1342 = arith.constant 0 : i32
        %dma_start3A_1343 = tpu.memref_slice %arg8[%dma_start3A_1340, %dma_start3A_1341, %dma_start3A_1342] : memref<25x80x16xf32, #tpu.memory_space<vmem>> -> memref<1x80x16xf32, #tpu.memory_space<vmem>>
        %dma_start3A_1344 = tpu.memref_squeeze %dma_start3A_1343 : memref<1x80x16xf32, #tpu.memory_space<vmem>> -> memref<80x16xf32, #tpu.memory_space<vmem>>
        %dma_start3A_1345 = arith.constant 0 : i32
        %dma_start3A_1346 = tpu.memref_slice %arg6[%add3A_1339, %dma_start3A_1345] : memref<125x80xi32, #tpu.memory_space<vmem>> -> memref<1x80xi32, #tpu.memory_space<vmem>>
        %dma_start3A_1347 = tpu.memref_squeeze %dma_start3A_1346 : memref<1x80xi32, #tpu.memory_space<vmem>> -> memref<80xi32, #tpu.memory_space<vmem>>
        %dma_start3A_1348 = arith.constant 0 : i32
        %dma_start3A_1349 = arith.constant 0 : i32
        %dma_start3A_1350 = tpu.memref_slice %arg13[%dma_start3A_1348, %dma_start3A_1349] : memref<10240x16xf32, #tpu.memory_space<vmem_shared>> -> memref<10240x16xf32, #tpu.memory_space<vmem_shared>>
        tpu.enqueue_indirect_dma source(%dma_start3A_1350 : memref<10240x16xf32, #tpu.memory_space<vmem_shared>>) target(%dma_start3A_1344 : memref<80x16xf32, #tpu.memory_space<vmem>>) offsets(%dma_start3A_1347 : memref<80xi32, #tpu.memory_space<vmem>>) semaphore(%arg15 : memref<!tpu.dma_semaphore, #tpu.memory_space<semaphore_mem>>)
      } else {
      }
      %mul3A_920 = arith.constant 25 : i32
      %mul3A_921 = arith.muli %add3A_389, %mul3A_920 : i32
      %add3A_922 = arith.constant 14 : i32
      %add3A_923 = arith.addi %mul3A_921, %add3A_922 : i32
      %dma_wait3A_924 = arith.constant 14 : i32
      %dma_wait3A_925 = arith.constant 0 : i32
      %dma_wait3A_926 = arith.constant 0 : i32
      %dma_wait3A_927 = tpu.memref_slice %arg8[%dma_wait3A_924, %dma_wait3A_925, %dma_wait3A_926] : memref<25x80x16xf32, #tpu.memory_space<vmem>> -> memref<1x80x16xf32, #tpu.memory_space<vmem>>
      %dma_wait3A_928 = tpu.memref_squeeze %dma_wait3A_927 : memref<1x80x16xf32, #tpu.memory_space<vmem>> -> memref<80x16xf32, #tpu.memory_space<vmem>>
      %dma_wait3A_929 = arith.constant 0 : i32
      %dma_wait3A_930 = tpu.memref_slice %arg6[%add3A_923, %dma_wait3A_929] : memref<125x80xi32, #tpu.memory_space<vmem>> -> memref<1x80xi32, #tpu.memory_space<vmem>>
      %dma_wait3A_931 = tpu.memref_squeeze %dma_wait3A_930 : memref<1x80xi32, #tpu.memory_space<vmem>> -> memref<80xi32, #tpu.memory_space<vmem>>
      %dma_wait3A_932 = arith.constant 0 : i32
      %dma_wait3A_933 = arith.constant 0 : i32
      %dma_wait3A_934 = tpu.memref_slice %arg13[%dma_wait3A_932, %dma_wait3A_933] : memref<10240x16xf32, #tpu.memory_space<vmem_shared>> -> memref<10240x16xf32, #tpu.memory_space<vmem_shared>>
      tpu.wait_indirect_dma semaphore(%arg15 : memref<!tpu.dma_semaphore, #tpu.memory_space<semaphore_mem>>) src(%dma_wait3A_934 : memref<10240x16xf32, #tpu.memory_space<vmem_shared>>) dst(%dma_wait3A_928 : memref<80x16xf32, #tpu.memory_space<vmem>>)
      %dma_start3A_935 = arith.constant 14 : i32
      %dma_start3A_936 = arith.constant 0 : i32
      %dma_start3A_937 = arith.constant 0 : i32
      %dma_start3A_938 = tpu.memref_slice %arg8[%dma_start3A_935, %dma_start3A_936, %dma_start3A_937] : memref<25x80x16xf32, #tpu.memory_space<vmem>> -> memref<1x80x16xf32, #tpu.memory_space<vmem>>
      %dma_start3A_939 = tpu.memref_squeeze %dma_start3A_938 : memref<1x80x16xf32, #tpu.memory_space<vmem>> -> memref<80x16xf32, #tpu.memory_space<vmem>>
      %dma_start3A_940 = arith.constant 0 : i32
      %dma_start3A_941 = tpu.memref_slice %arg7[%add3A_923, %dma_start3A_940] : memref<125x80xi32, #tpu.memory_space<vmem>> -> memref<1x80xi32, #tpu.memory_space<vmem>>
      %dma_start3A_942 = tpu.memref_squeeze %dma_start3A_941 : memref<1x80xi32, #tpu.memory_space<vmem>> -> memref<80xi32, #tpu.memory_space<vmem>>
      %dma_start3A_943 = arith.constant 0 : i32
      %dma_start3A_944 = arith.constant 0 : i32
      %dma_start3A_945 = tpu.memref_slice %arg14[%dma_start3A_943, %dma_start3A_944] : memref<10240x16xf32, #tpu.memory_space<vmem_shared>> -> memref<10240x16xf32, #tpu.memory_space<vmem_shared>>
      tpu.enqueue_indirect_dma source(%dma_start3A_939 : memref<80x16xf32, #tpu.memory_space<vmem>>) target(%dma_start3A_945 : memref<10240x16xf32, #tpu.memory_space<vmem_shared>>) offsets(%dma_start3A_942 : memref<80xi32, #tpu.memory_space<vmem>>) semaphore(%arg16 : memref<!tpu.dma_semaphore, #tpu.memory_space<semaphore_mem>>) {add = true}
      %ge3A_946 = arith.constant 12 : i32
      %ge3A_947 = arith.cmpi sge, %add3A_923, %ge3A_946 : i32
      %convert_element_type3A_948 = arith.extui %ge3A_947 : i1 to i32
      %cond3A_949 = arith.constant 0 : i32
      %cond3A_950 = arith.cmpi ne, %convert_element_type3A_948, %cond3A_949 : i32
      scf.if %cond3A_950 {
        %sub3A = arith.constant 12 : i32
        %sub3A_1338 = arith.subi %add3A_923, %sub3A : i32
        %dma_wait3A_1339 = arith.constant 2 : i32
        %dma_wait3A_1340 = arith.constant 0 : i32
        %dma_wait3A_1341 = arith.constant 0 : i32
        %dma_wait3A_1342 = tpu.memref_slice %arg8[%dma_wait3A_1339, %dma_wait3A_1340, %dma_wait3A_1341] : memref<25x80x16xf32, #tpu.memory_space<vmem>> -> memref<1x80x16xf32, #tpu.memory_space<vmem>>
        %dma_wait3A_1343 = tpu.memref_squeeze %dma_wait3A_1342 : memref<1x80x16xf32, #tpu.memory_space<vmem>> -> memref<80x16xf32, #tpu.memory_space<vmem>>
        %dma_wait3A_1344 = arith.constant 0 : i32
        %dma_wait3A_1345 = tpu.memref_slice %arg7[%sub3A_1338, %dma_wait3A_1344] : memref<125x80xi32, #tpu.memory_space<vmem>> -> memref<1x80xi32, #tpu.memory_space<vmem>>
        %dma_wait3A_1346 = tpu.memref_squeeze %dma_wait3A_1345 : memref<1x80xi32, #tpu.memory_space<vmem>> -> memref<80xi32, #tpu.memory_space<vmem>>
        %dma_wait3A_1347 = arith.constant 0 : i32
        %dma_wait3A_1348 = arith.constant 0 : i32
        %dma_wait3A_1349 = tpu.memref_slice %arg14[%dma_wait3A_1347, %dma_wait3A_1348] : memref<10240x16xf32, #tpu.memory_space<vmem_shared>> -> memref<10240x16xf32, #tpu.memory_space<vmem_shared>>
        tpu.wait_indirect_dma semaphore(%arg16 : memref<!tpu.dma_semaphore, #tpu.memory_space<semaphore_mem>>) src(%dma_wait3A_1343 : memref<80x16xf32, #tpu.memory_space<vmem>>) dst(%dma_wait3A_1349 : memref<10240x16xf32, #tpu.memory_space<vmem_shared>>)
      } else {
      }
      %add3A_951 = arith.constant 13 : i32
      %add3A_952 = arith.addi %add3A_923, %add3A_951 : i32
      %lt3A_953 = arith.constant 125 : i32
      %lt3A_954 = arith.cmpi slt, %add3A_952, %lt3A_953 : i32
      %convert_element_type3A_955 = arith.extui %lt3A_954 : i1 to i32
      %cond3A_956 = arith.constant 0 : i32
      %cond3A_957 = arith.cmpi ne, %convert_element_type3A_955, %cond3A_956 : i32
      scf.if %cond3A_957 {
        %add3A_1338 = arith.constant 13 : i32
        %add3A_1339 = arith.addi %add3A_923, %add3A_1338 : i32
        %dma_start3A_1340 = arith.constant 2 : i32
        %dma_start3A_1341 = arith.constant 0 : i32
        %dma_start3A_1342 = arith.constant 0 : i32
        %dma_start3A_1343 = tpu.memref_slice %arg8[%dma_start3A_1340, %dma_start3A_1341, %dma_start3A_1342] : memref<25x80x16xf32, #tpu.memory_space<vmem>> -> memref<1x80x16xf32, #tpu.memory_space<vmem>>
        %dma_start3A_1344 = tpu.memref_squeeze %dma_start3A_1343 : memref<1x80x16xf32, #tpu.memory_space<vmem>> -> memref<80x16xf32, #tpu.memory_space<vmem>>
        %dma_start3A_1345 = arith.constant 0 : i32
        %dma_start3A_1346 = tpu.memref_slice %arg6[%add3A_1339, %dma_start3A_1345] : memref<125x80xi32, #tpu.memory_space<vmem>> -> memref<1x80xi32, #tpu.memory_space<vmem>>
        %dma_start3A_1347 = tpu.memref_squeeze %dma_start3A_1346 : memref<1x80xi32, #tpu.memory_space<vmem>> -> memref<80xi32, #tpu.memory_space<vmem>>
        %dma_start3A_1348 = arith.constant 0 : i32
        %dma_start3A_1349 = arith.constant 0 : i32
        %dma_start3A_1350 = tpu.memref_slice %arg13[%dma_start3A_1348, %dma_start3A_1349] : memref<10240x16xf32, #tpu.memory_space<vmem_shared>> -> memref<10240x16xf32, #tpu.memory_space<vmem_shared>>
        tpu.enqueue_indirect_dma source(%dma_start3A_1350 : memref<10240x16xf32, #tpu.memory_space<vmem_shared>>) target(%dma_start3A_1344 : memref<80x16xf32, #tpu.memory_space<vmem>>) offsets(%dma_start3A_1347 : memref<80xi32, #tpu.memory_space<vmem>>) semaphore(%arg15 : memref<!tpu.dma_semaphore, #tpu.memory_space<semaphore_mem>>)
      } else {
      }
      %mul3A_958 = arith.constant 25 : i32
      %mul3A_959 = arith.muli %add3A_389, %mul3A_958 : i32
      %add3A_960 = arith.constant 15 : i32
      %add3A_961 = arith.addi %mul3A_959, %add3A_960 : i32
      %dma_wait3A_962 = arith.constant 15 : i32
      %dma_wait3A_963 = arith.constant 0 : i32
      %dma_wait3A_964 = arith.constant 0 : i32
      %dma_wait3A_965 = tpu.memref_slice %arg8[%dma_wait3A_962, %dma_wait3A_963, %dma_wait3A_964] : memref<25x80x16xf32, #tpu.memory_space<vmem>> -> memref<1x80x16xf32, #tpu.memory_space<vmem>>
      %dma_wait3A_966 = tpu.memref_squeeze %dma_wait3A_965 : memref<1x80x16xf32, #tpu.memory_space<vmem>> -> memref<80x16xf32, #tpu.memory_space<vmem>>
      %dma_wait3A_967 = arith.constant 0 : i32
      %dma_wait3A_968 = tpu.memref_slice %arg6[%add3A_961, %dma_wait3A_967] : memref<125x80xi32, #tpu.memory_space<vmem>> -> memref<1x80xi32, #tpu.memory_space<vmem>>
      %dma_wait3A_969 = tpu.memref_squeeze %dma_wait3A_968 : memref<1x80xi32, #tpu.memory_space<vmem>> -> memref<80xi32, #tpu.memory_space<vmem>>
      %dma_wait3A_970 = arith.constant 0 : i32
      %dma_wait3A_971 = arith.constant 0 : i32
      %dma_wait3A_972 = tpu.memref_slice %arg13[%dma_wait3A_970, %dma_wait3A_971] : memref<10240x16xf32, #tpu.memory_space<vmem_shared>> -> memref<10240x16xf32, #tpu.memory_space<vmem_shared>>
      tpu.wait_indirect_dma semaphore(%arg15 : memref<!tpu.dma_semaphore, #tpu.memory_space<semaphore_mem>>) src(%dma_wait3A_972 : memref<10240x16xf32, #tpu.memory_space<vmem_shared>>) dst(%dma_wait3A_966 : memref<80x16xf32, #tpu.memory_space<vmem>>)
      %dma_start3A_973 = arith.constant 15 : i32
      %dma_start3A_974 = arith.constant 0 : i32
      %dma_start3A_975 = arith.constant 0 : i32
      %dma_start3A_976 = tpu.memref_slice %arg8[%dma_start3A_973, %dma_start3A_974, %dma_start3A_975] : memref<25x80x16xf32, #tpu.memory_space<vmem>> -> memref<1x80x16xf32, #tpu.memory_space<vmem>>
      %dma_start3A_977 = tpu.memref_squeeze %dma_start3A_976 : memref<1x80x16xf32, #tpu.memory_space<vmem>> -> memref<80x16xf32, #tpu.memory_space<vmem>>
      %dma_start3A_978 = arith.constant 0 : i32
      %dma_start3A_979 = tpu.memref_slice %arg7[%add3A_961, %dma_start3A_978] : memref<125x80xi32, #tpu.memory_space<vmem>> -> memref<1x80xi32, #tpu.memory_space<vmem>>
      %dma_start3A_980 = tpu.memref_squeeze %dma_start3A_979 : memref<1x80xi32, #tpu.memory_space<vmem>> -> memref<80xi32, #tpu.memory_space<vmem>>
      %dma_start3A_981 = arith.constant 0 : i32
      %dma_start3A_982 = arith.constant 0 : i32
      %dma_start3A_983 = tpu.memref_slice %arg14[%dma_start3A_981, %dma_start3A_982] : memref<10240x16xf32, #tpu.memory_space<vmem_shared>> -> memref<10240x16xf32, #tpu.memory_space<vmem_shared>>
      tpu.enqueue_indirect_dma source(%dma_start3A_977 : memref<80x16xf32, #tpu.memory_space<vmem>>) target(%dma_start3A_983 : memref<10240x16xf32, #tpu.memory_space<vmem_shared>>) offsets(%dma_start3A_980 : memref<80xi32, #tpu.memory_space<vmem>>) semaphore(%arg16 : memref<!tpu.dma_semaphore, #tpu.memory_space<semaphore_mem>>) {add = true}
      %ge3A_984 = arith.constant 12 : i32
      %ge3A_985 = arith.cmpi sge, %add3A_961, %ge3A_984 : i32
      %convert_element_type3A_986 = arith.extui %ge3A_985 : i1 to i32
      %cond3A_987 = arith.constant 0 : i32
      %cond3A_988 = arith.cmpi ne, %convert_element_type3A_986, %cond3A_987 : i32
      scf.if %cond3A_988 {
        %sub3A = arith.constant 12 : i32
        %sub3A_1338 = arith.subi %add3A_961, %sub3A : i32
        %dma_wait3A_1339 = arith.constant 3 : i32
        %dma_wait3A_1340 = arith.constant 0 : i32
        %dma_wait3A_1341 = arith.constant 0 : i32
        %dma_wait3A_1342 = tpu.memref_slice %arg8[%dma_wait3A_1339, %dma_wait3A_1340, %dma_wait3A_1341] : memref<25x80x16xf32, #tpu.memory_space<vmem>> -> memref<1x80x16xf32, #tpu.memory_space<vmem>>
        %dma_wait3A_1343 = tpu.memref_squeeze %dma_wait3A_1342 : memref<1x80x16xf32, #tpu.memory_space<vmem>> -> memref<80x16xf32, #tpu.memory_space<vmem>>
        %dma_wait3A_1344 = arith.constant 0 : i32
        %dma_wait3A_1345 = tpu.memref_slice %arg7[%sub3A_1338, %dma_wait3A_1344] : memref<125x80xi32, #tpu.memory_space<vmem>> -> memref<1x80xi32, #tpu.memory_space<vmem>>
        %dma_wait3A_1346 = tpu.memref_squeeze %dma_wait3A_1345 : memref<1x80xi32, #tpu.memory_space<vmem>> -> memref<80xi32, #tpu.memory_space<vmem>>
        %dma_wait3A_1347 = arith.constant 0 : i32
        %dma_wait3A_1348 = arith.constant 0 : i32
        %dma_wait3A_1349 = tpu.memref_slice %arg14[%dma_wait3A_1347, %dma_wait3A_1348] : memref<10240x16xf32, #tpu.memory_space<vmem_shared>> -> memref<10240x16xf32, #tpu.memory_space<vmem_shared>>
        tpu.wait_indirect_dma semaphore(%arg16 : memref<!tpu.dma_semaphore, #tpu.memory_space<semaphore_mem>>) src(%dma_wait3A_1343 : memref<80x16xf32, #tpu.memory_space<vmem>>) dst(%dma_wait3A_1349 : memref<10240x16xf32, #tpu.memory_space<vmem_shared>>)
      } else {
      }
      %add3A_989 = arith.constant 13 : i32
      %add3A_990 = arith.addi %add3A_961, %add3A_989 : i32
      %lt3A_991 = arith.constant 125 : i32
      %lt3A_992 = arith.cmpi slt, %add3A_990, %lt3A_991 : i32
      %convert_element_type3A_993 = arith.extui %lt3A_992 : i1 to i32
      %cond3A_994 = arith.constant 0 : i32
      %cond3A_995 = arith.cmpi ne, %convert_element_type3A_993, %cond3A_994 : i32
      scf.if %cond3A_995 {
        %add3A_1338 = arith.constant 13 : i32
        %add3A_1339 = arith.addi %add3A_961, %add3A_1338 : i32
        %dma_start3A_1340 = arith.constant 3 : i32
        %dma_start3A_1341 = arith.constant 0 : i32
        %dma_start3A_1342 = arith.constant 0 : i32
        %dma_start3A_1343 = tpu.memref_slice %arg8[%dma_start3A_1340, %dma_start3A_1341, %dma_start3A_1342] : memref<25x80x16xf32, #tpu.memory_space<vmem>> -> memref<1x80x16xf32, #tpu.memory_space<vmem>>
        %dma_start3A_1344 = tpu.memref_squeeze %dma_start3A_1343 : memref<1x80x16xf32, #tpu.memory_space<vmem>> -> memref<80x16xf32, #tpu.memory_space<vmem>>
        %dma_start3A_1345 = arith.constant 0 : i32
        %dma_start3A_1346 = tpu.memref_slice %arg6[%add3A_1339, %dma_start3A_1345] : memref<125x80xi32, #tpu.memory_space<vmem>> -> memref<1x80xi32, #tpu.memory_space<vmem>>
        %dma_start3A_1347 = tpu.memref_squeeze %dma_start3A_1346 : memref<1x80xi32, #tpu.memory_space<vmem>> -> memref<80xi32, #tpu.memory_space<vmem>>
        %dma_start3A_1348 = arith.constant 0 : i32
        %dma_start3A_1349 = arith.constant 0 : i32
        %dma_start3A_1350 = tpu.memref_slice %arg13[%dma_start3A_1348, %dma_start3A_1349] : memref<10240x16xf32, #tpu.memory_space<vmem_shared>> -> memref<10240x16xf32, #tpu.memory_space<vmem_shared>>
        tpu.enqueue_indirect_dma source(%dma_start3A_1350 : memref<10240x16xf32, #tpu.memory_space<vmem_shared>>) target(%dma_start3A_1344 : memref<80x16xf32, #tpu.memory_space<vmem>>) offsets(%dma_start3A_1347 : memref<80xi32, #tpu.memory_space<vmem>>) semaphore(%arg15 : memref<!tpu.dma_semaphore, #tpu.memory_space<semaphore_mem>>)
      } else {
      }
      %mul3A_996 = arith.constant 25 : i32
      %mul3A_997 = arith.muli %add3A_389, %mul3A_996 : i32
      %add3A_998 = arith.constant 16 : i32
      %add3A_999 = arith.addi %mul3A_997, %add3A_998 : i32
      %dma_wait3A_1000 = arith.constant 16 : i32
      %dma_wait3A_1001 = arith.constant 0 : i32
      %dma_wait3A_1002 = arith.constant 0 : i32
      %dma_wait3A_1003 = tpu.memref_slice %arg8[%dma_wait3A_1000, %dma_wait3A_1001, %dma_wait3A_1002] : memref<25x80x16xf32, #tpu.memory_space<vmem>> -> memref<1x80x16xf32, #tpu.memory_space<vmem>>
      %dma_wait3A_1004 = tpu.memref_squeeze %dma_wait3A_1003 : memref<1x80x16xf32, #tpu.memory_space<vmem>> -> memref<80x16xf32, #tpu.memory_space<vmem>>
      %dma_wait3A_1005 = arith.constant 0 : i32
      %dma_wait3A_1006 = tpu.memref_slice %arg6[%add3A_999, %dma_wait3A_1005] : memref<125x80xi32, #tpu.memory_space<vmem>> -> memref<1x80xi32, #tpu.memory_space<vmem>>
      %dma_wait3A_1007 = tpu.memref_squeeze %dma_wait3A_1006 : memref<1x80xi32, #tpu.memory_space<vmem>> -> memref<80xi32, #tpu.memory_space<vmem>>
      %dma_wait3A_1008 = arith.constant 0 : i32
      %dma_wait3A_1009 = arith.constant 0 : i32
      %dma_wait3A_1010 = tpu.memref_slice %arg13[%dma_wait3A_1008, %dma_wait3A_1009] : memref<10240x16xf32, #tpu.memory_space<vmem_shared>> -> memref<10240x16xf32, #tpu.memory_space<vmem_shared>>
      tpu.wait_indirect_dma semaphore(%arg15 : memref<!tpu.dma_semaphore, #tpu.memory_space<semaphore_mem>>) src(%dma_wait3A_1010 : memref<10240x16xf32, #tpu.memory_space<vmem_shared>>) dst(%dma_wait3A_1004 : memref<80x16xf32, #tpu.memory_space<vmem>>)
      %dma_start3A_1011 = arith.constant 16 : i32
      %dma_start3A_1012 = arith.constant 0 : i32
      %dma_start3A_1013 = arith.constant 0 : i32
      %dma_start3A_1014 = tpu.memref_slice %arg8[%dma_start3A_1011, %dma_start3A_1012, %dma_start3A_1013] : memref<25x80x16xf32, #tpu.memory_space<vmem>> -> memref<1x80x16xf32, #tpu.memory_space<vmem>>
      %dma_start3A_1015 = tpu.memref_squeeze %dma_start3A_1014 : memref<1x80x16xf32, #tpu.memory_space<vmem>> -> memref<80x16xf32, #tpu.memory_space<vmem>>
      %dma_start3A_1016 = arith.constant 0 : i32
      %dma_start3A_1017 = tpu.memref_slice %arg7[%add3A_999, %dma_start3A_1016] : memref<125x80xi32, #tpu.memory_space<vmem>> -> memref<1x80xi32, #tpu.memory_space<vmem>>
      %dma_start3A_1018 = tpu.memref_squeeze %dma_start3A_1017 : memref<1x80xi32, #tpu.memory_space<vmem>> -> memref<80xi32, #tpu.memory_space<vmem>>
      %dma_start3A_1019 = arith.constant 0 : i32
      %dma_start3A_1020 = arith.constant 0 : i32
      %dma_start3A_1021 = tpu.memref_slice %arg14[%dma_start3A_1019, %dma_start3A_1020] : memref<10240x16xf32, #tpu.memory_space<vmem_shared>> -> memref<10240x16xf32, #tpu.memory_space<vmem_shared>>
      tpu.enqueue_indirect_dma source(%dma_start3A_1015 : memref<80x16xf32, #tpu.memory_space<vmem>>) target(%dma_start3A_1021 : memref<10240x16xf32, #tpu.memory_space<vmem_shared>>) offsets(%dma_start3A_1018 : memref<80xi32, #tpu.memory_space<vmem>>) semaphore(%arg16 : memref<!tpu.dma_semaphore, #tpu.memory_space<semaphore_mem>>) {add = true}
      %ge3A_1022 = arith.constant 12 : i32
      %ge3A_1023 = arith.cmpi sge, %add3A_999, %ge3A_1022 : i32
      %convert_element_type3A_1024 = arith.extui %ge3A_1023 : i1 to i32
      %cond3A_1025 = arith.constant 0 : i32
      %cond3A_1026 = arith.cmpi ne, %convert_element_type3A_1024, %cond3A_1025 : i32
      scf.if %cond3A_1026 {
        %sub3A = arith.constant 12 : i32
        %sub3A_1338 = arith.subi %add3A_999, %sub3A : i32
        %dma_wait3A_1339 = arith.constant 4 : i32
        %dma_wait3A_1340 = arith.constant 0 : i32
        %dma_wait3A_1341 = arith.constant 0 : i32
        %dma_wait3A_1342 = tpu.memref_slice %arg8[%dma_wait3A_1339, %dma_wait3A_1340, %dma_wait3A_1341] : memref<25x80x16xf32, #tpu.memory_space<vmem>> -> memref<1x80x16xf32, #tpu.memory_space<vmem>>
        %dma_wait3A_1343 = tpu.memref_squeeze %dma_wait3A_1342 : memref<1x80x16xf32, #tpu.memory_space<vmem>> -> memref<80x16xf32, #tpu.memory_space<vmem>>
        %dma_wait3A_1344 = arith.constant 0 : i32
        %dma_wait3A_1345 = tpu.memref_slice %arg7[%sub3A_1338, %dma_wait3A_1344] : memref<125x80xi32, #tpu.memory_space<vmem>> -> memref<1x80xi32, #tpu.memory_space<vmem>>
        %dma_wait3A_1346 = tpu.memref_squeeze %dma_wait3A_1345 : memref<1x80xi32, #tpu.memory_space<vmem>> -> memref<80xi32, #tpu.memory_space<vmem>>
        %dma_wait3A_1347 = arith.constant 0 : i32
        %dma_wait3A_1348 = arith.constant 0 : i32
        %dma_wait3A_1349 = tpu.memref_slice %arg14[%dma_wait3A_1347, %dma_wait3A_1348] : memref<10240x16xf32, #tpu.memory_space<vmem_shared>> -> memref<10240x16xf32, #tpu.memory_space<vmem_shared>>
        tpu.wait_indirect_dma semaphore(%arg16 : memref<!tpu.dma_semaphore, #tpu.memory_space<semaphore_mem>>) src(%dma_wait3A_1343 : memref<80x16xf32, #tpu.memory_space<vmem>>) dst(%dma_wait3A_1349 : memref<10240x16xf32, #tpu.memory_space<vmem_shared>>)
      } else {
      }
      %add3A_1027 = arith.constant 13 : i32
      %add3A_1028 = arith.addi %add3A_999, %add3A_1027 : i32
      %lt3A_1029 = arith.constant 125 : i32
      %lt3A_1030 = arith.cmpi slt, %add3A_1028, %lt3A_1029 : i32
      %convert_element_type3A_1031 = arith.extui %lt3A_1030 : i1 to i32
      %cond3A_1032 = arith.constant 0 : i32
      %cond3A_1033 = arith.cmpi ne, %convert_element_type3A_1031, %cond3A_1032 : i32
      scf.if %cond3A_1033 {
        %add3A_1338 = arith.constant 13 : i32
        %add3A_1339 = arith.addi %add3A_999, %add3A_1338 : i32
        %dma_start3A_1340 = arith.constant 4 : i32
        %dma_start3A_1341 = arith.constant 0 : i32
        %dma_start3A_1342 = arith.constant 0 : i32
        %dma_start3A_1343 = tpu.memref_slice %arg8[%dma_start3A_1340, %dma_start3A_1341, %dma_start3A_1342] : memref<25x80x16xf32, #tpu.memory_space<vmem>> -> memref<1x80x16xf32, #tpu.memory_space<vmem>>
        %dma_start3A_1344 = tpu.memref_squeeze %dma_start3A_1343 : memref<1x80x16xf32, #tpu.memory_space<vmem>> -> memref<80x16xf32, #tpu.memory_space<vmem>>
        %dma_start3A_1345 = arith.constant 0 : i32
        %dma_start3A_1346 = tpu.memref_slice %arg6[%add3A_1339, %dma_start3A_1345] : memref<125x80xi32, #tpu.memory_space<vmem>> -> memref<1x80xi32, #tpu.memory_space<vmem>>
        %dma_start3A_1347 = tpu.memref_squeeze %dma_start3A_1346 : memref<1x80xi32, #tpu.memory_space<vmem>> -> memref<80xi32, #tpu.memory_space<vmem>>
        %dma_start3A_1348 = arith.constant 0 : i32
        %dma_start3A_1349 = arith.constant 0 : i32
        %dma_start3A_1350 = tpu.memref_slice %arg13[%dma_start3A_1348, %dma_start3A_1349] : memref<10240x16xf32, #tpu.memory_space<vmem_shared>> -> memref<10240x16xf32, #tpu.memory_space<vmem_shared>>
        tpu.enqueue_indirect_dma source(%dma_start3A_1350 : memref<10240x16xf32, #tpu.memory_space<vmem_shared>>) target(%dma_start3A_1344 : memref<80x16xf32, #tpu.memory_space<vmem>>) offsets(%dma_start3A_1347 : memref<80xi32, #tpu.memory_space<vmem>>) semaphore(%arg15 : memref<!tpu.dma_semaphore, #tpu.memory_space<semaphore_mem>>)
      } else {
      }
      %mul3A_1034 = arith.constant 25 : i32
      %mul3A_1035 = arith.muli %add3A_389, %mul3A_1034 : i32
      %add3A_1036 = arith.constant 17 : i32
      %add3A_1037 = arith.addi %mul3A_1035, %add3A_1036 : i32
      %dma_wait3A_1038 = arith.constant 17 : i32
      %dma_wait3A_1039 = arith.constant 0 : i32
      %dma_wait3A_1040 = arith.constant 0 : i32
      %dma_wait3A_1041 = tpu.memref_slice %arg8[%dma_wait3A_1038, %dma_wait3A_1039, %dma_wait3A_1040] : memref<25x80x16xf32, #tpu.memory_space<vmem>> -> memref<1x80x16xf32, #tpu.memory_space<vmem>>
      %dma_wait3A_1042 = tpu.memref_squeeze %dma_wait3A_1041 : memref<1x80x16xf32, #tpu.memory_space<vmem>> -> memref<80x16xf32, #tpu.memory_space<vmem>>
      %dma_wait3A_1043 = arith.constant 0 : i32
      %dma_wait3A_1044 = tpu.memref_slice %arg6[%add3A_1037, %dma_wait3A_1043] : memref<125x80xi32, #tpu.memory_space<vmem>> -> memref<1x80xi32, #tpu.memory_space<vmem>>
      %dma_wait3A_1045 = tpu.memref_squeeze %dma_wait3A_1044 : memref<1x80xi32, #tpu.memory_space<vmem>> -> memref<80xi32, #tpu.memory_space<vmem>>
      %dma_wait3A_1046 = arith.constant 0 : i32
      %dma_wait3A_1047 = arith.constant 0 : i32
      %dma_wait3A_1048 = tpu.memref_slice %arg13[%dma_wait3A_1046, %dma_wait3A_1047] : memref<10240x16xf32, #tpu.memory_space<vmem_shared>> -> memref<10240x16xf32, #tpu.memory_space<vmem_shared>>
      tpu.wait_indirect_dma semaphore(%arg15 : memref<!tpu.dma_semaphore, #tpu.memory_space<semaphore_mem>>) src(%dma_wait3A_1048 : memref<10240x16xf32, #tpu.memory_space<vmem_shared>>) dst(%dma_wait3A_1042 : memref<80x16xf32, #tpu.memory_space<vmem>>)
      %dma_start3A_1049 = arith.constant 17 : i32
      %dma_start3A_1050 = arith.constant 0 : i32
      %dma_start3A_1051 = arith.constant 0 : i32
      %dma_start3A_1052 = tpu.memref_slice %arg8[%dma_start3A_1049, %dma_start3A_1050, %dma_start3A_1051] : memref<25x80x16xf32, #tpu.memory_space<vmem>> -> memref<1x80x16xf32, #tpu.memory_space<vmem>>
      %dma_start3A_1053 = tpu.memref_squeeze %dma_start3A_1052 : memref<1x80x16xf32, #tpu.memory_space<vmem>> -> memref<80x16xf32, #tpu.memory_space<vmem>>
      %dma_start3A_1054 = arith.constant 0 : i32
      %dma_start3A_1055 = tpu.memref_slice %arg7[%add3A_1037, %dma_start3A_1054] : memref<125x80xi32, #tpu.memory_space<vmem>> -> memref<1x80xi32, #tpu.memory_space<vmem>>
      %dma_start3A_1056 = tpu.memref_squeeze %dma_start3A_1055 : memref<1x80xi32, #tpu.memory_space<vmem>> -> memref<80xi32, #tpu.memory_space<vmem>>
      %dma_start3A_1057 = arith.constant 0 : i32
      %dma_start3A_1058 = arith.constant 0 : i32
      %dma_start3A_1059 = tpu.memref_slice %arg14[%dma_start3A_1057, %dma_start3A_1058] : memref<10240x16xf32, #tpu.memory_space<vmem_shared>> -> memref<10240x16xf32, #tpu.memory_space<vmem_shared>>
      tpu.enqueue_indirect_dma source(%dma_start3A_1053 : memref<80x16xf32, #tpu.memory_space<vmem>>) target(%dma_start3A_1059 : memref<10240x16xf32, #tpu.memory_space<vmem_shared>>) offsets(%dma_start3A_1056 : memref<80xi32, #tpu.memory_space<vmem>>) semaphore(%arg16 : memref<!tpu.dma_semaphore, #tpu.memory_space<semaphore_mem>>) {add = true}
      %ge3A_1060 = arith.constant 12 : i32
      %ge3A_1061 = arith.cmpi sge, %add3A_1037, %ge3A_1060 : i32
      %convert_element_type3A_1062 = arith.extui %ge3A_1061 : i1 to i32
      %cond3A_1063 = arith.constant 0 : i32
      %cond3A_1064 = arith.cmpi ne, %convert_element_type3A_1062, %cond3A_1063 : i32
      scf.if %cond3A_1064 {
        %sub3A = arith.constant 12 : i32
        %sub3A_1338 = arith.subi %add3A_1037, %sub3A : i32
        %dma_wait3A_1339 = arith.constant 5 : i32
        %dma_wait3A_1340 = arith.constant 0 : i32
        %dma_wait3A_1341 = arith.constant 0 : i32
        %dma_wait3A_1342 = tpu.memref_slice %arg8[%dma_wait3A_1339, %dma_wait3A_1340, %dma_wait3A_1341] : memref<25x80x16xf32, #tpu.memory_space<vmem>> -> memref<1x80x16xf32, #tpu.memory_space<vmem>>
        %dma_wait3A_1343 = tpu.memref_squeeze %dma_wait3A_1342 : memref<1x80x16xf32, #tpu.memory_space<vmem>> -> memref<80x16xf32, #tpu.memory_space<vmem>>
        %dma_wait3A_1344 = arith.constant 0 : i32
        %dma_wait3A_1345 = tpu.memref_slice %arg7[%sub3A_1338, %dma_wait3A_1344] : memref<125x80xi32, #tpu.memory_space<vmem>> -> memref<1x80xi32, #tpu.memory_space<vmem>>
        %dma_wait3A_1346 = tpu.memref_squeeze %dma_wait3A_1345 : memref<1x80xi32, #tpu.memory_space<vmem>> -> memref<80xi32, #tpu.memory_space<vmem>>
        %dma_wait3A_1347 = arith.constant 0 : i32
        %dma_wait3A_1348 = arith.constant 0 : i32
        %dma_wait3A_1349 = tpu.memref_slice %arg14[%dma_wait3A_1347, %dma_wait3A_1348] : memref<10240x16xf32, #tpu.memory_space<vmem_shared>> -> memref<10240x16xf32, #tpu.memory_space<vmem_shared>>
        tpu.wait_indirect_dma semaphore(%arg16 : memref<!tpu.dma_semaphore, #tpu.memory_space<semaphore_mem>>) src(%dma_wait3A_1343 : memref<80x16xf32, #tpu.memory_space<vmem>>) dst(%dma_wait3A_1349 : memref<10240x16xf32, #tpu.memory_space<vmem_shared>>)
      } else {
      }
      %add3A_1065 = arith.constant 13 : i32
      %add3A_1066 = arith.addi %add3A_1037, %add3A_1065 : i32
      %lt3A_1067 = arith.constant 125 : i32
      %lt3A_1068 = arith.cmpi slt, %add3A_1066, %lt3A_1067 : i32
      %convert_element_type3A_1069 = arith.extui %lt3A_1068 : i1 to i32
      %cond3A_1070 = arith.constant 0 : i32
      %cond3A_1071 = arith.cmpi ne, %convert_element_type3A_1069, %cond3A_1070 : i32
      scf.if %cond3A_1071 {
        %add3A_1338 = arith.constant 13 : i32
        %add3A_1339 = arith.addi %add3A_1037, %add3A_1338 : i32
        %dma_start3A_1340 = arith.constant 5 : i32
        %dma_start3A_1341 = arith.constant 0 : i32
        %dma_start3A_1342 = arith.constant 0 : i32
        %dma_start3A_1343 = tpu.memref_slice %arg8[%dma_start3A_1340, %dma_start3A_1341, %dma_start3A_1342] : memref<25x80x16xf32, #tpu.memory_space<vmem>> -> memref<1x80x16xf32, #tpu.memory_space<vmem>>
        %dma_start3A_1344 = tpu.memref_squeeze %dma_start3A_1343 : memref<1x80x16xf32, #tpu.memory_space<vmem>> -> memref<80x16xf32, #tpu.memory_space<vmem>>
        %dma_start3A_1345 = arith.constant 0 : i32
        %dma_start3A_1346 = tpu.memref_slice %arg6[%add3A_1339, %dma_start3A_1345] : memref<125x80xi32, #tpu.memory_space<vmem>> -> memref<1x80xi32, #tpu.memory_space<vmem>>
        %dma_start3A_1347 = tpu.memref_squeeze %dma_start3A_1346 : memref<1x80xi32, #tpu.memory_space<vmem>> -> memref<80xi32, #tpu.memory_space<vmem>>
        %dma_start3A_1348 = arith.constant 0 : i32
        %dma_start3A_1349 = arith.constant 0 : i32
        %dma_start3A_1350 = tpu.memref_slice %arg13[%dma_start3A_1348, %dma_start3A_1349] : memref<10240x16xf32, #tpu.memory_space<vmem_shared>> -> memref<10240x16xf32, #tpu.memory_space<vmem_shared>>
        tpu.enqueue_indirect_dma source(%dma_start3A_1350 : memref<10240x16xf32, #tpu.memory_space<vmem_shared>>) target(%dma_start3A_1344 : memref<80x16xf32, #tpu.memory_space<vmem>>) offsets(%dma_start3A_1347 : memref<80xi32, #tpu.memory_space<vmem>>) semaphore(%arg15 : memref<!tpu.dma_semaphore, #tpu.memory_space<semaphore_mem>>)
      } else {
      }
      %mul3A_1072 = arith.constant 25 : i32
      %mul3A_1073 = arith.muli %add3A_389, %mul3A_1072 : i32
      %add3A_1074 = arith.constant 18 : i32
      %add3A_1075 = arith.addi %mul3A_1073, %add3A_1074 : i32
      %dma_wait3A_1076 = arith.constant 18 : i32
      %dma_wait3A_1077 = arith.constant 0 : i32
      %dma_wait3A_1078 = arith.constant 0 : i32
      %dma_wait3A_1079 = tpu.memref_slice %arg8[%dma_wait3A_1076, %dma_wait3A_1077, %dma_wait3A_1078] : memref<25x80x16xf32, #tpu.memory_space<vmem>> -> memref<1x80x16xf32, #tpu.memory_space<vmem>>
      %dma_wait3A_1080 = tpu.memref_squeeze %dma_wait3A_1079 : memref<1x80x16xf32, #tpu.memory_space<vmem>> -> memref<80x16xf32, #tpu.memory_space<vmem>>
      %dma_wait3A_1081 = arith.constant 0 : i32
      %dma_wait3A_1082 = tpu.memref_slice %arg6[%add3A_1075, %dma_wait3A_1081] : memref<125x80xi32, #tpu.memory_space<vmem>> -> memref<1x80xi32, #tpu.memory_space<vmem>>
      %dma_wait3A_1083 = tpu.memref_squeeze %dma_wait3A_1082 : memref<1x80xi32, #tpu.memory_space<vmem>> -> memref<80xi32, #tpu.memory_space<vmem>>
      %dma_wait3A_1084 = arith.constant 0 : i32
      %dma_wait3A_1085 = arith.constant 0 : i32
      %dma_wait3A_1086 = tpu.memref_slice %arg13[%dma_wait3A_1084, %dma_wait3A_1085] : memref<10240x16xf32, #tpu.memory_space<vmem_shared>> -> memref<10240x16xf32, #tpu.memory_space<vmem_shared>>
      tpu.wait_indirect_dma semaphore(%arg15 : memref<!tpu.dma_semaphore, #tpu.memory_space<semaphore_mem>>) src(%dma_wait3A_1086 : memref<10240x16xf32, #tpu.memory_space<vmem_shared>>) dst(%dma_wait3A_1080 : memref<80x16xf32, #tpu.memory_space<vmem>>)
      %dma_start3A_1087 = arith.constant 18 : i32
      %dma_start3A_1088 = arith.constant 0 : i32
      %dma_start3A_1089 = arith.constant 0 : i32
      %dma_start3A_1090 = tpu.memref_slice %arg8[%dma_start3A_1087, %dma_start3A_1088, %dma_start3A_1089] : memref<25x80x16xf32, #tpu.memory_space<vmem>> -> memref<1x80x16xf32, #tpu.memory_space<vmem>>
      %dma_start3A_1091 = tpu.memref_squeeze %dma_start3A_1090 : memref<1x80x16xf32, #tpu.memory_space<vmem>> -> memref<80x16xf32, #tpu.memory_space<vmem>>
      %dma_start3A_1092 = arith.constant 0 : i32
      %dma_start3A_1093 = tpu.memref_slice %arg7[%add3A_1075, %dma_start3A_1092] : memref<125x80xi32, #tpu.memory_space<vmem>> -> memref<1x80xi32, #tpu.memory_space<vmem>>
      %dma_start3A_1094 = tpu.memref_squeeze %dma_start3A_1093 : memref<1x80xi32, #tpu.memory_space<vmem>> -> memref<80xi32, #tpu.memory_space<vmem>>
      %dma_start3A_1095 = arith.constant 0 : i32
      %dma_start3A_1096 = arith.constant 0 : i32
      %dma_start3A_1097 = tpu.memref_slice %arg14[%dma_start3A_1095, %dma_start3A_1096] : memref<10240x16xf32, #tpu.memory_space<vmem_shared>> -> memref<10240x16xf32, #tpu.memory_space<vmem_shared>>
      tpu.enqueue_indirect_dma source(%dma_start3A_1091 : memref<80x16xf32, #tpu.memory_space<vmem>>) target(%dma_start3A_1097 : memref<10240x16xf32, #tpu.memory_space<vmem_shared>>) offsets(%dma_start3A_1094 : memref<80xi32, #tpu.memory_space<vmem>>) semaphore(%arg16 : memref<!tpu.dma_semaphore, #tpu.memory_space<semaphore_mem>>) {add = true}
      %ge3A_1098 = arith.constant 12 : i32
      %ge3A_1099 = arith.cmpi sge, %add3A_1075, %ge3A_1098 : i32
      %convert_element_type3A_1100 = arith.extui %ge3A_1099 : i1 to i32
      %cond3A_1101 = arith.constant 0 : i32
      %cond3A_1102 = arith.cmpi ne, %convert_element_type3A_1100, %cond3A_1101 : i32
      scf.if %cond3A_1102 {
        %sub3A = arith.constant 12 : i32
        %sub3A_1338 = arith.subi %add3A_1075, %sub3A : i32
        %dma_wait3A_1339 = arith.constant 6 : i32
        %dma_wait3A_1340 = arith.constant 0 : i32
        %dma_wait3A_1341 = arith.constant 0 : i32
        %dma_wait3A_1342 = tpu.memref_slice %arg8[%dma_wait3A_1339, %dma_wait3A_1340, %dma_wait3A_1341] : memref<25x80x16xf32, #tpu.memory_space<vmem>> -> memref<1x80x16xf32, #tpu.memory_space<vmem>>
        %dma_wait3A_1343 = tpu.memref_squeeze %dma_wait3A_1342 : memref<1x80x16xf32, #tpu.memory_space<vmem>> -> memref<80x16xf32, #tpu.memory_space<vmem>>
        %dma_wait3A_1344 = arith.constant 0 : i32
        %dma_wait3A_1345 = tpu.memref_slice %arg7[%sub3A_1338, %dma_wait3A_1344] : memref<125x80xi32, #tpu.memory_space<vmem>> -> memref<1x80xi32, #tpu.memory_space<vmem>>
        %dma_wait3A_1346 = tpu.memref_squeeze %dma_wait3A_1345 : memref<1x80xi32, #tpu.memory_space<vmem>> -> memref<80xi32, #tpu.memory_space<vmem>>
        %dma_wait3A_1347 = arith.constant 0 : i32
        %dma_wait3A_1348 = arith.constant 0 : i32
        %dma_wait3A_1349 = tpu.memref_slice %arg14[%dma_wait3A_1347, %dma_wait3A_1348] : memref<10240x16xf32, #tpu.memory_space<vmem_shared>> -> memref<10240x16xf32, #tpu.memory_space<vmem_shared>>
        tpu.wait_indirect_dma semaphore(%arg16 : memref<!tpu.dma_semaphore, #tpu.memory_space<semaphore_mem>>) src(%dma_wait3A_1343 : memref<80x16xf32, #tpu.memory_space<vmem>>) dst(%dma_wait3A_1349 : memref<10240x16xf32, #tpu.memory_space<vmem_shared>>)
      } else {
      }
      %add3A_1103 = arith.constant 13 : i32
      %add3A_1104 = arith.addi %add3A_1075, %add3A_1103 : i32
      %lt3A_1105 = arith.constant 125 : i32
      %lt3A_1106 = arith.cmpi slt, %add3A_1104, %lt3A_1105 : i32
      %convert_element_type3A_1107 = arith.extui %lt3A_1106 : i1 to i32
      %cond3A_1108 = arith.constant 0 : i32
      %cond3A_1109 = arith.cmpi ne, %convert_element_type3A_1107, %cond3A_1108 : i32
      scf.if %cond3A_1109 {
        %add3A_1338 = arith.constant 13 : i32
        %add3A_1339 = arith.addi %add3A_1075, %add3A_1338 : i32
        %dma_start3A_1340 = arith.constant 6 : i32
        %dma_start3A_1341 = arith.constant 0 : i32
        %dma_start3A_1342 = arith.constant 0 : i32
        %dma_start3A_1343 = tpu.memref_slice %arg8[%dma_start3A_1340, %dma_start3A_1341, %dma_start3A_1342] : memref<25x80x16xf32, #tpu.memory_space<vmem>> -> memref<1x80x16xf32, #tpu.memory_space<vmem>>
        %dma_start3A_1344 = tpu.memref_squeeze %dma_start3A_1343 : memref<1x80x16xf32, #tpu.memory_space<vmem>> -> memref<80x16xf32, #tpu.memory_space<vmem>>
        %dma_start3A_1345 = arith.constant 0 : i32
        %dma_start3A_1346 = tpu.memref_slice %arg6[%add3A_1339, %dma_start3A_1345] : memref<125x80xi32, #tpu.memory_space<vmem>> -> memref<1x80xi32, #tpu.memory_space<vmem>>
        %dma_start3A_1347 = tpu.memref_squeeze %dma_start3A_1346 : memref<1x80xi32, #tpu.memory_space<vmem>> -> memref<80xi32, #tpu.memory_space<vmem>>
        %dma_start3A_1348 = arith.constant 0 : i32
        %dma_start3A_1349 = arith.constant 0 : i32
        %dma_start3A_1350 = tpu.memref_slice %arg13[%dma_start3A_1348, %dma_start3A_1349] : memref<10240x16xf32, #tpu.memory_space<vmem_shared>> -> memref<10240x16xf32, #tpu.memory_space<vmem_shared>>
        tpu.enqueue_indirect_dma source(%dma_start3A_1350 : memref<10240x16xf32, #tpu.memory_space<vmem_shared>>) target(%dma_start3A_1344 : memref<80x16xf32, #tpu.memory_space<vmem>>) offsets(%dma_start3A_1347 : memref<80xi32, #tpu.memory_space<vmem>>) semaphore(%arg15 : memref<!tpu.dma_semaphore, #tpu.memory_space<semaphore_mem>>)
      } else {
      }
      %mul3A_1110 = arith.constant 25 : i32
      %mul3A_1111 = arith.muli %add3A_389, %mul3A_1110 : i32
      %add3A_1112 = arith.constant 19 : i32
      %add3A_1113 = arith.addi %mul3A_1111, %add3A_1112 : i32
      %dma_wait3A_1114 = arith.constant 19 : i32
      %dma_wait3A_1115 = arith.constant 0 : i32
      %dma_wait3A_1116 = arith.constant 0 : i32
      %dma_wait3A_1117 = tpu.memref_slice %arg8[%dma_wait3A_1114, %dma_wait3A_1115, %dma_wait3A_1116] : memref<25x80x16xf32, #tpu.memory_space<vmem>> -> memref<1x80x16xf32, #tpu.memory_space<vmem>>
      %dma_wait3A_1118 = tpu.memref_squeeze %dma_wait3A_1117 : memref<1x80x16xf32, #tpu.memory_space<vmem>> -> memref<80x16xf32, #tpu.memory_space<vmem>>
      %dma_wait3A_1119 = arith.constant 0 : i32
      %dma_wait3A_1120 = tpu.memref_slice %arg6[%add3A_1113, %dma_wait3A_1119] : memref<125x80xi32, #tpu.memory_space<vmem>> -> memref<1x80xi32, #tpu.memory_space<vmem>>
      %dma_wait3A_1121 = tpu.memref_squeeze %dma_wait3A_1120 : memref<1x80xi32, #tpu.memory_space<vmem>> -> memref<80xi32, #tpu.memory_space<vmem>>
      %dma_wait3A_1122 = arith.constant 0 : i32
      %dma_wait3A_1123 = arith.constant 0 : i32
      %dma_wait3A_1124 = tpu.memref_slice %arg13[%dma_wait3A_1122, %dma_wait3A_1123] : memref<10240x16xf32, #tpu.memory_space<vmem_shared>> -> memref<10240x16xf32, #tpu.memory_space<vmem_shared>>
      tpu.wait_indirect_dma semaphore(%arg15 : memref<!tpu.dma_semaphore, #tpu.memory_space<semaphore_mem>>) src(%dma_wait3A_1124 : memref<10240x16xf32, #tpu.memory_space<vmem_shared>>) dst(%dma_wait3A_1118 : memref<80x16xf32, #tpu.memory_space<vmem>>)
      %dma_start3A_1125 = arith.constant 19 : i32
      %dma_start3A_1126 = arith.constant 0 : i32
      %dma_start3A_1127 = arith.constant 0 : i32
      %dma_start3A_1128 = tpu.memref_slice %arg8[%dma_start3A_1125, %dma_start3A_1126, %dma_start3A_1127] : memref<25x80x16xf32, #tpu.memory_space<vmem>> -> memref<1x80x16xf32, #tpu.memory_space<vmem>>
      %dma_start3A_1129 = tpu.memref_squeeze %dma_start3A_1128 : memref<1x80x16xf32, #tpu.memory_space<vmem>> -> memref<80x16xf32, #tpu.memory_space<vmem>>
      %dma_start3A_1130 = arith.constant 0 : i32
      %dma_start3A_1131 = tpu.memref_slice %arg7[%add3A_1113, %dma_start3A_1130] : memref<125x80xi32, #tpu.memory_space<vmem>> -> memref<1x80xi32, #tpu.memory_space<vmem>>
      %dma_start3A_1132 = tpu.memref_squeeze %dma_start3A_1131 : memref<1x80xi32, #tpu.memory_space<vmem>> -> memref<80xi32, #tpu.memory_space<vmem>>
      %dma_start3A_1133 = arith.constant 0 : i32
      %dma_start3A_1134 = arith.constant 0 : i32
      %dma_start3A_1135 = tpu.memref_slice %arg14[%dma_start3A_1133, %dma_start3A_1134] : memref<10240x16xf32, #tpu.memory_space<vmem_shared>> -> memref<10240x16xf32, #tpu.memory_space<vmem_shared>>
      tpu.enqueue_indirect_dma source(%dma_start3A_1129 : memref<80x16xf32, #tpu.memory_space<vmem>>) target(%dma_start3A_1135 : memref<10240x16xf32, #tpu.memory_space<vmem_shared>>) offsets(%dma_start3A_1132 : memref<80xi32, #tpu.memory_space<vmem>>) semaphore(%arg16 : memref<!tpu.dma_semaphore, #tpu.memory_space<semaphore_mem>>) {add = true}
      %ge3A_1136 = arith.constant 12 : i32
      %ge3A_1137 = arith.cmpi sge, %add3A_1113, %ge3A_1136 : i32
      %convert_element_type3A_1138 = arith.extui %ge3A_1137 : i1 to i32
      %cond3A_1139 = arith.constant 0 : i32
      %cond3A_1140 = arith.cmpi ne, %convert_element_type3A_1138, %cond3A_1139 : i32
      scf.if %cond3A_1140 {
        %sub3A = arith.constant 12 : i32
        %sub3A_1338 = arith.subi %add3A_1113, %sub3A : i32
        %dma_wait3A_1339 = arith.constant 7 : i32
        %dma_wait3A_1340 = arith.constant 0 : i32
        %dma_wait3A_1341 = arith.constant 0 : i32
        %dma_wait3A_1342 = tpu.memref_slice %arg8[%dma_wait3A_1339, %dma_wait3A_1340, %dma_wait3A_1341] : memref<25x80x16xf32, #tpu.memory_space<vmem>> -> memref<1x80x16xf32, #tpu.memory_space<vmem>>
        %dma_wait3A_1343 = tpu.memref_squeeze %dma_wait3A_1342 : memref<1x80x16xf32, #tpu.memory_space<vmem>> -> memref<80x16xf32, #tpu.memory_space<vmem>>
        %dma_wait3A_1344 = arith.constant 0 : i32
        %dma_wait3A_1345 = tpu.memref_slice %arg7[%sub3A_1338, %dma_wait3A_1344] : memref<125x80xi32, #tpu.memory_space<vmem>> -> memref<1x80xi32, #tpu.memory_space<vmem>>
        %dma_wait3A_1346 = tpu.memref_squeeze %dma_wait3A_1345 : memref<1x80xi32, #tpu.memory_space<vmem>> -> memref<80xi32, #tpu.memory_space<vmem>>
        %dma_wait3A_1347 = arith.constant 0 : i32
        %dma_wait3A_1348 = arith.constant 0 : i32
        %dma_wait3A_1349 = tpu.memref_slice %arg14[%dma_wait3A_1347, %dma_wait3A_1348] : memref<10240x16xf32, #tpu.memory_space<vmem_shared>> -> memref<10240x16xf32, #tpu.memory_space<vmem_shared>>
        tpu.wait_indirect_dma semaphore(%arg16 : memref<!tpu.dma_semaphore, #tpu.memory_space<semaphore_mem>>) src(%dma_wait3A_1343 : memref<80x16xf32, #tpu.memory_space<vmem>>) dst(%dma_wait3A_1349 : memref<10240x16xf32, #tpu.memory_space<vmem_shared>>)
      } else {
      }
      %add3A_1141 = arith.constant 13 : i32
      %add3A_1142 = arith.addi %add3A_1113, %add3A_1141 : i32
      %lt3A_1143 = arith.constant 125 : i32
      %lt3A_1144 = arith.cmpi slt, %add3A_1142, %lt3A_1143 : i32
      %convert_element_type3A_1145 = arith.extui %lt3A_1144 : i1 to i32
      %cond3A_1146 = arith.constant 0 : i32
      %cond3A_1147 = arith.cmpi ne, %convert_element_type3A_1145, %cond3A_1146 : i32
      scf.if %cond3A_1147 {
        %add3A_1338 = arith.constant 13 : i32
        %add3A_1339 = arith.addi %add3A_1113, %add3A_1338 : i32
        %dma_start3A_1340 = arith.constant 7 : i32
        %dma_start3A_1341 = arith.constant 0 : i32
        %dma_start3A_1342 = arith.constant 0 : i32
        %dma_start3A_1343 = tpu.memref_slice %arg8[%dma_start3A_1340, %dma_start3A_1341, %dma_start3A_1342] : memref<25x80x16xf32, #tpu.memory_space<vmem>> -> memref<1x80x16xf32, #tpu.memory_space<vmem>>
        %dma_start3A_1344 = tpu.memref_squeeze %dma_start3A_1343 : memref<1x80x16xf32, #tpu.memory_space<vmem>> -> memref<80x16xf32, #tpu.memory_space<vmem>>
        %dma_start3A_1345 = arith.constant 0 : i32
        %dma_start3A_1346 = tpu.memref_slice %arg6[%add3A_1339, %dma_start3A_1345] : memref<125x80xi32, #tpu.memory_space<vmem>> -> memref<1x80xi32, #tpu.memory_space<vmem>>
        %dma_start3A_1347 = tpu.memref_squeeze %dma_start3A_1346 : memref<1x80xi32, #tpu.memory_space<vmem>> -> memref<80xi32, #tpu.memory_space<vmem>>
        %dma_start3A_1348 = arith.constant 0 : i32
        %dma_start3A_1349 = arith.constant 0 : i32
        %dma_start3A_1350 = tpu.memref_slice %arg13[%dma_start3A_1348, %dma_start3A_1349] : memref<10240x16xf32, #tpu.memory_space<vmem_shared>> -> memref<10240x16xf32, #tpu.memory_space<vmem_shared>>
        tpu.enqueue_indirect_dma source(%dma_start3A_1350 : memref<10240x16xf32, #tpu.memory_space<vmem_shared>>) target(%dma_start3A_1344 : memref<80x16xf32, #tpu.memory_space<vmem>>) offsets(%dma_start3A_1347 : memref<80xi32, #tpu.memory_space<vmem>>) semaphore(%arg15 : memref<!tpu.dma_semaphore, #tpu.memory_space<semaphore_mem>>)
      } else {
      }
      %mul3A_1148 = arith.constant 25 : i32
      %mul3A_1149 = arith.muli %add3A_389, %mul3A_1148 : i32
      %add3A_1150 = arith.constant 20 : i32
      %add3A_1151 = arith.addi %mul3A_1149, %add3A_1150 : i32
      %dma_wait3A_1152 = arith.constant 20 : i32
      %dma_wait3A_1153 = arith.constant 0 : i32
      %dma_wait3A_1154 = arith.constant 0 : i32
      %dma_wait3A_1155 = tpu.memref_slice %arg8[%dma_wait3A_1152, %dma_wait3A_1153, %dma_wait3A_1154] : memref<25x80x16xf32, #tpu.memory_space<vmem>> -> memref<1x80x16xf32, #tpu.memory_space<vmem>>
      %dma_wait3A_1156 = tpu.memref_squeeze %dma_wait3A_1155 : memref<1x80x16xf32, #tpu.memory_space<vmem>> -> memref<80x16xf32, #tpu.memory_space<vmem>>
      %dma_wait3A_1157 = arith.constant 0 : i32
      %dma_wait3A_1158 = tpu.memref_slice %arg6[%add3A_1151, %dma_wait3A_1157] : memref<125x80xi32, #tpu.memory_space<vmem>> -> memref<1x80xi32, #tpu.memory_space<vmem>>
      %dma_wait3A_1159 = tpu.memref_squeeze %dma_wait3A_1158 : memref<1x80xi32, #tpu.memory_space<vmem>> -> memref<80xi32, #tpu.memory_space<vmem>>
      %dma_wait3A_1160 = arith.constant 0 : i32
      %dma_wait3A_1161 = arith.constant 0 : i32
      %dma_wait3A_1162 = tpu.memref_slice %arg13[%dma_wait3A_1160, %dma_wait3A_1161] : memref<10240x16xf32, #tpu.memory_space<vmem_shared>> -> memref<10240x16xf32, #tpu.memory_space<vmem_shared>>
      tpu.wait_indirect_dma semaphore(%arg15 : memref<!tpu.dma_semaphore, #tpu.memory_space<semaphore_mem>>) src(%dma_wait3A_1162 : memref<10240x16xf32, #tpu.memory_space<vmem_shared>>) dst(%dma_wait3A_1156 : memref<80x16xf32, #tpu.memory_space<vmem>>)
      %dma_start3A_1163 = arith.constant 20 : i32
      %dma_start3A_1164 = arith.constant 0 : i32
      %dma_start3A_1165 = arith.constant 0 : i32
      %dma_start3A_1166 = tpu.memref_slice %arg8[%dma_start3A_1163, %dma_start3A_1164, %dma_start3A_1165] : memref<25x80x16xf32, #tpu.memory_space<vmem>> -> memref<1x80x16xf32, #tpu.memory_space<vmem>>
      %dma_start3A_1167 = tpu.memref_squeeze %dma_start3A_1166 : memref<1x80x16xf32, #tpu.memory_space<vmem>> -> memref<80x16xf32, #tpu.memory_space<vmem>>
      %dma_start3A_1168 = arith.constant 0 : i32
      %dma_start3A_1169 = tpu.memref_slice %arg7[%add3A_1151, %dma_start3A_1168] : memref<125x80xi32, #tpu.memory_space<vmem>> -> memref<1x80xi32, #tpu.memory_space<vmem>>
      %dma_start3A_1170 = tpu.memref_squeeze %dma_start3A_1169 : memref<1x80xi32, #tpu.memory_space<vmem>> -> memref<80xi32, #tpu.memory_space<vmem>>
      %dma_start3A_1171 = arith.constant 0 : i32
      %dma_start3A_1172 = arith.constant 0 : i32
      %dma_start3A_1173 = tpu.memref_slice %arg14[%dma_start3A_1171, %dma_start3A_1172] : memref<10240x16xf32, #tpu.memory_space<vmem_shared>> -> memref<10240x16xf32, #tpu.memory_space<vmem_shared>>
      tpu.enqueue_indirect_dma source(%dma_start3A_1167 : memref<80x16xf32, #tpu.memory_space<vmem>>) target(%dma_start3A_1173 : memref<10240x16xf32, #tpu.memory_space<vmem_shared>>) offsets(%dma_start3A_1170 : memref<80xi32, #tpu.memory_space<vmem>>) semaphore(%arg16 : memref<!tpu.dma_semaphore, #tpu.memory_space<semaphore_mem>>) {add = true}
      %ge3A_1174 = arith.constant 12 : i32
      %ge3A_1175 = arith.cmpi sge, %add3A_1151, %ge3A_1174 : i32
      %convert_element_type3A_1176 = arith.extui %ge3A_1175 : i1 to i32
      %cond3A_1177 = arith.constant 0 : i32
      %cond3A_1178 = arith.cmpi ne, %convert_element_type3A_1176, %cond3A_1177 : i32
      scf.if %cond3A_1178 {
        %sub3A = arith.constant 12 : i32
        %sub3A_1338 = arith.subi %add3A_1151, %sub3A : i32
        %dma_wait3A_1339 = arith.constant 8 : i32
        %dma_wait3A_1340 = arith.constant 0 : i32
        %dma_wait3A_1341 = arith.constant 0 : i32
        %dma_wait3A_1342 = tpu.memref_slice %arg8[%dma_wait3A_1339, %dma_wait3A_1340, %dma_wait3A_1341] : memref<25x80x16xf32, #tpu.memory_space<vmem>> -> memref<1x80x16xf32, #tpu.memory_space<vmem>>
        %dma_wait3A_1343 = tpu.memref_squeeze %dma_wait3A_1342 : memref<1x80x16xf32, #tpu.memory_space<vmem>> -> memref<80x16xf32, #tpu.memory_space<vmem>>
        %dma_wait3A_1344 = arith.constant 0 : i32
        %dma_wait3A_1345 = tpu.memref_slice %arg7[%sub3A_1338, %dma_wait3A_1344] : memref<125x80xi32, #tpu.memory_space<vmem>> -> memref<1x80xi32, #tpu.memory_space<vmem>>
        %dma_wait3A_1346 = tpu.memref_squeeze %dma_wait3A_1345 : memref<1x80xi32, #tpu.memory_space<vmem>> -> memref<80xi32, #tpu.memory_space<vmem>>
        %dma_wait3A_1347 = arith.constant 0 : i32
        %dma_wait3A_1348 = arith.constant 0 : i32
        %dma_wait3A_1349 = tpu.memref_slice %arg14[%dma_wait3A_1347, %dma_wait3A_1348] : memref<10240x16xf32, #tpu.memory_space<vmem_shared>> -> memref<10240x16xf32, #tpu.memory_space<vmem_shared>>
        tpu.wait_indirect_dma semaphore(%arg16 : memref<!tpu.dma_semaphore, #tpu.memory_space<semaphore_mem>>) src(%dma_wait3A_1343 : memref<80x16xf32, #tpu.memory_space<vmem>>) dst(%dma_wait3A_1349 : memref<10240x16xf32, #tpu.memory_space<vmem_shared>>)
      } else {
      }
      %add3A_1179 = arith.constant 13 : i32
      %add3A_1180 = arith.addi %add3A_1151, %add3A_1179 : i32
      %lt3A_1181 = arith.constant 125 : i32
      %lt3A_1182 = arith.cmpi slt, %add3A_1180, %lt3A_1181 : i32
      %convert_element_type3A_1183 = arith.extui %lt3A_1182 : i1 to i32
      %cond3A_1184 = arith.constant 0 : i32
      %cond3A_1185 = arith.cmpi ne, %convert_element_type3A_1183, %cond3A_1184 : i32
      scf.if %cond3A_1185 {
        %add3A_1338 = arith.constant 13 : i32
        %add3A_1339 = arith.addi %add3A_1151, %add3A_1338 : i32
        %dma_start3A_1340 = arith.constant 8 : i32
        %dma_start3A_1341 = arith.constant 0 : i32
        %dma_start3A_1342 = arith.constant 0 : i32
        %dma_start3A_1343 = tpu.memref_slice %arg8[%dma_start3A_1340, %dma_start3A_1341, %dma_start3A_1342] : memref<25x80x16xf32, #tpu.memory_space<vmem>> -> memref<1x80x16xf32, #tpu.memory_space<vmem>>
        %dma_start3A_1344 = tpu.memref_squeeze %dma_start3A_1343 : memref<1x80x16xf32, #tpu.memory_space<vmem>> -> memref<80x16xf32, #tpu.memory_space<vmem>>
        %dma_start3A_1345 = arith.constant 0 : i32
        %dma_start3A_1346 = tpu.memref_slice %arg6[%add3A_1339, %dma_start3A_1345] : memref<125x80xi32, #tpu.memory_space<vmem>> -> memref<1x80xi32, #tpu.memory_space<vmem>>
        %dma_start3A_1347 = tpu.memref_squeeze %dma_start3A_1346 : memref<1x80xi32, #tpu.memory_space<vmem>> -> memref<80xi32, #tpu.memory_space<vmem>>
        %dma_start3A_1348 = arith.constant 0 : i32
        %dma_start3A_1349 = arith.constant 0 : i32
        %dma_start3A_1350 = tpu.memref_slice %arg13[%dma_start3A_1348, %dma_start3A_1349] : memref<10240x16xf32, #tpu.memory_space<vmem_shared>> -> memref<10240x16xf32, #tpu.memory_space<vmem_shared>>
        tpu.enqueue_indirect_dma source(%dma_start3A_1350 : memref<10240x16xf32, #tpu.memory_space<vmem_shared>>) target(%dma_start3A_1344 : memref<80x16xf32, #tpu.memory_space<vmem>>) offsets(%dma_start3A_1347 : memref<80xi32, #tpu.memory_space<vmem>>) semaphore(%arg15 : memref<!tpu.dma_semaphore, #tpu.memory_space<semaphore_mem>>)
      } else {
      }
      %mul3A_1186 = arith.constant 25 : i32
      %mul3A_1187 = arith.muli %add3A_389, %mul3A_1186 : i32
      %add3A_1188 = arith.constant 21 : i32
      %add3A_1189 = arith.addi %mul3A_1187, %add3A_1188 : i32
      %dma_wait3A_1190 = arith.constant 21 : i32
      %dma_wait3A_1191 = arith.constant 0 : i32
      %dma_wait3A_1192 = arith.constant 0 : i32
      %dma_wait3A_1193 = tpu.memref_slice %arg8[%dma_wait3A_1190, %dma_wait3A_1191, %dma_wait3A_1192] : memref<25x80x16xf32, #tpu.memory_space<vmem>> -> memref<1x80x16xf32, #tpu.memory_space<vmem>>
      %dma_wait3A_1194 = tpu.memref_squeeze %dma_wait3A_1193 : memref<1x80x16xf32, #tpu.memory_space<vmem>> -> memref<80x16xf32, #tpu.memory_space<vmem>>
      %dma_wait3A_1195 = arith.constant 0 : i32
      %dma_wait3A_1196 = tpu.memref_slice %arg6[%add3A_1189, %dma_wait3A_1195] : memref<125x80xi32, #tpu.memory_space<vmem>> -> memref<1x80xi32, #tpu.memory_space<vmem>>
      %dma_wait3A_1197 = tpu.memref_squeeze %dma_wait3A_1196 : memref<1x80xi32, #tpu.memory_space<vmem>> -> memref<80xi32, #tpu.memory_space<vmem>>
      %dma_wait3A_1198 = arith.constant 0 : i32
      %dma_wait3A_1199 = arith.constant 0 : i32
      %dma_wait3A_1200 = tpu.memref_slice %arg13[%dma_wait3A_1198, %dma_wait3A_1199] : memref<10240x16xf32, #tpu.memory_space<vmem_shared>> -> memref<10240x16xf32, #tpu.memory_space<vmem_shared>>
      tpu.wait_indirect_dma semaphore(%arg15 : memref<!tpu.dma_semaphore, #tpu.memory_space<semaphore_mem>>) src(%dma_wait3A_1200 : memref<10240x16xf32, #tpu.memory_space<vmem_shared>>) dst(%dma_wait3A_1194 : memref<80x16xf32, #tpu.memory_space<vmem>>)
      %dma_start3A_1201 = arith.constant 21 : i32
      %dma_start3A_1202 = arith.constant 0 : i32
      %dma_start3A_1203 = arith.constant 0 : i32
      %dma_start3A_1204 = tpu.memref_slice %arg8[%dma_start3A_1201, %dma_start3A_1202, %dma_start3A_1203] : memref<25x80x16xf32, #tpu.memory_space<vmem>> -> memref<1x80x16xf32, #tpu.memory_space<vmem>>
      %dma_start3A_1205 = tpu.memref_squeeze %dma_start3A_1204 : memref<1x80x16xf32, #tpu.memory_space<vmem>> -> memref<80x16xf32, #tpu.memory_space<vmem>>
      %dma_start3A_1206 = arith.constant 0 : i32
      %dma_start3A_1207 = tpu.memref_slice %arg7[%add3A_1189, %dma_start3A_1206] : memref<125x80xi32, #tpu.memory_space<vmem>> -> memref<1x80xi32, #tpu.memory_space<vmem>>
      %dma_start3A_1208 = tpu.memref_squeeze %dma_start3A_1207 : memref<1x80xi32, #tpu.memory_space<vmem>> -> memref<80xi32, #tpu.memory_space<vmem>>
      %dma_start3A_1209 = arith.constant 0 : i32
      %dma_start3A_1210 = arith.constant 0 : i32
      %dma_start3A_1211 = tpu.memref_slice %arg14[%dma_start3A_1209, %dma_start3A_1210] : memref<10240x16xf32, #tpu.memory_space<vmem_shared>> -> memref<10240x16xf32, #tpu.memory_space<vmem_shared>>
      tpu.enqueue_indirect_dma source(%dma_start3A_1205 : memref<80x16xf32, #tpu.memory_space<vmem>>) target(%dma_start3A_1211 : memref<10240x16xf32, #tpu.memory_space<vmem_shared>>) offsets(%dma_start3A_1208 : memref<80xi32, #tpu.memory_space<vmem>>) semaphore(%arg16 : memref<!tpu.dma_semaphore, #tpu.memory_space<semaphore_mem>>) {add = true}
      %ge3A_1212 = arith.constant 12 : i32
      %ge3A_1213 = arith.cmpi sge, %add3A_1189, %ge3A_1212 : i32
      %convert_element_type3A_1214 = arith.extui %ge3A_1213 : i1 to i32
      %cond3A_1215 = arith.constant 0 : i32
      %cond3A_1216 = arith.cmpi ne, %convert_element_type3A_1214, %cond3A_1215 : i32
      scf.if %cond3A_1216 {
        %sub3A = arith.constant 12 : i32
        %sub3A_1338 = arith.subi %add3A_1189, %sub3A : i32
        %dma_wait3A_1339 = arith.constant 9 : i32
        %dma_wait3A_1340 = arith.constant 0 : i32
        %dma_wait3A_1341 = arith.constant 0 : i32
        %dma_wait3A_1342 = tpu.memref_slice %arg8[%dma_wait3A_1339, %dma_wait3A_1340, %dma_wait3A_1341] : memref<25x80x16xf32, #tpu.memory_space<vmem>> -> memref<1x80x16xf32, #tpu.memory_space<vmem>>
        %dma_wait3A_1343 = tpu.memref_squeeze %dma_wait3A_1342 : memref<1x80x16xf32, #tpu.memory_space<vmem>> -> memref<80x16xf32, #tpu.memory_space<vmem>>
        %dma_wait3A_1344 = arith.constant 0 : i32
        %dma_wait3A_1345 = tpu.memref_slice %arg7[%sub3A_1338, %dma_wait3A_1344] : memref<125x80xi32, #tpu.memory_space<vmem>> -> memref<1x80xi32, #tpu.memory_space<vmem>>
        %dma_wait3A_1346 = tpu.memref_squeeze %dma_wait3A_1345 : memref<1x80xi32, #tpu.memory_space<vmem>> -> memref<80xi32, #tpu.memory_space<vmem>>
        %dma_wait3A_1347 = arith.constant 0 : i32
        %dma_wait3A_1348 = arith.constant 0 : i32
        %dma_wait3A_1349 = tpu.memref_slice %arg14[%dma_wait3A_1347, %dma_wait3A_1348] : memref<10240x16xf32, #tpu.memory_space<vmem_shared>> -> memref<10240x16xf32, #tpu.memory_space<vmem_shared>>
        tpu.wait_indirect_dma semaphore(%arg16 : memref<!tpu.dma_semaphore, #tpu.memory_space<semaphore_mem>>) src(%dma_wait3A_1343 : memref<80x16xf32, #tpu.memory_space<vmem>>) dst(%dma_wait3A_1349 : memref<10240x16xf32, #tpu.memory_space<vmem_shared>>)
      } else {
      }
      %add3A_1217 = arith.constant 13 : i32
      %add3A_1218 = arith.addi %add3A_1189, %add3A_1217 : i32
      %lt3A_1219 = arith.constant 125 : i32
      %lt3A_1220 = arith.cmpi slt, %add3A_1218, %lt3A_1219 : i32
      %convert_element_type3A_1221 = arith.extui %lt3A_1220 : i1 to i32
      %cond3A_1222 = arith.constant 0 : i32
      %cond3A_1223 = arith.cmpi ne, %convert_element_type3A_1221, %cond3A_1222 : i32
      scf.if %cond3A_1223 {
        %add3A_1338 = arith.constant 13 : i32
        %add3A_1339 = arith.addi %add3A_1189, %add3A_1338 : i32
        %dma_start3A_1340 = arith.constant 9 : i32
        %dma_start3A_1341 = arith.constant 0 : i32
        %dma_start3A_1342 = arith.constant 0 : i32
        %dma_start3A_1343 = tpu.memref_slice %arg8[%dma_start3A_1340, %dma_start3A_1341, %dma_start3A_1342] : memref<25x80x16xf32, #tpu.memory_space<vmem>> -> memref<1x80x16xf32, #tpu.memory_space<vmem>>
        %dma_start3A_1344 = tpu.memref_squeeze %dma_start3A_1343 : memref<1x80x16xf32, #tpu.memory_space<vmem>> -> memref<80x16xf32, #tpu.memory_space<vmem>>
        %dma_start3A_1345 = arith.constant 0 : i32
        %dma_start3A_1346 = tpu.memref_slice %arg6[%add3A_1339, %dma_start3A_1345] : memref<125x80xi32, #tpu.memory_space<vmem>> -> memref<1x80xi32, #tpu.memory_space<vmem>>
        %dma_start3A_1347 = tpu.memref_squeeze %dma_start3A_1346 : memref<1x80xi32, #tpu.memory_space<vmem>> -> memref<80xi32, #tpu.memory_space<vmem>>
        %dma_start3A_1348 = arith.constant 0 : i32
        %dma_start3A_1349 = arith.constant 0 : i32
        %dma_start3A_1350 = tpu.memref_slice %arg13[%dma_start3A_1348, %dma_start3A_1349] : memref<10240x16xf32, #tpu.memory_space<vmem_shared>> -> memref<10240x16xf32, #tpu.memory_space<vmem_shared>>
        tpu.enqueue_indirect_dma source(%dma_start3A_1350 : memref<10240x16xf32, #tpu.memory_space<vmem_shared>>) target(%dma_start3A_1344 : memref<80x16xf32, #tpu.memory_space<vmem>>) offsets(%dma_start3A_1347 : memref<80xi32, #tpu.memory_space<vmem>>) semaphore(%arg15 : memref<!tpu.dma_semaphore, #tpu.memory_space<semaphore_mem>>)
      } else {
      }
      %mul3A_1224 = arith.constant 25 : i32
      %mul3A_1225 = arith.muli %add3A_389, %mul3A_1224 : i32
      %add3A_1226 = arith.constant 22 : i32
      %add3A_1227 = arith.addi %mul3A_1225, %add3A_1226 : i32
      %dma_wait3A_1228 = arith.constant 22 : i32
      %dma_wait3A_1229 = arith.constant 0 : i32
      %dma_wait3A_1230 = arith.constant 0 : i32
      %dma_wait3A_1231 = tpu.memref_slice %arg8[%dma_wait3A_1228, %dma_wait3A_1229, %dma_wait3A_1230] : memref<25x80x16xf32, #tpu.memory_space<vmem>> -> memref<1x80x16xf32, #tpu.memory_space<vmem>>
      %dma_wait3A_1232 = tpu.memref_squeeze %dma_wait3A_1231 : memref<1x80x16xf32, #tpu.memory_space<vmem>> -> memref<80x16xf32, #tpu.memory_space<vmem>>
      %dma_wait3A_1233 = arith.constant 0 : i32
      %dma_wait3A_1234 = tpu.memref_slice %arg6[%add3A_1227, %dma_wait3A_1233] : memref<125x80xi32, #tpu.memory_space<vmem>> -> memref<1x80xi32, #tpu.memory_space<vmem>>
      %dma_wait3A_1235 = tpu.memref_squeeze %dma_wait3A_1234 : memref<1x80xi32, #tpu.memory_space<vmem>> -> memref<80xi32, #tpu.memory_space<vmem>>
      %dma_wait3A_1236 = arith.constant 0 : i32
      %dma_wait3A_1237 = arith.constant 0 : i32
      %dma_wait3A_1238 = tpu.memref_slice %arg13[%dma_wait3A_1236, %dma_wait3A_1237] : memref<10240x16xf32, #tpu.memory_space<vmem_shared>> -> memref<10240x16xf32, #tpu.memory_space<vmem_shared>>
      tpu.wait_indirect_dma semaphore(%arg15 : memref<!tpu.dma_semaphore, #tpu.memory_space<semaphore_mem>>) src(%dma_wait3A_1238 : memref<10240x16xf32, #tpu.memory_space<vmem_shared>>) dst(%dma_wait3A_1232 : memref<80x16xf32, #tpu.memory_space<vmem>>)
      %dma_start3A_1239 = arith.constant 22 : i32
      %dma_start3A_1240 = arith.constant 0 : i32
      %dma_start3A_1241 = arith.constant 0 : i32
      %dma_start3A_1242 = tpu.memref_slice %arg8[%dma_start3A_1239, %dma_start3A_1240, %dma_start3A_1241] : memref<25x80x16xf32, #tpu.memory_space<vmem>> -> memref<1x80x16xf32, #tpu.memory_space<vmem>>
      %dma_start3A_1243 = tpu.memref_squeeze %dma_start3A_1242 : memref<1x80x16xf32, #tpu.memory_space<vmem>> -> memref<80x16xf32, #tpu.memory_space<vmem>>
      %dma_start3A_1244 = arith.constant 0 : i32
      %dma_start3A_1245 = tpu.memref_slice %arg7[%add3A_1227, %dma_start3A_1244] : memref<125x80xi32, #tpu.memory_space<vmem>> -> memref<1x80xi32, #tpu.memory_space<vmem>>
      %dma_start3A_1246 = tpu.memref_squeeze %dma_start3A_1245 : memref<1x80xi32, #tpu.memory_space<vmem>> -> memref<80xi32, #tpu.memory_space<vmem>>
      %dma_start3A_1247 = arith.constant 0 : i32
      %dma_start3A_1248 = arith.constant 0 : i32
      %dma_start3A_1249 = tpu.memref_slice %arg14[%dma_start3A_1247, %dma_start3A_1248] : memref<10240x16xf32, #tpu.memory_space<vmem_shared>> -> memref<10240x16xf32, #tpu.memory_space<vmem_shared>>
      tpu.enqueue_indirect_dma source(%dma_start3A_1243 : memref<80x16xf32, #tpu.memory_space<vmem>>) target(%dma_start3A_1249 : memref<10240x16xf32, #tpu.memory_space<vmem_shared>>) offsets(%dma_start3A_1246 : memref<80xi32, #tpu.memory_space<vmem>>) semaphore(%arg16 : memref<!tpu.dma_semaphore, #tpu.memory_space<semaphore_mem>>) {add = true}
      %ge3A_1250 = arith.constant 12 : i32
      %ge3A_1251 = arith.cmpi sge, %add3A_1227, %ge3A_1250 : i32
      %convert_element_type3A_1252 = arith.extui %ge3A_1251 : i1 to i32
      %cond3A_1253 = arith.constant 0 : i32
      %cond3A_1254 = arith.cmpi ne, %convert_element_type3A_1252, %cond3A_1253 : i32
      scf.if %cond3A_1254 {
        %sub3A = arith.constant 12 : i32
        %sub3A_1338 = arith.subi %add3A_1227, %sub3A : i32
        %dma_wait3A_1339 = arith.constant 10 : i32
        %dma_wait3A_1340 = arith.constant 0 : i32
        %dma_wait3A_1341 = arith.constant 0 : i32
        %dma_wait3A_1342 = tpu.memref_slice %arg8[%dma_wait3A_1339, %dma_wait3A_1340, %dma_wait3A_1341] : memref<25x80x16xf32, #tpu.memory_space<vmem>> -> memref<1x80x16xf32, #tpu.memory_space<vmem>>
        %dma_wait3A_1343 = tpu.memref_squeeze %dma_wait3A_1342 : memref<1x80x16xf32, #tpu.memory_space<vmem>> -> memref<80x16xf32, #tpu.memory_space<vmem>>
        %dma_wait3A_1344 = arith.constant 0 : i32
        %dma_wait3A_1345 = tpu.memref_slice %arg7[%sub3A_1338, %dma_wait3A_1344] : memref<125x80xi32, #tpu.memory_space<vmem>> -> memref<1x80xi32, #tpu.memory_space<vmem>>
        %dma_wait3A_1346 = tpu.memref_squeeze %dma_wait3A_1345 : memref<1x80xi32, #tpu.memory_space<vmem>> -> memref<80xi32, #tpu.memory_space<vmem>>
        %dma_wait3A_1347 = arith.constant 0 : i32
        %dma_wait3A_1348 = arith.constant 0 : i32
        %dma_wait3A_1349 = tpu.memref_slice %arg14[%dma_wait3A_1347, %dma_wait3A_1348] : memref<10240x16xf32, #tpu.memory_space<vmem_shared>> -> memref<10240x16xf32, #tpu.memory_space<vmem_shared>>
        tpu.wait_indirect_dma semaphore(%arg16 : memref<!tpu.dma_semaphore, #tpu.memory_space<semaphore_mem>>) src(%dma_wait3A_1343 : memref<80x16xf32, #tpu.memory_space<vmem>>) dst(%dma_wait3A_1349 : memref<10240x16xf32, #tpu.memory_space<vmem_shared>>)
      } else {
      }
      %add3A_1255 = arith.constant 13 : i32
      %add3A_1256 = arith.addi %add3A_1227, %add3A_1255 : i32
      %lt3A_1257 = arith.constant 125 : i32
      %lt3A_1258 = arith.cmpi slt, %add3A_1256, %lt3A_1257 : i32
      %convert_element_type3A_1259 = arith.extui %lt3A_1258 : i1 to i32
      %cond3A_1260 = arith.constant 0 : i32
      %cond3A_1261 = arith.cmpi ne, %convert_element_type3A_1259, %cond3A_1260 : i32
      scf.if %cond3A_1261 {
        %add3A_1338 = arith.constant 13 : i32
        %add3A_1339 = arith.addi %add3A_1227, %add3A_1338 : i32
        %dma_start3A_1340 = arith.constant 10 : i32
        %dma_start3A_1341 = arith.constant 0 : i32
        %dma_start3A_1342 = arith.constant 0 : i32
        %dma_start3A_1343 = tpu.memref_slice %arg8[%dma_start3A_1340, %dma_start3A_1341, %dma_start3A_1342] : memref<25x80x16xf32, #tpu.memory_space<vmem>> -> memref<1x80x16xf32, #tpu.memory_space<vmem>>
        %dma_start3A_1344 = tpu.memref_squeeze %dma_start3A_1343 : memref<1x80x16xf32, #tpu.memory_space<vmem>> -> memref<80x16xf32, #tpu.memory_space<vmem>>
        %dma_start3A_1345 = arith.constant 0 : i32
        %dma_start3A_1346 = tpu.memref_slice %arg6[%add3A_1339, %dma_start3A_1345] : memref<125x80xi32, #tpu.memory_space<vmem>> -> memref<1x80xi32, #tpu.memory_space<vmem>>
        %dma_start3A_1347 = tpu.memref_squeeze %dma_start3A_1346 : memref<1x80xi32, #tpu.memory_space<vmem>> -> memref<80xi32, #tpu.memory_space<vmem>>
        %dma_start3A_1348 = arith.constant 0 : i32
        %dma_start3A_1349 = arith.constant 0 : i32
        %dma_start3A_1350 = tpu.memref_slice %arg13[%dma_start3A_1348, %dma_start3A_1349] : memref<10240x16xf32, #tpu.memory_space<vmem_shared>> -> memref<10240x16xf32, #tpu.memory_space<vmem_shared>>
        tpu.enqueue_indirect_dma source(%dma_start3A_1350 : memref<10240x16xf32, #tpu.memory_space<vmem_shared>>) target(%dma_start3A_1344 : memref<80x16xf32, #tpu.memory_space<vmem>>) offsets(%dma_start3A_1347 : memref<80xi32, #tpu.memory_space<vmem>>) semaphore(%arg15 : memref<!tpu.dma_semaphore, #tpu.memory_space<semaphore_mem>>)
      } else {
      }
      %mul3A_1262 = arith.constant 25 : i32
      %mul3A_1263 = arith.muli %add3A_389, %mul3A_1262 : i32
      %add3A_1264 = arith.constant 23 : i32
      %add3A_1265 = arith.addi %mul3A_1263, %add3A_1264 : i32
      %dma_wait3A_1266 = arith.constant 23 : i32
      %dma_wait3A_1267 = arith.constant 0 : i32
      %dma_wait3A_1268 = arith.constant 0 : i32
      %dma_wait3A_1269 = tpu.memref_slice %arg8[%dma_wait3A_1266, %dma_wait3A_1267, %dma_wait3A_1268] : memref<25x80x16xf32, #tpu.memory_space<vmem>> -> memref<1x80x16xf32, #tpu.memory_space<vmem>>
      %dma_wait3A_1270 = tpu.memref_squeeze %dma_wait3A_1269 : memref<1x80x16xf32, #tpu.memory_space<vmem>> -> memref<80x16xf32, #tpu.memory_space<vmem>>
      %dma_wait3A_1271 = arith.constant 0 : i32
      %dma_wait3A_1272 = tpu.memref_slice %arg6[%add3A_1265, %dma_wait3A_1271] : memref<125x80xi32, #tpu.memory_space<vmem>> -> memref<1x80xi32, #tpu.memory_space<vmem>>
      %dma_wait3A_1273 = tpu.memref_squeeze %dma_wait3A_1272 : memref<1x80xi32, #tpu.memory_space<vmem>> -> memref<80xi32, #tpu.memory_space<vmem>>
      %dma_wait3A_1274 = arith.constant 0 : i32
      %dma_wait3A_1275 = arith.constant 0 : i32
      %dma_wait3A_1276 = tpu.memref_slice %arg13[%dma_wait3A_1274, %dma_wait3A_1275] : memref<10240x16xf32, #tpu.memory_space<vmem_shared>> -> memref<10240x16xf32, #tpu.memory_space<vmem_shared>>
      tpu.wait_indirect_dma semaphore(%arg15 : memref<!tpu.dma_semaphore, #tpu.memory_space<semaphore_mem>>) src(%dma_wait3A_1276 : memref<10240x16xf32, #tpu.memory_space<vmem_shared>>) dst(%dma_wait3A_1270 : memref<80x16xf32, #tpu.memory_space<vmem>>)
      %dma_start3A_1277 = arith.constant 23 : i32
      %dma_start3A_1278 = arith.constant 0 : i32
      %dma_start3A_1279 = arith.constant 0 : i32
      %dma_start3A_1280 = tpu.memref_slice %arg8[%dma_start3A_1277, %dma_start3A_1278, %dma_start3A_1279] : memref<25x80x16xf32, #tpu.memory_space<vmem>> -> memref<1x80x16xf32, #tpu.memory_space<vmem>>
      %dma_start3A_1281 = tpu.memref_squeeze %dma_start3A_1280 : memref<1x80x16xf32, #tpu.memory_space<vmem>> -> memref<80x16xf32, #tpu.memory_space<vmem>>
      %dma_start3A_1282 = arith.constant 0 : i32
      %dma_start3A_1283 = tpu.memref_slice %arg7[%add3A_1265, %dma_start3A_1282] : memref<125x80xi32, #tpu.memory_space<vmem>> -> memref<1x80xi32, #tpu.memory_space<vmem>>
      %dma_start3A_1284 = tpu.memref_squeeze %dma_start3A_1283 : memref<1x80xi32, #tpu.memory_space<vmem>> -> memref<80xi32, #tpu.memory_space<vmem>>
      %dma_start3A_1285 = arith.constant 0 : i32
      %dma_start3A_1286 = arith.constant 0 : i32
      %dma_start3A_1287 = tpu.memref_slice %arg14[%dma_start3A_1285, %dma_start3A_1286] : memref<10240x16xf32, #tpu.memory_space<vmem_shared>> -> memref<10240x16xf32, #tpu.memory_space<vmem_shared>>
      tpu.enqueue_indirect_dma source(%dma_start3A_1281 : memref<80x16xf32, #tpu.memory_space<vmem>>) target(%dma_start3A_1287 : memref<10240x16xf32, #tpu.memory_space<vmem_shared>>) offsets(%dma_start3A_1284 : memref<80xi32, #tpu.memory_space<vmem>>) semaphore(%arg16 : memref<!tpu.dma_semaphore, #tpu.memory_space<semaphore_mem>>) {add = true}
      %ge3A_1288 = arith.constant 12 : i32
      %ge3A_1289 = arith.cmpi sge, %add3A_1265, %ge3A_1288 : i32
      %convert_element_type3A_1290 = arith.extui %ge3A_1289 : i1 to i32
      %cond3A_1291 = arith.constant 0 : i32
      %cond3A_1292 = arith.cmpi ne, %convert_element_type3A_1290, %cond3A_1291 : i32
      scf.if %cond3A_1292 {
        %sub3A = arith.constant 12 : i32
        %sub3A_1338 = arith.subi %add3A_1265, %sub3A : i32
        %dma_wait3A_1339 = arith.constant 11 : i32
        %dma_wait3A_1340 = arith.constant 0 : i32
        %dma_wait3A_1341 = arith.constant 0 : i32
        %dma_wait3A_1342 = tpu.memref_slice %arg8[%dma_wait3A_1339, %dma_wait3A_1340, %dma_wait3A_1341] : memref<25x80x16xf32, #tpu.memory_space<vmem>> -> memref<1x80x16xf32, #tpu.memory_space<vmem>>
        %dma_wait3A_1343 = tpu.memref_squeeze %dma_wait3A_1342 : memref<1x80x16xf32, #tpu.memory_space<vmem>> -> memref<80x16xf32, #tpu.memory_space<vmem>>
        %dma_wait3A_1344 = arith.constant 0 : i32
        %dma_wait3A_1345 = tpu.memref_slice %arg7[%sub3A_1338, %dma_wait3A_1344] : memref<125x80xi32, #tpu.memory_space<vmem>> -> memref<1x80xi32, #tpu.memory_space<vmem>>
        %dma_wait3A_1346 = tpu.memref_squeeze %dma_wait3A_1345 : memref<1x80xi32, #tpu.memory_space<vmem>> -> memref<80xi32, #tpu.memory_space<vmem>>
        %dma_wait3A_1347 = arith.constant 0 : i32
        %dma_wait3A_1348 = arith.constant 0 : i32
        %dma_wait3A_1349 = tpu.memref_slice %arg14[%dma_wait3A_1347, %dma_wait3A_1348] : memref<10240x16xf32, #tpu.memory_space<vmem_shared>> -> memref<10240x16xf32, #tpu.memory_space<vmem_shared>>
        tpu.wait_indirect_dma semaphore(%arg16 : memref<!tpu.dma_semaphore, #tpu.memory_space<semaphore_mem>>) src(%dma_wait3A_1343 : memref<80x16xf32, #tpu.memory_space<vmem>>) dst(%dma_wait3A_1349 : memref<10240x16xf32, #tpu.memory_space<vmem_shared>>)
      } else {
      }
      %add3A_1293 = arith.constant 13 : i32
      %add3A_1294 = arith.addi %add3A_1265, %add3A_1293 : i32
      %lt3A_1295 = arith.constant 125 : i32
      %lt3A_1296 = arith.cmpi slt, %add3A_1294, %lt3A_1295 : i32
      %convert_element_type3A_1297 = arith.extui %lt3A_1296 : i1 to i32
      %cond3A_1298 = arith.constant 0 : i32
      %cond3A_1299 = arith.cmpi ne, %convert_element_type3A_1297, %cond3A_1298 : i32
      scf.if %cond3A_1299 {
        %add3A_1338 = arith.constant 13 : i32
        %add3A_1339 = arith.addi %add3A_1265, %add3A_1338 : i32
        %dma_start3A_1340 = arith.constant 11 : i32
        %dma_start3A_1341 = arith.constant 0 : i32
        %dma_start3A_1342 = arith.constant 0 : i32
        %dma_start3A_1343 = tpu.memref_slice %arg8[%dma_start3A_1340, %dma_start3A_1341, %dma_start3A_1342] : memref<25x80x16xf32, #tpu.memory_space<vmem>> -> memref<1x80x16xf32, #tpu.memory_space<vmem>>
        %dma_start3A_1344 = tpu.memref_squeeze %dma_start3A_1343 : memref<1x80x16xf32, #tpu.memory_space<vmem>> -> memref<80x16xf32, #tpu.memory_space<vmem>>
        %dma_start3A_1345 = arith.constant 0 : i32
        %dma_start3A_1346 = tpu.memref_slice %arg6[%add3A_1339, %dma_start3A_1345] : memref<125x80xi32, #tpu.memory_space<vmem>> -> memref<1x80xi32, #tpu.memory_space<vmem>>
        %dma_start3A_1347 = tpu.memref_squeeze %dma_start3A_1346 : memref<1x80xi32, #tpu.memory_space<vmem>> -> memref<80xi32, #tpu.memory_space<vmem>>
        %dma_start3A_1348 = arith.constant 0 : i32
        %dma_start3A_1349 = arith.constant 0 : i32
        %dma_start3A_1350 = tpu.memref_slice %arg13[%dma_start3A_1348, %dma_start3A_1349] : memref<10240x16xf32, #tpu.memory_space<vmem_shared>> -> memref<10240x16xf32, #tpu.memory_space<vmem_shared>>
        tpu.enqueue_indirect_dma source(%dma_start3A_1350 : memref<10240x16xf32, #tpu.memory_space<vmem_shared>>) target(%dma_start3A_1344 : memref<80x16xf32, #tpu.memory_space<vmem>>) offsets(%dma_start3A_1347 : memref<80xi32, #tpu.memory_space<vmem>>) semaphore(%arg15 : memref<!tpu.dma_semaphore, #tpu.memory_space<semaphore_mem>>)
      } else {
      }
      %mul3A_1300 = arith.constant 25 : i32
      %mul3A_1301 = arith.muli %add3A_389, %mul3A_1300 : i32
      %add3A_1302 = arith.constant 24 : i32
      %add3A_1303 = arith.addi %mul3A_1301, %add3A_1302 : i32
      %dma_wait3A_1304 = arith.constant 24 : i32
      %dma_wait3A_1305 = arith.constant 0 : i32
      %dma_wait3A_1306 = arith.constant 0 : i32
      %dma_wait3A_1307 = tpu.memref_slice %arg8[%dma_wait3A_1304, %dma_wait3A_1305, %dma_wait3A_1306] : memref<25x80x16xf32, #tpu.memory_space<vmem>> -> memref<1x80x16xf32, #tpu.memory_space<vmem>>
      %dma_wait3A_1308 = tpu.memref_squeeze %dma_wait3A_1307 : memref<1x80x16xf32, #tpu.memory_space<vmem>> -> memref<80x16xf32, #tpu.memory_space<vmem>>
      %dma_wait3A_1309 = arith.constant 0 : i32
      %dma_wait3A_1310 = tpu.memref_slice %arg6[%add3A_1303, %dma_wait3A_1309] : memref<125x80xi32, #tpu.memory_space<vmem>> -> memref<1x80xi32, #tpu.memory_space<vmem>>
      %dma_wait3A_1311 = tpu.memref_squeeze %dma_wait3A_1310 : memref<1x80xi32, #tpu.memory_space<vmem>> -> memref<80xi32, #tpu.memory_space<vmem>>
      %dma_wait3A_1312 = arith.constant 0 : i32
      %dma_wait3A_1313 = arith.constant 0 : i32
      %dma_wait3A_1314 = tpu.memref_slice %arg13[%dma_wait3A_1312, %dma_wait3A_1313] : memref<10240x16xf32, #tpu.memory_space<vmem_shared>> -> memref<10240x16xf32, #tpu.memory_space<vmem_shared>>
      tpu.wait_indirect_dma semaphore(%arg15 : memref<!tpu.dma_semaphore, #tpu.memory_space<semaphore_mem>>) src(%dma_wait3A_1314 : memref<10240x16xf32, #tpu.memory_space<vmem_shared>>) dst(%dma_wait3A_1308 : memref<80x16xf32, #tpu.memory_space<vmem>>)
      %dma_start3A_1315 = arith.constant 24 : i32
      %dma_start3A_1316 = arith.constant 0 : i32
      %dma_start3A_1317 = arith.constant 0 : i32
      %dma_start3A_1318 = tpu.memref_slice %arg8[%dma_start3A_1315, %dma_start3A_1316, %dma_start3A_1317] : memref<25x80x16xf32, #tpu.memory_space<vmem>> -> memref<1x80x16xf32, #tpu.memory_space<vmem>>
      %dma_start3A_1319 = tpu.memref_squeeze %dma_start3A_1318 : memref<1x80x16xf32, #tpu.memory_space<vmem>> -> memref<80x16xf32, #tpu.memory_space<vmem>>
      %dma_start3A_1320 = arith.constant 0 : i32
      %dma_start3A_1321 = tpu.memref_slice %arg7[%add3A_1303, %dma_start3A_1320] : memref<125x80xi32, #tpu.memory_space<vmem>> -> memref<1x80xi32, #tpu.memory_space<vmem>>
      %dma_start3A_1322 = tpu.memref_squeeze %dma_start3A_1321 : memref<1x80xi32, #tpu.memory_space<vmem>> -> memref<80xi32, #tpu.memory_space<vmem>>
      %dma_start3A_1323 = arith.constant 0 : i32
      %dma_start3A_1324 = arith.constant 0 : i32
      %dma_start3A_1325 = tpu.memref_slice %arg14[%dma_start3A_1323, %dma_start3A_1324] : memref<10240x16xf32, #tpu.memory_space<vmem_shared>> -> memref<10240x16xf32, #tpu.memory_space<vmem_shared>>
      tpu.enqueue_indirect_dma source(%dma_start3A_1319 : memref<80x16xf32, #tpu.memory_space<vmem>>) target(%dma_start3A_1325 : memref<10240x16xf32, #tpu.memory_space<vmem_shared>>) offsets(%dma_start3A_1322 : memref<80xi32, #tpu.memory_space<vmem>>) semaphore(%arg16 : memref<!tpu.dma_semaphore, #tpu.memory_space<semaphore_mem>>) {add = true}
      %ge3A_1326 = arith.constant 12 : i32
      %ge3A_1327 = arith.cmpi sge, %add3A_1303, %ge3A_1326 : i32
      %convert_element_type3A_1328 = arith.extui %ge3A_1327 : i1 to i32
      %cond3A_1329 = arith.constant 0 : i32
      %cond3A_1330 = arith.cmpi ne, %convert_element_type3A_1328, %cond3A_1329 : i32
      scf.if %cond3A_1330 {
        %sub3A = arith.constant 12 : i32
        %sub3A_1338 = arith.subi %add3A_1303, %sub3A : i32
        %dma_wait3A_1339 = arith.constant 12 : i32
        %dma_wait3A_1340 = arith.constant 0 : i32
        %dma_wait3A_1341 = arith.constant 0 : i32
        %dma_wait3A_1342 = tpu.memref_slice %arg8[%dma_wait3A_1339, %dma_wait3A_1340, %dma_wait3A_1341] : memref<25x80x16xf32, #tpu.memory_space<vmem>> -> memref<1x80x16xf32, #tpu.memory_space<vmem>>
        %dma_wait3A_1343 = tpu.memref_squeeze %dma_wait3A_1342 : memref<1x80x16xf32, #tpu.memory_space<vmem>> -> memref<80x16xf32, #tpu.memory_space<vmem>>
        %dma_wait3A_1344 = arith.constant 0 : i32
        %dma_wait3A_1345 = tpu.memref_slice %arg7[%sub3A_1338, %dma_wait3A_1344] : memref<125x80xi32, #tpu.memory_space<vmem>> -> memref<1x80xi32, #tpu.memory_space<vmem>>
        %dma_wait3A_1346 = tpu.memref_squeeze %dma_wait3A_1345 : memref<1x80xi32, #tpu.memory_space<vmem>> -> memref<80xi32, #tpu.memory_space<vmem>>
        %dma_wait3A_1347 = arith.constant 0 : i32
        %dma_wait3A_1348 = arith.constant 0 : i32
        %dma_wait3A_1349 = tpu.memref_slice %arg14[%dma_wait3A_1347, %dma_wait3A_1348] : memref<10240x16xf32, #tpu.memory_space<vmem_shared>> -> memref<10240x16xf32, #tpu.memory_space<vmem_shared>>
        tpu.wait_indirect_dma semaphore(%arg16 : memref<!tpu.dma_semaphore, #tpu.memory_space<semaphore_mem>>) src(%dma_wait3A_1343 : memref<80x16xf32, #tpu.memory_space<vmem>>) dst(%dma_wait3A_1349 : memref<10240x16xf32, #tpu.memory_space<vmem_shared>>)
      } else {
      }
      %add3A_1331 = arith.constant 13 : i32
      %add3A_1332 = arith.addi %add3A_1303, %add3A_1331 : i32
      %lt3A_1333 = arith.constant 125 : i32
      %lt3A_1334 = arith.cmpi slt, %add3A_1332, %lt3A_1333 : i32
      %convert_element_type3A_1335 = arith.extui %lt3A_1334 : i1 to i32
      %cond3A_1336 = arith.constant 0 : i32
      %cond3A_1337 = arith.cmpi ne, %convert_element_type3A_1335, %cond3A_1336 : i32
      scf.if %cond3A_1337 {
        %add3A_1338 = arith.constant 13 : i32
        %add3A_1339 = arith.addi %add3A_1303, %add3A_1338 : i32
        %dma_start3A_1340 = arith.constant 12 : i32
        %dma_start3A_1341 = arith.constant 0 : i32
        %dma_start3A_1342 = arith.constant 0 : i32
        %dma_start3A_1343 = tpu.memref_slice %arg8[%dma_start3A_1340, %dma_start3A_1341, %dma_start3A_1342] : memref<25x80x16xf32, #tpu.memory_space<vmem>> -> memref<1x80x16xf32, #tpu.memory_space<vmem>>
        %dma_start3A_1344 = tpu.memref_squeeze %dma_start3A_1343 : memref<1x80x16xf32, #tpu.memory_space<vmem>> -> memref<80x16xf32, #tpu.memory_space<vmem>>
        %dma_start3A_1345 = arith.constant 0 : i32
        %dma_start3A_1346 = tpu.memref_slice %arg6[%add3A_1339, %dma_start3A_1345] : memref<125x80xi32, #tpu.memory_space<vmem>> -> memref<1x80xi32, #tpu.memory_space<vmem>>
        %dma_start3A_1347 = tpu.memref_squeeze %dma_start3A_1346 : memref<1x80xi32, #tpu.memory_space<vmem>> -> memref<80xi32, #tpu.memory_space<vmem>>
        %dma_start3A_1348 = arith.constant 0 : i32
        %dma_start3A_1349 = arith.constant 0 : i32
        %dma_start3A_1350 = tpu.memref_slice %arg13[%dma_start3A_1348, %dma_start3A_1349] : memref<10240x16xf32, #tpu.memory_space<vmem_shared>> -> memref<10240x16xf32, #tpu.memory_space<vmem_shared>>
        tpu.enqueue_indirect_dma source(%dma_start3A_1350 : memref<10240x16xf32, #tpu.memory_space<vmem_shared>>) target(%dma_start3A_1344 : memref<80x16xf32, #tpu.memory_space<vmem>>) offsets(%dma_start3A_1347 : memref<80xi32, #tpu.memory_space<vmem>>) semaphore(%arg15 : memref<!tpu.dma_semaphore, #tpu.memory_space<semaphore_mem>>)
      } else {
      }
    }
    %scan3A_223 = arith.constant 5 : i32
    %dma_wait3A_224 = arith.constant 13 : i32
    %dma_wait3A_225 = arith.constant 113 : i32
    %dma_wait3A_226 = arith.constant 0 : i32
    %dma_wait3A_227 = arith.constant 0 : i32
    %dma_wait3A_228 = tpu.memref_slice %arg8[%dma_wait3A_224, %dma_wait3A_226, %dma_wait3A_227] : memref<25x80x16xf32, #tpu.memory_space<vmem>> -> memref<1x80x16xf32, #tpu.memory_space<vmem>>
    %dma_wait3A_229 = tpu.memref_squeeze %dma_wait3A_228 : memref<1x80x16xf32, #tpu.memory_space<vmem>> -> memref<80x16xf32, #tpu.memory_space<vmem>>
    %dma_wait3A_230 = arith.constant 0 : i32
    %dma_wait3A_231 = tpu.memref_slice %arg7[%dma_wait3A_225, %dma_wait3A_230] : memref<125x80xi32, #tpu.memory_space<vmem>> -> memref<1x80xi32, #tpu.memory_space<vmem>>
    %dma_wait3A_232 = tpu.memref_squeeze %dma_wait3A_231 : memref<1x80xi32, #tpu.memory_space<vmem>> -> memref<80xi32, #tpu.memory_space<vmem>>
    %dma_wait3A_233 = arith.constant 0 : i32
    %dma_wait3A_234 = arith.constant 0 : i32
    %dma_wait3A_235 = tpu.memref_slice %arg14[%dma_wait3A_233, %dma_wait3A_234] : memref<10240x16xf32, #tpu.memory_space<vmem_shared>> -> memref<10240x16xf32, #tpu.memory_space<vmem_shared>>
    tpu.wait_indirect_dma semaphore(%arg16 : memref<!tpu.dma_semaphore, #tpu.memory_space<semaphore_mem>>) src(%dma_wait3A_229 : memref<80x16xf32, #tpu.memory_space<vmem>>) dst(%dma_wait3A_235 : memref<10240x16xf32, #tpu.memory_space<vmem_shared>>)
    %dma_wait3A_236 = arith.constant 14 : i32
    %dma_wait3A_237 = arith.constant 114 : i32
    %dma_wait3A_238 = arith.constant 0 : i32
    %dma_wait3A_239 = arith.constant 0 : i32
    %dma_wait3A_240 = tpu.memref_slice %arg8[%dma_wait3A_236, %dma_wait3A_238, %dma_wait3A_239] : memref<25x80x16xf32, #tpu.memory_space<vmem>> -> memref<1x80x16xf32, #tpu.memory_space<vmem>>
    %dma_wait3A_241 = tpu.memref_squeeze %dma_wait3A_240 : memref<1x80x16xf32, #tpu.memory_space<vmem>> -> memref<80x16xf32, #tpu.memory_space<vmem>>
    %dma_wait3A_242 = arith.constant 0 : i32
    %dma_wait3A_243 = tpu.memref_slice %arg7[%dma_wait3A_237, %dma_wait3A_242] : memref<125x80xi32, #tpu.memory_space<vmem>> -> memref<1x80xi32, #tpu.memory_space<vmem>>
    %dma_wait3A_244 = tpu.memref_squeeze %dma_wait3A_243 : memref<1x80xi32, #tpu.memory_space<vmem>> -> memref<80xi32, #tpu.memory_space<vmem>>
    %dma_wait3A_245 = arith.constant 0 : i32
    %dma_wait3A_246 = arith.constant 0 : i32
    %dma_wait3A_247 = tpu.memref_slice %arg14[%dma_wait3A_245, %dma_wait3A_246] : memref<10240x16xf32, #tpu.memory_space<vmem_shared>> -> memref<10240x16xf32, #tpu.memory_space<vmem_shared>>
    tpu.wait_indirect_dma semaphore(%arg16 : memref<!tpu.dma_semaphore, #tpu.memory_space<semaphore_mem>>) src(%dma_wait3A_241 : memref<80x16xf32, #tpu.memory_space<vmem>>) dst(%dma_wait3A_247 : memref<10240x16xf32, #tpu.memory_space<vmem_shared>>)
    %dma_wait3A_248 = arith.constant 15 : i32
    %dma_wait3A_249 = arith.constant 115 : i32
    %dma_wait3A_250 = arith.constant 0 : i32
    %dma_wait3A_251 = arith.constant 0 : i32
    %dma_wait3A_252 = tpu.memref_slice %arg8[%dma_wait3A_248, %dma_wait3A_250, %dma_wait3A_251] : memref<25x80x16xf32, #tpu.memory_space<vmem>> -> memref<1x80x16xf32, #tpu.memory_space<vmem>>
    %dma_wait3A_253 = tpu.memref_squeeze %dma_wait3A_252 : memref<1x80x16xf32, #tpu.memory_space<vmem>> -> memref<80x16xf32, #tpu.memory_space<vmem>>
    %dma_wait3A_254 = arith.constant 0 : i32
    %dma_wait3A_255 = tpu.memref_slice %arg7[%dma_wait3A_249, %dma_wait3A_254] : memref<125x80xi32, #tpu.memory_space<vmem>> -> memref<1x80xi32, #tpu.memory_space<vmem>>
    %dma_wait3A_256 = tpu.memref_squeeze %dma_wait3A_255 : memref<1x80xi32, #tpu.memory_space<vmem>> -> memref<80xi32, #tpu.memory_space<vmem>>
    %dma_wait3A_257 = arith.constant 0 : i32
    %dma_wait3A_258 = arith.constant 0 : i32
    %dma_wait3A_259 = tpu.memref_slice %arg14[%dma_wait3A_257, %dma_wait3A_258] : memref<10240x16xf32, #tpu.memory_space<vmem_shared>> -> memref<10240x16xf32, #tpu.memory_space<vmem_shared>>
    tpu.wait_indirect_dma semaphore(%arg16 : memref<!tpu.dma_semaphore, #tpu.memory_space<semaphore_mem>>) src(%dma_wait3A_253 : memref<80x16xf32, #tpu.memory_space<vmem>>) dst(%dma_wait3A_259 : memref<10240x16xf32, #tpu.memory_space<vmem_shared>>)
    %dma_wait3A_260 = arith.constant 16 : i32
    %dma_wait3A_261 = arith.constant 116 : i32
    %dma_wait3A_262 = arith.constant 0 : i32
    %dma_wait3A_263 = arith.constant 0 : i32
    %dma_wait3A_264 = tpu.memref_slice %arg8[%dma_wait3A_260, %dma_wait3A_262, %dma_wait3A_263] : memref<25x80x16xf32, #tpu.memory_space<vmem>> -> memref<1x80x16xf32, #tpu.memory_space<vmem>>
    %dma_wait3A_265 = tpu.memref_squeeze %dma_wait3A_264 : memref<1x80x16xf32, #tpu.memory_space<vmem>> -> memref<80x16xf32, #tpu.memory_space<vmem>>
    %dma_wait3A_266 = arith.constant 0 : i32
    %dma_wait3A_267 = tpu.memref_slice %arg7[%dma_wait3A_261, %dma_wait3A_266] : memref<125x80xi32, #tpu.memory_space<vmem>> -> memref<1x80xi32, #tpu.memory_space<vmem>>
    %dma_wait3A_268 = tpu.memref_squeeze %dma_wait3A_267 : memref<1x80xi32, #tpu.memory_space<vmem>> -> memref<80xi32, #tpu.memory_space<vmem>>
    %dma_wait3A_269 = arith.constant 0 : i32
    %dma_wait3A_270 = arith.constant 0 : i32
    %dma_wait3A_271 = tpu.memref_slice %arg14[%dma_wait3A_269, %dma_wait3A_270] : memref<10240x16xf32, #tpu.memory_space<vmem_shared>> -> memref<10240x16xf32, #tpu.memory_space<vmem_shared>>
    tpu.wait_indirect_dma semaphore(%arg16 : memref<!tpu.dma_semaphore, #tpu.memory_space<semaphore_mem>>) src(%dma_wait3A_265 : memref<80x16xf32, #tpu.memory_space<vmem>>) dst(%dma_wait3A_271 : memref<10240x16xf32, #tpu.memory_space<vmem_shared>>)
    %dma_wait3A_272 = arith.constant 17 : i32
    %dma_wait3A_273 = arith.constant 117 : i32
    %dma_wait3A_274 = arith.constant 0 : i32
    %dma_wait3A_275 = arith.constant 0 : i32
    %dma_wait3A_276 = tpu.memref_slice %arg8[%dma_wait3A_272, %dma_wait3A_274, %dma_wait3A_275] : memref<25x80x16xf32, #tpu.memory_space<vmem>> -> memref<1x80x16xf32, #tpu.memory_space<vmem>>
    %dma_wait3A_277 = tpu.memref_squeeze %dma_wait3A_276 : memref<1x80x16xf32, #tpu.memory_space<vmem>> -> memref<80x16xf32, #tpu.memory_space<vmem>>
    %dma_wait3A_278 = arith.constant 0 : i32
    %dma_wait3A_279 = tpu.memref_slice %arg7[%dma_wait3A_273, %dma_wait3A_278] : memref<125x80xi32, #tpu.memory_space<vmem>> -> memref<1x80xi32, #tpu.memory_space<vmem>>
    %dma_wait3A_280 = tpu.memref_squeeze %dma_wait3A_279 : memref<1x80xi32, #tpu.memory_space<vmem>> -> memref<80xi32, #tpu.memory_space<vmem>>
    %dma_wait3A_281 = arith.constant 0 : i32
    %dma_wait3A_282 = arith.constant 0 : i32
    %dma_wait3A_283 = tpu.memref_slice %arg14[%dma_wait3A_281, %dma_wait3A_282] : memref<10240x16xf32, #tpu.memory_space<vmem_shared>> -> memref<10240x16xf32, #tpu.memory_space<vmem_shared>>
    tpu.wait_indirect_dma semaphore(%arg16 : memref<!tpu.dma_semaphore, #tpu.memory_space<semaphore_mem>>) src(%dma_wait3A_277 : memref<80x16xf32, #tpu.memory_space<vmem>>) dst(%dma_wait3A_283 : memref<10240x16xf32, #tpu.memory_space<vmem_shared>>)
    %dma_wait3A_284 = arith.constant 18 : i32
    %dma_wait3A_285 = arith.constant 118 : i32
    %dma_wait3A_286 = arith.constant 0 : i32
    %dma_wait3A_287 = arith.constant 0 : i32
    %dma_wait3A_288 = tpu.memref_slice %arg8[%dma_wait3A_284, %dma_wait3A_286, %dma_wait3A_287] : memref<25x80x16xf32, #tpu.memory_space<vmem>> -> memref<1x80x16xf32, #tpu.memory_space<vmem>>
    %dma_wait3A_289 = tpu.memref_squeeze %dma_wait3A_288 : memref<1x80x16xf32, #tpu.memory_space<vmem>> -> memref<80x16xf32, #tpu.memory_space<vmem>>
    %dma_wait3A_290 = arith.constant 0 : i32
    %dma_wait3A_291 = tpu.memref_slice %arg7[%dma_wait3A_285, %dma_wait3A_290] : memref<125x80xi32, #tpu.memory_space<vmem>> -> memref<1x80xi32, #tpu.memory_space<vmem>>
    %dma_wait3A_292 = tpu.memref_squeeze %dma_wait3A_291 : memref<1x80xi32, #tpu.memory_space<vmem>> -> memref<80xi32, #tpu.memory_space<vmem>>
    %dma_wait3A_293 = arith.constant 0 : i32
    %dma_wait3A_294 = arith.constant 0 : i32
    %dma_wait3A_295 = tpu.memref_slice %arg14[%dma_wait3A_293, %dma_wait3A_294] : memref<10240x16xf32, #tpu.memory_space<vmem_shared>> -> memref<10240x16xf32, #tpu.memory_space<vmem_shared>>
    tpu.wait_indirect_dma semaphore(%arg16 : memref<!tpu.dma_semaphore, #tpu.memory_space<semaphore_mem>>) src(%dma_wait3A_289 : memref<80x16xf32, #tpu.memory_space<vmem>>) dst(%dma_wait3A_295 : memref<10240x16xf32, #tpu.memory_space<vmem_shared>>)
    %dma_wait3A_296 = arith.constant 19 : i32
    %dma_wait3A_297 = arith.constant 119 : i32
    %dma_wait3A_298 = arith.constant 0 : i32
    %dma_wait3A_299 = arith.constant 0 : i32
    %dma_wait3A_300 = tpu.memref_slice %arg8[%dma_wait3A_296, %dma_wait3A_298, %dma_wait3A_299] : memref<25x80x16xf32, #tpu.memory_space<vmem>> -> memref<1x80x16xf32, #tpu.memory_space<vmem>>
    %dma_wait3A_301 = tpu.memref_squeeze %dma_wait3A_300 : memref<1x80x16xf32, #tpu.memory_space<vmem>> -> memref<80x16xf32, #tpu.memory_space<vmem>>
    %dma_wait3A_302 = arith.constant 0 : i32
    %dma_wait3A_303 = tpu.memref_slice %arg7[%dma_wait3A_297, %dma_wait3A_302] : memref<125x80xi32, #tpu.memory_space<vmem>> -> memref<1x80xi32, #tpu.memory_space<vmem>>
    %dma_wait3A_304 = tpu.memref_squeeze %dma_wait3A_303 : memref<1x80xi32, #tpu.memory_space<vmem>> -> memref<80xi32, #tpu.memory_space<vmem>>
    %dma_wait3A_305 = arith.constant 0 : i32
    %dma_wait3A_306 = arith.constant 0 : i32
    %dma_wait3A_307 = tpu.memref_slice %arg14[%dma_wait3A_305, %dma_wait3A_306] : memref<10240x16xf32, #tpu.memory_space<vmem_shared>> -> memref<10240x16xf32, #tpu.memory_space<vmem_shared>>
    tpu.wait_indirect_dma semaphore(%arg16 : memref<!tpu.dma_semaphore, #tpu.memory_space<semaphore_mem>>) src(%dma_wait3A_301 : memref<80x16xf32, #tpu.memory_space<vmem>>) dst(%dma_wait3A_307 : memref<10240x16xf32, #tpu.memory_space<vmem_shared>>)
    %dma_wait3A_308 = arith.constant 20 : i32
    %dma_wait3A_309 = arith.constant 120 : i32
    %dma_wait3A_310 = arith.constant 0 : i32
    %dma_wait3A_311 = arith.constant 0 : i32
    %dma_wait3A_312 = tpu.memref_slice %arg8[%dma_wait3A_308, %dma_wait3A_310, %dma_wait3A_311] : memref<25x80x16xf32, #tpu.memory_space<vmem>> -> memref<1x80x16xf32, #tpu.memory_space<vmem>>
    %dma_wait3A_313 = tpu.memref_squeeze %dma_wait3A_312 : memref<1x80x16xf32, #tpu.memory_space<vmem>> -> memref<80x16xf32, #tpu.memory_space<vmem>>
    %dma_wait3A_314 = arith.constant 0 : i32
    %dma_wait3A_315 = tpu.memref_slice %arg7[%dma_wait3A_309, %dma_wait3A_314] : memref<125x80xi32, #tpu.memory_space<vmem>> -> memref<1x80xi32, #tpu.memory_space<vmem>>
    %dma_wait3A_316 = tpu.memref_squeeze %dma_wait3A_315 : memref<1x80xi32, #tpu.memory_space<vmem>> -> memref<80xi32, #tpu.memory_space<vmem>>
    %dma_wait3A_317 = arith.constant 0 : i32
    %dma_wait3A_318 = arith.constant 0 : i32
    %dma_wait3A_319 = tpu.memref_slice %arg14[%dma_wait3A_317, %dma_wait3A_318] : memref<10240x16xf32, #tpu.memory_space<vmem_shared>> -> memref<10240x16xf32, #tpu.memory_space<vmem_shared>>
    tpu.wait_indirect_dma semaphore(%arg16 : memref<!tpu.dma_semaphore, #tpu.memory_space<semaphore_mem>>) src(%dma_wait3A_313 : memref<80x16xf32, #tpu.memory_space<vmem>>) dst(%dma_wait3A_319 : memref<10240x16xf32, #tpu.memory_space<vmem_shared>>)
    %dma_wait3A_320 = arith.constant 21 : i32
    %dma_wait3A_321 = arith.constant 121 : i32
    %dma_wait3A_322 = arith.constant 0 : i32
    %dma_wait3A_323 = arith.constant 0 : i32
    %dma_wait3A_324 = tpu.memref_slice %arg8[%dma_wait3A_320, %dma_wait3A_322, %dma_wait3A_323] : memref<25x80x16xf32, #tpu.memory_space<vmem>> -> memref<1x80x16xf32, #tpu.memory_space<vmem>>
    %dma_wait3A_325 = tpu.memref_squeeze %dma_wait3A_324 : memref<1x80x16xf32, #tpu.memory_space<vmem>> -> memref<80x16xf32, #tpu.memory_space<vmem>>
    %dma_wait3A_326 = arith.constant 0 : i32
    %dma_wait3A_327 = tpu.memref_slice %arg7[%dma_wait3A_321, %dma_wait3A_326] : memref<125x80xi32, #tpu.memory_space<vmem>> -> memref<1x80xi32, #tpu.memory_space<vmem>>
    %dma_wait3A_328 = tpu.memref_squeeze %dma_wait3A_327 : memref<1x80xi32, #tpu.memory_space<vmem>> -> memref<80xi32, #tpu.memory_space<vmem>>
    %dma_wait3A_329 = arith.constant 0 : i32
    %dma_wait3A_330 = arith.constant 0 : i32
    %dma_wait3A_331 = tpu.memref_slice %arg14[%dma_wait3A_329, %dma_wait3A_330] : memref<10240x16xf32, #tpu.memory_space<vmem_shared>> -> memref<10240x16xf32, #tpu.memory_space<vmem_shared>>
    tpu.wait_indirect_dma semaphore(%arg16 : memref<!tpu.dma_semaphore, #tpu.memory_space<semaphore_mem>>) src(%dma_wait3A_325 : memref<80x16xf32, #tpu.memory_space<vmem>>) dst(%dma_wait3A_331 : memref<10240x16xf32, #tpu.memory_space<vmem_shared>>)
    %dma_wait3A_332 = arith.constant 22 : i32
    %dma_wait3A_333 = arith.constant 122 : i32
    %dma_wait3A_334 = arith.constant 0 : i32
    %dma_wait3A_335 = arith.constant 0 : i32
    %dma_wait3A_336 = tpu.memref_slice %arg8[%dma_wait3A_332, %dma_wait3A_334, %dma_wait3A_335] : memref<25x80x16xf32, #tpu.memory_space<vmem>> -> memref<1x80x16xf32, #tpu.memory_space<vmem>>
    %dma_wait3A_337 = tpu.memref_squeeze %dma_wait3A_336 : memref<1x80x16xf32, #tpu.memory_space<vmem>> -> memref<80x16xf32, #tpu.memory_space<vmem>>
    %dma_wait3A_338 = arith.constant 0 : i32
    %dma_wait3A_339 = tpu.memref_slice %arg7[%dma_wait3A_333, %dma_wait3A_338] : memref<125x80xi32, #tpu.memory_space<vmem>> -> memref<1x80xi32, #tpu.memory_space<vmem>>
    %dma_wait3A_340 = tpu.memref_squeeze %dma_wait3A_339 : memref<1x80xi32, #tpu.memory_space<vmem>> -> memref<80xi32, #tpu.memory_space<vmem>>
    %dma_wait3A_341 = arith.constant 0 : i32
    %dma_wait3A_342 = arith.constant 0 : i32
    %dma_wait3A_343 = tpu.memref_slice %arg14[%dma_wait3A_341, %dma_wait3A_342] : memref<10240x16xf32, #tpu.memory_space<vmem_shared>> -> memref<10240x16xf32, #tpu.memory_space<vmem_shared>>
    tpu.wait_indirect_dma semaphore(%arg16 : memref<!tpu.dma_semaphore, #tpu.memory_space<semaphore_mem>>) src(%dma_wait3A_337 : memref<80x16xf32, #tpu.memory_space<vmem>>) dst(%dma_wait3A_343 : memref<10240x16xf32, #tpu.memory_space<vmem_shared>>)
    %dma_wait3A_344 = arith.constant 23 : i32
    %dma_wait3A_345 = arith.constant 123 : i32
    %dma_wait3A_346 = arith.constant 0 : i32
    %dma_wait3A_347 = arith.constant 0 : i32
    %dma_wait3A_348 = tpu.memref_slice %arg8[%dma_wait3A_344, %dma_wait3A_346, %dma_wait3A_347] : memref<25x80x16xf32, #tpu.memory_space<vmem>> -> memref<1x80x16xf32, #tpu.memory_space<vmem>>
    %dma_wait3A_349 = tpu.memref_squeeze %dma_wait3A_348 : memref<1x80x16xf32, #tpu.memory_space<vmem>> -> memref<80x16xf32, #tpu.memory_space<vmem>>
    %dma_wait3A_350 = arith.constant 0 : i32
    %dma_wait3A_351 = tpu.memref_slice %arg7[%dma_wait3A_345, %dma_wait3A_350] : memref<125x80xi32, #tpu.memory_space<vmem>> -> memref<1x80xi32, #tpu.memory_space<vmem>>
    %dma_wait3A_352 = tpu.memref_squeeze %dma_wait3A_351 : memref<1x80xi32, #tpu.memory_space<vmem>> -> memref<80xi32, #tpu.memory_space<vmem>>
    %dma_wait3A_353 = arith.constant 0 : i32
    %dma_wait3A_354 = arith.constant 0 : i32
    %dma_wait3A_355 = tpu.memref_slice %arg14[%dma_wait3A_353, %dma_wait3A_354] : memref<10240x16xf32, #tpu.memory_space<vmem_shared>> -> memref<10240x16xf32, #tpu.memory_space<vmem_shared>>
    tpu.wait_indirect_dma semaphore(%arg16 : memref<!tpu.dma_semaphore, #tpu.memory_space<semaphore_mem>>) src(%dma_wait3A_349 : memref<80x16xf32, #tpu.memory_space<vmem>>) dst(%dma_wait3A_355 : memref<10240x16xf32, #tpu.memory_space<vmem_shared>>)
    %dma_wait3A_356 = arith.constant 24 : i32
    %dma_wait3A_357 = arith.constant 124 : i32
    %dma_wait3A_358 = arith.constant 0 : i32
    %dma_wait3A_359 = arith.constant 0 : i32
    %dma_wait3A_360 = tpu.memref_slice %arg8[%dma_wait3A_356, %dma_wait3A_358, %dma_wait3A_359] : memref<25x80x16xf32, #tpu.memory_space<vmem>> -> memref<1x80x16xf32, #tpu.memory_space<vmem>>
    %dma_wait3A_361 = tpu.memref_squeeze %dma_wait3A_360 : memref<1x80x16xf32, #tpu.memory_space<vmem>> -> memref<80x16xf32, #tpu.memory_space<vmem>>
    %dma_wait3A_362 = arith.constant 0 : i32
    %dma_wait3A_363 = tpu.memref_slice %arg7[%dma_wait3A_357, %dma_wait3A_362] : memref<125x80xi32, #tpu.memory_space<vmem>> -> memref<1x80xi32, #tpu.memory_space<vmem>>
    %dma_wait3A_364 = tpu.memref_squeeze %dma_wait3A_363 : memref<1x80xi32, #tpu.memory_space<vmem>> -> memref<80xi32, #tpu.memory_space<vmem>>
    %dma_wait3A_365 = arith.constant 0 : i32
    %dma_wait3A_366 = arith.constant 0 : i32
    %dma_wait3A_367 = tpu.memref_slice %arg14[%dma_wait3A_365, %dma_wait3A_366] : memref<10240x16xf32, #tpu.memory_space<vmem_shared>> -> memref<10240x16xf32, #tpu.memory_space<vmem_shared>>
    tpu.wait_indirect_dma semaphore(%arg16 : memref<!tpu.dma_semaphore, #tpu.memory_space<semaphore_mem>>) src(%dma_wait3A_361 : memref<80x16xf32, #tpu.memory_space<vmem>>) dst(%dma_wait3A_367 : memref<10240x16xf32, #tpu.memory_space<vmem_shared>>)
    %eq3A_368 = arith.constant 0 : i32
    %eq3A_369 = arith.cmpi eq, %arg0, %eq3A_368 : i32
    %convert_element_type3A_370 = arith.extui %eq3A_369 : i1 to i32
    %cond3A_371 = arith.constant 0 : i32
    %cond3A_372 = arith.cmpi ne, %convert_element_type3A_370, %cond3A_371 : i32
    scf.if %cond3A_372 {
      %scan3A_385 = arith.constant 0 : i32
      %scan3A_386 = arith.constant 5 : i32
      %scan3A_387 = arith.addi %scan3A_385, %scan3A_386 : i32
      %scan3A_388 = arith.constant 1 : i32
      scf.for %scan3A_397 = %scan3A_385 to %scan3A_387 step %scan3A_388  : i32 {
        %mul3A_398 = arith.constant 1 : i32
        %mul3A_399 = arith.muli %scan3A_397, %mul3A_398 : i32
        %add3A_400 = arith.constant 0 : i32
        %add3A_401 = arith.addi %add3A_400, %mul3A_399 : i32
        %scan3A_402 = arith.constant 0 : i32
        %scan3A_403 = arith.constant 8 : i32
        %scan3A_404 = arith.addi %scan3A_402, %scan3A_403 : i32
        %scan3A_405 = arith.constant 1 : i32
        scf.for %scan3A_407 = %scan3A_402 to %scan3A_404 step %scan3A_405  : i32 {
          %mul3A_408 = arith.constant 1 : i32
          %mul3A_409 = arith.muli %scan3A_407, %mul3A_408 : i32
          %add3A_410 = arith.constant 0 : i32
          %add3A_411 = arith.addi %add3A_410, %mul3A_409 : i32
          %iota3A = tpu.iota {dimensions = array<i32: 0>} : vector<16xi32>
          %mul3A_412 = arith.constant 640 : i32
          %mul3A_413 = arith.muli %arg1, %mul3A_412 : i32
          %add3A_414 = vector.broadcast %mul3A_413 : i32 to vector<16xi32>
          %add3A_415 = arith.addi %iota3A, %add3A_414 : vector<16xi32>
          %mul3A_416 = arith.constant 128 : i32
          %mul3A_417 = arith.muli %add3A_401, %mul3A_416 : i32
          %add3A_418 = vector.broadcast %mul3A_417 : i32 to vector<16xi32>
          %add3A_419 = arith.addi %add3A_415, %add3A_418 : vector<16xi32>
          %mul3A_420 = arith.constant 16 : i32
          %mul3A_421 = arith.muli %add3A_411, %mul3A_420 : i32
          %add3A_422 = vector.broadcast %mul3A_421 : i32 to vector<16xi32>
          %add3A_423 = arith.addi %add3A_419, %add3A_422 : vector<16xi32>
          %mul3A_424 = arith.constant 16 : i32
          %mul3A_425 = arith.muli %add3A_411, %mul3A_424 : i32
          %swap3A = arith.index_cast %add3A_401 : i32 to index
          %swap3A_426 = arith.index_cast %mul3A_425 : i32 to index
          %swap3A_427 = tpu.vector_load %arg10[%swap3A, %swap3A_426] {strides = array<i32>} : memref<5x128xi32, #tpu.memory_space<vmem>>, vector<1x16xi32>,
          %swap3A_428 = vector.shape_cast %swap3A_427 : vector<1x16xi32> to vector<16xi32>
          %swap3A_429 = vector.shape_cast %add3A_423 : vector<16xi32> to vector<1x16xi32>
          tpu.vector_store %arg10[%swap3A, %swap3A_426], %swap3A_429 {strides = array<i32>} : memref<5x128xi32, #tpu.memory_space<vmem>>, vector<1x16xi32>,
        }
        %scan3A_406 = arith.constant 8 : i32
      }
      %scan3A_389 = arith.constant 5 : i32
      %mul3A_390 = arith.constant 640 : i32
      %mul3A_391 = arith.muli %arg1, %mul3A_390 : i32
      "tpu.region"() ({
        %run_scoped3A = tpu.sem_alloc : memref<!tpu.dma_semaphore, #tpu.memory_space<semaphore_mem>>
        %dma_start3A_397 = arith.constant 0 : i32
        %dma_start3A_398 = tpu.memref_slice %arg13[%mul3A_391, %dma_start3A_397] : memref<10240x16xf32, #tpu.memory_space<vmem_shared>> -> memref<640x16xf32, #tpu.memory_space<vmem_shared>>
        %dma_start3A_399 = arith.constant 0 : i32
        %dma_start3A_400 = tpu.memref_slice %arg13[%mul3A_391, %dma_start3A_399] : memref<10240x16xf32, #tpu.memory_space<vmem_shared>> -> memref<640x16xf32, #tpu.memory_space<vmem_shared>>
        tpu.enqueue_dma source(%dma_start3A_400 : memref<640x16xf32, #tpu.memory_space<vmem_shared>>) target(%arg9 : memref<640x16xf32, #tpu.memory_space<vmem>>) target_semaphore(%run_scoped3A : memref<!tpu.dma_semaphore, #tpu.memory_space<semaphore_mem>>)
        %dma_wait3A_401 = arith.constant 0 : i32
        %dma_wait3A_402 = tpu.memref_slice %arg13[%mul3A_391, %dma_wait3A_401] : memref<10240x16xf32, #tpu.memory_space<vmem_shared>> -> memref<640x16xf32, #tpu.memory_space<vmem_shared>>
        %dma_wait3A_403 = arith.constant 0 : i32
        %dma_wait3A_404 = tpu.memref_slice %arg13[%mul3A_391, %dma_wait3A_403] : memref<10240x16xf32, #tpu.memory_space<vmem_shared>> -> memref<640x16xf32, #tpu.memory_space<vmem_shared>>
        tpu.wait_dma2 semaphore(%run_scoped3A : memref<!tpu.dma_semaphore, #tpu.memory_space<semaphore_mem>>) src(%dma_wait3A_404 : memref<640x16xf32, #tpu.memory_space<vmem_shared>>) dst(%arg9 : memref<640x16xf32, #tpu.memory_space<vmem>>)
        tpu.yield
      }) : () -> ()
      %scan3A_392 = arith.constant 0 : i32
      %scan3A_393 = arith.constant 5 : i32
      %scan3A_394 = arith.addi %scan3A_392, %scan3A_393 : i32
      %scan3A_395 = arith.constant 1 : i32
      scf.for %scan3A_397 = %scan3A_392 to %scan3A_394 step %scan3A_395  : i32 {
        %mul3A_398 = arith.constant 1 : i32
        %mul3A_399 = arith.muli %scan3A_397, %mul3A_398 : i32
        %add3A_400 = arith.constant 0 : i32
        %add3A_401 = arith.addi %add3A_400, %mul3A_399 : i32
        %mul3A_402 = arith.constant 128 : i32
        %mul3A_403 = arith.muli %add3A_401, %mul3A_402 : i32
        "tpu.region"() ({
          %run_scoped3A = tpu.sem_alloc : memref<!tpu.dma_semaphore, #tpu.memory_space<semaphore_mem>>
          %dma_start3A_404 = arith.constant 0 : i32
          %dma_start3A_405 = tpu.memref_slice %arg9[%mul3A_403, %dma_start3A_404] : memref<640x16xf32, #tpu.memory_space<vmem>> -> memref<128x16xf32, #tpu.memory_space<vmem>>
          %dma_start3A_406 = arith.constant 0 : i32
          %dma_start3A_407 = tpu.memref_slice %arg10[%add3A_401, %dma_start3A_406] : memref<5x128xi32, #tpu.memory_space<vmem>> -> memref<1x128xi32, #tpu.memory_space<vmem>>
          %dma_start3A_408 = tpu.memref_squeeze %dma_start3A_407 : memref<1x128xi32, #tpu.memory_space<vmem>> -> memref<128xi32, #tpu.memory_space<vmem>>
          %dma_start3A_409 = arith.constant 0 : i32
          %dma_start3A_410 = arith.constant 0 : i32
          %dma_start3A_411 = tpu.memref_slice %arg14[%dma_start3A_409, %dma_start3A_410] : memref<10240x16xf32, #tpu.memory_space<vmem_shared>> -> memref<10240x16xf32, #tpu.memory_space<vmem_shared>>
          tpu.enqueue_indirect_dma source(%dma_start3A_405 : memref<128x16xf32, #tpu.memory_space<vmem>>) target(%dma_start3A_411 : memref<10240x16xf32, #tpu.memory_space<vmem_shared>>) offsets(%dma_start3A_408 : memref<128xi32, #tpu.memory_space<vmem>>) semaphore(%run_scoped3A : memref<!tpu.dma_semaphore, #tpu.memory_space<semaphore_mem>>) {add = true}
          %dma_wait3A_412 = arith.constant 0 : i32
          %dma_wait3A_413 = tpu.memref_slice %arg9[%mul3A_403, %dma_wait3A_412] : memref<640x16xf32, #tpu.memory_space<vmem>> -> memref<128x16xf32, #tpu.memory_space<vmem>>
          %dma_wait3A_414 = arith.constant 0 : i32
          %dma_wait3A_415 = tpu.memref_slice %arg10[%add3A_401, %dma_wait3A_414] : memref<5x128xi32, #tpu.memory_space<vmem>> -> memref<1x128xi32, #tpu.memory_space<vmem>>
          %dma_wait3A_416 = tpu.memref_squeeze %dma_wait3A_415 : memref<1x128xi32, #tpu.memory_space<vmem>> -> memref<128xi32, #tpu.memory_space<vmem>>
          %dma_wait3A_417 = arith.constant 0 : i32
          %dma_wait3A_418 = arith.constant 0 : i32
          %dma_wait3A_419 = tpu.memref_slice %arg14[%dma_wait3A_417, %dma_wait3A_418] : memref<10240x16xf32, #tpu.memory_space<vmem_shared>> -> memref<10240x16xf32, #tpu.memory_space<vmem_shared>>
          tpu.wait_indirect_dma semaphore(%run_scoped3A : memref<!tpu.dma_semaphore, #tpu.memory_space<semaphore_mem>>) src(%dma_wait3A_413 : memref<128x16xf32, #tpu.memory_space<vmem>>) dst(%dma_wait3A_419 : memref<10240x16xf32, #tpu.memory_space<vmem_shared>>)
          tpu.yield
        }) : () -> ()
      }
      %scan3A_396 = arith.constant 5 : i32
    } else {
    }
    %barrier3A_373 = arith.constant 0 : index
    tpu.barrier barrier_id(%barrier3A_373)
    %mul3A_374 = arith.constant 640 : i32
    %mul3A_375 = arith.muli %arg1, %mul3A_374 : i32
    "tpu.region"() ({
      %run_scoped3A = tpu.sem_alloc : memref<!tpu.dma_semaphore, #tpu.memory_space<semaphore_mem>>
      %dma_start3A_385 = arith.constant 0 : i32
      %dma_start3A_386 = tpu.memref_slice %arg14[%mul3A_375, %dma_start3A_385] : memref<10240x16xf32, #tpu.memory_space<vmem_shared>> -> memref<640x16xf32, #tpu.memory_space<vmem_shared>>
      %dma_start3A_387 = arith.constant 0 : i32
      %dma_start3A_388 = tpu.memref_slice %arg14[%mul3A_375, %dma_start3A_387] : memref<10240x16xf32, #tpu.memory_space<vmem_shared>> -> memref<640x16xf32, #tpu.memory_space<vmem_shared>>
      tpu.enqueue_dma source(%dma_start3A_388 : memref<640x16xf32, #tpu.memory_space<vmem_shared>>) target(%arg11 : memref<640x16xf32, #tpu.memory_space<vmem>>) target_semaphore(%run_scoped3A : memref<!tpu.dma_semaphore, #tpu.memory_space<semaphore_mem>>)
      %dma_wait3A_389 = arith.constant 0 : i32
      %dma_wait3A_390 = tpu.memref_slice %arg14[%mul3A_375, %dma_wait3A_389] : memref<10240x16xf32, #tpu.memory_space<vmem_shared>> -> memref<640x16xf32, #tpu.memory_space<vmem_shared>>
      %dma_wait3A_391 = arith.constant 0 : i32
      %dma_wait3A_392 = tpu.memref_slice %arg14[%mul3A_375, %dma_wait3A_391] : memref<10240x16xf32, #tpu.memory_space<vmem_shared>> -> memref<640x16xf32, #tpu.memory_space<vmem_shared>>
      tpu.wait_dma2 semaphore(%run_scoped3A : memref<!tpu.dma_semaphore, #tpu.memory_space<semaphore_mem>>) src(%dma_wait3A_392 : memref<640x16xf32, #tpu.memory_space<vmem_shared>>) dst(%arg11 : memref<640x16xf32, #tpu.memory_space<vmem>>)
      tpu.yield
    }) : () -> ()
    %mul3A_376 = arith.constant 640 : i32
    %mul3A_377 = arith.muli %arg1, %mul3A_376 : i32
    "tpu.region"() ({
      %run_scoped3A = tpu.sem_alloc : memref<!tpu.dma_semaphore, #tpu.memory_space<semaphore_mem>>
      %dma_start3A_385 = tpu.memref_slice %arg3[%mul3A_377] : memref<10240xf32, #tpu.memory_space<hbm>> -> memref<640xf32, #tpu.memory_space<hbm>>
      %dma_start3A_386 = tpu.memref_slice %arg3[%mul3A_377] : memref<10240xf32, #tpu.memory_space<hbm>> -> memref<640xf32, #tpu.memory_space<hbm>>
      tpu.enqueue_dma source(%dma_start3A_386 : memref<640xf32, #tpu.memory_space<hbm>>) target(%arg12 : memref<640xf32, #tpu.memory_space<vmem>>) target_semaphore(%run_scoped3A : memref<!tpu.dma_semaphore, #tpu.memory_space<semaphore_mem>>)
      %dma_wait3A_387 = tpu.memref_slice %arg3[%mul3A_377] : memref<10240xf32, #tpu.memory_space<hbm>> -> memref<640xf32, #tpu.memory_space<hbm>>
      %dma_wait3A_388 = tpu.memref_slice %arg3[%mul3A_377] : memref<10240xf32, #tpu.memory_space<hbm>> -> memref<640xf32, #tpu.memory_space<hbm>>
      tpu.wait_dma2 semaphore(%run_scoped3A : memref<!tpu.dma_semaphore, #tpu.memory_space<semaphore_mem>>) src(%dma_wait3A_388 : memref<640xf32, #tpu.memory_space<hbm>>) dst(%arg12 : memref<640xf32, #tpu.memory_space<vmem>>)
      tpu.yield
    }) : () -> ()
    %scan3A_378 = arith.constant 0 : i32
    %scan3A_379 = arith.constant 40 : i32
    %scan3A_380 = arith.addi %scan3A_378, %scan3A_379 : i32
    %scan3A_381 = arith.constant 1 : i32
    scf.for %scan3A_385 = %scan3A_378 to %scan3A_380 step %scan3A_381  : i32 {
      %mul3A_386 = arith.constant 1 : i32
      %mul3A_387 = arith.muli %scan3A_385, %mul3A_386 : i32
      %add3A_388 = arith.constant 0 : i32
      %add3A_389 = arith.addi %add3A_388, %mul3A_387 : i32
      %mul3A_390 = arith.constant 16 : i32
      %mul3A_391 = arith.muli %add3A_389, %mul3A_390 : i32
      %get3A = arith.index_cast %mul3A_391 : i32 to index
      %get3A_392 = tpu.vector_load %arg12[%get3A] {strides = array<i32>} : memref<640xf32, #tpu.memory_space<vmem>>, vector<16xf32>,
      %get3A_393 = vector.shape_cast %get3A_392 : vector<16xf32> to vector<16xf32>
      %mul3A_394 = arith.constant 16 : i32
      %mul3A_395 = arith.muli %add3A_389, %mul3A_394 : i32
      %add3A_396 = arith.constant 0 : i32
      %add3A_397 = arith.addi %mul3A_395, %add3A_396 : i32
      %get3A_398 = arith.index_cast %add3A_397 : i32 to index
      %get3A_399 = arith.constant 0 : index
      %get3A_400 = tpu.vector_load %arg11[%get3A_398, %get3A_399] {strides = array<i32>} : memref<640x16xf32, #tpu.memory_space<vmem>>, vector<1x16xf32>,
      %get3A_401 = vector.shape_cast %get3A_400 : vector<1x16xf32> to vector<16xf32>
      %slice3A = vector.extract_strided_slice %get3A_393 {offsets = [0], sizes = [1], strides = [1]} : vector<16xf32> to vector<1xf32>
      %squeeze3A = vector.extract %slice3A[0] : f32 from vector<1xf32>
      %mul3A_402 = vector.broadcast %squeeze3A : f32 to vector<16xf32>
      %mul3A_403 = arith.mulf %get3A_401, %mul3A_402 : vector<16xf32>
      %swap3A = arith.index_cast %add3A_397 : i32 to index
      %swap3A_404 = arith.constant 0 : index
      %swap3A_405 = tpu.vector_load %arg11[%swap3A, %swap3A_404] {strides = array<i32>} : memref<640x16xf32, #tpu.memory_space<vmem>>, vector<1x16xf32>,
      %swap3A_406 = vector.shape_cast %swap3A_405 : vector<1x16xf32> to vector<16xf32>
      %swap3A_407 = vector.shape_cast %mul3A_403 : vector<16xf32> to vector<1x16xf32>
      tpu.vector_store %arg11[%swap3A, %swap3A_404], %swap3A_407 {strides = array<i32>} : memref<640x16xf32, #tpu.memory_space<vmem>>, vector<1x16xf32>,
      %mul3A_408 = arith.constant 16 : i32
      %mul3A_409 = arith.muli %add3A_389, %mul3A_408 : i32
      %add3A_410 = arith.constant 1 : i32
      %add3A_411 = arith.addi %mul3A_409, %add3A_410 : i32
      %get3A_412 = arith.index_cast %add3A_411 : i32 to index
      %get3A_413 = arith.constant 0 : index
      %get3A_414 = tpu.vector_load %arg11[%get3A_412, %get3A_413] {strides = array<i32>} : memref<640x16xf32, #tpu.memory_space<vmem>>, vector<1x16xf32>,
      %get3A_415 = vector.shape_cast %get3A_414 : vector<1x16xf32> to vector<16xf32>
      %slice3A_416 = vector.extract_strided_slice %get3A_393 {offsets = [1], sizes = [1], strides = [1]} : vector<16xf32> to vector<1xf32>
      %squeeze3A_417 = vector.extract %slice3A_416[0] : f32 from vector<1xf32>
      %mul3A_418 = vector.broadcast %squeeze3A_417 : f32 to vector<16xf32>
      %mul3A_419 = arith.mulf %get3A_415, %mul3A_418 : vector<16xf32>
      %swap3A_420 = arith.index_cast %add3A_411 : i32 to index
      %swap3A_421 = arith.constant 0 : index
      %swap3A_422 = tpu.vector_load %arg11[%swap3A_420, %swap3A_421] {strides = array<i32>} : memref<640x16xf32, #tpu.memory_space<vmem>>, vector<1x16xf32>,
      %swap3A_423 = vector.shape_cast %swap3A_422 : vector<1x16xf32> to vector<16xf32>
      %swap3A_424 = vector.shape_cast %mul3A_419 : vector<16xf32> to vector<1x16xf32>
      tpu.vector_store %arg11[%swap3A_420, %swap3A_421], %swap3A_424 {strides = array<i32>} : memref<640x16xf32, #tpu.memory_space<vmem>>, vector<1x16xf32>,
      %mul3A_425 = arith.constant 16 : i32
      %mul3A_426 = arith.muli %add3A_389, %mul3A_425 : i32
      %add3A_427 = arith.constant 2 : i32
      %add3A_428 = arith.addi %mul3A_426, %add3A_427 : i32
      %get3A_429 = arith.index_cast %add3A_428 : i32 to index
      %get3A_430 = arith.constant 0 : index
      %get3A_431 = tpu.vector_load %arg11[%get3A_429, %get3A_430] {strides = array<i32>} : memref<640x16xf32, #tpu.memory_space<vmem>>, vector<1x16xf32>,
      %get3A_432 = vector.shape_cast %get3A_431 : vector<1x16xf32> to vector<16xf32>
      %slice3A_433 = vector.extract_strided_slice %get3A_393 {offsets = [2], sizes = [1], strides = [1]} : vector<16xf32> to vector<1xf32>
      %squeeze3A_434 = vector.extract %slice3A_433[0] : f32 from vector<1xf32>
      %mul3A_435 = vector.broadcast %squeeze3A_434 : f32 to vector<16xf32>
      %mul3A_436 = arith.mulf %get3A_432, %mul3A_435 : vector<16xf32>
      %swap3A_437 = arith.index_cast %add3A_428 : i32 to index
      %swap3A_438 = arith.constant 0 : index
      %swap3A_439 = tpu.vector_load %arg11[%swap3A_437, %swap3A_438] {strides = array<i32>} : memref<640x16xf32, #tpu.memory_space<vmem>>, vector<1x16xf32>,
      %swap3A_440 = vector.shape_cast %swap3A_439 : vector<1x16xf32> to vector<16xf32>
      %swap3A_441 = vector.shape_cast %mul3A_436 : vector<16xf32> to vector<1x16xf32>
      tpu.vector_store %arg11[%swap3A_437, %swap3A_438], %swap3A_441 {strides = array<i32>} : memref<640x16xf32, #tpu.memory_space<vmem>>, vector<1x16xf32>,
      %mul3A_442 = arith.constant 16 : i32
      %mul3A_443 = arith.muli %add3A_389, %mul3A_442 : i32
      %add3A_444 = arith.constant 3 : i32
      %add3A_445 = arith.addi %mul3A_443, %add3A_444 : i32
      %get3A_446 = arith.index_cast %add3A_445 : i32 to index
      %get3A_447 = arith.constant 0 : index
      %get3A_448 = tpu.vector_load %arg11[%get3A_446, %get3A_447] {strides = array<i32>} : memref<640x16xf32, #tpu.memory_space<vmem>>, vector<1x16xf32>,
      %get3A_449 = vector.shape_cast %get3A_448 : vector<1x16xf32> to vector<16xf32>
      %slice3A_450 = vector.extract_strided_slice %get3A_393 {offsets = [3], sizes = [1], strides = [1]} : vector<16xf32> to vector<1xf32>
      %squeeze3A_451 = vector.extract %slice3A_450[0] : f32 from vector<1xf32>
      %mul3A_452 = vector.broadcast %squeeze3A_451 : f32 to vector<16xf32>
      %mul3A_453 = arith.mulf %get3A_449, %mul3A_452 : vector<16xf32>
      %swap3A_454 = arith.index_cast %add3A_445 : i32 to index
      %swap3A_455 = arith.constant 0 : index
      %swap3A_456 = tpu.vector_load %arg11[%swap3A_454, %swap3A_455] {strides = array<i32>} : memref<640x16xf32, #tpu.memory_space<vmem>>, vector<1x16xf32>,
      %swap3A_457 = vector.shape_cast %swap3A_456 : vector<1x16xf32> to vector<16xf32>
      %swap3A_458 = vector.shape_cast %mul3A_453 : vector<16xf32> to vector<1x16xf32>
      tpu.vector_store %arg11[%swap3A_454, %swap3A_455], %swap3A_458 {strides = array<i32>} : memref<640x16xf32, #tpu.memory_space<vmem>>, vector<1x16xf32>,
      %mul3A_459 = arith.constant 16 : i32
      %mul3A_460 = arith.muli %add3A_389, %mul3A_459 : i32
      %add3A_461 = arith.constant 4 : i32
      %add3A_462 = arith.addi %mul3A_460, %add3A_461 : i32
      %get3A_463 = arith.index_cast %add3A_462 : i32 to index
      %get3A_464 = arith.constant 0 : index
      %get3A_465 = tpu.vector_load %arg11[%get3A_463, %get3A_464] {strides = array<i32>} : memref<640x16xf32, #tpu.memory_space<vmem>>, vector<1x16xf32>,
      %get3A_466 = vector.shape_cast %get3A_465 : vector<1x16xf32> to vector<16xf32>
      %slice3A_467 = vector.extract_strided_slice %get3A_393 {offsets = [4], sizes = [1], strides = [1]} : vector<16xf32> to vector<1xf32>
      %squeeze3A_468 = vector.extract %slice3A_467[0] : f32 from vector<1xf32>
      %mul3A_469 = vector.broadcast %squeeze3A_468 : f32 to vector<16xf32>
      %mul3A_470 = arith.mulf %get3A_466, %mul3A_469 : vector<16xf32>
      %swap3A_471 = arith.index_cast %add3A_462 : i32 to index
      %swap3A_472 = arith.constant 0 : index
      %swap3A_473 = tpu.vector_load %arg11[%swap3A_471, %swap3A_472] {strides = array<i32>} : memref<640x16xf32, #tpu.memory_space<vmem>>, vector<1x16xf32>,
      %swap3A_474 = vector.shape_cast %swap3A_473 : vector<1x16xf32> to vector<16xf32>
      %swap3A_475 = vector.shape_cast %mul3A_470 : vector<16xf32> to vector<1x16xf32>
      tpu.vector_store %arg11[%swap3A_471, %swap3A_472], %swap3A_475 {strides = array<i32>} : memref<640x16xf32, #tpu.memory_space<vmem>>, vector<1x16xf32>,
      %mul3A_476 = arith.constant 16 : i32
      %mul3A_477 = arith.muli %add3A_389, %mul3A_476 : i32
      %add3A_478 = arith.constant 5 : i32
      %add3A_479 = arith.addi %mul3A_477, %add3A_478 : i32
      %get3A_480 = arith.index_cast %add3A_479 : i32 to index
      %get3A_481 = arith.constant 0 : index
      %get3A_482 = tpu.vector_load %arg11[%get3A_480, %get3A_481] {strides = array<i32>} : memref<640x16xf32, #tpu.memory_space<vmem>>, vector<1x16xf32>,
      %get3A_483 = vector.shape_cast %get3A_482 : vector<1x16xf32> to vector<16xf32>
      %slice3A_484 = vector.extract_strided_slice %get3A_393 {offsets = [5], sizes = [1], strides = [1]} : vector<16xf32> to vector<1xf32>
      %squeeze3A_485 = vector.extract %slice3A_484[0] : f32 from vector<1xf32>
      %mul3A_486 = vector.broadcast %squeeze3A_485 : f32 to vector<16xf32>
      %mul3A_487 = arith.mulf %get3A_483, %mul3A_486 : vector<16xf32>
      %swap3A_488 = arith.index_cast %add3A_479 : i32 to index
      %swap3A_489 = arith.constant 0 : index
      %swap3A_490 = tpu.vector_load %arg11[%swap3A_488, %swap3A_489] {strides = array<i32>} : memref<640x16xf32, #tpu.memory_space<vmem>>, vector<1x16xf32>,
      %swap3A_491 = vector.shape_cast %swap3A_490 : vector<1x16xf32> to vector<16xf32>
      %swap3A_492 = vector.shape_cast %mul3A_487 : vector<16xf32> to vector<1x16xf32>
      tpu.vector_store %arg11[%swap3A_488, %swap3A_489], %swap3A_492 {strides = array<i32>} : memref<640x16xf32, #tpu.memory_space<vmem>>, vector<1x16xf32>,
      %mul3A_493 = arith.constant 16 : i32
      %mul3A_494 = arith.muli %add3A_389, %mul3A_493 : i32
      %add3A_495 = arith.constant 6 : i32
      %add3A_496 = arith.addi %mul3A_494, %add3A_495 : i32
      %get3A_497 = arith.index_cast %add3A_496 : i32 to index
      %get3A_498 = arith.constant 0 : index
      %get3A_499 = tpu.vector_load %arg11[%get3A_497, %get3A_498] {strides = array<i32>} : memref<640x16xf32, #tpu.memory_space<vmem>>, vector<1x16xf32>,
      %get3A_500 = vector.shape_cast %get3A_499 : vector<1x16xf32> to vector<16xf32>
      %slice3A_501 = vector.extract_strided_slice %get3A_393 {offsets = [6], sizes = [1], strides = [1]} : vector<16xf32> to vector<1xf32>
      %squeeze3A_502 = vector.extract %slice3A_501[0] : f32 from vector<1xf32>
      %mul3A_503 = vector.broadcast %squeeze3A_502 : f32 to vector<16xf32>
      %mul3A_504 = arith.mulf %get3A_500, %mul3A_503 : vector<16xf32>
      %swap3A_505 = arith.index_cast %add3A_496 : i32 to index
      %swap3A_506 = arith.constant 0 : index
      %swap3A_507 = tpu.vector_load %arg11[%swap3A_505, %swap3A_506] {strides = array<i32>} : memref<640x16xf32, #tpu.memory_space<vmem>>, vector<1x16xf32>,
      %swap3A_508 = vector.shape_cast %swap3A_507 : vector<1x16xf32> to vector<16xf32>
      %swap3A_509 = vector.shape_cast %mul3A_504 : vector<16xf32> to vector<1x16xf32>
      tpu.vector_store %arg11[%swap3A_505, %swap3A_506], %swap3A_509 {strides = array<i32>} : memref<640x16xf32, #tpu.memory_space<vmem>>, vector<1x16xf32>,
      %mul3A_510 = arith.constant 16 : i32
      %mul3A_511 = arith.muli %add3A_389, %mul3A_510 : i32
      %add3A_512 = arith.constant 7 : i32
      %add3A_513 = arith.addi %mul3A_511, %add3A_512 : i32
      %get3A_514 = arith.index_cast %add3A_513 : i32 to index
      %get3A_515 = arith.constant 0 : index
      %get3A_516 = tpu.vector_load %arg11[%get3A_514, %get3A_515] {strides = array<i32>} : memref<640x16xf32, #tpu.memory_space<vmem>>, vector<1x16xf32>,
      %get3A_517 = vector.shape_cast %get3A_516 : vector<1x16xf32> to vector<16xf32>
      %slice3A_518 = vector.extract_strided_slice %get3A_393 {offsets = [7], sizes = [1], strides = [1]} : vector<16xf32> to vector<1xf32>
      %squeeze3A_519 = vector.extract %slice3A_518[0] : f32 from vector<1xf32>
      %mul3A_520 = vector.broadcast %squeeze3A_519 : f32 to vector<16xf32>
      %mul3A_521 = arith.mulf %get3A_517, %mul3A_520 : vector<16xf32>
      %swap3A_522 = arith.index_cast %add3A_513 : i32 to index
      %swap3A_523 = arith.constant 0 : index
      %swap3A_524 = tpu.vector_load %arg11[%swap3A_522, %swap3A_523] {strides = array<i32>} : memref<640x16xf32, #tpu.memory_space<vmem>>, vector<1x16xf32>,
      %swap3A_525 = vector.shape_cast %swap3A_524 : vector<1x16xf32> to vector<16xf32>
      %swap3A_526 = vector.shape_cast %mul3A_521 : vector<16xf32> to vector<1x16xf32>
      tpu.vector_store %arg11[%swap3A_522, %swap3A_523], %swap3A_526 {strides = array<i32>} : memref<640x16xf32, #tpu.memory_space<vmem>>, vector<1x16xf32>,
      %mul3A_527 = arith.constant 16 : i32
      %mul3A_528 = arith.muli %add3A_389, %mul3A_527 : i32
      %add3A_529 = arith.constant 8 : i32
      %add3A_530 = arith.addi %mul3A_528, %add3A_529 : i32
      %get3A_531 = arith.index_cast %add3A_530 : i32 to index
      %get3A_532 = arith.constant 0 : index
      %get3A_533 = tpu.vector_load %arg11[%get3A_531, %get3A_532] {strides = array<i32>} : memref<640x16xf32, #tpu.memory_space<vmem>>, vector<1x16xf32>,
      %get3A_534 = vector.shape_cast %get3A_533 : vector<1x16xf32> to vector<16xf32>
      %slice3A_535 = vector.extract_strided_slice %get3A_393 {offsets = [8], sizes = [1], strides = [1]} : vector<16xf32> to vector<1xf32>
      %squeeze3A_536 = vector.extract %slice3A_535[0] : f32 from vector<1xf32>
      %mul3A_537 = vector.broadcast %squeeze3A_536 : f32 to vector<16xf32>
      %mul3A_538 = arith.mulf %get3A_534, %mul3A_537 : vector<16xf32>
      %swap3A_539 = arith.index_cast %add3A_530 : i32 to index
      %swap3A_540 = arith.constant 0 : index
      %swap3A_541 = tpu.vector_load %arg11[%swap3A_539, %swap3A_540] {strides = array<i32>} : memref<640x16xf32, #tpu.memory_space<vmem>>, vector<1x16xf32>,
      %swap3A_542 = vector.shape_cast %swap3A_541 : vector<1x16xf32> to vector<16xf32>
      %swap3A_543 = vector.shape_cast %mul3A_538 : vector<16xf32> to vector<1x16xf32>
      tpu.vector_store %arg11[%swap3A_539, %swap3A_540], %swap3A_543 {strides = array<i32>} : memref<640x16xf32, #tpu.memory_space<vmem>>, vector<1x16xf32>,
      %mul3A_544 = arith.constant 16 : i32
      %mul3A_545 = arith.muli %add3A_389, %mul3A_544 : i32
      %add3A_546 = arith.constant 9 : i32
      %add3A_547 = arith.addi %mul3A_545, %add3A_546 : i32
      %get3A_548 = arith.index_cast %add3A_547 : i32 to index
      %get3A_549 = arith.constant 0 : index
      %get3A_550 = tpu.vector_load %arg11[%get3A_548, %get3A_549] {strides = array<i32>} : memref<640x16xf32, #tpu.memory_space<vmem>>, vector<1x16xf32>,
      %get3A_551 = vector.shape_cast %get3A_550 : vector<1x16xf32> to vector<16xf32>
      %slice3A_552 = vector.extract_strided_slice %get3A_393 {offsets = [9], sizes = [1], strides = [1]} : vector<16xf32> to vector<1xf32>
      %squeeze3A_553 = vector.extract %slice3A_552[0] : f32 from vector<1xf32>
      %mul3A_554 = vector.broadcast %squeeze3A_553 : f32 to vector<16xf32>
      %mul3A_555 = arith.mulf %get3A_551, %mul3A_554 : vector<16xf32>
      %swap3A_556 = arith.index_cast %add3A_547 : i32 to index
      %swap3A_557 = arith.constant 0 : index
      %swap3A_558 = tpu.vector_load %arg11[%swap3A_556, %swap3A_557] {strides = array<i32>} : memref<640x16xf32, #tpu.memory_space<vmem>>, vector<1x16xf32>,
      %swap3A_559 = vector.shape_cast %swap3A_558 : vector<1x16xf32> to vector<16xf32>
      %swap3A_560 = vector.shape_cast %mul3A_555 : vector<16xf32> to vector<1x16xf32>
      tpu.vector_store %arg11[%swap3A_556, %swap3A_557], %swap3A_560 {strides = array<i32>} : memref<640x16xf32, #tpu.memory_space<vmem>>, vector<1x16xf32>,
      %mul3A_561 = arith.constant 16 : i32
      %mul3A_562 = arith.muli %add3A_389, %mul3A_561 : i32
      %add3A_563 = arith.constant 10 : i32
      %add3A_564 = arith.addi %mul3A_562, %add3A_563 : i32
      %get3A_565 = arith.index_cast %add3A_564 : i32 to index
      %get3A_566 = arith.constant 0 : index
      %get3A_567 = tpu.vector_load %arg11[%get3A_565, %get3A_566] {strides = array<i32>} : memref<640x16xf32, #tpu.memory_space<vmem>>, vector<1x16xf32>,
      %get3A_568 = vector.shape_cast %get3A_567 : vector<1x16xf32> to vector<16xf32>
      %slice3A_569 = vector.extract_strided_slice %get3A_393 {offsets = [10], sizes = [1], strides = [1]} : vector<16xf32> to vector<1xf32>
      %squeeze3A_570 = vector.extract %slice3A_569[0] : f32 from vector<1xf32>
      %mul3A_571 = vector.broadcast %squeeze3A_570 : f32 to vector<16xf32>
      %mul3A_572 = arith.mulf %get3A_568, %mul3A_571 : vector<16xf32>
      %swap3A_573 = arith.index_cast %add3A_564 : i32 to index
      %swap3A_574 = arith.constant 0 : index
      %swap3A_575 = tpu.vector_load %arg11[%swap3A_573, %swap3A_574] {strides = array<i32>} : memref<640x16xf32, #tpu.memory_space<vmem>>, vector<1x16xf32>,
      %swap3A_576 = vector.shape_cast %swap3A_575 : vector<1x16xf32> to vector<16xf32>
      %swap3A_577 = vector.shape_cast %mul3A_572 : vector<16xf32> to vector<1x16xf32>
      tpu.vector_store %arg11[%swap3A_573, %swap3A_574], %swap3A_577 {strides = array<i32>} : memref<640x16xf32, #tpu.memory_space<vmem>>, vector<1x16xf32>,
      %mul3A_578 = arith.constant 16 : i32
      %mul3A_579 = arith.muli %add3A_389, %mul3A_578 : i32
      %add3A_580 = arith.constant 11 : i32
      %add3A_581 = arith.addi %mul3A_579, %add3A_580 : i32
      %get3A_582 = arith.index_cast %add3A_581 : i32 to index
      %get3A_583 = arith.constant 0 : index
      %get3A_584 = tpu.vector_load %arg11[%get3A_582, %get3A_583] {strides = array<i32>} : memref<640x16xf32, #tpu.memory_space<vmem>>, vector<1x16xf32>,
      %get3A_585 = vector.shape_cast %get3A_584 : vector<1x16xf32> to vector<16xf32>
      %slice3A_586 = vector.extract_strided_slice %get3A_393 {offsets = [11], sizes = [1], strides = [1]} : vector<16xf32> to vector<1xf32>
      %squeeze3A_587 = vector.extract %slice3A_586[0] : f32 from vector<1xf32>
      %mul3A_588 = vector.broadcast %squeeze3A_587 : f32 to vector<16xf32>
      %mul3A_589 = arith.mulf %get3A_585, %mul3A_588 : vector<16xf32>
      %swap3A_590 = arith.index_cast %add3A_581 : i32 to index
      %swap3A_591 = arith.constant 0 : index
      %swap3A_592 = tpu.vector_load %arg11[%swap3A_590, %swap3A_591] {strides = array<i32>} : memref<640x16xf32, #tpu.memory_space<vmem>>, vector<1x16xf32>,
      %swap3A_593 = vector.shape_cast %swap3A_592 : vector<1x16xf32> to vector<16xf32>
      %swap3A_594 = vector.shape_cast %mul3A_589 : vector<16xf32> to vector<1x16xf32>
      tpu.vector_store %arg11[%swap3A_590, %swap3A_591], %swap3A_594 {strides = array<i32>} : memref<640x16xf32, #tpu.memory_space<vmem>>, vector<1x16xf32>,
      %mul3A_595 = arith.constant 16 : i32
      %mul3A_596 = arith.muli %add3A_389, %mul3A_595 : i32
      %add3A_597 = arith.constant 12 : i32
      %add3A_598 = arith.addi %mul3A_596, %add3A_597 : i32
      %get3A_599 = arith.index_cast %add3A_598 : i32 to index
      %get3A_600 = arith.constant 0 : index
      %get3A_601 = tpu.vector_load %arg11[%get3A_599, %get3A_600] {strides = array<i32>} : memref<640x16xf32, #tpu.memory_space<vmem>>, vector<1x16xf32>,
      %get3A_602 = vector.shape_cast %get3A_601 : vector<1x16xf32> to vector<16xf32>
      %slice3A_603 = vector.extract_strided_slice %get3A_393 {offsets = [12], sizes = [1], strides = [1]} : vector<16xf32> to vector<1xf32>
      %squeeze3A_604 = vector.extract %slice3A_603[0] : f32 from vector<1xf32>
      %mul3A_605 = vector.broadcast %squeeze3A_604 : f32 to vector<16xf32>
      %mul3A_606 = arith.mulf %get3A_602, %mul3A_605 : vector<16xf32>
      %swap3A_607 = arith.index_cast %add3A_598 : i32 to index
      %swap3A_608 = arith.constant 0 : index
      %swap3A_609 = tpu.vector_load %arg11[%swap3A_607, %swap3A_608] {strides = array<i32>} : memref<640x16xf32, #tpu.memory_space<vmem>>, vector<1x16xf32>,
      %swap3A_610 = vector.shape_cast %swap3A_609 : vector<1x16xf32> to vector<16xf32>
      %swap3A_611 = vector.shape_cast %mul3A_606 : vector<16xf32> to vector<1x16xf32>
      tpu.vector_store %arg11[%swap3A_607, %swap3A_608], %swap3A_611 {strides = array<i32>} : memref<640x16xf32, #tpu.memory_space<vmem>>, vector<1x16xf32>,
      %mul3A_612 = arith.constant 16 : i32
      %mul3A_613 = arith.muli %add3A_389, %mul3A_612 : i32
      %add3A_614 = arith.constant 13 : i32
      %add3A_615 = arith.addi %mul3A_613, %add3A_614 : i32
      %get3A_616 = arith.index_cast %add3A_615 : i32 to index
      %get3A_617 = arith.constant 0 : index
      %get3A_618 = tpu.vector_load %arg11[%get3A_616, %get3A_617] {strides = array<i32>} : memref<640x16xf32, #tpu.memory_space<vmem>>, vector<1x16xf32>,
      %get3A_619 = vector.shape_cast %get3A_618 : vector<1x16xf32> to vector<16xf32>
      %slice3A_620 = vector.extract_strided_slice %get3A_393 {offsets = [13], sizes = [1], strides = [1]} : vector<16xf32> to vector<1xf32>
      %squeeze3A_621 = vector.extract %slice3A_620[0] : f32 from vector<1xf32>
      %mul3A_622 = vector.broadcast %squeeze3A_621 : f32 to vector<16xf32>
      %mul3A_623 = arith.mulf %get3A_619, %mul3A_622 : vector<16xf32>
      %swap3A_624 = arith.index_cast %add3A_615 : i32 to index
      %swap3A_625 = arith.constant 0 : index
      %swap3A_626 = tpu.vector_load %arg11[%swap3A_624, %swap3A_625] {strides = array<i32>} : memref<640x16xf32, #tpu.memory_space<vmem>>, vector<1x16xf32>,
      %swap3A_627 = vector.shape_cast %swap3A_626 : vector<1x16xf32> to vector<16xf32>
      %swap3A_628 = vector.shape_cast %mul3A_623 : vector<16xf32> to vector<1x16xf32>
      tpu.vector_store %arg11[%swap3A_624, %swap3A_625], %swap3A_628 {strides = array<i32>} : memref<640x16xf32, #tpu.memory_space<vmem>>, vector<1x16xf32>,
      %mul3A_629 = arith.constant 16 : i32
      %mul3A_630 = arith.muli %add3A_389, %mul3A_629 : i32
      %add3A_631 = arith.constant 14 : i32
      %add3A_632 = arith.addi %mul3A_630, %add3A_631 : i32
      %get3A_633 = arith.index_cast %add3A_632 : i32 to index
      %get3A_634 = arith.constant 0 : index
      %get3A_635 = tpu.vector_load %arg11[%get3A_633, %get3A_634] {strides = array<i32>} : memref<640x16xf32, #tpu.memory_space<vmem>>, vector<1x16xf32>,
      %get3A_636 = vector.shape_cast %get3A_635 : vector<1x16xf32> to vector<16xf32>
      %slice3A_637 = vector.extract_strided_slice %get3A_393 {offsets = [14], sizes = [1], strides = [1]} : vector<16xf32> to vector<1xf32>
      %squeeze3A_638 = vector.extract %slice3A_637[0] : f32 from vector<1xf32>
      %mul3A_639 = vector.broadcast %squeeze3A_638 : f32 to vector<16xf32>
      %mul3A_640 = arith.mulf %get3A_636, %mul3A_639 : vector<16xf32>
      %swap3A_641 = arith.index_cast %add3A_632 : i32 to index
      %swap3A_642 = arith.constant 0 : index
      %swap3A_643 = tpu.vector_load %arg11[%swap3A_641, %swap3A_642] {strides = array<i32>} : memref<640x16xf32, #tpu.memory_space<vmem>>, vector<1x16xf32>,
      %swap3A_644 = vector.shape_cast %swap3A_643 : vector<1x16xf32> to vector<16xf32>
      %swap3A_645 = vector.shape_cast %mul3A_640 : vector<16xf32> to vector<1x16xf32>
      tpu.vector_store %arg11[%swap3A_641, %swap3A_642], %swap3A_645 {strides = array<i32>} : memref<640x16xf32, #tpu.memory_space<vmem>>, vector<1x16xf32>,
      %mul3A_646 = arith.constant 16 : i32
      %mul3A_647 = arith.muli %add3A_389, %mul3A_646 : i32
      %add3A_648 = arith.constant 15 : i32
      %add3A_649 = arith.addi %mul3A_647, %add3A_648 : i32
      %get3A_650 = arith.index_cast %add3A_649 : i32 to index
      %get3A_651 = arith.constant 0 : index
      %get3A_652 = tpu.vector_load %arg11[%get3A_650, %get3A_651] {strides = array<i32>} : memref<640x16xf32, #tpu.memory_space<vmem>>, vector<1x16xf32>,
      %get3A_653 = vector.shape_cast %get3A_652 : vector<1x16xf32> to vector<16xf32>
      %slice3A_654 = vector.extract_strided_slice %get3A_393 {offsets = [15], sizes = [1], strides = [1]} : vector<16xf32> to vector<1xf32>
      %squeeze3A_655 = vector.extract %slice3A_654[0] : f32 from vector<1xf32>
      %mul3A_656 = vector.broadcast %squeeze3A_655 : f32 to vector<16xf32>
      %mul3A_657 = arith.mulf %get3A_653, %mul3A_656 : vector<16xf32>
      %swap3A_658 = arith.index_cast %add3A_649 : i32 to index
      %swap3A_659 = arith.constant 0 : index
      %swap3A_660 = tpu.vector_load %arg11[%swap3A_658, %swap3A_659] {strides = array<i32>} : memref<640x16xf32, #tpu.memory_space<vmem>>, vector<1x16xf32>,
      %swap3A_661 = vector.shape_cast %swap3A_660 : vector<1x16xf32> to vector<16xf32>
      %swap3A_662 = vector.shape_cast %mul3A_657 : vector<16xf32> to vector<1x16xf32>
      tpu.vector_store %arg11[%swap3A_658, %swap3A_659], %swap3A_662 {strides = array<i32>} : memref<640x16xf32, #tpu.memory_space<vmem>>, vector<1x16xf32>,
    }
    %scan3A_382 = arith.constant 40 : i32
    %mul3A_383 = arith.constant 640 : i32
    %mul3A_384 = arith.muli %arg1, %mul3A_383 : i32
    "tpu.region"() ({
      %run_scoped3A = tpu.sem_alloc : memref<!tpu.dma_semaphore, #tpu.memory_space<semaphore_mem>>
      %dma_start3A_385 = arith.constant 0 : i32
      %dma_start3A_386 = tpu.memref_slice %arg5[%arg0, %mul3A_384, %dma_start3A_385] : memref<2x10240x16xf32, #tpu.memory_space<hbm>> -> memref<1x640x16xf32, #tpu.memory_space<hbm>>
      %dma_start3A_387 = tpu.memref_squeeze %dma_start3A_386 : memref<1x640x16xf32, #tpu.memory_space<hbm>> -> memref<640x16xf32, #tpu.memory_space<hbm>>
      %dma_start3A_388 = arith.constant 0 : i32
      %dma_start3A_389 = tpu.memref_slice %arg5[%arg0, %mul3A_384, %dma_start3A_388] : memref<2x10240x16xf32, #tpu.memory_space<hbm>> -> memref<1x640x16xf32, #tpu.memory_space<hbm>>
      %dma_start3A_390 = tpu.memref_squeeze %dma_start3A_389 : memref<1x640x16xf32, #tpu.memory_space<hbm>> -> memref<640x16xf32, #tpu.memory_space<hbm>>
      tpu.enqueue_dma source(%arg11 : memref<640x16xf32, #tpu.memory_space<vmem>>) target(%dma_start3A_390 : memref<640x16xf32, #tpu.memory_space<hbm>>) target_semaphore(%run_scoped3A : memref<!tpu.dma_semaphore, #tpu.memory_space<semaphore_mem>>)
      %dma_wait3A_391 = arith.constant 0 : i32
      %dma_wait3A_392 = tpu.memref_slice %arg5[%arg0, %mul3A_384, %dma_wait3A_391] : memref<2x10240x16xf32, #tpu.memory_space<hbm>> -> memref<1x640x16xf32, #tpu.memory_space<hbm>>
      %dma_wait3A_393 = tpu.memref_squeeze %dma_wait3A_392 : memref<1x640x16xf32, #tpu.memory_space<hbm>> -> memref<640x16xf32, #tpu.memory_space<hbm>>
      %dma_wait3A_394 = arith.constant 0 : i32
      %dma_wait3A_395 = tpu.memref_slice %arg5[%arg0, %mul3A_384, %dma_wait3A_394] : memref<2x10240x16xf32, #tpu.memory_space<hbm>> -> memref<1x640x16xf32, #tpu.memory_space<hbm>>
      %dma_wait3A_396 = tpu.memref_squeeze %dma_wait3A_395 : memref<1x640x16xf32, #tpu.memory_space<hbm>> -> memref<640x16xf32, #tpu.memory_space<hbm>>
      tpu.wait_dma2 semaphore(%run_scoped3A : memref<!tpu.dma_semaphore, #tpu.memory_space<semaphore_mem>>) src(%arg11 : memref<640x16xf32, #tpu.memory_space<vmem>>) dst(%dma_wait3A_396 : memref<640x16xf32, #tpu.memory_space<hbm>>)
      tpu.yield
    }) : () -> ()
    return
  }
}

module attributes {stable_mosaic.version = 14 : i64} {
  func.func @_tc1a_body(%arg0: memref<10000x128xf32, #tpu.memory_space<vmem>>, %arg1: memref<128x16xf32, #tpu.memory_space<vmem>>, %arg2: memref<10000x16xf32, #tpu.memory_space<vmem>>) attributes {dimension_semantics = [], scalar_prefetch = 0 : i64, scratch_operands = 0 : i64, tpu.core_type = #tpu.core_type<tc>} {
    %get3A = arith.constant 0 : index
    %get3A_0 = arith.constant 0 : index
    %get3A_1 = vector.load %arg0[%get3A, %get3A_0] : memref<10000x128xf32, #tpu.memory_space<vmem>>, vector<10000x128xf32>
    %get3A_2 = arith.constant 0 : index
    %get3A_3 = arith.constant 0 : index
    %get3A_4 = vector.load %arg1[%get3A_2, %get3A_3] : memref<128x16xf32, #tpu.memory_space<vmem>>, vector<128x16xf32>
    %dot_general3A = arith.constant dense<0.000000e+00> : vector<10000x16xf32>
    %dot_general3A_5 = tpu.matmul %get3A_1, %get3A_4, %dot_general3A {dimension_numbers = #tpu.dot_dimension_numbers<[1], [0], [0], [1], [0, 0, 1, 1], [], []>, transpose_lhs_hint = false} : vector<10000x128xf32>, vector<128x16xf32>, vector<10000x16xf32> -> vector<10000x16xf32>
    %swap3A = arith.constant 0 : index
    %swap3A_6 = arith.constant 0 : index
    %swap3A_7 = vector.load %arg2[%swap3A, %swap3A_6] : memref<10000x16xf32, #tpu.memory_space<vmem>>, vector<10000x16xf32>
    tpu.vector_store %arg2[%swap3A, %swap3A_6], %dot_general3A_5 {strides = array<i32>} : memref<10000x16xf32, #tpu.memory_space<vmem>>, vector<10000x16xf32>,
    return
  }
}

module attributes {stable_mosaic.version = 14 : i64} {
  func.func @_tc1b_body(%arg0: memref<10000x16xf32, #tpu.memory_space<vmem>>, %arg1: memref<2x10000xf32, #tpu.memory_space<vmem>>, %arg2: memref<10000x16xf32, #tpu.memory_space<vmem>>, %arg3: memref<10240xf32, #tpu.memory_space<vmem>>) attributes {dimension_semantics = [], scalar_prefetch = 0 : i64, scratch_operands = 0 : i64, tpu.core_type = #tpu.core_type<tc>} {
    %get3A = arith.constant 0 : index
    %get3A_0 = arith.constant 0 : index
    %get3A_1 = vector.load %arg1[%get3A, %get3A_0] : memref<2x10000xf32, #tpu.memory_space<vmem>>, vector<2x10000xf32>
    %reduce_sum3A = arith.constant dense<0.000000e+00> : vector<10000xf32>
    %reduce_sum3A_2 = vector.multi_reduction <add>, %get3A_1, %reduce_sum3A [0] : vector<2x10000xf32> to vector<10000xf32>
    %broadcast_in_dim3A = vector.shape_cast %reduce_sum3A_2 : vector<10000xf32> to vector<1x10000xf32>
    %add3A = arith.constant 1.000000e+00 : f32
    %add3A_3 = vector.broadcast %add3A : f32 to vector<1x10000xf32>
    %add3A_4 = arith.addf %broadcast_in_dim3A, %add3A_3 : vector<1x10000xf32>
    %rsqrt3A = math.rsqrt %add3A_4 : vector<1x10000xf32>
    %reshape3A = vector.shape_cast %rsqrt3A : vector<1x10000xf32> to vector<10000x1xf32>
    %reshape3A_5 = vector.shape_cast %reshape3A : vector<10000x1xf32> to vector<10000xf32>
    %swap3A = arith.constant 0 : index
    %swap3A_6 = vector.load %arg3[%swap3A] : memref<10240xf32, #tpu.memory_space<vmem>>, vector<10000xf32>
    tpu.vector_store %arg3[%swap3A], %reshape3A_5 {strides = array<i32>} : memref<10240xf32, #tpu.memory_space<vmem>>, vector<10000xf32>,
    %broadcast_in_dim3A_7 = arith.constant 0.000000e+00 : f32
    %broadcast_in_dim3A_8 = vector.broadcast %broadcast_in_dim3A_7 : f32 to vector<240xf32>
    %swap3A_9 = arith.constant 10000 : index
    %swap3A_10 = vector.load %arg3[%swap3A_9] : memref<10240xf32, #tpu.memory_space<vmem>>, vector<240xf32>
    tpu.vector_store %arg3[%swap3A_9], %broadcast_in_dim3A_8 {strides = array<i32>} : memref<10240xf32, #tpu.memory_space<vmem>>, vector<240xf32>,
    %get3A_11 = arith.constant 0 : index
    %get3A_12 = arith.constant 0 : index
    %get3A_13 = vector.load %arg0[%get3A_11, %get3A_12] : memref<10000x16xf32, #tpu.memory_space<vmem>>, vector<10000x16xf32>
    %mul3A = vector.broadcast %reshape3A : vector<10000x1xf32> to vector<10000x16xf32>
    %mul3A_14 = arith.mulf %get3A_13, %mul3A : vector<10000x16xf32>
    %swap3A_15 = arith.constant 0 : index
    %swap3A_16 = arith.constant 0 : index
    %swap3A_17 = vector.load %arg2[%swap3A_15, %swap3A_16] : memref<10000x16xf32, #tpu.memory_space<vmem>>, vector<10000x16xf32>
    tpu.vector_store %arg2[%swap3A_15, %swap3A_16], %mul3A_14 {strides = array<i32>} : memref<10000x16xf32, #tpu.memory_space<vmem>>, vector<10000x16xf32>,
    return
  }
}

module attributes {stable_mosaic.version = 14 : i64} {
  func.func @_tc2_body(%arg0: memref<1280x128xf32, #tpu.memory_space<vmem>>, %arg1: memref<1280x128xf32, #tpu.memory_space<vmem>>, %arg2: memref<8x1280xi32, #tpu.memory_space<vmem>>, %arg3: memref<64x128xf32, #tpu.memory_space<vmem>>, %arg4: memref<64x32xf32, #tpu.memory_space<vmem>>, %arg5: memref<64x16xf32, #tpu.memory_space<vmem>>, %arg6: memref<64x64xf32, #tpu.memory_space<vmem>>, %arg7: memref<1x128xf32, #tpu.memory_space<vmem>>, %arg8: memref<128x4xf32, #tpu.memory_space<vmem>>, %arg9: memref<1x4xf32, #tpu.memory_space<vmem>>, %arg10: memref<32x4xf32, #tpu.memory_space<vmem>>, %arg11: memref<1x4xf32, #tpu.memory_space<vmem>>, %arg12: memref<16x4xf32, #tpu.memory_space<vmem>>, %arg13: memref<1x4xf32, #tpu.memory_space<vmem>>, %arg14: memref<64x4xf32, #tpu.memory_space<vmem>>, %arg15: memref<1x4xf32, #tpu.memory_space<vmem>>, %arg16: memref<16x16xf32, #tpu.memory_space<vmem>>, %arg17: memref<4x16xf32, #tpu.memory_space<vmem>>, %arg18: memref<4x16xf32, #tpu.memory_space<vmem>>, %arg19: memref<4x16xf32, #tpu.memory_space<vmem>>, %arg20: memref<4x16xf32, #tpu.memory_space<vmem>>, %arg21: memref<1x16xf32, #tpu.memory_space<vmem>>, %arg22: memref<16x3xf32, #tpu.memory_space<vmem>>, %arg23: memref<1x3xf32, #tpu.memory_space<vmem>>, %arg24: memref<64x3xf32, #tpu.memory_space<vmem>>) attributes {dimension_semantics = [], scalar_prefetch = 0 : i64, scratch_operands = 0 : i64, tpu.core_type = #tpu.core_type<tc>} {
    %get3A = arith.constant 0 : index
    %get3A_0 = arith.constant 0 : index
    %get3A_1 = vector.load %arg0[%get3A, %get3A_0] : memref<1280x128xf32, #tpu.memory_space<vmem>>, vector<1280x128xf32>
    %get3A_2 = arith.constant 0 : index
    %get3A_3 = arith.constant 0 : index
    %get3A_4 = vector.load %arg1[%get3A_2, %get3A_3] : memref<1280x128xf32, #tpu.memory_space<vmem>>, vector<1280x128xf32>
    %add3A = arith.addf %get3A_1, %get3A_4 : vector<1280x128xf32>
    %get3A_5 = arith.constant 0 : index
    %get3A_6 = arith.constant 0 : index
    %get3A_7 = vector.load %arg7[%get3A_5, %get3A_6] : memref<1x128xf32, #tpu.memory_space<vmem>>, vector<1x128xf32>
    %add3A_8 = vector.broadcast %get3A_7 : vector<1x128xf32> to vector<1280x128xf32>
    %add3A_9 = arith.addf %add3A, %add3A_8 : vector<1280x128xf32>
    %max3A = arith.constant 0.000000e+00 : f32
    %max3A_10 = vector.broadcast %max3A : f32 to vector<1280x128xf32>
    %max3A_11 = arith.maximumf %add3A_9, %max3A_10 : vector<1280x128xf32>
    %iota3A = tpu.iota {dimensions = array<i32: 0>} : vector<64x1280xi32>
    %broadcast_in_dim3A = arith.constant 0.000000e+00 : f32
    %broadcast_in_dim3A_12 = vector.broadcast %broadcast_in_dim3A : f32 to vector<64x16xf32>
    %broadcast_in_dim3A_13 = arith.constant 0.000000e+00 : f32
    %broadcast_in_dim3A_14 = vector.broadcast %broadcast_in_dim3A_13 : f32 to vector<64x1xf32>
    %get3A_15 = arith.constant 0 : index
    %get3A_16 = arith.constant 0 : index
    %get3A_17 = vector.load %arg2[%get3A_15, %get3A_16] : memref<8x1280xi32, #tpu.memory_space<vmem>>, vector<1x1280xi32>
    %eq3A = vector.broadcast %get3A_17 : vector<1x1280xi32> to vector<64x1280xi32>
    %eq3A_18 = arith.cmpi eq, %eq3A, %iota3A : vector<64x1280xi32>
    %jit3A = arith.constant 1.000000e+00 : f32
    %jit3A_19 = arith.constant 0.000000e+00 : f32
    %broadcast_in_dim3A_20 = vector.broadcast %jit3A : f32 to vector<64x1280xf32>
    %broadcast_in_dim3A_21 = vector.broadcast %jit3A_19 : f32 to vector<64x1280xf32>
    %select_n3A = arith.select %eq3A_18, %broadcast_in_dim3A_20, %broadcast_in_dim3A_21 : vector<64x1280xi1>, vector<64x1280xf32>
    %slice3A = vector.extract_strided_slice %max3A_11 {offsets = [0, 0], sizes = [1280, 16], strides = [1, 1]} : vector<1280x128xf32> to vector<1280x16xf32>
    %dot_general3A = arith.constant dense<0.000000e+00> : vector<64x16xf32>
    %dot_general3A_22 = tpu.matmul %select_n3A, %slice3A, %dot_general3A {dimension_numbers = #tpu.dot_dimension_numbers<[1], [0], [0], [1], [0, 0, 1, 1], [], []>, transpose_lhs_hint = false} : vector<64x1280xf32>, vector<1280x16xf32>, vector<64x16xf32> -> vector<64x16xf32>
    %add3A_23 = arith.addf %broadcast_in_dim3A_12, %dot_general3A_22 : vector<64x16xf32>
    %reduce_sum3A = arith.constant dense<0.000000e+00> : vector<64xf32>
    %reduce_sum3A_24 = vector.multi_reduction <add>, %select_n3A, %reduce_sum3A [1] : vector<64x1280xf32> to vector<64xf32>
    %broadcast_in_dim3A_25 = vector.shape_cast %reduce_sum3A_24 : vector<64xf32> to vector<64x1xf32>
    %add3A_26 = arith.addf %broadcast_in_dim3A_14, %broadcast_in_dim3A_25 : vector<64x1xf32>
    %get3A_27 = arith.constant 1 : index
    %get3A_28 = arith.constant 0 : index
    %get3A_29 = vector.load %arg2[%get3A_27, %get3A_28] : memref<8x1280xi32, #tpu.memory_space<vmem>>, vector<1x1280xi32>
    %eq3A_30 = vector.broadcast %get3A_29 : vector<1x1280xi32> to vector<64x1280xi32>
    %eq3A_31 = arith.cmpi eq, %eq3A_30, %iota3A : vector<64x1280xi32>
    %jit3A_32 = arith.constant 1.000000e+00 : f32
    %jit3A_33 = arith.constant 0.000000e+00 : f32
    %broadcast_in_dim3A_34 = vector.broadcast %jit3A_32 : f32 to vector<64x1280xf32>
    %broadcast_in_dim3A_35 = vector.broadcast %jit3A_33 : f32 to vector<64x1280xf32>
    %select_n3A_36 = arith.select %eq3A_31, %broadcast_in_dim3A_34, %broadcast_in_dim3A_35 : vector<64x1280xi1>, vector<64x1280xf32>
    %slice3A_37 = vector.extract_strided_slice %max3A_11 {offsets = [0, 16], sizes = [1280, 16], strides = [1, 1]} : vector<1280x128xf32> to vector<1280x16xf32>
    %dot_general3A_38 = arith.constant dense<0.000000e+00> : vector<64x16xf32>
    %dot_general3A_39 = tpu.matmul %select_n3A_36, %slice3A_37, %dot_general3A_38 {dimension_numbers = #tpu.dot_dimension_numbers<[1], [0], [0], [1], [0, 0, 1, 1], [], []>, transpose_lhs_hint = false} : vector<64x1280xf32>, vector<1280x16xf32>, vector<64x16xf32> -> vector<64x16xf32>
    %add3A_40 = arith.addf %add3A_23, %dot_general3A_39 : vector<64x16xf32>
    %reduce_sum3A_41 = arith.constant dense<0.000000e+00> : vector<64xf32>
    %reduce_sum3A_42 = vector.multi_reduction <add>, %select_n3A_36, %reduce_sum3A_41 [1] : vector<64x1280xf32> to vector<64xf32>
    %broadcast_in_dim3A_43 = vector.shape_cast %reduce_sum3A_42 : vector<64xf32> to vector<64x1xf32>
    %add3A_44 = arith.addf %add3A_26, %broadcast_in_dim3A_43 : vector<64x1xf32>
    %get3A_45 = arith.constant 2 : index
    %get3A_46 = arith.constant 0 : index
    %get3A_47 = vector.load %arg2[%get3A_45, %get3A_46] : memref<8x1280xi32, #tpu.memory_space<vmem>>, vector<1x1280xi32>
    %eq3A_48 = vector.broadcast %get3A_47 : vector<1x1280xi32> to vector<64x1280xi32>
    %eq3A_49 = arith.cmpi eq, %eq3A_48, %iota3A : vector<64x1280xi32>
    %jit3A_50 = arith.constant 1.000000e+00 : f32
    %jit3A_51 = arith.constant 0.000000e+00 : f32
    %broadcast_in_dim3A_52 = vector.broadcast %jit3A_50 : f32 to vector<64x1280xf32>
    %broadcast_in_dim3A_53 = vector.broadcast %jit3A_51 : f32 to vector<64x1280xf32>
    %select_n3A_54 = arith.select %eq3A_49, %broadcast_in_dim3A_52, %broadcast_in_dim3A_53 : vector<64x1280xi1>, vector<64x1280xf32>
    %slice3A_55 = vector.extract_strided_slice %max3A_11 {offsets = [0, 32], sizes = [1280, 16], strides = [1, 1]} : vector<1280x128xf32> to vector<1280x16xf32>
    %dot_general3A_56 = arith.constant dense<0.000000e+00> : vector<64x16xf32>
    %dot_general3A_57 = tpu.matmul %select_n3A_54, %slice3A_55, %dot_general3A_56 {dimension_numbers = #tpu.dot_dimension_numbers<[1], [0], [0], [1], [0, 0, 1, 1], [], []>, transpose_lhs_hint = false} : vector<64x1280xf32>, vector<1280x16xf32>, vector<64x16xf32> -> vector<64x16xf32>
    %add3A_58 = arith.addf %add3A_40, %dot_general3A_57 : vector<64x16xf32>
    %reduce_sum3A_59 = arith.constant dense<0.000000e+00> : vector<64xf32>
    %reduce_sum3A_60 = vector.multi_reduction <add>, %select_n3A_54, %reduce_sum3A_59 [1] : vector<64x1280xf32> to vector<64xf32>
    %broadcast_in_dim3A_61 = vector.shape_cast %reduce_sum3A_60 : vector<64xf32> to vector<64x1xf32>
    %add3A_62 = arith.addf %add3A_44, %broadcast_in_dim3A_61 : vector<64x1xf32>
    %get3A_63 = arith.constant 3 : index
    %get3A_64 = arith.constant 0 : index
    %get3A_65 = vector.load %arg2[%get3A_63, %get3A_64] : memref<8x1280xi32, #tpu.memory_space<vmem>>, vector<1x1280xi32>
    %eq3A_66 = vector.broadcast %get3A_65 : vector<1x1280xi32> to vector<64x1280xi32>
    %eq3A_67 = arith.cmpi eq, %eq3A_66, %iota3A : vector<64x1280xi32>
    %jit3A_68 = arith.constant 1.000000e+00 : f32
    %jit3A_69 = arith.constant 0.000000e+00 : f32
    %broadcast_in_dim3A_70 = vector.broadcast %jit3A_68 : f32 to vector<64x1280xf32>
    %broadcast_in_dim3A_71 = vector.broadcast %jit3A_69 : f32 to vector<64x1280xf32>
    %select_n3A_72 = arith.select %eq3A_67, %broadcast_in_dim3A_70, %broadcast_in_dim3A_71 : vector<64x1280xi1>, vector<64x1280xf32>
    %slice3A_73 = vector.extract_strided_slice %max3A_11 {offsets = [0, 48], sizes = [1280, 16], strides = [1, 1]} : vector<1280x128xf32> to vector<1280x16xf32>
    %dot_general3A_74 = arith.constant dense<0.000000e+00> : vector<64x16xf32>
    %dot_general3A_75 = tpu.matmul %select_n3A_72, %slice3A_73, %dot_general3A_74 {dimension_numbers = #tpu.dot_dimension_numbers<[1], [0], [0], [1], [0, 0, 1, 1], [], []>, transpose_lhs_hint = false} : vector<64x1280xf32>, vector<1280x16xf32>, vector<64x16xf32> -> vector<64x16xf32>
    %add3A_76 = arith.addf %add3A_58, %dot_general3A_75 : vector<64x16xf32>
    %reduce_sum3A_77 = arith.constant dense<0.000000e+00> : vector<64xf32>
    %reduce_sum3A_78 = vector.multi_reduction <add>, %select_n3A_72, %reduce_sum3A_77 [1] : vector<64x1280xf32> to vector<64xf32>
    %broadcast_in_dim3A_79 = vector.shape_cast %reduce_sum3A_78 : vector<64xf32> to vector<64x1xf32>
    %add3A_80 = arith.addf %add3A_62, %broadcast_in_dim3A_79 : vector<64x1xf32>
    %get3A_81 = arith.constant 4 : index
    %get3A_82 = arith.constant 0 : index
    %get3A_83 = vector.load %arg2[%get3A_81, %get3A_82] : memref<8x1280xi32, #tpu.memory_space<vmem>>, vector<1x1280xi32>
    %eq3A_84 = vector.broadcast %get3A_83 : vector<1x1280xi32> to vector<64x1280xi32>
    %eq3A_85 = arith.cmpi eq, %eq3A_84, %iota3A : vector<64x1280xi32>
    %jit3A_86 = arith.constant 1.000000e+00 : f32
    %jit3A_87 = arith.constant 0.000000e+00 : f32
    %broadcast_in_dim3A_88 = vector.broadcast %jit3A_86 : f32 to vector<64x1280xf32>
    %broadcast_in_dim3A_89 = vector.broadcast %jit3A_87 : f32 to vector<64x1280xf32>
    %select_n3A_90 = arith.select %eq3A_85, %broadcast_in_dim3A_88, %broadcast_in_dim3A_89 : vector<64x1280xi1>, vector<64x1280xf32>
    %slice3A_91 = vector.extract_strided_slice %max3A_11 {offsets = [0, 64], sizes = [1280, 16], strides = [1, 1]} : vector<1280x128xf32> to vector<1280x16xf32>
    %dot_general3A_92 = arith.constant dense<0.000000e+00> : vector<64x16xf32>
    %dot_general3A_93 = tpu.matmul %select_n3A_90, %slice3A_91, %dot_general3A_92 {dimension_numbers = #tpu.dot_dimension_numbers<[1], [0], [0], [1], [0, 0, 1, 1], [], []>, transpose_lhs_hint = false} : vector<64x1280xf32>, vector<1280x16xf32>, vector<64x16xf32> -> vector<64x16xf32>
    %add3A_94 = arith.addf %add3A_76, %dot_general3A_93 : vector<64x16xf32>
    %reduce_sum3A_95 = arith.constant dense<0.000000e+00> : vector<64xf32>
    %reduce_sum3A_96 = vector.multi_reduction <add>, %select_n3A_90, %reduce_sum3A_95 [1] : vector<64x1280xf32> to vector<64xf32>
    %broadcast_in_dim3A_97 = vector.shape_cast %reduce_sum3A_96 : vector<64xf32> to vector<64x1xf32>
    %add3A_98 = arith.addf %add3A_80, %broadcast_in_dim3A_97 : vector<64x1xf32>
    %get3A_99 = arith.constant 5 : index
    %get3A_100 = arith.constant 0 : index
    %get3A_101 = vector.load %arg2[%get3A_99, %get3A_100] : memref<8x1280xi32, #tpu.memory_space<vmem>>, vector<1x1280xi32>
    %eq3A_102 = vector.broadcast %get3A_101 : vector<1x1280xi32> to vector<64x1280xi32>
    %eq3A_103 = arith.cmpi eq, %eq3A_102, %iota3A : vector<64x1280xi32>
    %jit3A_104 = arith.constant 1.000000e+00 : f32
    %jit3A_105 = arith.constant 0.000000e+00 : f32
    %broadcast_in_dim3A_106 = vector.broadcast %jit3A_104 : f32 to vector<64x1280xf32>
    %broadcast_in_dim3A_107 = vector.broadcast %jit3A_105 : f32 to vector<64x1280xf32>
    %select_n3A_108 = arith.select %eq3A_103, %broadcast_in_dim3A_106, %broadcast_in_dim3A_107 : vector<64x1280xi1>, vector<64x1280xf32>
    %slice3A_109 = vector.extract_strided_slice %max3A_11 {offsets = [0, 80], sizes = [1280, 16], strides = [1, 1]} : vector<1280x128xf32> to vector<1280x16xf32>
    %dot_general3A_110 = arith.constant dense<0.000000e+00> : vector<64x16xf32>
    %dot_general3A_111 = tpu.matmul %select_n3A_108, %slice3A_109, %dot_general3A_110 {dimension_numbers = #tpu.dot_dimension_numbers<[1], [0], [0], [1], [0, 0, 1, 1], [], []>, transpose_lhs_hint = false} : vector<64x1280xf32>, vector<1280x16xf32>, vector<64x16xf32> -> vector<64x16xf32>
    %add3A_112 = arith.addf %add3A_94, %dot_general3A_111 : vector<64x16xf32>
    %reduce_sum3A_113 = arith.constant dense<0.000000e+00> : vector<64xf32>
    %reduce_sum3A_114 = vector.multi_reduction <add>, %select_n3A_108, %reduce_sum3A_113 [1] : vector<64x1280xf32> to vector<64xf32>
    %broadcast_in_dim3A_115 = vector.shape_cast %reduce_sum3A_114 : vector<64xf32> to vector<64x1xf32>
    %add3A_116 = arith.addf %add3A_98, %broadcast_in_dim3A_115 : vector<64x1xf32>
    %get3A_117 = arith.constant 6 : index
    %get3A_118 = arith.constant 0 : index
    %get3A_119 = vector.load %arg2[%get3A_117, %get3A_118] : memref<8x1280xi32, #tpu.memory_space<vmem>>, vector<1x1280xi32>
    %eq3A_120 = vector.broadcast %get3A_119 : vector<1x1280xi32> to vector<64x1280xi32>
    %eq3A_121 = arith.cmpi eq, %eq3A_120, %iota3A : vector<64x1280xi32>
    %jit3A_122 = arith.constant 1.000000e+00 : f32
    %jit3A_123 = arith.constant 0.000000e+00 : f32
    %broadcast_in_dim3A_124 = vector.broadcast %jit3A_122 : f32 to vector<64x1280xf32>
    %broadcast_in_dim3A_125 = vector.broadcast %jit3A_123 : f32 to vector<64x1280xf32>
    %select_n3A_126 = arith.select %eq3A_121, %broadcast_in_dim3A_124, %broadcast_in_dim3A_125 : vector<64x1280xi1>, vector<64x1280xf32>
    %slice3A_127 = vector.extract_strided_slice %max3A_11 {offsets = [0, 96], sizes = [1280, 16], strides = [1, 1]} : vector<1280x128xf32> to vector<1280x16xf32>
    %dot_general3A_128 = arith.constant dense<0.000000e+00> : vector<64x16xf32>
    %dot_general3A_129 = tpu.matmul %select_n3A_126, %slice3A_127, %dot_general3A_128 {dimension_numbers = #tpu.dot_dimension_numbers<[1], [0], [0], [1], [0, 0, 1, 1], [], []>, transpose_lhs_hint = false} : vector<64x1280xf32>, vector<1280x16xf32>, vector<64x16xf32> -> vector<64x16xf32>
    %add3A_130 = arith.addf %add3A_112, %dot_general3A_129 : vector<64x16xf32>
    %reduce_sum3A_131 = arith.constant dense<0.000000e+00> : vector<64xf32>
    %reduce_sum3A_132 = vector.multi_reduction <add>, %select_n3A_126, %reduce_sum3A_131 [1] : vector<64x1280xf32> to vector<64xf32>
    %broadcast_in_dim3A_133 = vector.shape_cast %reduce_sum3A_132 : vector<64xf32> to vector<64x1xf32>
    %add3A_134 = arith.addf %add3A_116, %broadcast_in_dim3A_133 : vector<64x1xf32>
    %get3A_135 = arith.constant 7 : index
    %get3A_136 = arith.constant 0 : index
    %get3A_137 = vector.load %arg2[%get3A_135, %get3A_136] : memref<8x1280xi32, #tpu.memory_space<vmem>>, vector<1x1280xi32>
    %eq3A_138 = vector.broadcast %get3A_137 : vector<1x1280xi32> to vector<64x1280xi32>
    %eq3A_139 = arith.cmpi eq, %eq3A_138, %iota3A : vector<64x1280xi32>
    %jit3A_140 = arith.constant 1.000000e+00 : f32
    %jit3A_141 = arith.constant 0.000000e+00 : f32
    %broadcast_in_dim3A_142 = vector.broadcast %jit3A_140 : f32 to vector<64x1280xf32>
    %broadcast_in_dim3A_143 = vector.broadcast %jit3A_141 : f32 to vector<64x1280xf32>
    %select_n3A_144 = arith.select %eq3A_139, %broadcast_in_dim3A_142, %broadcast_in_dim3A_143 : vector<64x1280xi1>, vector<64x1280xf32>
    %slice3A_145 = vector.extract_strided_slice %max3A_11 {offsets = [0, 112], sizes = [1280, 16], strides = [1, 1]} : vector<1280x128xf32> to vector<1280x16xf32>
    %dot_general3A_146 = arith.constant dense<0.000000e+00> : vector<64x16xf32>
    %dot_general3A_147 = tpu.matmul %select_n3A_144, %slice3A_145, %dot_general3A_146 {dimension_numbers = #tpu.dot_dimension_numbers<[1], [0], [0], [1], [0, 0, 1, 1], [], []>, transpose_lhs_hint = false} : vector<64x1280xf32>, vector<1280x16xf32>, vector<64x16xf32> -> vector<64x16xf32>
    %add3A_148 = arith.addf %add3A_130, %dot_general3A_147 : vector<64x16xf32>
    %reduce_sum3A_149 = arith.constant dense<0.000000e+00> : vector<64xf32>
    %reduce_sum3A_150 = vector.multi_reduction <add>, %select_n3A_144, %reduce_sum3A_149 [1] : vector<64x1280xf32> to vector<64xf32>
    %broadcast_in_dim3A_151 = vector.shape_cast %reduce_sum3A_150 : vector<64xf32> to vector<64x1xf32>
    %add3A_152 = arith.addf %add3A_134, %broadcast_in_dim3A_151 : vector<64x1xf32>
    %max3A_153 = arith.constant 1.000000e+00 : f32
    %max3A_154 = vector.broadcast %max3A_153 : f32 to vector<64x1xf32>
    %max3A_155 = arith.maximumf %add3A_152, %max3A_154 : vector<64x1xf32>
    %div3A = vector.broadcast %max3A_155 : vector<64x1xf32> to vector<64x16xf32>
    %div3A_156 = arith.divf %add3A_148, %div3A : vector<64x16xf32>
    %get3A_157 = arith.constant 0 : index
    %get3A_158 = arith.constant 0 : index
    %get3A_159 = vector.load %arg3[%get3A_157, %get3A_158] : memref<64x128xf32, #tpu.memory_space<vmem>>, vector<64x128xf32>
    %get3A_160 = arith.constant 0 : index
    %get3A_161 = arith.constant 0 : index
    %get3A_162 = vector.load %arg8[%get3A_160, %get3A_161] : memref<128x4xf32, #tpu.memory_space<vmem>>, vector<128x4xf32>
    %dot_general3A_163 = arith.constant dense<0.000000e+00> : vector<64x4xf32>
    %dot_general3A_164 = tpu.matmul %get3A_159, %get3A_162, %dot_general3A_163 {dimension_numbers = #tpu.dot_dimension_numbers<[1], [0], [0], [1], [0, 0, 1, 1], [], []>, transpose_lhs_hint = false} : vector<64x128xf32>, vector<128x4xf32>, vector<64x4xf32> -> vector<64x4xf32>
    %get3A_165 = arith.constant 0 : index
    %get3A_166 = arith.constant 0 : index
    %get3A_167 = vector.load %arg9[%get3A_165, %get3A_166] : memref<1x4xf32, #tpu.memory_space<vmem>>, vector<1x4xf32>
    %add3A_168 = vector.broadcast %get3A_167 : vector<1x4xf32> to vector<64x4xf32>
    %add3A_169 = arith.addf %dot_general3A_164, %add3A_168 : vector<64x4xf32>
    %max3A_170 = arith.constant 0.000000e+00 : f32
    %max3A_171 = vector.broadcast %max3A_170 : f32 to vector<64x4xf32>
    %max3A_172 = arith.maximumf %add3A_169, %max3A_171 : vector<64x4xf32>
    %get3A_173 = arith.constant 0 : index
    %get3A_174 = arith.constant 0 : index
    %get3A_175 = vector.load %arg4[%get3A_173, %get3A_174] : memref<64x32xf32, #tpu.memory_space<vmem>>, vector<64x32xf32>
    %get3A_176 = arith.constant 0 : index
    %get3A_177 = arith.constant 0 : index
    %get3A_178 = vector.load %arg10[%get3A_176, %get3A_177] : memref<32x4xf32, #tpu.memory_space<vmem>>, vector<32x4xf32>
    %dot_general3A_179 = arith.constant dense<0.000000e+00> : vector<64x4xf32>
    %dot_general3A_180 = tpu.matmul %get3A_175, %get3A_178, %dot_general3A_179 {dimension_numbers = #tpu.dot_dimension_numbers<[1], [0], [0], [1], [0, 0, 1, 1], [], []>, transpose_lhs_hint = false} : vector<64x32xf32>, vector<32x4xf32>, vector<64x4xf32> -> vector<64x4xf32>
    %get3A_181 = arith.constant 0 : index
    %get3A_182 = arith.constant 0 : index
    %get3A_183 = vector.load %arg11[%get3A_181, %get3A_182] : memref<1x4xf32, #tpu.memory_space<vmem>>, vector<1x4xf32>
    %add3A_184 = vector.broadcast %get3A_183 : vector<1x4xf32> to vector<64x4xf32>
    %add3A_185 = arith.addf %dot_general3A_180, %add3A_184 : vector<64x4xf32>
    %max3A_186 = arith.constant 0.000000e+00 : f32
    %max3A_187 = vector.broadcast %max3A_186 : f32 to vector<64x4xf32>
    %max3A_188 = arith.maximumf %add3A_185, %max3A_187 : vector<64x4xf32>
    %get3A_189 = arith.constant 0 : index
    %get3A_190 = arith.constant 0 : index
    %get3A_191 = vector.load %arg5[%get3A_189, %get3A_190] : memref<64x16xf32, #tpu.memory_space<vmem>>, vector<64x16xf32>
    %get3A_192 = arith.constant 0 : index
    %get3A_193 = arith.constant 0 : index
    %get3A_194 = vector.load %arg12[%get3A_192, %get3A_193] : memref<16x4xf32, #tpu.memory_space<vmem>>, vector<16x4xf32>
    %dot_general3A_195 = arith.constant dense<0.000000e+00> : vector<64x4xf32>
    %dot_general3A_196 = tpu.matmul %get3A_191, %get3A_194, %dot_general3A_195 {dimension_numbers = #tpu.dot_dimension_numbers<[1], [0], [0], [1], [0, 0, 1, 1], [], []>, transpose_lhs_hint = false} : vector<64x16xf32>, vector<16x4xf32>, vector<64x4xf32> -> vector<64x4xf32>
    %get3A_197 = arith.constant 0 : index
    %get3A_198 = arith.constant 0 : index
    %get3A_199 = vector.load %arg13[%get3A_197, %get3A_198] : memref<1x4xf32, #tpu.memory_space<vmem>>, vector<1x4xf32>
    %add3A_200 = vector.broadcast %get3A_199 : vector<1x4xf32> to vector<64x4xf32>
    %add3A_201 = arith.addf %dot_general3A_196, %add3A_200 : vector<64x4xf32>
    %max3A_202 = arith.constant 0.000000e+00 : f32
    %max3A_203 = vector.broadcast %max3A_202 : f32 to vector<64x4xf32>
    %max3A_204 = arith.maximumf %add3A_201, %max3A_203 : vector<64x4xf32>
    %get3A_205 = arith.constant 0 : index
    %get3A_206 = arith.constant 0 : index
    %get3A_207 = vector.load %arg6[%get3A_205, %get3A_206] : memref<64x64xf32, #tpu.memory_space<vmem>>, vector<64x64xf32>
    %get3A_208 = arith.constant 0 : index
    %get3A_209 = arith.constant 0 : index
    %get3A_210 = vector.load %arg14[%get3A_208, %get3A_209] : memref<64x4xf32, #tpu.memory_space<vmem>>, vector<64x4xf32>
    %dot_general3A_211 = arith.constant dense<0.000000e+00> : vector<64x4xf32>
    %dot_general3A_212 = tpu.matmul %get3A_207, %get3A_210, %dot_general3A_211 {dimension_numbers = #tpu.dot_dimension_numbers<[1], [0], [0], [1], [0, 0, 1, 1], [], []>, transpose_lhs_hint = false} : vector<64x64xf32>, vector<64x4xf32>, vector<64x4xf32> -> vector<64x4xf32>
    %get3A_213 = arith.constant 0 : index
    %get3A_214 = arith.constant 0 : index
    %get3A_215 = vector.load %arg15[%get3A_213, %get3A_214] : memref<1x4xf32, #tpu.memory_space<vmem>>, vector<1x4xf32>
    %add3A_216 = vector.broadcast %get3A_215 : vector<1x4xf32> to vector<64x4xf32>
    %add3A_217 = arith.addf %dot_general3A_212, %add3A_216 : vector<64x4xf32>
    %max3A_218 = arith.constant 0.000000e+00 : f32
    %max3A_219 = vector.broadcast %max3A_218 : f32 to vector<64x4xf32>
    %max3A_220 = arith.maximumf %add3A_217, %max3A_219 : vector<64x4xf32>
    %get3A_221 = arith.constant 0 : index
    %get3A_222 = arith.constant 0 : index
    %get3A_223 = vector.load %arg16[%get3A_221, %get3A_222] : memref<16x16xf32, #tpu.memory_space<vmem>>, vector<16x16xf32>
    %dot_general3A_224 = arith.constant dense<0.000000e+00> : vector<64x16xf32>
    %dot_general3A_225 = tpu.matmul %div3A_156, %get3A_223, %dot_general3A_224 {dimension_numbers = #tpu.dot_dimension_numbers<[1], [0], [0], [1], [0, 0, 1, 1], [], []>, transpose_lhs_hint = false} : vector<64x16xf32>, vector<16x16xf32>, vector<64x16xf32> -> vector<64x16xf32>
    %get3A_226 = arith.constant 0 : index
    %get3A_227 = arith.constant 0 : index
    %get3A_228 = vector.load %arg17[%get3A_226, %get3A_227] : memref<4x16xf32, #tpu.memory_space<vmem>>, vector<4x16xf32>
    %dot_general3A_229 = arith.constant dense<0.000000e+00> : vector<64x16xf32>
    %dot_general3A_230 = tpu.matmul %max3A_172, %get3A_228, %dot_general3A_229 {dimension_numbers = #tpu.dot_dimension_numbers<[1], [0], [0], [1], [0, 0, 1, 1], [], []>, transpose_lhs_hint = false} : vector<64x4xf32>, vector<4x16xf32>, vector<64x16xf32> -> vector<64x16xf32>
    %add3A_231 = arith.addf %dot_general3A_225, %dot_general3A_230 : vector<64x16xf32>
    %get3A_232 = arith.constant 0 : index
    %get3A_233 = arith.constant 0 : index
    %get3A_234 = vector.load %arg18[%get3A_232, %get3A_233] : memref<4x16xf32, #tpu.memory_space<vmem>>, vector<4x16xf32>
    %dot_general3A_235 = arith.constant dense<0.000000e+00> : vector<64x16xf32>
    %dot_general3A_236 = tpu.matmul %max3A_188, %get3A_234, %dot_general3A_235 {dimension_numbers = #tpu.dot_dimension_numbers<[1], [0], [0], [1], [0, 0, 1, 1], [], []>, transpose_lhs_hint = false} : vector<64x4xf32>, vector<4x16xf32>, vector<64x16xf32> -> vector<64x16xf32>
    %add3A_237 = arith.addf %add3A_231, %dot_general3A_236 : vector<64x16xf32>
    %get3A_238 = arith.constant 0 : index
    %get3A_239 = arith.constant 0 : index
    %get3A_240 = vector.load %arg19[%get3A_238, %get3A_239] : memref<4x16xf32, #tpu.memory_space<vmem>>, vector<4x16xf32>
    %dot_general3A_241 = arith.constant dense<0.000000e+00> : vector<64x16xf32>
    %dot_general3A_242 = tpu.matmul %max3A_204, %get3A_240, %dot_general3A_241 {dimension_numbers = #tpu.dot_dimension_numbers<[1], [0], [0], [1], [0, 0, 1, 1], [], []>, transpose_lhs_hint = false} : vector<64x4xf32>, vector<4x16xf32>, vector<64x16xf32> -> vector<64x16xf32>
    %add3A_243 = arith.addf %add3A_237, %dot_general3A_242 : vector<64x16xf32>
    %get3A_244 = arith.constant 0 : index
    %get3A_245 = arith.constant 0 : index
    %get3A_246 = vector.load %arg20[%get3A_244, %get3A_245] : memref<4x16xf32, #tpu.memory_space<vmem>>, vector<4x16xf32>
    %dot_general3A_247 = arith.constant dense<0.000000e+00> : vector<64x16xf32>
    %dot_general3A_248 = tpu.matmul %max3A_220, %get3A_246, %dot_general3A_247 {dimension_numbers = #tpu.dot_dimension_numbers<[1], [0], [0], [1], [0, 0, 1, 1], [], []>, transpose_lhs_hint = false} : vector<64x4xf32>, vector<4x16xf32>, vector<64x16xf32> -> vector<64x16xf32>
    %add3A_249 = arith.addf %add3A_243, %dot_general3A_248 : vector<64x16xf32>
    %get3A_250 = arith.constant 0 : index
    %get3A_251 = arith.constant 0 : index
    %get3A_252 = vector.load %arg21[%get3A_250, %get3A_251] : memref<1x16xf32, #tpu.memory_space<vmem>>, vector<1x16xf32>
    %add3A_253 = vector.broadcast %get3A_252 : vector<1x16xf32> to vector<64x16xf32>
    %add3A_254 = arith.addf %add3A_249, %add3A_253 : vector<64x16xf32>
    %max3A_255 = arith.constant 0.000000e+00 : f32
    %max3A_256 = vector.broadcast %max3A_255 : f32 to vector<64x16xf32>
    %max3A_257 = arith.maximumf %add3A_254, %max3A_256 : vector<64x16xf32>
    %get3A_258 = arith.constant 0 : index
    %get3A_259 = arith.constant 0 : index
    %get3A_260 = vector.load %arg22[%get3A_258, %get3A_259] : memref<16x3xf32, #tpu.memory_space<vmem>>, vector<16x3xf32>
    %dot_general3A_261 = arith.constant dense<0.000000e+00> : vector<64x3xf32>
    %dot_general3A_262 = tpu.matmul %max3A_257, %get3A_260, %dot_general3A_261 {dimension_numbers = #tpu.dot_dimension_numbers<[1], [0], [0], [1], [0, 0, 1, 1], [], []>, transpose_lhs_hint = false} : vector<64x16xf32>, vector<16x3xf32>, vector<64x3xf32> -> vector<64x3xf32>
    %get3A_263 = arith.constant 0 : index
    %get3A_264 = arith.constant 0 : index
    %get3A_265 = vector.load %arg23[%get3A_263, %get3A_264] : memref<1x3xf32, #tpu.memory_space<vmem>>, vector<1x3xf32>
    %add3A_266 = vector.broadcast %get3A_265 : vector<1x3xf32> to vector<64x3xf32>
    %add3A_267 = arith.addf %dot_general3A_262, %add3A_266 : vector<64x3xf32>
    %reduce_max3A = arith.constant dense<0xFF800000> : vector<64xf32>
    %reduce_max3A_268 = vector.multi_reduction <maximumf>, %add3A_267, %reduce_max3A [1] : vector<64x3xf32> to vector<64xf32>
    %broadcast_in_dim3A_269 = vector.shape_cast %reduce_max3A_268 : vector<64xf32> to vector<64x1xf32>
    %sub3A = vector.broadcast %broadcast_in_dim3A_269 : vector<64x1xf32> to vector<64x3xf32>
    %sub3A_270 = arith.subf %add3A_267, %sub3A : vector<64x3xf32>
    %exp3A = math.exp %sub3A_270 : vector<64x3xf32>
    %reduce_sum3A_271 = arith.constant dense<0.000000e+00> : vector<64xf32>
    %reduce_sum3A_272 = vector.multi_reduction <add>, %exp3A, %reduce_sum3A_271 [1] : vector<64x3xf32> to vector<64xf32>
    %broadcast_in_dim3A_273 = vector.shape_cast %reduce_sum3A_272 : vector<64xf32> to vector<64x1xf32>
    %log3A = math.log %broadcast_in_dim3A_273 : vector<64x1xf32>
    %add3A_274 = arith.addf %broadcast_in_dim3A_269, %log3A : vector<64x1xf32>
    %sub3A_275 = vector.broadcast %add3A_274 : vector<64x1xf32> to vector<64x3xf32>
    %sub3A_276 = arith.subf %add3A_267, %sub3A_275 : vector<64x3xf32>
    %swap3A = arith.constant 0 : index
    %swap3A_277 = arith.constant 0 : index
    %swap3A_278 = vector.load %arg24[%swap3A, %swap3A_277] : memref<64x3xf32, #tpu.memory_space<vmem>>, vector<64x3xf32>
    tpu.vector_store %arg24[%swap3A, %swap3A_277], %sub3A_276 {strides = array<i32>} : memref<64x3xf32, #tpu.memory_space<vmem>>, vector<64x3xf32>,
    return
  }
}

</mosaic_0001>

<sc_bundles>
// kernel: kernel.10.cloned.1.call-start
scs
__scs_entry_jumppad:
0x0: {  	(pc) =	sbr.rel $0x88, $3  }
0x1: {  	(tag) =	ssettag $0x0;
	lr =	simm.s32 $0x1  }
0x2: {  	[smem:$0x3F8C] =	sst lr;
	_ =	strace $0xD0000000  }
0x3: {  	_ = 	snop  }
0x4: {  	_ = 	snop  }
0x5: {  	_ = 	snop  }
0x6: {  	_ = 	snop  }
0x7: {  	_ = 	snop  }
__scs_overlays_trampoline_lowered:
0x8: {  	[smem:$0x3F9B] =	sst s0  }
0x9: {  	[smem:$0x3F9C] =	sst s1  }
0xa: {  	[smem:$0x3F9D] =	sst s2  }
0xb: {  	[smem:$0x3F9E] =	sst s3  }
0xc: {  	[smem:$0x3F9F] =	sst s4  }
0xd: {  	[smem:$0x3FA0] =	sst s5  }
0xe: {  	[smem:$0x3FA1] =	sst s6  }
0xf: {  	[smem:$0x3FA2] =	sst s7  }
0x10: {  	[smem:$0x3FA3] =	sst s8  }
0x11: {  	[smem:$0x3FA4] =	sst s9;
	s0 =	simm.s32 @!p0 $0x0  }
0x12: {  	s1 =	sld [smem:$0x3F8A];
	s0 =	simm.s32 @p0 $0x1  }
0x13: {  	[smem:$0x3FA5] =	sst s0;
	s0 =	simm.s32 @!p1 $0x0  }
0x14: {  	s2 =	sld [smem:$0x3F89];
	s0 =	simm.s32 @p1 $0x1  }
0x15: {  	[smem:$0x3FA6] =	sst s0;
	s0 =	simm.s32 @!p2 $0x0  }
0x16: {  	s3 =	sld [smem:$0x3FDB];
	s0 =	simm.s32 @p2 $0x1  }
0x17: {  	s4 =	simm.s32 $0x1BF5;
	[smem:$0x3FA8] =	sst s0  }
0x18: {  	s0 =	sld [smem:$0x3F8B];
	_ =	swait.ge [sflag:s4], $0x0  }
0x19: {  	s7 =	sld [smem:$0x3F8C]  }
0x1a: {  	s8 =	sadd.s32 $0xFFFFE003, lr  }
0x1b: {  	s9 =	sadd.s32 $0xFFFFFEF7, lr;
	s5 =	simm.s32 $0xFFFFFFFF;
	p2 =	slt.u32 s8, $0xFFFFF086  }
0x1c: {  	p1 =	slt.u32 s9, $0xF7A;
	s5 =	simm.s32 @!p2 $0x0  }
0x1d: {  	s5 =	simm.s32 @p1 $0x1;
	p0 =	seq.s32 s7, s2  }
0x1e: {  	s7 =	smul.u32 @!p0 $0xF7A, s2;
	p2 =	seq.s32 @!p0 s5, $0x0  }
0x1f: {  	s9 =	smul.u32 $0xF7A, s1;
	s8 =	simm.s32 @!p0 $0x1BF5;
	p2 =	por !p2, p0  }
0x20: {  	[sflag:s8] =	ssyncset.s32 @!p0 $0xFFFFF086;
	s6 =	sadd.s32 @!p0 s3, s7;
	s7 =	simm.s32 @!p0 $0x108  }
0x21: {  	s3 =	sadd.s32 s3, s9;
	s6 =	sadd.s32 @!p0 $0x88, s6;
	s7 =	simm.s32 @p2 $0x1082  }
0x22: {  	[simem:s7], [sflag:s8] =	dma.local @!p0 [hbm:s6], $0xF7A  }
0x23: {  	s9 =	sor.u32 $0xD0000000, s2;
	s6 =	simm.s32 $0x108;
	_ =	swait.ge @!p0 [sflag:s8], $0x0  }
0x24: {  	s3 =	sadd.s32 $0x88, s3;
	s6 =	simm.s32 @!p1 $0x1082;
	[sflag:s4] =	ssyncset.s32 $0xFFFFF086  }
0x25: {  	[simem:s6], [sflag:s4] =	dma.local [hbm:s3], $0xF7A  }
0x26: {  	[smem:$0x3F8C] =	sst s1;
	(tag) =	ssettag s2;
	_ =	strace s9  }
0x27: {  	s1 =	sld [smem:$0x3F9C]  }
0x28: {  	s2 =	sld [smem:$0x3F9D]  }
0x29: {  	s4 =	sld [smem:$0x3F9F]  }
0x2a: {  	p0 =	seq.s32 s5, $0x0;
	s5 =	sld [smem:$0x3FA0]  }
0x2b: {  	s6 =	sld [smem:$0x3FA1]  }
0x2c: {  	s7 =	sld [smem:$0x3FA2]  }
0x2d: {  	s3 =	simm.s32 $0x108;
	s8 =	sld [smem:$0x3FA3]  }
0x2e: {  	s3 =	simm.s32 @!p0 $0x1082;
	s9 =	sld [smem:$0x3FA4]  }
0x2f: {  	lr =	sadd.s32 s0, s3;
	s0 =	sld [smem:$0x3F9B]  }
0x30: {  	s3 =	sld [smem:$0x3F9E]  }
0x31: {  	[smem:$0x3FA7] =	sst s10  }
0x32: {  	s10 =	sld [smem:$0x3FA5];
	_ =	sdelay $0x3  }
0x33: {  	p0 =	seq.s32 s10, $0x1;
	s10 =	sld [smem:$0x3FA7];
	_ =	sdelay $0x3  }
0x34: {  	[smem:$0x3FA7] =	sst s10  }
0x35: {  	s10 =	sld [smem:$0x3FA6];
	_ =	sdelay $0x3  }
0x36: {  	p1 =	seq.s32 s10, $0x1;
	s10 =	sld [smem:$0x3FA7];
	_ =	sdelay $0x3  }
0x37: {  	[smem:$0x3FA7] =	sst s10  }
0x38: {  	s10 =	sld [smem:$0x3FA8]  }
0x39: {  	_ = 	snop;
	(pc) =	sbr.ind lr, $3  }
0x3a: {  	_ = 	snop  }
0x3b: {  	_ = 	snop  }
0x3c: {  	p2 =	seq.s32 s10, $0x1;
	s10 =	sld [smem:$0x3FA7]  }
0x3d: {  	_ =	shalt  }
0x3e: {  	_ =	shalt  }
0x3f: {  	_ =	shalt  }
0x40: {  	_ =	shalt  }
0x41: {  	_ =	shalt  }
0x42: {  	_ =	shalt  }
0x43: {  	_ =	shalt  }
0x44: {  	_ =	shalt  }
0x45: {  	_ =	shalt  }
0x46: {  	_ =	shalt  }
0x47: {  	_ =	shalt  }
0x48: {  	_ =	shalt  }
0x49: {  	_ =	shalt  }
0x4a: {  	_ =	shalt  }
0x4b: {  	_ =	shalt  }
0x4c: {  	_ =	shalt  }
0x4d: {  	_ =	shalt  }
0x4e: {  	_ =	shalt  }
0x4f: {  	_ =	shalt  }
0x50: {  	_ =	shalt  }
0x51: {  	_ =	shalt  }
0x52: {  	_ =	shalt  }
0x53: {  	_ =	shalt  }
0x54: {  	_ =	shalt  }
0x55: {  	_ =	shalt  }
0x56: {  	_ =	shalt  }
0x57: {  	_ =	shalt  }
0x58: {  	_ =	shalt  }
0x59: {  	_ =	shalt  }
0x5a: {  	_ =	shalt  }
0x5b: {  	_ =	shalt  }
0x5c: {  	_ =	shalt  }
0x5d: {  	_ =	shalt  }
0x5e: {  	_ =	shalt  }
0x5f: {  	_ =	shalt  }
0x60: {  	_ =	shalt  }
0x61: {  	_ =	shalt  }
0x62: {  	_ =	shalt  }
0x63: {  	_ =	shalt  }
0x64: {  	_ =	shalt  }
0x65: {  	_ =	shalt  }
0x66: {  	_ =	shalt  }
0x67: {  	_ =	shalt  }
0x68: {  	_ =	shalt  }
0x69: {  	_ =	shalt  }
0x6a: {  	_ =	shalt  }
0x6b: {  	_ =	shalt  }
0x6c: {  	_ =	shalt  }
0x6d: {  	_ =	shalt  }
0x6e: {  	_ =	shalt  }
0x6f: {  	_ =	shalt  }
0x70: {  	_ =	shalt  }
0x71: {  	_ =	shalt  }
0x72: {  	_ =	shalt  }
0x73: {  	_ =	shalt  }
0x74: {  	_ =	shalt  }
0x75: {  	_ =	shalt  }
0x76: {  	_ =	shalt  }
0x77: {  	_ =	shalt  }
0x78: {  	_ =	shalt  }
0x79: {  	_ =	shalt  }
0x7a: {  	_ =	shalt  }
0x7b: {  	_ =	shalt  }
0x7c: {  	_ =	shalt  }
0x7d: {  	_ =	shalt  }
0x7e: {  	_ =	shalt  }
0x7f: {  	_ =	shalt  }
0x80: {  	_ =	shalt  }
0x81: {  	_ =	shalt  }
0x82: {  	_ =	shalt  }
0x83: {  	_ =	shalt  }
0x84: {  	_ =	shalt  }
0x85: {  	_ =	shalt  }
0x86: {  	_ =	shalt  }
0x87: {  	_ =	shalt  }
.Lfunc_end0:
.L_simem_size_0:
called_computation.1_lowered:
.L_overlay_start_0:
0x88: {  	s2 =	sld [smem:$0x3FD9]  }
0x89: {  	s3 =	sld [smem:$0x3FFE];
	_ =	sdelay $0x1  }
0x8a: {  	s1 =	srdreg.scid  }
0x8b: {  	s0 =	sand.u32 $0x1, s1  }
0x8c: {  	s16 =	sshll.u32 s0, $0xA;
	s2 =	sadd.s32 s3, s2  }
0x8d: {  	s2 =	sadd.s32 s2, s16  }
0x8e: {  	[smem:$0x3FB3] =	sst s2  }
0x8f: {  	_ = 	snop  }
0x90: {  	(tm) =	ssettm $0x1  }
0x91: {  	s17 =	sld [smem:$0x3FFB];
	_ =	sdelay $0x3  }
0x92: {  	_ =	strace s17  }
0x93: {  	s2 =	sld [smem:$0x3FFC];
	_ =	sdelay $0x3  }
0x94: {  	_ =	strace s2  }
0x95: {  	s2 =	sld [smem:$0x3FFD];
	_ =	sdelay $0x3  }
0x96: {  	_ =	strace s2  }
0x97: {  	_ =	strace $0x8FFFFFFF  }
0x98: {  	s18 =	sld [smem:$0x3FDB];
	_ =	sdelay $0x1  }
0x99: {  	s19 =	simm.s32 $_scs_section_size  }
0x9a: {  	s4 =	simm.s32 $_size__tile_overlayer_lowered;
	s5 =	simm.s32 $_tile_overlayer_lowered  }
0x9b: {  	s22 =	simm.s32 $0x1BFF;
	s21 =	sshll.u32 s5, $0x1;
	s2 =	sadd.s32 s19, s18  }
0x9c: {  	s6 =	simm.s32 $0x0;
	s20 =	sshll.u32 s4, $0x1;
	s4 =	sadd.s32 s21, s2  }
0x9d: {  	[timem:s6], [sflag:s22] =	dma.local [hbm:s4], s20  }
0x9e: {  	_ =	swait.ge [sflag:s22], s20  }
0x9f: {  	s3 =	ssub.s32 $0x0, s20;
	[sflag:s22] =	ssyncset.done $0x0  }
0xa0: {  	[sflag:s22] =	ssyncadd.s32 s3;
	_ =	sdelay $0x1  }
0xa1: {  	s23 =	simm.s32 $0x1B8B  }
0xa2: {  	_ =	swait.ge [sflag:s23], $0x1  }
0xa3: {  	[sflag:s23] =	ssyncset.done $0x0  }
0xa4: {  	s25 =	simm.s32 $0x1B8E;
	s24 =	sld [smem:$0x3FFE];
	[sflag:s23] =	ssyncadd.s32 $0xFFFFFFFF  }
0xa5: {  	s26 =	simm.s32 $execute0_lowered;
	[smem:$0x3FD2] =	sst s25  }
0xa6: {  	s4 =	sshll.u32 s26, $0x1;
	_ =	strace $0x80000049;
	[dreg:$0x1] =	wrdreg $0xFFFFFFFF  }
0xa7: {  	s28 =	simm.s32 $_size_execute0_lowered;
	s2 =	sadd.s32 s2, s4;
	[dreg:$0x0] =	wrdreg $0x0  }
0xa8: {  	s4 =	sshll.u32 s28, $0x1;
	[dreg:$0x2] =	wrdreg s2  }
0xa9: {  	[dreg:$0x3] =	wrdreg s4  }
0xaa: {  	[dreg:$0x4] =	wrdreg $0xC0  }
0xab: {  	_ =	task [dreg:s6], $0x5FFFF  }
0xac: {  	[dreg:$0x1] =	wrdreg $0xFFFFFFFF  }
0xad: {  	[dreg:$0x0] =	wrdreg $0x60  }
0xae: {  	[dreg:$0x2] =	wrdreg s24  }
0xaf: {  	[dreg:$0x3] =	wrdreg $0x120200  }
0xb0: {  	[dreg:$0x4] =	wrdreg $0x148200  }
0xb1: {  	[dreg:$0x5] =	wrdreg $0x9  }
0xb2: {  	_ =	task.clear_ibuf [dreg:s6], $0x6FFFF;
	_ =	strace $0x90000049  }
0xb3: {  	s29 =	simm.s32 $0x9;
	_ =	strace $0x8000004B  }
0xb4: {  	_ =	swait.ge [sflag:s29], $0x1  }
0xb5: {  	[sflag:s29] =	ssyncadd.s32 $0xFFFFFFFF  }
0xb6: {  	_ =	strace $0x9000004B  }
0xb7: {  	_ =	sfence  }
0xb8: {  	s30 =	sld [smem:$0x0];
	_ =	sdelay $0x2  }
0xb9: {  	s31 =	sshll.u32 s1, $0xD;
	s1 =	sshrl.u32 s1, $0x2  }
0xba: {  	s3 =	sand.u32 $0x4000, s31;
	s1 =	sadd.s32 s1, s30  }
0xbb: {  	s0 =	sor.u32 s3, s0;
	s1 =	sshll.u32 s1, $0x11  }
0xbc: {  	s0 =	sor.u32 s1, s0  }
0xbd: {  	s0 =	sadd.s32 $0x8F2B, s0  }
0xbe: {  	[sflag:s0] =	ssyncadd.remote.s32 $0x1  }
0xbf: {  	_ =	sfence.sel $0xFFFF  }
0xc0: {  	[dreg:$0x0] =	wrdreg $0xFFFFFFFF;
	(pc) =	sbr.abs _section_cstart, $3  }
0xc1: {  	[dreg:$0x1] =	wrdreg $0xFFFFFFFF  }
0xc2: {  	_ =	task.clear_ibuf [dreg:s6], $0x2FFFF;
	_ =	strace $0x9FFFFFFF  }
0xc3: {  	(tm) =	ssettm $0x7FFFFFFF  }
tec
execute0_lowered:
.L_overlay_start_1:
0x0: {  	(tag) =	ssettag $0x1  }
0x1: {  	s0 =	srdreg.scid  }
0x2: {  	s1 =	rddreg [dreg:$0x0];
	s3 =	stileid.u32  }
0x3: {  	s2 =	rddreg [dreg:$0x2];
	s16 =	simm.s32 $0x0;
	s17 =	simm.s32 $0x1  }
0x4: {  	s18 =	simm.s32 $0x50;
	s29 =	simm.s32 $0x6720;
	s31 =	simm.s32 $0x6C20  }
0x5: {  	s14 =	simm.s32 $0x7120;
	s28 =	simm.s32 $0x7B20;
	s30 =	simm.s32 $0x8A20  }
0x6: {  	s5 =	sand.u32 $0x1, s0;
	s0 =	rddreg [dreg:$0x1];
	s6 =	smul.u32 $0x2710, s3  }
0x7: {  	s15 =	simm.s32 $0xC620;
	s4 =	smul.u32 $0x280, s3;
	[smem:$0x7FF] =	sst s16  }
0x8: {  	s8 =	smul.u32 $0x2800, s3;
	s21 =	sshll.u32 s3, $0x6;
	p0 =	sne.s32 s3, $0x0  }
0x9: {  	s7 =	sshll.u32 s5, $0x4;
	s11 =	smul.u32 $0x28000, s5;
	_ =	strace $0x8000004A  }
0xa: {  	s12 =	ssub.s32 $0x2, s5;
	s22 =	sadd.s32 $0x27100, s0;
	p1 =	sne.s32 s5, $0x0  }
0xb: {  	s5 =	simm.s32 $0x9E20;
	s7 =	sor.u32 s3, s7;
	s9 =	sshrl.u32 s6, $0x3  }
0xc: {  	s10 =	sshrl.u32 s4, $0x3;
	s13 =	sshrl.u32 s12, $0x1;
	s6 =	sadd.s32 s6, s0  }
0xd: {  	[dreg:$0x9] =	wrdreg s22;
	s23 =	sadd.s32 s8, s0;
	s3 =	simm.s32 $0x2  }
0xe: {  	s7 =	smul.u32 $0x2710, s7;
	s9 =	sadd.s32 s9, s1;
	s10 =	sadd.s32 s10, s1  }
0xf: {  	s11 =	sadd.s32 s8, s11;
	s19 =	ssub.s32 s12, s13;
	s13 =	sadd.s32 s8, s2  }
0x10: {  	[dreg:$0xa] =	wrdreg s23;
	s26 =	sshrl.u32 s6, $0x3;
	s23 =	simm.s32 $0x7620  }
0x11: {  	s6 =	simm.s32 $0xA820;
	s12 =	simm.s32 $0xBC20;
	[dreg:$0xe] =	wrdreg s26  }
0x12: {  	s11 =	sshrl.u32 s11, $0x3;
	s9 =	sadd.s32 $0x17C00, s9;
	[dreg:$0x8] =	wrdreg s13  }
0x13: {  	s24 =	sadd.s32 $0x17600, s10;
	s7 =	sshrl.u32 s7, $0x3;
	[dreg:$0x6] =	wrdreg s9  }
0x14: {  	s25 =	smax.u32 s19, $0x1;
	[dreg:$0xb] =	wrdreg s24;
	s7 =	sadd.s32 s7, s1  }
0x15: {  	[dreg:$0xd] =	wrdreg s25;
	s25 =	simm.s32 $0x9420;
	s20 =	sadd.s32 $0x3C00, s7  }
0x16: {  	s1 =	sadd.s32 s11, s1;
	s7 =	sadd.s32 $0xD840, s7;
	[dreg:$0x4] =	wrdreg s20  }
0x17: {  	s9 =	simm.s32 $0xB220;
	s1 =	sadd.s32 $0x1CC00, s1;
	[dreg:$0x5] =	wrdreg s7  }
0x18: {  	v0 =	vlaneseq.u32;
	s7 =	sor.u32 $0x1C01, s21;
	[dreg:$0xc] =	wrdreg s1;
	s1 =	simm.s32 $0x8020  }
0x19: {  	v1 =	vimm.f32 $0.0e+00;
	v0 =	vor.u32 s4, v0;
	s21 =	simm.s32 $0x8520;
	[dreg:$0x7] =	wrdreg s7;
	s7 =	simm.s32 $0x0  }
.LBB2_1:
0x1a: {  	[dreg:$0xf] =	wrdreg s7  }
0x1b: {  	s4 =	rddreg [dreg:$0x4]  }
0x1c: {  	s20 =	rddreg [dreg:$0x5]  }
0x1d: {  	s24 =	rddreg [dreg:$0x6]  }
0x1e: {  	s22 =	simm.s32 $0x2710;
	s26 =	rddreg [dreg:$0x7]  }
0x1f: {  	[tilespmem:s16], [sflag:$0x1] =	stream.linear.gather [hbm4b:s4+s16], $0x2710, $0x38;
	[tilespmem:$0x17020] =	vst v63  }
0x20: {  	s8 =	rddreg [dreg:$0xe];
	s7 =	simm.s32 $0x0;
	s4 =	simm.s32 $0x40  }
0x21: {  	[tilespmem:s22], [sflag:$0x1] =	stream.linear.gather [hbm4b:s20+s16], $0x2710, $0x38;
	[tilespmem:$0x17020] =	vst v63  }
0x22: {  	[spmem:s8], [sflag:s26] =	dma.local [hbm:s24], $0x4E2  }
.LBB2_2:
0x23: {  	p2 =	sne.s32 s4, $0x9FC0;
	[tilespmem:s7+$0xCB20] =	vst v1;
	s7 =	smov.u32 s4;
	s4 =	sadd.s32 $0x40, s4  }
.Ltmp0:
0x24: {  	(pc) =	sbr.rel @p2 .LBB2_2-.Ltmp0, $2  }
0x25: {  	_ =	sdelay $0x2  }
0x26: {  	s7 =	sshra.s32 s7, $0x2  }
0x27: {  	[tilespmem:s7+$0xCB20] =	vst v1;
	s4 =	simm.s32 $0xCB20  }
0x28: {  	[spmem:s13] =	stream.linear.scatter [tilespmem:s4], [sflag:$0x1], $0x2800, $0x38;
	[tilespmem:$0x17020] =	vst v63  }
0x29: {  	s7 =	rddreg [dreg:$0x9];
	s4 =	simm.s32 @!p0 $0xCB20  }
0x2a: {  	[spmem:s7] =	stream.linear.scatter @!p0 [tilespmem:s4], [sflag:$0x3], $0xF00, $0x38;
	[tilespmem:$0x17020] =	vst v63  }
0x2b: {  	s4 =	simm.s32 @!p0 $0x3  }
0x2c: {  	_ =	swait.ge @!p0 [sflag:s4], $0xF00  }
0x2d: {  	[sflag:s4] =	ssyncset.done @!p0 $0x0  }
0x2e: {  	[sflag:s4] =	ssyncadd.s32 @!p0 $0xFFFFF100  }
0x2f: {  	_ =	swait.ge [sflag:s17], $0x2710  }
0x30: {  	[sflag:s17] =	ssyncset.done $0x0  }
0x31: {  	[sflag:s17] =	ssyncadd.s32 $0xFFFFD8F0  }
0x32: {  	_ =	swait.ge [sflag:s17], $0x2710  }
0x33: {  	[sflag:s17] =	ssyncset.done $0x0  }
0x34: {  	[sflag:s17] =	ssyncadd.s32 $0xFFFFD8F0  }
0x35: {  	_ =	swait.ge [sflag:s17], $0x4E2  }
0x36: {  	[sflag:s17] =	ssyncset.done $0x0  }
0x37: {  	[sflag:s17] =	ssyncadd.s32 $0xFFFFFB1E  }
0x38: {  	_ =	swait.ge [sflag:s17], $0x2800  }
0x39: {  	[sflag:s17] =	ssyncset.done $0x0  }
0x3a: {  	[sflag:s17] =	ssyncadd.s32 $0xFFFFD800  }
0x3b: {  	s8 =	simm.s32 $0x0;
	s16 =	simm.s32 $0x4E20;
	[bflag:$0x0] =	sbarrier.arrive $0xFFFF  }
0x3c: {  	[tilespmem:s16], [sflag:$0x1] =	stream.indirect.gather [spmem:s0], $0x10, s8, s18, $0xb8;
	[tilespmem:$0x17020] =	vst v63  }
0x3d: {  	s19 =	simm.s32 $0x5320  }
0x3e: {  	[tilespmem:s19], [sflag:$0x1] =	stream.indirect.gather [spmem:s0], $0x10, s18, s18, $0xb8;
	[tilespmem:$0x17020] =	vst v63  }
0x3f: {  	s20 =	simm.s32 $0xA0;
	s22 =	simm.s32 $0x5820  }
0x40: {  	[tilespmem:s22], [sflag:$0x1] =	stream.indirect.gather [spmem:s0], $0x10, s20, s18, $0xb8;
	[tilespmem:$0x17020] =	vst v63  }
0x41: {  	s24 =	simm.s32 $0xF0;
	s26 =	simm.s32 $0x5D20  }
0x42: {  	[tilespmem:s26], [sflag:$0x1] =	stream.indirect.gather [spmem:s0], $0x10, s24, s18, $0xb8;
	[tilespmem:$0x17020] =	vst v63  }
0x43: {  	s10 =	simm.s32 $0x6220;
	s7 =	simm.s32 $0x140  }
0x44: {  	[tilespmem:s10], [sflag:$0x1] =	stream.indirect.gather [spmem:s0], $0x10, s7, s18, $0xb8;
	[tilespmem:$0x17020] =	vst v63  }
0x45: {  	s11 =	simm.s32 $0x190  }
0x46: {  	[tilespmem:s29], [sflag:$0x1] =	stream.indirect.gather [spmem:s0], $0x10, s11, s18, $0xb8;
	[tilespmem:$0x17020] =	vst v63  }
0x47: {  	s13 =	simm.s32 $0x1E0  }
0x48: {  	[tilespmem:s31], [sflag:$0x1] =	stream.indirect.gather [spmem:s0], $0x10, s13, s18, $0xb8;
	[tilespmem:$0x17020] =	vst v63  }
0x49: {  	s16 =	simm.s32 $0x230  }
0x4a: {  	[tilespmem:s14], [sflag:$0x1] =	stream.indirect.gather [spmem:s0], $0x10, s16, s18, $0xb8;
	[tilespmem:$0x17020] =	vst v63  }
0x4b: {  	s19 =	simm.s32 $0x280  }
0x4c: {  	[tilespmem:s23], [sflag:$0x1] =	stream.indirect.gather [spmem:s0], $0x10, s19, s18, $0xb8;
	[tilespmem:$0x17020] =	vst v63  }
0x4d: {  	s20 =	simm.s32 $0x2D0  }
0x4e: {  	[tilespmem:s28], [sflag:$0x1] =	stream.indirect.gather [spmem:s0], $0x10, s20, s18, $0xb8;
	[tilespmem:$0x17020] =	vst v63  }
0x4f: {  	s22 =	simm.s32 $0x320  }
0x50: {  	[tilespmem:s1], [sflag:$0x1] =	stream.indirect.gather [spmem:s0], $0x10, s22, s18, $0xb8;
	[tilespmem:$0x17020] =	vst v63  }
0x51: {  	s24 =	simm.s32 $0x370  }
0x52: {  	[tilespmem:s21], [sflag:$0x1] =	stream.indirect.gather [spmem:s0], $0x10, s24, s18, $0xb8;
	[tilespmem:$0x17020] =	vst v63  }
0x53: {  	s26 =	simm.s32 $0x3C0  }
0x54: {  	[tilespmem:s30], [sflag:$0x1] =	stream.indirect.gather [spmem:s0], $0x10, s26, s18, $0xb8;
	[tilespmem:$0x17020] =	vst v63  }
.LBB2_4:
0x55: {  	_ =	swait.ge [sflag:s17], $0x500  }
0x56: {  	s10 =	sshra.s32 s8, $0x2;
	s7 =	simm.s32 $0x4E20;
	[sflag:s17] =	ssyncset.done $0x0  }
0x57: {  	p2 =	seq.s32 s8, $0x0;
	s4 =	sadd.s32 $0x2710, s10;
	[sflag:s17] =	ssyncadd.s32 $0xFFFFFB00  }
0x58: {  	[spmem:s2] =	stream.indirect.scatter.add.f32 [tilespmem:s7], [sflag:$0x2], $0x10, s4, s18, $0xb8;
	[tilespmem:$0x17020] =	vst v63  }
0x59: {  	s4 =	simm.s32 @!p2 $0x2  }
0x5a: {  	_ =	swait.ge @!p2 [sflag:s4], $0x500  }
0x5b: {  	[sflag:s4] =	ssyncset.done @!p2 $0x0  }
0x5c: {  	s11 =	simm.s32 $0x8F20;
	s22 =	sadd.s32 $0x410, s10;
	[sflag:s4] =	ssyncadd.s32 @!p2 $0xFFFFFB00  }
0x5d: {  	[tilespmem:s11], [sflag:$0x1] =	stream.indirect.gather [spmem:s0], $0x10, s22, s18, $0xb8;
	[tilespmem:$0x17020] =	vst v63  }
0x5e: {  	_ =	swait.ge [sflag:s17], $0x500  }
0x5f: {  	[sflag:s17] =	ssyncset.done $0x0  }
0x60: {  	s26 =	simm.s32 $0x5320;
	s24 =	sadd.s32 $0x2760, s10;
	[sflag:s17] =	ssyncadd.s32 $0xFFFFFB00  }
0x61: {  	[spmem:s2] =	stream.indirect.scatter.add.f32 [tilespmem:s26], [sflag:$0x2], $0x10, s24, s18, $0xb8;
	[tilespmem:$0x17020] =	vst v63  }
0x62: {  	_ =	swait.ge @!p2 [sflag:s4], $0x500  }
0x63: {  	[sflag:s4] =	ssyncset.done @!p2 $0x0  }
0x64: {  	s13 =	sadd.s32 $0x460, s10;
	[sflag:s4] =	ssyncadd.s32 @!p2 $0xFFFFFB00  }
0x65: {  	[tilespmem:s25], [sflag:$0x1] =	stream.indirect.gather [spmem:s0], $0x10, s13, s18, $0xb8;
	[tilespmem:$0x17020] =	vst v63  }
0x66: {  	_ =	swait.ge [sflag:s17], $0x500  }
0x67: {  	[sflag:s17] =	ssyncset.done $0x0  }
0x68: {  	s19 =	simm.s32 $0x5820;
	s16 =	sadd.s32 $0x27B0, s10;
	[sflag:s17] =	ssyncadd.s32 $0xFFFFFB00  }
0x69: {  	[spmem:s2] =	stream.indirect.scatter.add.f32 [tilespmem:s19], [sflag:$0x2], $0x10, s16, s18, $0xb8;
	[tilespmem:$0x17020] =	vst v63  }
0x6a: {  	_ =	swait.ge @!p2 [sflag:s4], $0x500  }
0x6b: {  	[sflag:s4] =	ssyncset.done @!p2 $0x0  }
0x6c: {  	s20 =	sadd.s32 $0x4B0, s10;
	s22 =	simm.s32 $0x9920;
	[sflag:s4] =	ssyncadd.s32 @!p2 $0xFFFFFB00  }
0x6d: {  	[tilespmem:s22], [sflag:$0x1] =	stream.indirect.gather [spmem:s0], $0x10, s20, s18, $0xb8;
	[tilespmem:$0x17020] =	vst v63  }
0x6e: {  	_ =	swait.ge [sflag:s17], $0x500  }
0x6f: {  	[sflag:s17] =	ssyncset.done $0x0  }
0x70: {  	s24 =	sadd.s32 $0x2800, s10;
	s26 =	simm.s32 $0x5D20;
	[sflag:s17] =	ssyncadd.s32 $0xFFFFFB00  }
0x71: {  	[spmem:s2] =	stream.indirect.scatter.add.f32 [tilespmem:s26], [sflag:$0x2], $0x10, s24, s18, $0xb8;
	[tilespmem:$0x17020] =	vst v63  }
0x72: {  	_ =	swait.ge @!p2 [sflag:s4], $0x500  }
0x73: {  	[sflag:s4] =	ssyncset.done @!p2 $0x0  }
0x74: {  	s11 =	sadd.s32 $0x500, s10;
	[sflag:s4] =	ssyncadd.s32 @!p2 $0xFFFFFB00  }
0x75: {  	[tilespmem:s5], [sflag:$0x1] =	stream.indirect.gather [spmem:s0], $0x10, s11, s18, $0xb8;
	[tilespmem:$0x17020] =	vst v63  }
0x76: {  	_ =	swait.ge [sflag:s17], $0x500  }
0x77: {  	[sflag:s17] =	ssyncset.done $0x0  }
0x78: {  	s13 =	sadd.s32 $0x2850, s10;
	s16 =	simm.s32 $0x6220;
	[sflag:s17] =	ssyncadd.s32 $0xFFFFFB00  }
0x79: {  	[spmem:s2] =	stream.indirect.scatter.add.f32 [tilespmem:s16], [sflag:$0x2], $0x10, s13, s18, $0xb8;
	[tilespmem:$0x17020] =	vst v63  }
0x7a: {  	_ =	swait.ge @!p2 [sflag:s4], $0x500  }
0x7b: {  	[sflag:s4] =	ssyncset.done @!p2 $0x0  }
0x7c: {  	s19 =	sadd.s32 $0x550, s10;
	s20 =	simm.s32 $0xA320;
	[sflag:s4] =	ssyncadd.s32 @!p2 $0xFFFFFB00  }
0x7d: {  	[tilespmem:s20], [sflag:$0x1] =	stream.indirect.gather [spmem:s0], $0x10, s19, s18, $0xb8;
	[tilespmem:$0x17020] =	vst v63  }
0x7e: {  	_ =	swait.ge [sflag:s17], $0x500  }
0x7f: {  	[sflag:s17] =	ssyncset.done $0x0  }
0x80: {  	s22 =	sadd.s32 $0x28A0, s10;
	[sflag:s17] =	ssyncadd.s32 $0xFFFFFB00  }
0x81: {  	[spmem:s2] =	stream.indirect.scatter.add.f32 [tilespmem:s29], [sflag:$0x2], $0x10, s22, s18, $0xb8;
	[tilespmem:$0x17020] =	vst v63  }
0x82: {  	_ =	swait.ge @!p2 [sflag:s4], $0x500  }
0x83: {  	[sflag:s4] =	ssyncset.done @!p2 $0x0  }
0x84: {  	s24 =	sadd.s32 $0x5A0, s10;
	[sflag:s4] =	ssyncadd.s32 @!p2 $0xFFFFFB00  }
0x85: {  	[tilespmem:s6], [sflag:$0x1] =	stream.indirect.gather [spmem:s0], $0x10, s24, s18, $0xb8;
	[tilespmem:$0x17020] =	vst v63  }
0x86: {  	_ =	swait.ge [sflag:s17], $0x500  }
0x87: {  	[sflag:s17] =	ssyncset.done $0x0  }
0x88: {  	s26 =	sadd.s32 $0x28F0, s10;
	[sflag:s17] =	ssyncadd.s32 $0xFFFFFB00  }
0x89: {  	[spmem:s2] =	stream.indirect.scatter.add.f32 [tilespmem:s31], [sflag:$0x2], $0x10, s26, s18, $0xb8;
	[tilespmem:$0x17020] =	vst v63  }
0x8a: {  	_ =	swait.ge @!p2 [sflag:s4], $0x500  }
0x8b: {  	[sflag:s4] =	ssyncset.done @!p2 $0x0  }
0x8c: {  	s11 =	sadd.s32 $0x5F0, s10;
	s13 =	simm.s32 $0xAD20;
	[sflag:s4] =	ssyncadd.s32 @!p2 $0xFFFFFB00  }
0x8d: {  	[tilespmem:s13], [sflag:$0x1] =	stream.indirect.gather [spmem:s0], $0x10, s11, s18, $0xb8;
	[tilespmem:$0x17020] =	vst v63  }
0x8e: {  	_ =	swait.ge [sflag:s17], $0x500  }
0x8f: {  	[sflag:s17] =	ssyncset.done $0x0  }
0x90: {  	s16 =	sadd.s32 $0x2940, s10;
	[sflag:s17] =	ssyncadd.s32 $0xFFFFFB00  }
0x91: {  	[spmem:s2] =	stream.indirect.scatter.add.f32 [tilespmem:s14], [sflag:$0x2], $0x10, s16, s18, $0xb8;
	[tilespmem:$0x17020] =	vst v63  }
0x92: {  	_ =	swait.ge @!p2 [sflag:s4], $0x500  }
0x93: {  	[sflag:s4] =	ssyncset.done @!p2 $0x0  }
0x94: {  	s19 =	sadd.s32 $0x640, s10;
	[sflag:s4] =	ssyncadd.s32 @!p2 $0xFFFFFB00  }
0x95: {  	[tilespmem:s9], [sflag:$0x1] =	stream.indirect.gather [spmem:s0], $0x10, s19, s18, $0xb8;
	[tilespmem:$0x17020] =	vst v63  }
0x96: {  	_ =	swait.ge [sflag:s17], $0x500  }
0x97: {  	[sflag:s17] =	ssyncset.done $0x0  }
0x98: {  	s20 =	sadd.s32 $0x2990, s10;
	[sflag:s17] =	ssyncadd.s32 $0xFFFFFB00  }
0x99: {  	[spmem:s2] =	stream.indirect.scatter.add.f32 [tilespmem:s23], [sflag:$0x2], $0x10, s20, s18, $0xb8;
	[tilespmem:$0x17020] =	vst v63  }
0x9a: {  	_ =	swait.ge @!p2 [sflag:s4], $0x500  }
0x9b: {  	[sflag:s4] =	ssyncset.done @!p2 $0x0  }
0x9c: {  	s22 =	sadd.s32 $0x690, s10;
	s24 =	simm.s32 $0xB720;
	[sflag:s4] =	ssyncadd.s32 @!p2 $0xFFFFFB00  }
0x9d: {  	[tilespmem:s24], [sflag:$0x1] =	stream.indirect.gather [spmem:s0], $0x10, s22, s18, $0xb8;
	[tilespmem:$0x17020] =	vst v63  }
0x9e: {  	_ =	swait.ge [sflag:s17], $0x500  }
0x9f: {  	[sflag:s17] =	ssyncset.done $0x0  }
0xa0: {  	s26 =	sadd.s32 $0x29E0, s10;
	[sflag:s17] =	ssyncadd.s32 $0xFFFFFB00  }
0xa1: {  	[spmem:s2] =	stream.indirect.scatter.add.f32 [tilespmem:s28], [sflag:$0x2], $0x10, s26, s18, $0xb8;
	[tilespmem:$0x17020] =	vst v63  }
0xa2: {  	_ =	swait.ge @!p2 [sflag:s4], $0x500  }
0xa3: {  	[sflag:s4] =	ssyncset.done @!p2 $0x0  }
0xa4: {  	s11 =	sadd.s32 $0x6E0, s10;
	[sflag:s4] =	ssyncadd.s32 @!p2 $0xFFFFFB00  }
0xa5: {  	[tilespmem:s12], [sflag:$0x1] =	stream.indirect.gather [spmem:s0], $0x10, s11, s18, $0xb8;
	[tilespmem:$0x17020] =	vst v63  }
0xa6: {  	_ =	swait.ge [sflag:s17], $0x500  }
0xa7: {  	[sflag:s17] =	ssyncset.done $0x0  }
0xa8: {  	s13 =	sadd.s32 $0x2A30, s10;
	[sflag:s17] =	ssyncadd.s32 $0xFFFFFB00  }
0xa9: {  	[spmem:s2] =	stream.indirect.scatter.add.f32 [tilespmem:s1], [sflag:$0x2], $0x10, s13, s18, $0xb8;
	[tilespmem:$0x17020] =	vst v63  }
0xaa: {  	_ =	swait.ge @!p2 [sflag:s4], $0x500  }
0xab: {  	[sflag:s4] =	ssyncset.done @!p2 $0x0  }
0xac: {  	s16 =	sadd.s32 $0x730, s10;
	s19 =	simm.s32 $0xC120;
	[sflag:s4] =	ssyncadd.s32 @!p2 $0xFFFFFB00  }
0xad: {  	[tilespmem:s19], [sflag:$0x1] =	stream.indirect.gather [spmem:s0], $0x10, s16, s18, $0xb8;
	[tilespmem:$0x17020] =	vst v63  }
0xae: {  	_ =	swait.ge [sflag:s17], $0x500  }
0xaf: {  	[sflag:s17] =	ssyncset.done $0x0  }
0xb0: {  	s20 =	sadd.s32 $0x2A80, s10;
	[sflag:s17] =	ssyncadd.s32 $0xFFFFFB00  }
0xb1: {  	[spmem:s2] =	stream.indirect.scatter.add.f32 [tilespmem:s21], [sflag:$0x2], $0x10, s20, s18, $0xb8;
	[tilespmem:$0x17020] =	vst v63  }
0xb2: {  	_ =	swait.ge @!p2 [sflag:s4], $0x500  }
0xb3: {  	[sflag:s4] =	ssyncset.done @!p2 $0x0  }
0xb4: {  	s22 =	sadd.s32 $0x780, s10;
	[sflag:s4] =	ssyncadd.s32 @!p2 $0xFFFFFB00  }
0xb5: {  	[tilespmem:s15], [sflag:$0x1] =	stream.indirect.gather [spmem:s0], $0x10, s22, s18, $0xb8;
	[tilespmem:$0x17020] =	vst v63  }
0xb6: {  	_ =	swait.ge [sflag:s17], $0x500  }
0xb7: {  	[sflag:s17] =	ssyncset.done $0x0  }
0xb8: {  	s24 =	sadd.s32 $0x2AD0, s10;
	[sflag:s17] =	ssyncadd.s32 $0xFFFFFB00  }
0xb9: {  	[spmem:s2] =	stream.indirect.scatter.add.f32 [tilespmem:s30], [sflag:$0x2], $0x10, s24, s18, $0xb8;
	[tilespmem:$0x17020] =	vst v63  }
0xba: {  	_ =	swait.ge [sflag:s3], $0x500  }
0xbb: {  	p2 =	seq.s32 s8, $0x7D00;
	[sflag:s3] =	ssyncset.done $0x0  }
0xbc: {  	s4 =	simm.s32 @p2 $0x1;
	[sflag:s3] =	ssyncadd.s32 $0xFFFFFB00  }
0xbd: {  	_ =	swait.ge @p2 [sflag:s4], $0x500  }
0xbe: {  	s22 =	sshra.s32 @p2 s8, $0x2;
	s16 =	simm.s32 @p2 $0x50;
	[sflag:s4] =	ssyncset.done @p2 $0x0  }
0xbf: {  	s11 =	simm.s32 @p2 $0x8F20;
	s7 =	sadd.s32 @p2 $0x2B20, s22;
	[sflag:s4] =	ssyncadd.s32 @p2 $0xFFFFFB00  }
0xc0: {  	[spmem:s2] =	stream.indirect.scatter.add.f32 @p2 [tilespmem:s11], [sflag:$0x2], $0x10, s7, s16, $0xb8;
	[tilespmem:$0x17020] =	vst v63  }
0xc1: {  	s7 =	simm.s32 @p2 $0x2  }
0xc2: {  	_ =	swait.ge @p2 [sflag:s7], $0x500  }
0xc3: {  	s19 =	sshra.s32 @!p2 s8, $0x2;
	s20 =	simm.s32 @!p2 $0x50;
	[sflag:s7] =	ssyncset.done @p2 $0x0  }
0xc4: {  	s24 =	simm.s32 @!p2 $0x4E20;
	s11 =	sadd.s32 @!p2 $0x7D0, s19;
	[sflag:s7] =	ssyncadd.s32 @p2 $0xFFFFFB00  }
0xc5: {  	[tilespmem:s24], [sflag:$0x1] =	stream.indirect.gather @!p2 [spmem:s0], $0x10, s11, s20, $0xb8;
	[tilespmem:$0x17020] =	vst v63  }
0xc6: {  	s24 =	simm.s32 @!p2 $0x1  }
0xc7: {  	_ =	swait.ge @!p2 [sflag:s24], $0x500  }
0xc8: {  	[sflag:s24] =	ssyncset.done @!p2 $0x0  }
0xc9: {  	s26 =	simm.s32 @!p2 $0x8F20;
	s11 =	sadd.s32 @!p2 $0x2B20, s19;
	[sflag:s24] =	ssyncadd.s32 @!p2 $0xFFFFFB00  }
0xca: {  	[spmem:s2] =	stream.indirect.scatter.add.f32 @!p2 [tilespmem:s26], [sflag:$0x2], $0x10, s11, s20, $0xb8;
	[tilespmem:$0x17020] =	vst v63  }
0xcb: {  	s11 =	simm.s32 @!p2 $0x2  }
0xcc: {  	_ =	swait.ge @!p2 [sflag:s11], $0x500  }
0xcd: {  	[sflag:s11] =	ssyncset.done @!p2 $0x0  }
0xce: {  	s13 =	simm.s32 @!p2 $0x5320;
	s26 =	sadd.s32 @!p2 $0x820, s19;
	[sflag:s11] =	ssyncadd.s32 @!p2 $0xFFFFFB00  }
0xcf: {  	[tilespmem:s13], [sflag:$0x1] =	stream.indirect.gather @!p2 [spmem:s0], $0x10, s26, s20, $0xb8;
	[tilespmem:$0x17020] =	vst v63  }
0xd0: {  	_ =	swait.ge [sflag:s17], $0x500  }
0xd1: {  	[sflag:s17] =	ssyncset.done $0x0  }
0xd2: {  	s26 =	sadd.s32 $0x2B70, s10;
	[sflag:s17] =	ssyncadd.s32 $0xFFFFFB00  }
0xd3: {  	[spmem:s2] =	stream.indirect.scatter.add.f32 [tilespmem:s25], [sflag:$0x2], $0x10, s26, s18, $0xb8;
	[tilespmem:$0x17020] =	vst v63  }
0xd4: {  	_ =	swait.ge [sflag:s3], $0x500  }
0xd5: {  	[sflag:s3] =	ssyncset.done $0x0  }
0xd6: {  	[sflag:s3] =	ssyncadd.s32 $0xFFFFFB00  }
0xd7: {  	_ =	swait.ge @p2 [sflag:s4], $0x500  }
0xd8: {  	[sflag:s4] =	ssyncset.done @p2 $0x0  }
0xd9: {  	s13 =	sadd.s32 @p2 $0x2BC0, s22;
	s26 =	simm.s32 @p2 $0x9920;
	[sflag:s4] =	ssyncadd.s32 @p2 $0xFFFFFB00  }
0xda: {  	[spmem:s2] =	stream.indirect.scatter.add.f32 @p2 [tilespmem:s26], [sflag:$0x2], $0x10, s13, s16, $0xb8;
	[tilespmem:$0x17020] =	vst v63  }
0xdb: {  	_ =	swait.ge @p2 [sflag:s7], $0x500  }
0xdc: {  	[sflag:s7] =	ssyncset.done @p2 $0x0  }
0xdd: {  	s13 =	sadd.s32 @!p2 $0x870, s19;
	s26 =	simm.s32 @!p2 $0x5820;
	[sflag:s7] =	ssyncadd.s32 @p2 $0xFFFFFB00  }
0xde: {  	[tilespmem:s26], [sflag:$0x1] =	stream.indirect.gather @!p2 [spmem:s0], $0x10, s13, s20, $0xb8;
	[tilespmem:$0x17020] =	vst v63  }
0xdf: {  	_ =	swait.ge @!p2 [sflag:s24], $0x500  }
0xe0: {  	[sflag:s24] =	ssyncset.done @!p2 $0x0  }
0xe1: {  	s13 =	sadd.s32 @!p2 $0x2BC0, s19;
	s26 =	simm.s32 @!p2 $0x9920;
	[sflag:s24] =	ssyncadd.s32 @!p2 $0xFFFFFB00  }
0xe2: {  	[spmem:s2] =	stream.indirect.scatter.add.f32 @!p2 [tilespmem:s26], [sflag:$0x2], $0x10, s13, s20, $0xb8;
	[tilespmem:$0x17020] =	vst v63  }
0xe3: {  	_ =	swait.ge @!p2 [sflag:s11], $0x500  }
0xe4: {  	[sflag:s11] =	ssyncset.done @!p2 $0x0  }
0xe5: {  	s13 =	sadd.s32 @!p2 $0x8C0, s19;
	s26 =	simm.s32 @!p2 $0x5D20;
	[sflag:s11] =	ssyncadd.s32 @!p2 $0xFFFFFB00  }
0xe6: {  	[tilespmem:s26], [sflag:$0x1] =	stream.indirect.gather @!p2 [spmem:s0], $0x10, s13, s20, $0xb8;
	[tilespmem:$0x17020] =	vst v63  }
0xe7: {  	_ =	swait.ge [sflag:s17], $0x500  }
0xe8: {  	[sflag:s17] =	ssyncset.done $0x0  }
0xe9: {  	s26 =	sadd.s32 $0x2C10, s10;
	[sflag:s17] =	ssyncadd.s32 $0xFFFFFB00  }
0xea: {  	[spmem:s2] =	stream.indirect.scatter.add.f32 [tilespmem:s5], [sflag:$0x2], $0x10, s26, s18, $0xb8;
	[tilespmem:$0x17020] =	vst v63  }
0xeb: {  	_ =	swait.ge [sflag:s3], $0x500  }
0xec: {  	[sflag:s3] =	ssyncset.done $0x0  }
0xed: {  	[sflag:s3] =	ssyncadd.s32 $0xFFFFFB00  }
0xee: {  	_ =	swait.ge @p2 [sflag:s4], $0x500  }
0xef: {  	[sflag:s4] =	ssyncset.done @p2 $0x0  }
0xf0: {  	s13 =	sadd.s32 @p2 $0x2C60, s22;
	s26 =	simm.s32 @p2 $0xA320;
	[sflag:s4] =	ssyncadd.s32 @p2 $0xFFFFFB00  }
0xf1: {  	[spmem:s2] =	stream.indirect.scatter.add.f32 @p2 [tilespmem:s26], [sflag:$0x2], $0x10, s13, s16, $0xb8;
	[tilespmem:$0x17020] =	vst v63  }
0xf2: {  	_ =	swait.ge @p2 [sflag:s7], $0x500  }
0xf3: {  	[sflag:s7] =	ssyncset.done @p2 $0x0  }
0xf4: {  	s13 =	sadd.s32 @!p2 $0x910, s19;
	s26 =	simm.s32 @!p2 $0x6220;
	[sflag:s7] =	ssyncadd.s32 @p2 $0xFFFFFB00  }
0xf5: {  	[tilespmem:s26], [sflag:$0x1] =	stream.indirect.gather @!p2 [spmem:s0], $0x10, s13, s20, $0xb8;
	[tilespmem:$0x17020] =	vst v63  }
0xf6: {  	_ =	swait.ge @!p2 [sflag:s24], $0x500  }
0xf7: {  	[sflag:s24] =	ssyncset.done @!p2 $0x0  }
0xf8: {  	s13 =	sadd.s32 @!p2 $0x2C60, s19;
	s26 =	simm.s32 @!p2 $0xA320;
	[sflag:s24] =	ssyncadd.s32 @!p2 $0xFFFFFB00  }
0xf9: {  	[spmem:s2] =	stream.indirect.scatter.add.f32 @!p2 [tilespmem:s26], [sflag:$0x2], $0x10, s13, s20, $0xb8;
	[tilespmem:$0x17020] =	vst v63  }
0xfa: {  	_ =	swait.ge @!p2 [sflag:s11], $0x500  }
0xfb: {  	[sflag:s11] =	ssyncset.done @!p2 $0x0  }
0xfc: {  	s13 =	sadd.s32 @!p2 $0x960, s19;
	s26 =	simm.s32 @!p2 $0x6720;
	[sflag:s11] =	ssyncadd.s32 @!p2 $0xFFFFFB00  }
0xfd: {  	[tilespmem:s26], [sflag:$0x1] =	stream.indirect.gather @!p2 [spmem:s0], $0x10, s13, s20, $0xb8;
	[tilespmem:$0x17020] =	vst v63  }
0xfe: {  	_ =	swait.ge [sflag:s17], $0x500  }
0xff: {  	[sflag:s17] =	ssyncset.done $0x0  }
0x100: {  	s26 =	sadd.s32 $0x2CB0, s10;
	[sflag:s17] =	ssyncadd.s32 $0xFFFFFB00  }
0x101: {  	[spmem:s2] =	stream.indirect.scatter.add.f32 [tilespmem:s6], [sflag:$0x2], $0x10, s26, s18, $0xb8;
	[tilespmem:$0x17020] =	vst v63  }
0x102: {  	_ =	swait.ge [sflag:s3], $0x500  }
0x103: {  	[sflag:s3] =	ssyncset.done $0x0  }
0x104: {  	[sflag:s3] =	ssyncadd.s32 $0xFFFFFB00  }
0x105: {  	_ =	swait.ge @p2 [sflag:s4], $0x500  }
0x106: {  	[sflag:s4] =	ssyncset.done @p2 $0x0  }
0x107: {  	s13 =	sadd.s32 @p2 $0x2D00, s22;
	s26 =	simm.s32 @p2 $0xAD20;
	[sflag:s4] =	ssyncadd.s32 @p2 $0xFFFFFB00  }
0x108: {  	[spmem:s2] =	stream.indirect.scatter.add.f32 @p2 [tilespmem:s26], [sflag:$0x2], $0x10, s13, s16, $0xb8;
	[tilespmem:$0x17020] =	vst v63  }
0x109: {  	_ =	swait.ge @p2 [sflag:s7], $0x500  }
0x10a: {  	[sflag:s7] =	ssyncset.done @p2 $0x0  }
0x10b: {  	s13 =	sadd.s32 @!p2 $0x9B0, s19;
	s26 =	simm.s32 @!p2 $0x6C20;
	[sflag:s7] =	ssyncadd.s32 @p2 $0xFFFFFB00  }
0x10c: {  	[tilespmem:s26], [sflag:$0x1] =	stream.indirect.gather @!p2 [spmem:s0], $0x10, s13, s20, $0xb8;
	[tilespmem:$0x17020] =	vst v63  }
0x10d: {  	_ =	swait.ge @!p2 [sflag:s24], $0x500  }
0x10e: {  	[sflag:s24] =	ssyncset.done @!p2 $0x0  }
0x10f: {  	s13 =	sadd.s32 @!p2 $0x2D00, s19;
	s26 =	simm.s32 @!p2 $0xAD20;
	[sflag:s24] =	ssyncadd.s32 @!p2 $0xFFFFFB00  }
0x110: {  	[spmem:s2] =	stream.indirect.scatter.add.f32 @!p2 [tilespmem:s26], [sflag:$0x2], $0x10, s13, s20, $0xb8;
	[tilespmem:$0x17020] =	vst v63  }
0x111: {  	_ =	swait.ge @!p2 [sflag:s11], $0x500  }
0x112: {  	[sflag:s11] =	ssyncset.done @!p2 $0x0  }
0x113: {  	s13 =	sadd.s32 @!p2 $0xA00, s19;
	s26 =	simm.s32 @!p2 $0x7120;
	[sflag:s11] =	ssyncadd.s32 @!p2 $0xFFFFFB00  }
0x114: {  	[tilespmem:s26], [sflag:$0x1] =	stream.indirect.gather @!p2 [spmem:s0], $0x10, s13, s20, $0xb8;
	[tilespmem:$0x17020] =	vst v63  }
0x115: {  	_ =	swait.ge [sflag:s17], $0x500  }
0x116: {  	[sflag:s17] =	ssyncset.done $0x0  }
0x117: {  	s26 =	sadd.s32 $0x2D50, s10;
	[sflag:s17] =	ssyncadd.s32 $0xFFFFFB00  }
0x118: {  	[spmem:s2] =	stream.indirect.scatter.add.f32 [tilespmem:s9], [sflag:$0x2], $0x10, s26, s18, $0xb8;
	[tilespmem:$0x17020] =	vst v63  }
0x119: {  	_ =	swait.ge [sflag:s3], $0x500  }
0x11a: {  	[sflag:s3] =	ssyncset.done $0x0  }
0x11b: {  	[sflag:s3] =	ssyncadd.s32 $0xFFFFFB00  }
0x11c: {  	_ =	swait.ge @p2 [sflag:s4], $0x500  }
0x11d: {  	[sflag:s4] =	ssyncset.done @p2 $0x0  }
0x11e: {  	s13 =	sadd.s32 @p2 $0x2DA0, s22;
	s26 =	simm.s32 @p2 $0xB720;
	[sflag:s4] =	ssyncadd.s32 @p2 $0xFFFFFB00  }
0x11f: {  	[spmem:s2] =	stream.indirect.scatter.add.f32 @p2 [tilespmem:s26], [sflag:$0x2], $0x10, s13, s16, $0xb8;
	[tilespmem:$0x17020] =	vst v63  }
0x120: {  	_ =	swait.ge @p2 [sflag:s7], $0x500  }
0x121: {  	[sflag:s7] =	ssyncset.done @p2 $0x0  }
0x122: {  	s13 =	sadd.s32 @!p2 $0xA50, s19;
	s26 =	simm.s32 @!p2 $0x7620;
	[sflag:s7] =	ssyncadd.s32 @p2 $0xFFFFFB00  }
0x123: {  	[tilespmem:s26], [sflag:$0x1] =	stream.indirect.gather @!p2 [spmem:s0], $0x10, s13, s20, $0xb8;
	[tilespmem:$0x17020] =	vst v63  }
0x124: {  	_ =	swait.ge @!p2 [sflag:s24], $0x500  }
0x125: {  	[sflag:s24] =	ssyncset.done @!p2 $0x0  }
0x126: {  	s13 =	sadd.s32 @!p2 $0x2DA0, s19;
	s26 =	simm.s32 @!p2 $0xB720;
	[sflag:s24] =	ssyncadd.s32 @!p2 $0xFFFFFB00  }
0x127: {  	[spmem:s2] =	stream.indirect.scatter.add.f32 @!p2 [tilespmem:s26], [sflag:$0x2], $0x10, s13, s20, $0xb8;
	[tilespmem:$0x17020] =	vst v63  }
0x128: {  	_ =	swait.ge @!p2 [sflag:s11], $0x500  }
0x129: {  	[sflag:s11] =	ssyncset.done @!p2 $0x0  }
0x12a: {  	s13 =	sadd.s32 @!p2 $0xAA0, s19;
	s26 =	simm.s32 @!p2 $0x7B20;
	[sflag:s11] =	ssyncadd.s32 @!p2 $0xFFFFFB00  }
0x12b: {  	[tilespmem:s26], [sflag:$0x1] =	stream.indirect.gather @!p2 [spmem:s0], $0x10, s13, s20, $0xb8;
	[tilespmem:$0x17020] =	vst v63  }
0x12c: {  	_ =	swait.ge [sflag:s17], $0x500  }
0x12d: {  	[sflag:s17] =	ssyncset.done $0x0  }
0x12e: {  	s26 =	sadd.s32 $0x2DF0, s10;
	[sflag:s17] =	ssyncadd.s32 $0xFFFFFB00  }
0x12f: {  	[spmem:s2] =	stream.indirect.scatter.add.f32 [tilespmem:s12], [sflag:$0x2], $0x10, s26, s18, $0xb8;
	[tilespmem:$0x17020] =	vst v63  }
0x130: {  	_ =	swait.ge [sflag:s3], $0x500  }
0x131: {  	[sflag:s3] =	ssyncset.done $0x0  }
0x132: {  	[sflag:s3] =	ssyncadd.s32 $0xFFFFFB00  }
0x133: {  	_ =	swait.ge @p2 [sflag:s4], $0x500  }
0x134: {  	[sflag:s4] =	ssyncset.done @p2 $0x0  }
0x135: {  	s13 =	simm.s32 @p2 $0xC120;
	[sflag:s4] =	ssyncadd.s32 @p2 $0xFFFFFB00;
	s4 =	sadd.s32 @p2 $0x2E40, s22  }
0x136: {  	[spmem:s2] =	stream.indirect.scatter.add.f32 @p2 [tilespmem:s13], [sflag:$0x2], $0x10, s4, s16, $0xb8;
	[tilespmem:$0x17020] =	vst v63  }
0x137: {  	_ =	swait.ge @p2 [sflag:s7], $0x500  }
0x138: {  	[sflag:s7] =	ssyncset.done @p2 $0x0  }
0x139: {  	s4 =	sadd.s32 @!p2 $0xAF0, s19;
	[sflag:s7] =	ssyncadd.s32 @p2 $0xFFFFFB00;
	s7 =	simm.s32 @!p2 $0x8020  }
0x13a: {  	[tilespmem:s7], [sflag:$0x1] =	stream.indirect.gather @!p2 [spmem:s0], $0x10, s4, s20, $0xb8;
	[tilespmem:$0x17020] =	vst v63  }
0x13b: {  	_ =	swait.ge @!p2 [sflag:s24], $0x500  }
0x13c: {  	[sflag:s24] =	ssyncset.done @!p2 $0x0  }
0x13d: {  	s4 =	sadd.s32 @!p2 $0x2E40, s19;
	s7 =	simm.s32 @!p2 $0xC120;
	[sflag:s24] =	ssyncadd.s32 @!p2 $0xFFFFFB00  }
0x13e: {  	[spmem:s2] =	stream.indirect.scatter.add.f32 @!p2 [tilespmem:s7], [sflag:$0x2], $0x10, s4, s20, $0xb8;
	[tilespmem:$0x17020] =	vst v63  }
0x13f: {  	_ =	swait.ge @!p2 [sflag:s11], $0x500  }
0x140: {  	[sflag:s11] =	ssyncset.done @!p2 $0x0  }
0x141: {  	s4 =	sadd.s32 @!p2 $0xB40, s19;
	s7 =	simm.s32 @!p2 $0x8520;
	[sflag:s11] =	ssyncadd.s32 @!p2 $0xFFFFFB00  }
0x142: {  	[tilespmem:s7], [sflag:$0x1] =	stream.indirect.gather @!p2 [spmem:s0], $0x10, s4, s20, $0xb8;
	[tilespmem:$0x17020] =	vst v63  }
0x143: {  	_ =	swait.ge [sflag:s17], $0x500  }
0x144: {  	[sflag:s17] =	ssyncset.done $0x0  }
.Ltmp1:
0x145: {  	s26 =	sadd.s32 $0x2E90, s10;
	[sflag:s17] =	ssyncadd.s32 $0xFFFFFB00;
	(pc) =	sbr.rel @p2 .LBB2_6-.Ltmp1, $4  }
0x146: {  	[spmem:s2] =	stream.indirect.scatter.add.f32 [tilespmem:s15], [sflag:$0x2], $0x10, s26, s18, $0xb8;
	[tilespmem:$0x17020] =	vst v63  }
0x147: {  	_ =	swait.ge [sflag:s3], $0x500  }
0x148: {  	[sflag:s3] =	ssyncset.done $0x0  }
0x149: {  	[sflag:s3] =	ssyncadd.s32 $0xFFFFFB00  }
.Ltmp2:
0x14a: {  	(pc) =	sbr.rel .LBB2_4-.Ltmp2, $3  }
0x14b: {  	_ =	sdelay $0x1  }
0x14c: {  	s4 =	sadd.s32 $0xB90, s10;
	s8 =	sadd.s32 $0x1F40, s8  }
0x14d: {  	[tilespmem:s30], [sflag:$0x1] =	stream.indirect.gather [spmem:s0], $0x10, s4, s18, $0xb8;
	[tilespmem:$0x17020] =	vst v63  }
.LBB2_6:
0x14e: {  	_ =	swait.ge [sflag:s3], $0x500  }
0x14f: {  	[sflag:s3] =	ssyncset.done $0x0  }
0x150: {  	[sflag:s3] =	ssyncadd.s32 $0xFFFFFB00  }
0x151: {  	_ =	swait.ge [sflag:s3], $0x500  }
0x152: {  	[sflag:s3] =	ssyncset.done $0x0  }
0x153: {  	[sflag:s3] =	ssyncadd.s32 $0xFFFFFB00  }
0x154: {  	_ =	swait.ge [sflag:s3], $0x500  }
0x155: {  	[sflag:s3] =	ssyncset.done $0x0  }
0x156: {  	[sflag:s3] =	ssyncadd.s32 $0xFFFFFB00  }
0x157: {  	_ =	swait.ge [sflag:s3], $0x500  }
0x158: {  	[sflag:s3] =	ssyncset.done $0x0  }
0x159: {  	[sflag:s3] =	ssyncadd.s32 $0xFFFFFB00  }
0x15a: {  	_ =	swait.ge [sflag:s3], $0x500  }
0x15b: {  	[sflag:s3] =	ssyncset.done $0x0  }
0x15c: {  	[sflag:s3] =	ssyncadd.s32 $0xFFFFFB00  }
0x15d: {  	_ =	swait.ge [sflag:s3], $0x500  }
0x15e: {  	[sflag:s3] =	ssyncset.done $0x0  }
0x15f: {  	[sflag:s3] =	ssyncadd.s32 $0xFFFFFB00  }
0x160: {  	_ =	swait.ge [sflag:s3], $0x500  }
0x161: {  	[sflag:s3] =	ssyncset.done $0x0  }
0x162: {  	[sflag:s3] =	ssyncadd.s32 $0xFFFFFB00  }
0x163: {  	_ =	swait.ge [sflag:s3], $0x500  }
0x164: {  	[sflag:s3] =	ssyncset.done $0x0  }
0x165: {  	[sflag:s3] =	ssyncadd.s32 $0xFFFFFB00  }
0x166: {  	_ =	swait.ge [sflag:s3], $0x500  }
0x167: {  	[sflag:s3] =	ssyncset.done $0x0  }
0x168: {  	[sflag:s3] =	ssyncadd.s32 $0xFFFFFB00  }
0x169: {  	_ =	swait.ge [sflag:s3], $0x500  }
0x16a: {  	[sflag:s3] =	ssyncset.done $0x0  }
0x16b: {  	[sflag:s3] =	ssyncadd.s32 $0xFFFFFB00  }
0x16c: {  	_ =	swait.ge [sflag:s3], $0x500  }
.Ltmp3:
0x16d: {  	[sflag:s3] =	ssyncset.done $0x0;
	(pc) =	sbr.rel @p1 .LBB2_10-.Ltmp3, $4  }
0x16e: {  	[sflag:s3] =	ssyncadd.s32 $0xFFFFFB00  }
0x16f: {  	_ =	swait.ge [sflag:s3], $0x500  }
0x170: {  	s16 =	simm.s32 $0x0;
	s11 =	simm.s32 $0x3;
	[sflag:s3] =	ssyncset.done $0x0  }
0x171: {  	s19 =	simm.s32 $0xF5A0;
	s13 =	rddreg [dreg:$0x8];
	[sflag:s3] =	ssyncadd.s32 $0xFFFFFB00  }
0x172: {  	s10 =	simm.s32 $0x0  }
0x173: {  	v2 =	vmov s10  }
0x174: {  	v3 =	vadd.s32 $0x10, v2;
	v4 =	vadd.s32 $0x20, v2;
	v5 =	vadd.s32 $0x70, v2  }
0x175: {  	v6 =	vadd.s32 $0x30, v2;
	v7 =	vadd.s32 $0x40, v2;
	v5 =	vbroadcast v5, $0x0  }
0x176: {  	v8 =	vadd.s32 $0x50, v2;
	v2 =	vadd.s32 $0x60, v2;
	v3 =	vbroadcast v3, $0x0  }
0x177: {  	s7 =	simm.s32 $0xF360;
	v4 =	vbroadcast v4, $0x0;
	v6 =	vbroadcast v6, $0x0;
	v5 =	vadd.s32 v5, v0  }
0x178: {  	v7 =	vbroadcast v7, $0x0;
	v8 =	vbroadcast v8, $0x0;
	v3 =	vadd.s32 v3, v0;
	[tilespmem:s7+$0x30] =	vst v5  }
0x179: {  	v9 =	vadd.s32 v6, v0;
	[tilespmem:s7+$0xFFFFFFD0] =	vst v3;
	v5 =	vbroadcast v2, $0x0  }
0x17a: {  	s4 =	simm.s32 $0x80;
	v6 =	vadd.s32 v7, v0;
	v3 =	vadd.s32 v4, v0;
	v4 =	vadd.s32 v8, v0;
	[tilespmem:s7+$0xFFFFFFF0] =	vst v9  }
0x17b: {  	s8 =	simm.s32 $0x100;
	v2 =	vmov s4;
	[tilespmem:s7+$0xFFFFFFE0] =	vst v3;
	v3 =	vadd.s32 s10, v0;
	v5 =	vadd.s32 v5, v0  }
.LBB2_8:
0x17c: {  	p2 =	sne.s32 s8, $0x200;
	v7 =	vadd.s32 $0x10, v2;
	v8 =	vadd.s32 $0x20, v2;
	v9 =	vadd.s32 $0x70, v2;
	[tilespmem:s7+$0x0] =	vst v6  }
0x17d: {  	v6 =	vadd.s32 $0x30, v2;
	v10 =	vadd.s32 $0x40, v2;
	v9 =	vbroadcast v9, $0x0;
	[tilespmem:s7+$0x10] =	vst v4  }
0x17e: {  	v4 =	vbroadcast v7, $0x0;
	v7 =	vadd.s32 $0x50, v2;
	v2 =	vadd.s32 $0x60, v2;
	[tilespmem:s7+$0x20] =	vst v5  }
.Ltmp4:
0x17f: {  	v6 =	vbroadcast v6, $0x0;
	v5 =	vbroadcast v8, $0x0;
	v8 =	vadd.s32 v9, v0;
	[tilespmem:s7+$0xFFFFFFC0] =	vst v3;
	s7 =	sadd.s32 $0x80, s7;
	(pc) =	sbr.rel @p2 .LBB2_8-.Ltmp4, $4  }
0x180: {  	v7 =	vbroadcast v7, $0x0;
	v3 =	vadd.s32 v4, v0;
	v4 =	vbroadcast v10, $0x0;
	[tilespmem:s7+$0x30] =	vst v8  }
0x181: {  	v8 =	vbroadcast v2, $0x0;
	[tilespmem:s7+$0xFFFFFFD0] =	vst v3;
	v3 =	vadd.s32 v5, v0;
	v5 =	vadd.s32 v6, v0  }
0x182: {  	v6 =	vadd.s32 v4, v0;
	v4 =	vadd.s32 v7, v0;
	[tilespmem:s7+$0xFFFFFFE0] =	vst v3  }
0x183: {  	v2 =	vmov s8;
	v3 =	vadd.s32 s4, v0;
	s4 =	smov.u32 s8;
	s8 =	sadd.s32 $0x80, s8;
	[tilespmem:s7+$0xFFFFFFF0] =	vst v5;
	v5 =	vadd.s32 v8, v0  }
0x184: {  	v7 =	vadd.s32 $0x70, v2;
	[tilespmem:s7+$0x0] =	vst v6  }
0x185: {  	v58 =	vadd.s32 $0x10, v2;
	[tilespmem:s7+$0x10] =	vst v4;
	v7 =	vbroadcast v7, $0x0  }
0x186: {  	v59 =	vadd.s32 $0x20, v2;
	[tilespmem:s7+$0x20] =	vst v5;
	v6 =	vbroadcast v58, $0x0  }
0x187: {  	v60 =	vadd.s32 $0x30, v2;
	[tilespmem:s7+$0xFFFFFFC0] =	vst v3;
	s10 =	sadd.s32 $0x80, s7;
	v4 =	vbroadcast v59, $0x0;
	v7 =	vadd.s32 v7, v0  }
0x188: {  	v3 =	vadd.s32 $0x40, v2;
	v5 =	vbroadcast v60, $0x0;
	v6 =	vadd.s32 v6, v0;
	[tilespmem:s10+$0x30] =	vst v7  }
0x189: {  	v61 =	vadd.s32 $0x50, v2;
	v3 =	vbroadcast v3, $0x0;
	v4 =	vadd.s32 v4, v0;
	[tilespmem:s10+$0xFFFFFFD0] =	vst v6  }
0x18a: {  	v2 =	vadd.s32 $0x60, v2;
	v62 =	vbroadcast v61, $0x0;
	v5 =	vadd.s32 v5, v0;
	[tilespmem:s10+$0xFFFFFFE0] =	vst v4  }
0x18b: {  	v2 =	vbroadcast v2, $0x0;
	v3 =	vadd.s32 v3, v0;
	[tilespmem:s10+$0xFFFFFFF0] =	vst v5  }
0x18c: {  	v63 =	vadd.s32 v62, v0;
	[tilespmem:s10+$0x0] =	vst v3  }
0x18d: {  	v2 =	vadd.s32 v2, v0;
	[tilespmem:s10+$0x10] =	vst v63  }
0x18e: {  	v3 =	vadd.s32 s4, v0;
	[tilespmem:s10+$0x20] =	vst v2  }
0x18f: {  	s20 =	rddreg [dreg:$0xa];
	s22 =	simm.s32 $0xCB20;
	[tilespmem:s10+$0xFFFFFFC0] =	vst v3  }
0x190: {  	[tilespmem:s22], [sflag:$0x3] =	stream.linear.gather [spmem:s20], $0x2800, $0x38;
	[tilespmem:$0x17020] =	vst v63  }
0x191: {  	_ =	swait.ge [sflag:s11], $0x2800  }
0x192: {  	[sflag:s11] =	ssyncset.done $0x0  }
0x193: {  	s8 =	simm.s32 $0xF320;
	s4 =	simm.s32 $0x80;
	[sflag:s11] =	ssyncadd.s32 $0xFFFFD800  }
0x194: {  	[spmem:s2] =	stream.indirect.scatter.add.f32 [tilespmem:s22], [sflag:$0x3], $0x10, s8, s4, $0xb8;
	[tilespmem:$0x17020] =	vst v63  }
0x195: {  	_ =	swait.ge [sflag:s11], $0x800  }
0x196: {  	[sflag:s11] =	ssyncset.done $0x0  }
0x197: {  	s24 =	simm.s32 $0xF3A0;
	s26 =	simm.s32 $0xD320;
	[sflag:s11] =	ssyncadd.s32 $0xFFFFF800  }
0x198: {  	[spmem:s2] =	stream.indirect.scatter.add.f32 [tilespmem:s26], [sflag:$0x3], $0x10, s24, s4, $0xb8;
	[tilespmem:$0x17020] =	vst v63  }
0x199: {  	_ =	swait.ge [sflag:s11], $0x800  }
0x19a: {  	[sflag:s11] =	ssyncset.done $0x0  }
0x19b: {  	s10 =	simm.s32 $0xDB20;
	s8 =	simm.s32 $0xF420;
	[sflag:s11] =	ssyncadd.s32 $0xFFFFF800  }
0x19c: {  	[spmem:s2] =	stream.indirect.scatter.add.f32 [tilespmem:s10], [sflag:$0x3], $0x10, s8, s4, $0xb8;
	[tilespmem:$0x17020] =	vst v63  }
0x19d: {  	_ =	swait.ge [sflag:s11], $0x800  }
0x19e: {  	[sflag:s11] =	ssyncset.done $0x0  }
0x19f: {  	s20 =	simm.s32 $0xF4A0;
	s22 =	simm.s32 $0xE320;
	[sflag:s11] =	ssyncadd.s32 $0xFFFFF800  }
0x1a0: {  	[spmem:s2] =	stream.indirect.scatter.add.f32 [tilespmem:s22], [sflag:$0x3], $0x10, s20, s4, $0xb8;
	[tilespmem:$0x17020] =	vst v63  }
0x1a1: {  	_ =	swait.ge [sflag:s11], $0x800  }
0x1a2: {  	[sflag:s11] =	ssyncset.done $0x0  }
0x1a3: {  	s24 =	simm.s32 $0xF520;
	s26 =	simm.s32 $0xEB20;
	[sflag:s11] =	ssyncadd.s32 $0xFFFFF800  }
0x1a4: {  	[spmem:s2] =	stream.indirect.scatter.add.f32 [tilespmem:s26], [sflag:$0x3], $0x10, s24, s4, $0xb8;
	[tilespmem:$0x17020] =	vst v63  }
0x1a5: {  	_ =	swait.ge [sflag:s11], $0x800  }
0x1a6: {  	[sflag:s11] =	ssyncset.done $0x0  }
0x1a7: {  	[sflag:s11] =	ssyncadd.s32 $0xFFFFF800  }
.LBB2_10:
0x1a8: {  	[bflag:$0x0] =	sbarrier.arrive $0xFFFF  }
0x1a9: {  	[tilespmem:s19], [sflag:$0x3] =	stream.linear.gather [spmem:s13], $0x2800, $0x38;
	[tilespmem:$0x17020] =	vst v63  }
0x1aa: {  	_ =	swait.ge [sflag:s11], $0x2800  }
0x1ab: {  	s4 =	simm.s32 $0x0;
	[sflag:s11] =	ssyncset.done $0x0  }
0x1ac: {  	s8 =	simm.s32 $0x11DA0;
	s7 =	rddreg [dreg:$0xb];
	[sflag:s11] =	ssyncadd.s32 $0xFFFFD800  }
0x1ad: {  	[tilespmem:s8], [sflag:$0x3] =	stream.linear.gather [hbm4b:s7+s4], $0x280, $0x38;
	[tilespmem:$0x17020] =	vst v63  }
0x1ae: {  	_ =	swait.ge [sflag:s11], $0x280  }
0x1af: {  	[sflag:s11] =	ssyncset.done $0x0  }
0x1b0: {  	s4 =	simm.s32 $0xF620;
	[sflag:s11] =	ssyncadd.s32 $0xFFFFFD80  }
0x1b1: {  	s10 =	simm.s32 $0x0;
	s8 =	simm.s32 $0x40;
	s7 =	simm.s32 $0xF620;
	v2 =	vld [tilespmem:s4+$0xFFFFFFB0]  }
.LBB2_11:
0x1b2: {  	p2 =	sne.s32 s8, $0x9C0;
	v3 =	vld [tilespmem:s10+$0x11DA0]  }
0x1b3: {  	v4 =	vld [tilespmem:s4+$0xFFFFFF90]  }
0x1b4: {  	v5 =	vld [tilespmem:s4+$0xFFFFFF80]  }
0x1b5: {  	v6 =	vld [tilespmem:s4+$0xFFFFFFA0]  }
0x1b6: {  	v7 =	vld [tilespmem:s4+$0xFFFFFFF0]  }
0x1b7: {  	v8 =	vbroadcast v3, $0x0;
	v9 =	vbroadcast v3, $0x1;
	v10 =	vld [tilespmem:s4+$0xFFFFFFD0]  }
0x1b8: {  	v11 =	vbroadcast v3, $0x2;
	v12 =	vbroadcast v3, $0x3;
	v13 =	vld [tilespmem:s4+$0xFFFFFFC0]  }
0x1b9: {  	v5 =	vmul.f32 v8, v5;
	v4 =	vmul.f32 v4, v9;
	v8 =	vld [tilespmem:s4+$0xFFFFFFE0]  }
0x1ba: {  	v2 =	vmul.f32 v2, v12;
	v6 =	vmul.f32 v6, v11;
	v9 =	vld [tilespmem:s4+$0x30]  }
0x1bb: {  	v11 =	vbroadcast v3, $0x5;
	[tilespmem:s4+$0xFFFFFF80] =	vst v5;
	v5 =	vbroadcast v3, $0x4;
	v12 =	vld [tilespmem:s4+$0x10]  }
0x1bc: {  	v14 =	vbroadcast v3, $0x7;
	[tilespmem:s4+$0xFFFFFF90] =	vst v4;
	v4 =	vbroadcast v3, $0x6;
	v15 =	vld [tilespmem:s4+$0x0]  }
0x1bd: {  	[tilespmem:s4+$0xFFFFFFA0] =	vst v6;
	v5 =	vmul.f32 v13, v5;
	v6 =	vmul.f32 v10, v11;
	v10 =	vld [tilespmem:s4+$0x20]  }
0x1be: {  	[tilespmem:s4+$0xFFFFFFB0] =	vst v2;
	v2 =	vmul.f32 v8, v4;
	v4 =	vmul.f32 v7, v14;
	v7 =	vld [tilespmem:s4+$0x70]  }
0x1bf: {  	v8 =	vbroadcast v3, $0x9;
	[tilespmem:s4+$0xFFFFFFC0] =	vst v5;
	v5 =	vbroadcast v3, $0x8;
	v11 =	vld [tilespmem:s4+$0x50]  }
0x1c0: {  	v13 =	vbroadcast v3, $0xB;
	[tilespmem:s4+$0xFFFFFFD0] =	vst v6;
	v6 =	vbroadcast v3, $0xA;
	v14 =	vld [tilespmem:s4+$0x40]  }
0x1c1: {  	[tilespmem:s4+$0xFFFFFFE0] =	vst v2;
	v2 =	vmul.f32 v15, v5;
	v5 =	vmul.f32 v12, v8;
	v8 =	vld [tilespmem:s4+$0x60]  }
0x1c2: {  	[tilespmem:s4+$0xFFFFFFF0] =	vst v4;
	v4 =	vmul.f32 v10, v6;
	v6 =	vmul.f32 v9, v13  }
0x1c3: {  	v9 =	vbroadcast v3, $0xD;
	[tilespmem:s4+$0x0] =	vst v2;
	v2 =	vbroadcast v3, $0xC  }
0x1c4: {  	[tilespmem:s4+$0x10] =	vst v5;
	v5 =	vbroadcast v3, $0xE;
	v3 =	vbroadcast v3, $0xF  }
0x1c5: {  	[tilespmem:s4+$0x20] =	vst v4;
	v2 =	vmul.f32 v14, v2;
	v4 =	vmul.f32 v11, v9  }
.Ltmp5:
0x1c6: {  	[tilespmem:s4+$0x30] =	vst v6;
	v5 =	vmul.f32 v8, v5;
	v3 =	vmul.f32 v7, v3;
	(pc) =	sbr.rel @p2 .LBB2_11-.Ltmp5, $4  }
0x1c7: {  	[tilespmem:s4+$0x40] =	vst v2  }
0x1c8: {  	[tilespmem:s4+$0x50] =	vst v4  }
0x1c9: {  	s4 =	sadd.s32 $0x100, s4;
	[tilespmem:s7+$0x60] =	vst v5  }
0x1ca: {  	s10 =	sshra.s32 s8, $0x2;
	s8 =	sadd.s32 $0x40, s8;
	v2 =	vld [tilespmem:s4+$0xFFFFFFB0];
	[tilespmem:s7+$0x70] =	vst v3;
	s7 =	smov.u32 s4  }
0x1cb: {  	v3 =	vld [tilespmem:s10+$0x11DA0];
	_ =	sdelay $0x1  }
0x1cc: {  	v4 =	vld [tilespmem:s4+$0xFFFFFF80]  }
0x1cd: {  	v5 =	vld [tilespmem:s4+$0xFFFFFF90]  }
0x1ce: {  	v6 =	vld [tilespmem:s4+$0xFFFFFFA0]  }
0x1cf: {  	v7 =	vbroadcast v3, $0x0  }
0x1d0: {  	v10 =	vld [tilespmem:s4+$0xFFFFFFD0];
	v8 =	vbroadcast v3, $0x1;
	v11 =	vbroadcast v3, $0x2  }
0x1d1: {  	v45 =	vld [tilespmem:s4+$0xFFFFFFE0];
	v44 =	vbroadcast v3, $0x3;
	v4 =	vmul.f32 v7, v4  }
0x1d2: {  	v49 =	vld [tilespmem:s4+$0x10];
	v46 =	vbroadcast v3, $0x4;
	v5 =	vmul.f32 v5, v8  }
0x1d3: {  	v9 =	vld [tilespmem:s4+$0xFFFFFFC0];
	v47 =	vbroadcast v3, $0x5;
	v6 =	vmul.f32 v6, v11;
	[tilespmem:s4+$0xFFFFFF80] =	vst v4  }
0x1d4: {  	v12 =	vld [tilespmem:s4+$0xFFFFFFF0];
	v13 =	vbroadcast v3, $0x6;
	v2 =	vmul.f32 v2, v44;
	[tilespmem:s4+$0xFFFFFF90] =	vst v5  }
0x1d5: {  	v51 =	vld [tilespmem:s4+$0x20];
	v53 =	vbroadcast v3, $0x9;
	v7 =	vmul.f32 v10, v47;
	[tilespmem:s4+$0xFFFFFFA0] =	vst v6  }
0x1d6: {  	v48 =	vld [tilespmem:s4+$0x0];
	v50 =	vbroadcast v3, $0x7;
	v8 =	vmul.f32 v45, v13;
	[tilespmem:s4+$0xFFFFFFB0] =	vst v2  }
0x1d7: {  	v55 =	vld [tilespmem:s4+$0x50];
	v52 =	vbroadcast v3, $0x8;
	v58 =	vmul.f32 v49, v53;
	[tilespmem:s4+$0xFFFFFFD0] =	vst v7  }
0x1d8: {  	v54 =	vld [tilespmem:s4+$0x40];
	v56 =	vbroadcast v3, $0xA;
	v4 =	vmul.f32 v9, v46;
	[tilespmem:s4+$0xFFFFFFE0] =	vst v8  }
0x1d9: {  	v57 =	vbroadcast v3, $0xB;
	v2 =	vld [tilespmem:s4+$0x30];
	v6 =	vmul.f32 v12, v50;
	[tilespmem:s4+$0x10] =	vst v58  }
0x1da: {  	v60 =	vld [tilespmem:s4+$0x70];
	v62 =	vbroadcast v3, $0xD;
	v9 =	vmul.f32 v51, v56;
	[tilespmem:s4+$0xFFFFFFC0] =	vst v4  }
0x1db: {  	v59 =	vld [tilespmem:s4+$0x60];
	v61 =	vbroadcast v3, $0xC;
	v4 =	vmul.f32 v48, v52;
	[tilespmem:s4+$0xFFFFFFF0] =	vst v6  }
0x1dc: {  	v63 =	vbroadcast v3, $0xE;
	v5 =	vmul.f32 v55, v62;
	[tilespmem:s4+$0x20] =	vst v9  }
0x1dd: {  	v3 =	vbroadcast v3, $0xF;
	[tilespmem:s4+$0x0] =	vst v4;
	v4 =	vmul.f32 v54, v61  }
0x1de: {  	[tilespmem:s4+$0x50] =	vst v5;
	v2 =	vmul.f32 v2, v57  }
0x1df: {  	v3 =	vmul.f32 v60, v3;
	[tilespmem:s4+$0x40] =	vst v4  }
0x1e0: {  	[tilespmem:s4+$0x30] =	vst v2;
	v2 =	vmul.f32 v59, v63  }
0x1e1: {  	[tilespmem:s7+$0x70] =	vst v3  }
0x1e2: {  	s22 =	rddreg [dreg:$0xc];
	[tilespmem:s7+$0x60] =	vst v2  }
0x1e3: {  	[hbm4b:s22+s16] =	stream.linear.scatter [tilespmem:s19], [sflag:$0x3], $0x2800, $0x38;
	[tilespmem:$0x17020] =	vst v63  }
0x1e4: {  	_ =	swait.ge [sflag:s11], $0x2800  }
0x1e5: {  	s24 =	rddreg [dreg:$0xf]  }
0x1e6: {  	s26 =	rddreg [dreg:$0xd];
	s7 =	sadd.s32 $0x1, s24  }
0x1e7: {  	p2 =	sne.s32 s7, s26  }
.Ltmp6:
0x1e8: {  	_ = 	snop;
	(pc) =	sbr.rel @p2 .LBB2_1-.Ltmp6, $3  }
0x1e9: {  	_ =	sdelay $0x1  }
0x1ea: {  	[sflag:s11] =	ssyncset.done $0x0  }
0x1eb: {  	[sflag:s11] =	ssyncadd.s32 $0xFFFFD800  }
0x1ec: {  	_ =	sfence.sel $0x180000  }
0x1ed: {  	[bflag:$0x0] =	sbarrier.arrive $0xFFFF  }
0x1ee: {  	_ =	strace $0x9000004A  }
0x1ef: {  	[bflag:$0x2] =	sbarrier.arrive $0xFFFF  }
0x1f0: {  	s0 =	rddreg [dreg:$0x3]  }
0x1f1: {  	s0 =	sadd.s32 @!p0 $0x100000, s0  }
0x1f2: {  	[sflag:s0] =	ssyncadd.tile.s32 @!p0 $0x1;
	_ =	shalt  }
.Lfunc_end2:
_tile_overlayer_lowered:
.L_overlay_start_2:
0x1f3: {  	(tag) =	ssettag $0x2  }
0x1f4: {  	s0 =	rddreg [dreg:$0x0];
	s2 =	stileid.u32  }
0x1f5: {  	s1 =	rddreg [dreg:$0x1];
	p0 =	sne.s32 s2, $0x0  }
0x1f6: {  	s3 =	rddreg [dreg:$0x2];
	[bflag:$0x3] =	sbarrier.arrive $0xFFFF;
	s2 =	simm.s32 @!p0 $0x1C03  }
0x1f7: {  	[timem:s3], [sflag:s2] =	dma.local @!p0 [hbm:s0], s1  }
0x1f8: {  	s0 =	simm.s32 @!p0 $0x3  }
0x1f9: {  	_ =	swait.ge @!p0 [sflag:s0], s1  }
0x1fa: {  	s1 =	ssub.s32 @!p0 $0x0, s1;
	[sflag:s0] =	ssyncset.done @!p0 $0x0  }
0x1fb: {  	[sflag:s0] =	ssyncadd.s32 @!p0 s1  }
0x1fc: {  	[bflag:$0x3] =	sbarrier.arrive $0xFFFF  }
0x1fd: {  	_ =	shalt  }

// kernel: kernel.7.cloned.1.call-start
scs
__scs_entry_jumppad:
0x0: {  	(pc) =	sbr.rel $0x88, $3  }
0x1: {  	(tag) =	ssettag $0x0;
	lr =	simm.s32 $0x1  }
0x2: {  	[smem:$0x3F8C] =	sst lr;
	_ =	strace $0xD0000000  }
0x3: {  	_ = 	snop  }
0x4: {  	_ = 	snop  }
0x5: {  	_ = 	snop  }
0x6: {  	_ = 	snop  }
0x7: {  	_ = 	snop  }
__scs_overlays_trampoline_lowered:
0x8: {  	[smem:$0x3F9B] =	sst s0  }
0x9: {  	[smem:$0x3F9C] =	sst s1  }
0xa: {  	[smem:$0x3F9D] =	sst s2  }
0xb: {  	[smem:$0x3F9E] =	sst s3  }
0xc: {  	[smem:$0x3F9F] =	sst s4  }
0xd: {  	[smem:$0x3FA0] =	sst s5  }
0xe: {  	[smem:$0x3FA1] =	sst s6  }
0xf: {  	[smem:$0x3FA2] =	sst s7  }
0x10: {  	[smem:$0x3FA3] =	sst s8  }
0x11: {  	[smem:$0x3FA4] =	sst s9;
	s0 =	simm.s32 @!p0 $0x0  }
0x12: {  	s1 =	sld [smem:$0x3F8A];
	s0 =	simm.s32 @p0 $0x1  }
0x13: {  	[smem:$0x3FA5] =	sst s0;
	s0 =	simm.s32 @!p1 $0x0  }
0x14: {  	s2 =	sld [smem:$0x3F89];
	s0 =	simm.s32 @p1 $0x1  }
0x15: {  	[smem:$0x3FA6] =	sst s0;
	s0 =	simm.s32 @!p2 $0x0  }
0x16: {  	s3 =	sld [smem:$0x3FDB];
	s0 =	simm.s32 @p2 $0x1  }
0x17: {  	s4 =	simm.s32 $0x1BF5;
	[smem:$0x3FA8] =	sst s0  }
0x18: {  	s0 =	sld [smem:$0x3F8B];
	_ =	swait.ge [sflag:s4], $0x0  }
0x19: {  	s7 =	sld [smem:$0x3F8C]  }
0x1a: {  	s8 =	sadd.s32 $0xFFFFE003, lr  }
0x1b: {  	s9 =	sadd.s32 $0xFFFFFEF7, lr;
	s5 =	simm.s32 $0xFFFFFFFF;
	p2 =	slt.u32 s8, $0xFFFFF086  }
0x1c: {  	p1 =	slt.u32 s9, $0xF7A;
	s5 =	simm.s32 @!p2 $0x0  }
0x1d: {  	s5 =	simm.s32 @p1 $0x1;
	p0 =	seq.s32 s7, s2  }
0x1e: {  	s7 =	smul.u32 @!p0 $0xF7A, s2;
	p2 =	seq.s32 @!p0 s5, $0x0  }
0x1f: {  	s9 =	smul.u32 $0xF7A, s1;
	s8 =	simm.s32 @!p0 $0x1BF5;
	p2 =	por !p2, p0  }
0x20: {  	[sflag:s8] =	ssyncset.s32 @!p0 $0xFFFFF086;
	s6 =	sadd.s32 @!p0 s3, s7;
	s7 =	simm.s32 @!p0 $0x108  }
0x21: {  	s3 =	sadd.s32 s3, s9;
	s6 =	sadd.s32 @!p0 $0x88, s6;
	s7 =	simm.s32 @p2 $0x1082  }
0x22: {  	[simem:s7], [sflag:s8] =	dma.local @!p0 [hbm:s6], $0xF7A  }
0x23: {  	s9 =	sor.u32 $0xD0000000, s2;
	s6 =	simm.s32 $0x108;
	_ =	swait.ge @!p0 [sflag:s8], $0x0  }
0x24: {  	s3 =	sadd.s32 $0x88, s3;
	s6 =	simm.s32 @!p1 $0x1082;
	[sflag:s4] =	ssyncset.s32 $0xFFFFF086  }
0x25: {  	[simem:s6], [sflag:s4] =	dma.local [hbm:s3], $0xF7A  }
0x26: {  	[smem:$0x3F8C] =	sst s1;
	(tag) =	ssettag s2;
	_ =	strace s9  }
0x27: {  	s1 =	sld [smem:$0x3F9C]  }
0x28: {  	s2 =	sld [smem:$0x3F9D]  }
0x29: {  	s4 =	sld [smem:$0x3F9F]  }
0x2a: {  	p0 =	seq.s32 s5, $0x0;
	s5 =	sld [smem:$0x3FA0]  }
0x2b: {  	s6 =	sld [smem:$0x3FA1]  }
0x2c: {  	s7 =	sld [smem:$0x3FA2]  }
0x2d: {  	s3 =	simm.s32 $0x108;
	s8 =	sld [smem:$0x3FA3]  }
0x2e: {  	s3 =	simm.s32 @!p0 $0x1082;
	s9 =	sld [smem:$0x3FA4]  }
0x2f: {  	lr =	sadd.s32 s0, s3;
	s0 =	sld [smem:$0x3F9B]  }
0x30: {  	s3 =	sld [smem:$0x3F9E]  }
0x31: {  	[smem:$0x3FA7] =	sst s10  }
0x32: {  	s10 =	sld [smem:$0x3FA5];
	_ =	sdelay $0x3  }
0x33: {  	p0 =	seq.s32 s10, $0x1;
	s10 =	sld [smem:$0x3FA7];
	_ =	sdelay $0x3  }
0x34: {  	[smem:$0x3FA7] =	sst s10  }
0x35: {  	s10 =	sld [smem:$0x3FA6];
	_ =	sdelay $0x3  }
0x36: {  	p1 =	seq.s32 s10, $0x1;
	s10 =	sld [smem:$0x3FA7];
	_ =	sdelay $0x3  }
0x37: {  	[smem:$0x3FA7] =	sst s10  }
0x38: {  	s10 =	sld [smem:$0x3FA8]  }
0x39: {  	_ = 	snop;
	(pc) =	sbr.ind lr, $3  }
0x3a: {  	_ = 	snop  }
0x3b: {  	_ = 	snop  }
0x3c: {  	p2 =	seq.s32 s10, $0x1;
	s10 =	sld [smem:$0x3FA7]  }
0x3d: {  	_ =	shalt  }
0x3e: {  	_ =	shalt  }
0x3f: {  	_ =	shalt  }
0x40: {  	_ =	shalt  }
0x41: {  	_ =	shalt  }
0x42: {  	_ =	shalt  }
0x43: {  	_ =	shalt  }
0x44: {  	_ =	shalt  }
0x45: {  	_ =	shalt  }
0x46: {  	_ =	shalt  }
0x47: {  	_ =	shalt  }
0x48: {  	_ =	shalt  }
0x49: {  	_ =	shalt  }
0x4a: {  	_ =	shalt  }
0x4b: {  	_ =	shalt  }
0x4c: {  	_ =	shalt  }
0x4d: {  	_ =	shalt  }
0x4e: {  	_ =	shalt  }
0x4f: {  	_ =	shalt  }
0x50: {  	_ =	shalt  }
0x51: {  	_ =	shalt  }
0x52: {  	_ =	shalt  }
0x53: {  	_ =	shalt  }
0x54: {  	_ =	shalt  }
0x55: {  	_ =	shalt  }
0x56: {  	_ =	shalt  }
0x57: {  	_ =	shalt  }
0x58: {  	_ =	shalt  }
0x59: {  	_ =	shalt  }
0x5a: {  	_ =	shalt  }
0x5b: {  	_ =	shalt  }
0x5c: {  	_ =	shalt  }
0x5d: {  	_ =	shalt  }
0x5e: {  	_ =	shalt  }
0x5f: {  	_ =	shalt  }
0x60: {  	_ =	shalt  }
0x61: {  	_ =	shalt  }
0x62: {  	_ =	shalt  }
0x63: {  	_ =	shalt  }
0x64: {  	_ =	shalt  }
0x65: {  	_ =	shalt  }
0x66: {  	_ =	shalt  }
0x67: {  	_ =	shalt  }
0x68: {  	_ =	shalt  }
0x69: {  	_ =	shalt  }
0x6a: {  	_ =	shalt  }
0x6b: {  	_ =	shalt  }
0x6c: {  	_ =	shalt  }
0x6d: {  	_ =	shalt  }
0x6e: {  	_ =	shalt  }
0x6f: {  	_ =	shalt  }
0x70: {  	_ =	shalt  }
0x71: {  	_ =	shalt  }
0x72: {  	_ =	shalt  }
0x73: {  	_ =	shalt  }
0x74: {  	_ =	shalt  }
0x75: {  	_ =	shalt  }
0x76: {  	_ =	shalt  }
0x77: {  	_ =	shalt  }
0x78: {  	_ =	shalt  }
0x79: {  	_ =	shalt  }
0x7a: {  	_ =	shalt  }
0x7b: {  	_ =	shalt  }
0x7c: {  	_ =	shalt  }
0x7d: {  	_ =	shalt  }
0x7e: {  	_ =	shalt  }
0x7f: {  	_ =	shalt  }
0x80: {  	_ =	shalt  }
0x81: {  	_ =	shalt  }
0x82: {  	_ =	shalt  }
0x83: {  	_ =	shalt  }
0x84: {  	_ =	shalt  }
0x85: {  	_ =	shalt  }
0x86: {  	_ =	shalt  }
0x87: {  	_ =	shalt  }
.Lfunc_end0:
.L_simem_size_0:
called_computation_lowered:
.L_overlay_start_0:
0x88: {  	s2 =	sld [smem:$0x3FD9]  }
0x89: {  	s3 =	sld [smem:$0x3FFE];
	_ =	sdelay $0x1  }
0x8a: {  	s1 =	srdreg.scid  }
0x8b: {  	s0 =	sand.u32 $0x1, s1  }
0x8c: {  	s16 =	sshll.u32 s0, $0xA;
	s2 =	sadd.s32 s3, s2  }
0x8d: {  	s2 =	sadd.s32 s2, s16  }
0x8e: {  	[smem:$0x3FB3] =	sst s2  }
0x8f: {  	_ = 	snop  }
0x90: {  	(tm) =	ssettm $0x1  }
0x91: {  	s17 =	sld [smem:$0x3FFB];
	_ =	sdelay $0x3  }
0x92: {  	_ =	strace s17  }
0x93: {  	s2 =	sld [smem:$0x3FFC];
	_ =	sdelay $0x3  }
0x94: {  	_ =	strace s2  }
0x95: {  	s2 =	sld [smem:$0x3FFD];
	_ =	sdelay $0x3  }
0x96: {  	_ =	strace s2  }
0x97: {  	_ =	strace $0x8FFFFFFF  }
0x98: {  	s18 =	sld [smem:$0x3FDB];
	_ =	sdelay $0x1  }
0x99: {  	s19 =	simm.s32 $_scs_section_size  }
0x9a: {  	s4 =	simm.s32 $_size__tile_overlayer_lowered;
	s5 =	simm.s32 $_tile_overlayer_lowered  }
0x9b: {  	s22 =	simm.s32 $0x1BFF;
	s21 =	sshll.u32 s5, $0x1;
	s2 =	sadd.s32 s19, s18  }
0x9c: {  	s6 =	simm.s32 $0x0;
	s20 =	sshll.u32 s4, $0x1;
	s4 =	sadd.s32 s21, s2  }
0x9d: {  	[timem:s6], [sflag:s22] =	dma.local [hbm:s4], s20  }
0x9e: {  	_ =	swait.ge [sflag:s22], s20  }
0x9f: {  	s3 =	ssub.s32 $0x0, s20;
	[sflag:s22] =	ssyncset.done $0x0  }
0xa0: {  	[sflag:s22] =	ssyncadd.s32 s3;
	_ =	sdelay $0x1  }
0xa1: {  	s23 =	simm.s32 $0x1B8B  }
0xa2: {  	_ =	swait.ge [sflag:s23], $0x1  }
0xa3: {  	[sflag:s23] =	ssyncset.done $0x0  }
0xa4: {  	s25 =	simm.s32 $0x1B8E;
	s24 =	sld [smem:$0x3FFE];
	[sflag:s23] =	ssyncadd.s32 $0xFFFFFFFF  }
0xa5: {  	s26 =	simm.s32 $execute0_lowered;
	[smem:$0x3FD2] =	sst s25  }
0xa6: {  	s4 =	sshll.u32 s26, $0x1;
	_ =	strace $0x80000046;
	[dreg:$0x1] =	wrdreg $0xFFFFFFFF  }
0xa7: {  	s28 =	simm.s32 $_size_execute0_lowered;
	s2 =	sadd.s32 s2, s4;
	[dreg:$0x0] =	wrdreg $0x0  }
0xa8: {  	s4 =	sshll.u32 s28, $0x1;
	[dreg:$0x2] =	wrdreg s2  }
0xa9: {  	[dreg:$0x3] =	wrdreg s4  }
0xaa: {  	[dreg:$0x4] =	wrdreg $0xC0  }
0xab: {  	_ =	task [dreg:s6], $0x5FFFF  }
0xac: {  	[dreg:$0x1] =	wrdreg $0xFFFFFFFF  }
0xad: {  	[dreg:$0x0] =	wrdreg $0x60  }
0xae: {  	[dreg:$0x2] =	wrdreg s24  }
0xaf: {  	[dreg:$0x3] =	wrdreg $0x2F300  }
0xb0: {  	[dreg:$0x4] =	wrdreg $0x9  }
0xb1: {  	_ =	task.clear_ibuf [dreg:s6], $0x5FFFF;
	_ =	strace $0x90000046  }
0xb2: {  	s29 =	simm.s32 $0x9;
	_ =	strace $0x80000048  }
0xb3: {  	_ =	swait.ge [sflag:s29], $0x1  }
0xb4: {  	[sflag:s29] =	ssyncadd.s32 $0xFFFFFFFF  }
0xb5: {  	_ =	strace $0x90000048  }
0xb6: {  	_ =	sfence  }
0xb7: {  	s30 =	sld [smem:$0x0];
	_ =	sdelay $0x2  }
0xb8: {  	s31 =	sshll.u32 s1, $0xD;
	s1 =	sshrl.u32 s1, $0x2  }
0xb9: {  	s3 =	sand.u32 $0x4000, s31;
	s1 =	sadd.s32 s1, s30  }
0xba: {  	s0 =	sor.u32 s3, s0;
	s1 =	sshll.u32 s1, $0x11  }
0xbb: {  	s0 =	sor.u32 s1, s0  }
0xbc: {  	s0 =	sadd.s32 $0x8F2B, s0  }
0xbd: {  	[sflag:s0] =	ssyncadd.remote.s32 $0x1  }
0xbe: {  	_ =	sfence.sel $0xFFFF  }
0xbf: {  	[dreg:$0x0] =	wrdreg $0xFFFFFFFF;
	(pc) =	sbr.abs _section_cstart, $3  }
0xc0: {  	[dreg:$0x1] =	wrdreg $0xFFFFFFFF  }
0xc1: {  	_ =	task.clear_ibuf [dreg:s6], $0x2FFFF;
	_ =	strace $0x9FFFFFFF  }
0xc2: {  	(tm) =	ssettm $0x7FFFFFFF  }
0xc3: {  	_ =	shalt  }
tec
execute0_lowered:
.L_overlay_start_1:
0x0: {  	(tag) =	ssettag $0x1  }
0x1: {  	s4 =	rddreg [dreg:$0x0]  }
0x2: {  	s2 =	rddreg [dreg:$0x1];
	s1 =	srdreg.scid  }
0x3: {  	s0 =	rddreg [dreg:$0x2];
	s3 =	simm.s32 $0x0;
	s11 =	simm.s32 $0x50  }
0x4: {  	s12 =	simm.s32 $0x2710;
	s5 =	sand.u32 $0x1, s1;
	s1 =	stileid.u32  }
0x5: {  	s15 =	simm.s32 $0x0;
	[smem:$0x7FF] =	sst s3;
	s6 =	smul.u32 $0x2710, s5  }
0x6: {  	s7 =	smul.u32 $0x7D0, s1;
	s8 =	sshll.u32 s5, $0x4;
	_ =	strace $0x80000047  }
0x7: {  	s5 =	ssub.s32 $0x2, s5;
	s9 =	smul.u32 $0x1F40, s1;
	p0 =	sgt.u32 s1, $0x4  }
0x8: {  	s8 =	sor.u32 s1, s8;
	s10 =	sshrl.u32 s5, $0x1;
	s13 =	sshll.u32 @!p0 s1, $0x6  }
0x9: {  	s6 =	sadd.s32 s7, s6;
	s8 =	smul.u32 $0x2710, s8;
	s10 =	ssub.s32 s5, s10  }
0xa: {  	s31 =	sshrl.u32 s9, $0x2;
	s14 =	sadd.s32 s7, s2;
	s9 =	simm.s32 $0x2  }
0xb: {  	s13 =	sor.u32 @!p0 $0x1C02, s13;
	s6 =	sshrl.u32 s6, $0x3;
	s5 =	sadd.s32 s31, s2  }
0xc: {  	s7 =	smax.u32 s10, $0x1;
	s10 =	simm.s32 $0x1;
	s8 =	sshrl.u32 s8, $0x3  }
0xd: {  	s14 =	sshrl.u32 @!p0 s14, $0x3;
	s6 =	sadd.s32 s6, s4;
	s4 =	sadd.s32 s4, s8  }
0xe: {  	v0 =	vimm.f32 $1.000000000e+00;
	v1 =	vimm.f32 $0.0e+00;
	s6 =	sadd.s32 $0x17600, s6;
	s8 =	simm.s32 $0x2760;
	s4 =	sadd.s32 $0xD840, s4  }
.LBB2_1:
0xf: {  	[tilespmem:s3], [sflag:$0x1] =	stream.linear.gather [hbm4b:s4+s3], $0x2710, $0x38;
	[tilespmem:$0x31A8] =	vst v63  }
.Ltmp0:
0x10: {  	[tilespmem:$0x2710] =	vst v0;
	(pc) =	sbr.rel @p0 .LBB2_5-.Ltmp0, $4  }
0x11: {  	[tilespmem:$0x2720] =	vst v0  }
0x12: {  	[tilespmem:$0x2730] =	vst v0  }
0x13: {  	[tilespmem:$0x2740] =	vst v0  }
0x14: {  	[tilespmem:$0x2750] =	vst v0  }
0x15: {  	s16 =	simm.s32 $0x40;
	s17 =	simm.s32 $0x0  }
.LBB2_3:
0x16: {  	p1 =	sne.s32 s16, $0x1F00;
	[tilespmem:s17+$0x2760] =	vst v1;
	s17 =	smov.u32 s16;
	s16 =	sadd.s32 $0x40, s16  }
.Ltmp1:
0x17: {  	(pc) =	sbr.rel @p1 .LBB2_3-.Ltmp1, $2  }
0x18: {  	_ =	sdelay $0x2  }
0x19: {  	s17 =	sshra.s32 s17, $0x2  }
0x1a: {  	[tilespmem:s17+$0x2760] =	vst v1  }
0x1b: {  	[spmem:s5] =	stream.linear.scatter [tilespmem:s8], [sflag:$0x2], $0x7D0, $0x38;
	[tilespmem:$0x31A8] =	vst v63  }
0x1c: {  	_ =	swait.ge [sflag:s9], $0x7D0  }
0x1d: {  	[sflag:s9] =	ssyncset.done $0x0  }
0x1e: {  	[sflag:s9] =	ssyncadd.s32 $0xFFFFF830  }
.LBB2_5:
0x1f: {  	_ =	swait.ge [sflag:s10], $0x2710  }
0x20: {  	[sflag:s10] =	ssyncset.done $0x0  }
0x21: {  	[sflag:s10] =	ssyncadd.s32 $0xFFFFD8F0  }
0x22: {  	s16 =	simm.s32 $0x0;
	[bflag:$0x0] =	sbarrier.arrive $0xFFFF  }
.LBB2_6:
0x23: {  	p1 =	sne.s32 s16, $0x9B00  }
.Ltmp2:
0x24: {  	_ = 	snop;
	(pc) =	sbr.rel @p1 .LBB2_6-.Ltmp2, $3  }
0x25: {  	_ =	sdelay $0x1  }
0x26: {  	s17 =	sshra.s32 s16, $0x2;
	s16 =	sadd.s32 $0x140, s16  }
0x27: {  	[spmem:s2] =	stream.indirect.scatter.add.f32 [tilespmem:s12], [sflag:$0x1], $0x1, s17, s11, $0xb8;
	[tilespmem:$0x31A8] =	vst v63  }
0x28: {  	_ =	swait.ge [sflag:s10], $0x50  }
0x29: {  	s16 =	simm.s32 $0x7C;
	[sflag:s10] =	ssyncset.done $0x0  }
.LBB2_8:
0x2a: {  	p1 =	sne.s32 s16, $0x1;
	s16 =	sadd.s32 $0xFFFFFFFF, s16;
	[sflag:s10] =	ssyncadd.s32 $0xFFFFFFB0  }
.Ltmp3:
0x2b: {  	(pc) =	sbr.rel @p1 .LBB2_8-.Ltmp3, $3  }
0x2c: {  	_ =	sdelay $0x1  }
0x2d: {  	_ =	swait.ge [sflag:s10], $0x50  }
0x2e: {  	[sflag:s10] =	ssyncset.done $0x0  }
0x2f: {  	s15 =	sadd.s32 $0x1, s15  }
0x30: {  	[sflag:s10] =	ssyncadd.s32 $0xFFFFFFB0;
	p1 =	sne.s32 s15, s7  }
.Ltmp4:
0x31: {  	s16 =	simm.s32 @!p0 $0x2;
	[bflag:$0x0] =	sbarrier.arrive $0xFFFF;
	(pc) =	sbr.rel @p1 .LBB2_1-.Ltmp4, $4  }
0x32: {  	[hbm:s6], [sflag:s13] =	dma.local @!p0 [spmem:s14], $0xFA  }
0x33: {  	_ =	swait.ge @!p0 [sflag:s16], $0xFA  }
0x34: {  	[sflag:s16] =	ssyncset.done @!p0 $0x0  }
0x35: {  	[sflag:s16] =	ssyncadd.s32 @!p0 $0xFFFFFF06  }
0x36: {  	_ =	sfence.sel $0x180000  }
0x37: {  	[bflag:$0x0] =	sbarrier.arrive $0xFFFF  }
0x38: {  	p0 =	sne.s32 s1, $0x0;
	_ =	strace $0x90000047  }
0x39: {  	s0 =	sadd.s32 @!p0 $0x100000, s0;
	[bflag:$0x2] =	sbarrier.arrive $0xFFFF  }
0x3a: {  	[sflag:s0] =	ssyncadd.tile.s32 @!p0 $0x1;
	_ =	shalt  }
.Lfunc_end2:
_tile_overlayer_lowered:
.L_overlay_start_2:
0x3b: {  	(tag) =	ssettag $0x2  }
0x3c: {  	s0 =	rddreg [dreg:$0x0];
	s2 =	stileid.u32  }
0x3d: {  	s1 =	rddreg [dreg:$0x1];
	p0 =	sne.s32 s2, $0x0  }
0x3e: {  	s3 =	rddreg [dreg:$0x2];
	[bflag:$0x3] =	sbarrier.arrive $0xFFFF;
	s2 =	simm.s32 @!p0 $0x1C02  }
0x3f: {  	[timem:s3], [sflag:s2] =	dma.local @!p0 [hbm:s0], s1  }
0x40: {  	s0 =	simm.s32 @!p0 $0x2  }
0x41: {  	_ =	swait.ge @!p0 [sflag:s0], s1  }
0x42: {  	s1 =	ssub.s32 @!p0 $0x0, s1;
	[sflag:s0] =	ssyncset.done @!p0 $0x0  }
0x43: {  	[sflag:s0] =	ssyncadd.s32 @!p0 s1  }
0x44: {  	[bflag:$0x3] =	sbarrier.arrive $0xFFFF  }
0x45: {  	_ =	shalt  }

</sc_bundles>
